<compile_context>
chip_gen: v7x
topology: tpu7x:2x2x1
jax: 0.10.2.dev20260603
libtpu: 0.0.44.dev20260713+nightly
codegen_flags: <defaults>
</compile_context>

<pallas_src>
import jax
import jax.numpy as jnp
from jax import lax
from jax.experimental import pallas as pl
from jax.experimental.pallas import tpu as pltpu
from jax.experimental.pallas import tpu_sc as plsc

N_EDGES = 6_400_000
CUTOFF = 5.0

_D = 8
_NC = 2
_NS = 16
_NW = _NC * _NS
_C = 2048
_NB = _C // 128
_NCHUNKS = N_EDGES // _C
_ROUNDS = -(-_NCHUNKS // _NW)
_G = _C // 16
_SUB = 128
_NSUB = _C // _SUB

_P0 = 0.99999528
_P1 = -0.49993091
_P2 = 0.04151172
_P3 = -0.00127871
_HALF_SCALE = 0.3141592653589793
_HMAX = 1.5707963267948966


def _sc_body(coords, src_h, dst_h, vec_o, d_o, sw_o,
             idx_s0, idx_d0, rows_s0, rows_d0,
             idx_s1, idx_d1, rows_s1, rows_d1,
             vecb0, db0, swb0, vecb1, db1, swb1,
             sem_a0, sem_b0, sem_a1, sem_b1, sem_o0, sem_o1):
    wid = lax.axis_index("s") * _NC + lax.axis_index("c")
    iota = lax.iota(jnp.int32, 16)
    col0 = jnp.zeros((16,), jnp.int32)
    col1 = col0 + 1
    col2 = col0 + 2
    zero16 = jnp.zeros((16,), jnp.float32)

    bufs = (
        (idx_s0, idx_d0, rows_s0, rows_d0, sem_a0, sem_b0),
        (idx_s1, idx_d1, rows_s1, rows_d1, sem_a1, sem_b1),
    )
    obufs = ((vecb0, db0, swb0, sem_o0), (vecb1, db1, swb1, sem_o1))

    def zinit(k, carry):
        vecb0[k // 8, 3, pl.ds((k % 8) * 16, 16)] = zero16
        vecb1[k // 8, 3, pl.ds((k % 8) * 16, 16)] = zero16
        return carry

    lax.fori_loop(0, _NB * 8, zinit, 0)

    def fetch(par, c):
        idx_s, idx_d, rows_s, rows_d, sem_a, sem_b = bufs[par]
        base = c * _C
        pltpu.sync_copy(src_h.at[pl.ds(base, _C)], idx_s)
        pltpu.sync_copy(dst_h.at[pl.ds(base, _C)], idx_d)
        for j in range(_NSUB):
            sl = pl.ds(j * _SUB, _SUB)
            pltpu.async_copy(coords.at[idx_s.at[sl]], rows_s.at[sl], sem_a)
            pltpu.async_copy(coords.at[idx_d.at[sl]], rows_d.at[sl], sem_b)

    def drain(par):
        idx_s, idx_d, rows_s, rows_d, sem_a, sem_b = bufs[par]
        hbm_dummy = coords.at[pl.ds(0, _SUB)]
        for j in range(_NSUB):
            sl = pl.ds(j * _SUB, _SUB)
            pltpu.make_async_copy(hbm_dummy, rows_s.at[sl], sem_a).wait()
            pltpu.make_async_copy(hbm_dummy, rows_d.at[sl], sem_b).wait()

    def drain_out(par, c):
        vecb, db, swb, sem_o = obufs[par]
        pltpu.make_async_copy(vecb, vec_o.at[pl.ds(c * _NB, _NB)], sem_o).wait()
        pltpu.make_async_copy(db, d_o.at[pl.ds(c * _C, _C)], sem_o).wait()
        pltpu.make_async_copy(swb, sw_o.at[pl.ds(c * _C, _C)], sem_o).wait()

    def compute(par, c):
        idx_s, idx_d, rows_s, rows_d, sem_a, sem_b = bufs[par]
        vecb, db, swb, sem_o = obufs[par]
        base = c * _C

        def group(g, carry2):
            r = g * 16 + iota
            blk = g // 8
            off = (g % 8) * 16
            dx = plsc.load_gather(rows_d, [r, col0]) - plsc.load_gather(rows_s, [r, col0])
            dy = plsc.load_gather(rows_d, [r, col1]) - plsc.load_gather(rows_s, [r, col1])
            dz = plsc.load_gather(rows_d, [r, col2]) - plsc.load_gather(rows_s, [r, col2])
            vecb[blk, 0, pl.ds(off, 16)] = dx
            vecb[blk, 1, pl.ds(off, 16)] = dy
            vecb[blk, 2, pl.ds(off, 16)] = dz
            d2 = dx * dx + dy * dy + dz * dz
            bits = plsc.bitcast(d2, jnp.int32)
            y = plsc.bitcast(jnp.int32(0x5F3759DF) - (bits >> 1), jnp.float32)
            y = y * (1.5 - (0.5 * d2 * y) * y)
            y = y * (1.5 - (0.5 * d2 * y) * y)
            y = y * (1.5 - (0.5 * d2 * y) * y)
            d = d2 * y
            d = jnp.where(d2 == 0.0, 0.0, d)
            db[pl.ds(g * 16, 16)] = d
            h = jnp.minimum(d * _HALF_SCALE, _HMAX)
            u = h * h
            p = _P0 + u * (_P1 + u * (_P2 + u * _P3))
            swb[pl.ds(g * 16, 16)] = jnp.where(d < CUTOFF, p * p, 0.0)
            return carry2

        lax.fori_loop(0, _G, group, 0)
        pltpu.async_copy(vecb, vec_o.at[pl.ds(c * _NB, _NB)], sem_o)
        pltpu.async_copy(db, d_o.at[pl.ds(base, _C)], sem_o)
        pltpu.async_copy(swb, sw_o.at[pl.ds(base, _C)], sem_o)

    @pl.when(wid < _NCHUNKS)
    def _():
        fetch(0, wid)

    def pair(k2, carry):
        for par in (0, 1):
            k = 2 * k2 + par
            c = wid + k * _NW
            cn = c + _NW

            @pl.when(cn < _NCHUNKS)
            def _():
                fetch(1 - par, cn)

            @pl.when(jnp.logical_and(c < _NCHUNKS, k2 > 0))
            def _():
                drain_out(par, c)

            @pl.when(c < _NCHUNKS)
            def _():
                drain(par)
                compute(par, c)
        return carry

    lax.fori_loop(0, _ROUNDS // 2, pair, 0)
    drain_out(0, 0)
    drain_out(1, 0)


_sc_call = pl.kernel(
    _sc_body,
    out_type=[
        jax.ShapeDtypeStruct((N_EDGES // 128, 4, 128), jnp.float32),
        jax.ShapeDtypeStruct((N_EDGES,), jnp.float32),
        jax.ShapeDtypeStruct((N_EDGES,), jnp.float32),
    ],
    mesh=plsc.VectorSubcoreMesh(core_axis_name="c", subcore_axis_name="s"),
    compiler_params=pltpu.CompilerParams(use_tc_tiling_on_sc=False,
                                         needs_layout_passes=False),
    scratch_types=[
        pltpu.VMEM((_C,), jnp.int32),
        pltpu.VMEM((_C,), jnp.int32),
        pltpu.VMEM((_C, _D), jnp.float32),
        pltpu.VMEM((_C, _D), jnp.float32),
        pltpu.VMEM((_C,), jnp.int32),
        pltpu.VMEM((_C,), jnp.int32),
        pltpu.VMEM((_C, _D), jnp.float32),
        pltpu.VMEM((_C, _D), jnp.float32),
        pltpu.VMEM((_NB, 4, 128), jnp.float32),
        pltpu.VMEM((_C,), jnp.float32),
        pltpu.VMEM((_C,), jnp.float32),
        pltpu.VMEM((_NB, 4, 128), jnp.float32),
        pltpu.VMEM((_C,), jnp.float32),
        pltpu.VMEM((_C,), jnp.float32),
        pltpu.SemaphoreType.DMA,
        pltpu.SemaphoreType.DMA,
        pltpu.SemaphoreType.DMA,
        pltpu.SemaphoreType.DMA,
        pltpu.SemaphoreType.DMA,
        pltpu.SemaphoreType.DMA,
    ],
)


@jax.jit
def kernel(coordinates, edge_src, edge_dst):
    table = jnp.pad(coordinates, ((0, 0), (0, _D - 3)))
    vec4, distances, switch = _sc_call(table, edge_src, edge_dst)
    vec = vec4.transpose(0, 2, 1).reshape(N_EDGES, 4)[:, :3]
    edge_mask = distances < CUTOFF
    return vec, distances, switch, edge_mask

# --- scband reference (transcript-rebuilt; emitter-appended) ---
"""Pipeline reference for scband-graph-processor-65910568124750 (READ-ONLY COPY).

The authoritative reference and input builder live on the scoring server;
editing this copy changes nothing except your own understanding.
"""

import jax, jax.numpy as jnp
import numpy as np

N_NODES = 100000
N_EDGES = 6400000
CUTOFF = 5.0


def setup_inputs(seed: int = 0) -> dict:
    key = jax.random.key(seed)
    k1, k2, k3 = jax.random.split(key, 3)
    # Scale coordinates so that a realistic fraction of edges fall outside the cutoff.
    coordinates = jax.random.normal(k1, (N_NODES, 3), dtype=jnp.float32) * 10.0
    edge_src = jax.random.randint(k2, (N_EDGES,), 0, N_NODES, dtype=jnp.int32)
    edge_dst = jax.random.randint(k3, (N_EDGES,), 0, N_NODES, dtype=jnp.int32)
    return {"coordinates": coordinates, "edge_src": edge_src, "edge_dst": edge_dst}


def reference(coordinates, edge_src, edge_dst):
    # Faithful translation of GraphProcessor.__call__ with cutoff=5.0,
    # switch_start=0.0, and no 'cells' (no PBC) in the inputs dict.
    # Gather with fill semantics (out-of-range -> fill_value), matching
    # coords.at[idx].get(mode='fill', fill_value=...).
    dst_coords = coordinates.at[edge_dst].get(mode='fill', fill_value=CUTOFF)
    src_coords = coordinates.at[edge_src].get(mode='fill', fill_value=0.0)
    vec = dst_coords - src_coords
    distances = jnp.linalg.norm(vec, axis=-1)
    edge_mask = distances < CUTOFF
    # switch_start <= 1e-5 branch: plain cosine switch
    switch = jnp.where(edge_mask, 0.5 * jnp.cos(distances * (jnp.pi / CUTOFF)) + 0.5, 0.0)
    return vec, distances, switch, edge_mask

if __name__ == "__main__":
    import jax
    _d = setup_inputs()
    print(jax.jit(kernel)(*tuple(_d.values())))

</pallas_src>

<mosaic_0001>
#map = affine_map<(d0, d1) -> (0, 0)>
#map1 = affine_map<(d0, d1) -> (0)>
#map2 = affine_map<(d0, d1) -> (0, 0, 0)>
module attributes {stable_mosaic.version = 14 : i64} {
  func.func @_sc_body(%arg0: i32, %arg1: i32, %arg2: memref<100000x8xf32, #tpu.memory_space<hbm>>, %arg3: memref<6400000xi32, #tpu.memory_space<hbm>>, %arg4: memref<6400000xi32, #tpu.memory_space<hbm>>, %arg5: memref<50000x4x128xf32, #tpu.memory_space<hbm>>, %arg6: memref<6400000xf32, #tpu.memory_space<hbm>>, %arg7: memref<6400000xf32, #tpu.memory_space<hbm>>, %arg8: memref<2048xi32, #tpu.memory_space<vmem>>, %arg9: memref<2048xi32, #tpu.memory_space<vmem>>, %arg10: memref<2048x8xf32, #tpu.memory_space<vmem>>, %arg11: memref<2048x8xf32, #tpu.memory_space<vmem>>, %arg12: memref<2048xi32, #tpu.memory_space<vmem>>, %arg13: memref<2048xi32, #tpu.memory_space<vmem>>, %arg14: memref<2048x8xf32, #tpu.memory_space<vmem>>, %arg15: memref<2048x8xf32, #tpu.memory_space<vmem>>, %arg16: memref<16x4x128xf32, #tpu.memory_space<vmem>>, %arg17: memref<2048xf32, #tpu.memory_space<vmem>>, %arg18: memref<2048xf32, #tpu.memory_space<vmem>>, %arg19: memref<16x4x128xf32, #tpu.memory_space<vmem>>, %arg20: memref<2048xf32, #tpu.memory_space<vmem>>, %arg21: memref<2048xf32, #tpu.memory_space<vmem>>, %arg22: memref<!tpu.dma_semaphore, #tpu.memory_space<semaphore_mem>>, %arg23: memref<!tpu.dma_semaphore, #tpu.memory_space<semaphore_mem>>, %arg24: memref<!tpu.dma_semaphore, #tpu.memory_space<semaphore_mem>>, %arg25: memref<!tpu.dma_semaphore, #tpu.memory_space<semaphore_mem>>, %arg26: memref<!tpu.dma_semaphore, #tpu.memory_space<semaphore_mem>>, %arg27: memref<!tpu.dma_semaphore, #tpu.memory_space<semaphore_mem>>) attributes {dimension_semantics = [#tpu.dimension_semantics<core_parallel>, #tpu.dimension_semantics<subcore_parallel>], iteration_bounds = array<i64: 2, 16>, scalar_prefetch = 0 : i64, scratch_operands = 20 : i64, tpu.core_type = #tpu.core_type<sc_vector_subcore>, window_params = [{transform_indices = #map}, {transform_indices = #map1}, {transform_indices = #map1}, {transform_indices = #map2}, {transform_indices = #map1}, {transform_indices = #map1}]} {
    %mul3A = arith.constant 2 : i32
    %mul3A_0 = arith.muli %arg1, %mul3A : i32
    %add3A = arith.addi %mul3A_0, %arg0 : i32
    %iota3A = tpu.iota {dimensions = array<i32: 0>} : vector<16xi32>
    %broadcast_in_dim3A = arith.constant 0 : i32
    %broadcast_in_dim3A_1 = vector.broadcast %broadcast_in_dim3A : i32 to vector<16xi32>
    %add3A_2 = arith.constant 1 : i32
    %add3A_3 = vector.broadcast %add3A_2 : i32 to vector<16xi32>
    %add3A_4 = arith.addi %broadcast_in_dim3A_1, %add3A_3 : vector<16xi32>
    %add3A_5 = arith.constant 2 : i32
    %add3A_6 = vector.broadcast %add3A_5 : i32 to vector<16xi32>
    %add3A_7 = arith.addi %broadcast_in_dim3A_1, %add3A_6 : vector<16xi32>
    %broadcast_in_dim3A_8 = arith.constant 0.000000e+00 : f32
    %broadcast_in_dim3A_9 = vector.broadcast %broadcast_in_dim3A_8 : f32 to vector<16xf32>
    %scan3A = arith.constant 0 : i32
    %scan3A_10 = arith.constant 0 : i32
    %scan3A_11 = arith.constant 128 : i32
    %scan3A_12 = arith.addi %scan3A_10, %scan3A_11 : i32
    %scan3A_13 = arith.constant 1 : i32
    scf.for %scan3A_54 = %scan3A_10 to %scan3A_12 step %scan3A_13  : i32 {
      %jit3A = arith.constant 8 : i32
      %div3A = arith.divsi %scan3A_54, %jit3A : i32
      %sign3A = arith.constant 0 : i32
      %sign3A_55 = arith.cmpi sgt, %scan3A_54, %sign3A : i32
      %sign3A_56 = arith.extui %sign3A_55 : i1 to i32
      %sign3A_57 = arith.constant 0 : i32
      %sign3A_58 = arith.cmpi slt, %scan3A_54, %sign3A_57 : i32
      %sign3A_59 = arith.extui %sign3A_58 : i1 to i32
      %sign3A_60 = arith.subi %sign3A_56, %sign3A_59 : i32
      %sign3A_61 = arith.constant 0 : i32
      %sign3A_62 = arith.cmpi sgt, %jit3A, %sign3A_61 : i32
      %sign3A_63 = arith.extui %sign3A_62 : i1 to i32
      %sign3A_64 = arith.constant 0 : i32
      %sign3A_65 = arith.cmpi slt, %jit3A, %sign3A_64 : i32
      %sign3A_66 = arith.extui %sign3A_65 : i1 to i32
      %sign3A_67 = arith.subi %sign3A_63, %sign3A_66 : i32
      %ne3A = arith.cmpi ne, %sign3A_60, %sign3A_67 : i32
      %rem3A = arith.remsi %scan3A_54, %jit3A : i32
      %ne3A_68 = arith.constant 0 : i32
      %ne3A_69 = arith.cmpi ne, %rem3A, %ne3A_68 : i32
      %and3A = arith.andi %ne3A, %ne3A_69 : i1
      %sub3A = arith.constant 1 : i32
      %sub3A_70 = arith.subi %div3A, %sub3A : i32
      %select_n3A = arith.select %and3A, %sub3A_70, %div3A : i32
      %jit3A_71 = arith.constant 8 : i32
      %eq3A = arith.constant 0 : i32
      %eq3A_72 = arith.cmpi eq, %jit3A_71, %eq3A : i32
      %jit3A_73 = arith.constant 1 : i32
      %select_n3A_74 = arith.select %eq3A_72, %jit3A_73, %jit3A_71 : i32
      %rem3A_75 = arith.remsi %scan3A_54, %select_n3A_74 : i32
      %ne3A_76 = arith.constant 0 : i32
      %ne3A_77 = arith.cmpi ne, %rem3A_75, %ne3A_76 : i32
      %lt3A_78 = arith.constant 0 : i32
      %lt3A_79 = arith.cmpi slt, %rem3A_75, %lt3A_78 : i32
      %lt3A_80 = arith.constant 0 : i32
      %lt3A_81 = arith.cmpi slt, %select_n3A_74, %lt3A_80 : i32
      %ne3A_82 = arith.xori %lt3A_79, %lt3A_81 : i1
      %and3A_83 = arith.andi %ne3A_82, %ne3A_77 : i1
      %add3A_84 = arith.addi %rem3A_75, %select_n3A_74 : i32
      %select_n3A_85 = arith.select %and3A_83, %add3A_84, %rem3A_75 : i32
      %mul3A_86 = arith.constant 16 : i32
      %mul3A_87 = arith.muli %select_n3A_85, %mul3A_86 : i32
      %swap3A = arith.constant 3 : i32
      %swap3A_88 = arith.index_cast %select_n3A : i32 to index
      %swap3A_89 = arith.index_cast %swap3A : i32 to index
      %swap3A_90 = arith.index_cast %mul3A_87 : i32 to index
      %swap3A_91 = tpu.vector_load %arg16[%swap3A_88, %swap3A_89, %swap3A_90] {strides = array<i32>} : memref<16x4x128xf32, #tpu.memory_space<vmem>>, vector<16xf32>,
      tpu.vector_store %arg16[%swap3A_88, %swap3A_89, %swap3A_90], %broadcast_in_dim3A_9 {strides = array<i32>} : memref<16x4x128xf32, #tpu.memory_space<vmem>>, vector<16xf32>,
      %jit3A_92 = arith.constant 8 : i32
      %div3A_93 = arith.divsi %scan3A_54, %jit3A_92 : i32
      %sign3A_94 = arith.constant 0 : i32
      %sign3A_95 = arith.cmpi sgt, %scan3A_54, %sign3A_94 : i32
      %sign3A_96 = arith.extui %sign3A_95 : i1 to i32
      %sign3A_97 = arith.constant 0 : i32
      %sign3A_98 = arith.cmpi slt, %scan3A_54, %sign3A_97 : i32
      %sign3A_99 = arith.extui %sign3A_98 : i1 to i32
      %sign3A_100 = arith.subi %sign3A_96, %sign3A_99 : i32
      %sign3A_101 = arith.constant 0 : i32
      %sign3A_102 = arith.cmpi sgt, %jit3A_92, %sign3A_101 : i32
      %sign3A_103 = arith.extui %sign3A_102 : i1 to i32
      %sign3A_104 = arith.constant 0 : i32
      %sign3A_105 = arith.cmpi slt, %jit3A_92, %sign3A_104 : i32
      %sign3A_106 = arith.extui %sign3A_105 : i1 to i32
      %sign3A_107 = arith.subi %sign3A_103, %sign3A_106 : i32
      %ne3A_108 = arith.cmpi ne, %sign3A_100, %sign3A_107 : i32
      %rem3A_109 = arith.remsi %scan3A_54, %jit3A_92 : i32
      %ne3A_110 = arith.constant 0 : i32
      %ne3A_111 = arith.cmpi ne, %rem3A_109, %ne3A_110 : i32
      %and3A_112 = arith.andi %ne3A_108, %ne3A_111 : i1
      %sub3A_113 = arith.constant 1 : i32
      %sub3A_114 = arith.subi %div3A_93, %sub3A_113 : i32
      %select_n3A_115 = arith.select %and3A_112, %sub3A_114, %div3A_93 : i32
      %jit3A_116 = arith.constant 8 : i32
      %eq3A_117 = arith.constant 0 : i32
      %eq3A_118 = arith.cmpi eq, %jit3A_116, %eq3A_117 : i32
      %jit3A_119 = arith.constant 1 : i32
      %select_n3A_120 = arith.select %eq3A_118, %jit3A_119, %jit3A_116 : i32
      %rem3A_121 = arith.remsi %scan3A_54, %select_n3A_120 : i32
      %ne3A_122 = arith.constant 0 : i32
      %ne3A_123 = arith.cmpi ne, %rem3A_121, %ne3A_122 : i32
      %lt3A_124 = arith.constant 0 : i32
      %lt3A_125 = arith.cmpi slt, %rem3A_121, %lt3A_124 : i32
      %lt3A_126 = arith.constant 0 : i32
      %lt3A_127 = arith.cmpi slt, %select_n3A_120, %lt3A_126 : i32
      %ne3A_128 = arith.xori %lt3A_125, %lt3A_127 : i1
      %and3A_129 = arith.andi %ne3A_128, %ne3A_123 : i1
      %add3A_130 = arith.addi %rem3A_121, %select_n3A_120 : i32
      %select_n3A_131 = arith.select %and3A_129, %add3A_130, %rem3A_121 : i32
      %mul3A_132 = arith.constant 16 : i32
      %mul3A_133 = arith.muli %select_n3A_131, %mul3A_132 : i32
      %swap3A_134 = arith.constant 3 : i32
      %swap3A_135 = arith.index_cast %select_n3A_115 : i32 to index
      %swap3A_136 = arith.index_cast %swap3A_134 : i32 to index
      %swap3A_137 = arith.index_cast %mul3A_133 : i32 to index
      %swap3A_138 = tpu.vector_load %arg19[%swap3A_135, %swap3A_136, %swap3A_137] {strides = array<i32>} : memref<16x4x128xf32, #tpu.memory_space<vmem>>, vector<16xf32>,
      tpu.vector_store %arg19[%swap3A_135, %swap3A_136, %swap3A_137], %broadcast_in_dim3A_9 {strides = array<i32>} : memref<16x4x128xf32, #tpu.memory_space<vmem>>, vector<16xf32>,
    }
    %scan3A_14 = arith.constant 128 : i32
    %lt3A = arith.constant 3125 : i32
    %lt3A_15 = arith.cmpi slt, %add3A, %lt3A : i32
    %convert_element_type3A = arith.extui %lt3A_15 : i1 to i32
    %cond3A = arith.constant 0 : i32
    %cond3A_16 = arith.cmpi ne, %convert_element_type3A, %cond3A : i32
    scf.if %cond3A_16 {
      %mul3A_54 = arith.constant 2048 : i32
      %mul3A_55 = arith.muli %add3A, %mul3A_54 : i32
      "tpu.region"() ({
        %run_scoped3A = tpu.sem_alloc : memref<!tpu.dma_semaphore, #tpu.memory_space<semaphore_mem>>
        %dma_start3A_311 = tpu.memref_slice %arg3[%mul3A_55] : memref<6400000xi32, #tpu.memory_space<hbm>> -> memref<2048xi32, #tpu.memory_space<hbm>>
        %dma_start3A_312 = tpu.memref_slice %arg3[%mul3A_55] : memref<6400000xi32, #tpu.memory_space<hbm>> -> memref<2048xi32, #tpu.memory_space<hbm>>
        tpu.enqueue_dma source(%dma_start3A_312 : memref<2048xi32, #tpu.memory_space<hbm>>) target(%arg8 : memref<2048xi32, #tpu.memory_space<vmem>>) target_semaphore(%run_scoped3A : memref<!tpu.dma_semaphore, #tpu.memory_space<semaphore_mem>>)
        %dma_wait3A_313 = tpu.memref_slice %arg3[%mul3A_55] : memref<6400000xi32, #tpu.memory_space<hbm>> -> memref<2048xi32, #tpu.memory_space<hbm>>
        %dma_wait3A_314 = tpu.memref_slice %arg3[%mul3A_55] : memref<6400000xi32, #tpu.memory_space<hbm>> -> memref<2048xi32, #tpu.memory_space<hbm>>
        tpu.wait_dma2 semaphore(%run_scoped3A : memref<!tpu.dma_semaphore, #tpu.memory_space<semaphore_mem>>) src(%dma_wait3A_314 : memref<2048xi32, #tpu.memory_space<hbm>>) dst(%arg8 : memref<2048xi32, #tpu.memory_space<vmem>>)
        tpu.yield
      }) : () -> ()
      "tpu.region"() ({
        %run_scoped3A = tpu.sem_alloc : memref<!tpu.dma_semaphore, #tpu.memory_space<semaphore_mem>>
        %dma_start3A_311 = tpu.memref_slice %arg4[%mul3A_55] : memref<6400000xi32, #tpu.memory_space<hbm>> -> memref<2048xi32, #tpu.memory_space<hbm>>
        %dma_start3A_312 = tpu.memref_slice %arg4[%mul3A_55] : memref<6400000xi32, #tpu.memory_space<hbm>> -> memref<2048xi32, #tpu.memory_space<hbm>>
        tpu.enqueue_dma source(%dma_start3A_312 : memref<2048xi32, #tpu.memory_space<hbm>>) target(%arg9 : memref<2048xi32, #tpu.memory_space<vmem>>) target_semaphore(%run_scoped3A : memref<!tpu.dma_semaphore, #tpu.memory_space<semaphore_mem>>)
        %dma_wait3A_313 = tpu.memref_slice %arg4[%mul3A_55] : memref<6400000xi32, #tpu.memory_space<hbm>> -> memref<2048xi32, #tpu.memory_space<hbm>>
        %dma_wait3A_314 = tpu.memref_slice %arg4[%mul3A_55] : memref<6400000xi32, #tpu.memory_space<hbm>> -> memref<2048xi32, #tpu.memory_space<hbm>>
        tpu.wait_dma2 semaphore(%run_scoped3A : memref<!tpu.dma_semaphore, #tpu.memory_space<semaphore_mem>>) src(%dma_wait3A_314 : memref<2048xi32, #tpu.memory_space<hbm>>) dst(%arg9 : memref<2048xi32, #tpu.memory_space<vmem>>)
        tpu.yield
      }) : () -> ()
      %dma_start3A = arith.constant 0 : i32
      %dma_start3A_56 = arith.constant 0 : i32
      %dma_start3A_57 = tpu.memref_slice %arg10[%dma_start3A, %dma_start3A_56] : memref<2048x8xf32, #tpu.memory_space<vmem>> -> memref<128x8xf32, #tpu.memory_space<vmem>>
      %dma_start3A_58 = arith.constant 0 : i32
      %dma_start3A_59 = tpu.memref_slice %arg8[%dma_start3A_58] : memref<2048xi32, #tpu.memory_space<vmem>> -> memref<128xi32, #tpu.memory_space<vmem>>
      %dma_start3A_60 = arith.constant 0 : i32
      %dma_start3A_61 = arith.constant 0 : i32
      %dma_start3A_62 = tpu.memref_slice %arg2[%dma_start3A_60, %dma_start3A_61] : memref<100000x8xf32, #tpu.memory_space<hbm>> -> memref<100000x8xf32, #tpu.memory_space<hbm>>
      tpu.enqueue_indirect_dma source(%dma_start3A_62 : memref<100000x8xf32, #tpu.memory_space<hbm>>) target(%dma_start3A_57 : memref<128x8xf32, #tpu.memory_space<vmem>>) offsets(%dma_start3A_59 : memref<128xi32, #tpu.memory_space<vmem>>) semaphore(%arg22 : memref<!tpu.dma_semaphore, #tpu.memory_space<semaphore_mem>>)
      %dma_start3A_63 = arith.constant 0 : i32
      %dma_start3A_64 = arith.constant 0 : i32
      %dma_start3A_65 = tpu.memref_slice %arg11[%dma_start3A_63, %dma_start3A_64] : memref<2048x8xf32, #tpu.memory_space<vmem>> -> memref<128x8xf32, #tpu.memory_space<vmem>>
      %dma_start3A_66 = arith.constant 0 : i32
      %dma_start3A_67 = tpu.memref_slice %arg9[%dma_start3A_66] : memref<2048xi32, #tpu.memory_space<vmem>> -> memref<128xi32, #tpu.memory_space<vmem>>
      %dma_start3A_68 = arith.constant 0 : i32
      %dma_start3A_69 = arith.constant 0 : i32
      %dma_start3A_70 = tpu.memref_slice %arg2[%dma_start3A_68, %dma_start3A_69] : memref<100000x8xf32, #tpu.memory_space<hbm>> -> memref<100000x8xf32, #tpu.memory_space<hbm>>
      tpu.enqueue_indirect_dma source(%dma_start3A_70 : memref<100000x8xf32, #tpu.memory_space<hbm>>) target(%dma_start3A_65 : memref<128x8xf32, #tpu.memory_space<vmem>>) offsets(%dma_start3A_67 : memref<128xi32, #tpu.memory_space<vmem>>) semaphore(%arg23 : memref<!tpu.dma_semaphore, #tpu.memory_space<semaphore_mem>>)
      %dma_start3A_71 = arith.constant 128 : i32
      %dma_start3A_72 = arith.constant 0 : i32
      %dma_start3A_73 = tpu.memref_slice %arg10[%dma_start3A_71, %dma_start3A_72] : memref<2048x8xf32, #tpu.memory_space<vmem>> -> memref<128x8xf32, #tpu.memory_space<vmem>>
      %dma_start3A_74 = arith.constant 128 : i32
      %dma_start3A_75 = tpu.memref_slice %arg8[%dma_start3A_74] : memref<2048xi32, #tpu.memory_space<vmem>> -> memref<128xi32, #tpu.memory_space<vmem>>
      %dma_start3A_76 = arith.constant 0 : i32
      %dma_start3A_77 = arith.constant 0 : i32
      %dma_start3A_78 = tpu.memref_slice %arg2[%dma_start3A_76, %dma_start3A_77] : memref<100000x8xf32, #tpu.memory_space<hbm>> -> memref<100000x8xf32, #tpu.memory_space<hbm>>
      tpu.enqueue_indirect_dma source(%dma_start3A_78 : memref<100000x8xf32, #tpu.memory_space<hbm>>) target(%dma_start3A_73 : memref<128x8xf32, #tpu.memory_space<vmem>>) offsets(%dma_start3A_75 : memref<128xi32, #tpu.memory_space<vmem>>) semaphore(%arg22 : memref<!tpu.dma_semaphore, #tpu.memory_space<semaphore_mem>>)
      %dma_start3A_79 = arith.constant 128 : i32
      %dma_start3A_80 = arith.constant 0 : i32
      %dma_start3A_81 = tpu.memref_slice %arg11[%dma_start3A_79, %dma_start3A_80] : memref<2048x8xf32, #tpu.memory_space<vmem>> -> memref<128x8xf32, #tpu.memory_space<vmem>>
      %dma_start3A_82 = arith.constant 128 : i32
      %dma_start3A_83 = tpu.memref_slice %arg9[%dma_start3A_82] : memref<2048xi32, #tpu.memory_space<vmem>> -> memref<128xi32, #tpu.memory_space<vmem>>
      %dma_start3A_84 = arith.constant 0 : i32
      %dma_start3A_85 = arith.constant 0 : i32
      %dma_start3A_86 = tpu.memref_slice %arg2[%dma_start3A_84, %dma_start3A_85] : memref<100000x8xf32, #tpu.memory_space<hbm>> -> memref<100000x8xf32, #tpu.memory_space<hbm>>
      tpu.enqueue_indirect_dma source(%dma_start3A_86 : memref<100000x8xf32, #tpu.memory_space<hbm>>) target(%dma_start3A_81 : memref<128x8xf32, #tpu.memory_space<vmem>>) offsets(%dma_start3A_83 : memref<128xi32, #tpu.memory_space<vmem>>) semaphore(%arg23 : memref<!tpu.dma_semaphore, #tpu.memory_space<semaphore_mem>>)
      %dma_start3A_87 = arith.constant 256 : i32
      %dma_start3A_88 = arith.constant 0 : i32
      %dma_start3A_89 = tpu.memref_slice %arg10[%dma_start3A_87, %dma_start3A_88] : memref<2048x8xf32, #tpu.memory_space<vmem>> -> memref<128x8xf32, #tpu.memory_space<vmem>>
      %dma_start3A_90 = arith.constant 256 : i32
      %dma_start3A_91 = tpu.memref_slice %arg8[%dma_start3A_90] : memref<2048xi32, #tpu.memory_space<vmem>> -> memref<128xi32, #tpu.memory_space<vmem>>
      %dma_start3A_92 = arith.constant 0 : i32
      %dma_start3A_93 = arith.constant 0 : i32
      %dma_start3A_94 = tpu.memref_slice %arg2[%dma_start3A_92, %dma_start3A_93] : memref<100000x8xf32, #tpu.memory_space<hbm>> -> memref<100000x8xf32, #tpu.memory_space<hbm>>
      tpu.enqueue_indirect_dma source(%dma_start3A_94 : memref<100000x8xf32, #tpu.memory_space<hbm>>) target(%dma_start3A_89 : memref<128x8xf32, #tpu.memory_space<vmem>>) offsets(%dma_start3A_91 : memref<128xi32, #tpu.memory_space<vmem>>) semaphore(%arg22 : memref<!tpu.dma_semaphore, #tpu.memory_space<semaphore_mem>>)
      %dma_start3A_95 = arith.constant 256 : i32
      %dma_start3A_96 = arith.constant 0 : i32
      %dma_start3A_97 = tpu.memref_slice %arg11[%dma_start3A_95, %dma_start3A_96] : memref<2048x8xf32, #tpu.memory_space<vmem>> -> memref<128x8xf32, #tpu.memory_space<vmem>>
      %dma_start3A_98 = arith.constant 256 : i32
      %dma_start3A_99 = tpu.memref_slice %arg9[%dma_start3A_98] : memref<2048xi32, #tpu.memory_space<vmem>> -> memref<128xi32, #tpu.memory_space<vmem>>
      %dma_start3A_100 = arith.constant 0 : i32
      %dma_start3A_101 = arith.constant 0 : i32
      %dma_start3A_102 = tpu.memref_slice %arg2[%dma_start3A_100, %dma_start3A_101] : memref<100000x8xf32, #tpu.memory_space<hbm>> -> memref<100000x8xf32, #tpu.memory_space<hbm>>
      tpu.enqueue_indirect_dma source(%dma_start3A_102 : memref<100000x8xf32, #tpu.memory_space<hbm>>) target(%dma_start3A_97 : memref<128x8xf32, #tpu.memory_space<vmem>>) offsets(%dma_start3A_99 : memref<128xi32, #tpu.memory_space<vmem>>) semaphore(%arg23 : memref<!tpu.dma_semaphore, #tpu.memory_space<semaphore_mem>>)
      %dma_start3A_103 = arith.constant 384 : i32
      %dma_start3A_104 = arith.constant 0 : i32
      %dma_start3A_105 = tpu.memref_slice %arg10[%dma_start3A_103, %dma_start3A_104] : memref<2048x8xf32, #tpu.memory_space<vmem>> -> memref<128x8xf32, #tpu.memory_space<vmem>>
      %dma_start3A_106 = arith.constant 384 : i32
      %dma_start3A_107 = tpu.memref_slice %arg8[%dma_start3A_106] : memref<2048xi32, #tpu.memory_space<vmem>> -> memref<128xi32, #tpu.memory_space<vmem>>
      %dma_start3A_108 = arith.constant 0 : i32
      %dma_start3A_109 = arith.constant 0 : i32
      %dma_start3A_110 = tpu.memref_slice %arg2[%dma_start3A_108, %dma_start3A_109] : memref<100000x8xf32, #tpu.memory_space<hbm>> -> memref<100000x8xf32, #tpu.memory_space<hbm>>
      tpu.enqueue_indirect_dma source(%dma_start3A_110 : memref<100000x8xf32, #tpu.memory_space<hbm>>) target(%dma_start3A_105 : memref<128x8xf32, #tpu.memory_space<vmem>>) offsets(%dma_start3A_107 : memref<128xi32, #tpu.memory_space<vmem>>) semaphore(%arg22 : memref<!tpu.dma_semaphore, #tpu.memory_space<semaphore_mem>>)
      %dma_start3A_111 = arith.constant 384 : i32
      %dma_start3A_112 = arith.constant 0 : i32
      %dma_start3A_113 = tpu.memref_slice %arg11[%dma_start3A_111, %dma_start3A_112] : memref<2048x8xf32, #tpu.memory_space<vmem>> -> memref<128x8xf32, #tpu.memory_space<vmem>>
      %dma_start3A_114 = arith.constant 384 : i32
      %dma_start3A_115 = tpu.memref_slice %arg9[%dma_start3A_114] : memref<2048xi32, #tpu.memory_space<vmem>> -> memref<128xi32, #tpu.memory_space<vmem>>
      %dma_start3A_116 = arith.constant 0 : i32
      %dma_start3A_117 = arith.constant 0 : i32
      %dma_start3A_118 = tpu.memref_slice %arg2[%dma_start3A_116, %dma_start3A_117] : memref<100000x8xf32, #tpu.memory_space<hbm>> -> memref<100000x8xf32, #tpu.memory_space<hbm>>
      tpu.enqueue_indirect_dma source(%dma_start3A_118 : memref<100000x8xf32, #tpu.memory_space<hbm>>) target(%dma_start3A_113 : memref<128x8xf32, #tpu.memory_space<vmem>>) offsets(%dma_start3A_115 : memref<128xi32, #tpu.memory_space<vmem>>) semaphore(%arg23 : memref<!tpu.dma_semaphore, #tpu.memory_space<semaphore_mem>>)
      %dma_start3A_119 = arith.constant 512 : i32
      %dma_start3A_120 = arith.constant 0 : i32
      %dma_start3A_121 = tpu.memref_slice %arg10[%dma_start3A_119, %dma_start3A_120] : memref<2048x8xf32, #tpu.memory_space<vmem>> -> memref<128x8xf32, #tpu.memory_space<vmem>>
      %dma_start3A_122 = arith.constant 512 : i32
      %dma_start3A_123 = tpu.memref_slice %arg8[%dma_start3A_122] : memref<2048xi32, #tpu.memory_space<vmem>> -> memref<128xi32, #tpu.memory_space<vmem>>
      %dma_start3A_124 = arith.constant 0 : i32
      %dma_start3A_125 = arith.constant 0 : i32
      %dma_start3A_126 = tpu.memref_slice %arg2[%dma_start3A_124, %dma_start3A_125] : memref<100000x8xf32, #tpu.memory_space<hbm>> -> memref<100000x8xf32, #tpu.memory_space<hbm>>
      tpu.enqueue_indirect_dma source(%dma_start3A_126 : memref<100000x8xf32, #tpu.memory_space<hbm>>) target(%dma_start3A_121 : memref<128x8xf32, #tpu.memory_space<vmem>>) offsets(%dma_start3A_123 : memref<128xi32, #tpu.memory_space<vmem>>) semaphore(%arg22 : memref<!tpu.dma_semaphore, #tpu.memory_space<semaphore_mem>>)
      %dma_start3A_127 = arith.constant 512 : i32
      %dma_start3A_128 = arith.constant 0 : i32
      %dma_start3A_129 = tpu.memref_slice %arg11[%dma_start3A_127, %dma_start3A_128] : memref<2048x8xf32, #tpu.memory_space<vmem>> -> memref<128x8xf32, #tpu.memory_space<vmem>>
      %dma_start3A_130 = arith.constant 512 : i32
      %dma_start3A_131 = tpu.memref_slice %arg9[%dma_start3A_130] : memref<2048xi32, #tpu.memory_space<vmem>> -> memref<128xi32, #tpu.memory_space<vmem>>
      %dma_start3A_132 = arith.constant 0 : i32
      %dma_start3A_133 = arith.constant 0 : i32
      %dma_start3A_134 = tpu.memref_slice %arg2[%dma_start3A_132, %dma_start3A_133] : memref<100000x8xf32, #tpu.memory_space<hbm>> -> memref<100000x8xf32, #tpu.memory_space<hbm>>
      tpu.enqueue_indirect_dma source(%dma_start3A_134 : memref<100000x8xf32, #tpu.memory_space<hbm>>) target(%dma_start3A_129 : memref<128x8xf32, #tpu.memory_space<vmem>>) offsets(%dma_start3A_131 : memref<128xi32, #tpu.memory_space<vmem>>) semaphore(%arg23 : memref<!tpu.dma_semaphore, #tpu.memory_space<semaphore_mem>>)
      %dma_start3A_135 = arith.constant 640 : i32
      %dma_start3A_136 = arith.constant 0 : i32
      %dma_start3A_137 = tpu.memref_slice %arg10[%dma_start3A_135, %dma_start3A_136] : memref<2048x8xf32, #tpu.memory_space<vmem>> -> memref<128x8xf32, #tpu.memory_space<vmem>>
      %dma_start3A_138 = arith.constant 640 : i32
      %dma_start3A_139 = tpu.memref_slice %arg8[%dma_start3A_138] : memref<2048xi32, #tpu.memory_space<vmem>> -> memref<128xi32, #tpu.memory_space<vmem>>
      %dma_start3A_140 = arith.constant 0 : i32
      %dma_start3A_141 = arith.constant 0 : i32
      %dma_start3A_142 = tpu.memref_slice %arg2[%dma_start3A_140, %dma_start3A_141] : memref<100000x8xf32, #tpu.memory_space<hbm>> -> memref<100000x8xf32, #tpu.memory_space<hbm>>
      tpu.enqueue_indirect_dma source(%dma_start3A_142 : memref<100000x8xf32, #tpu.memory_space<hbm>>) target(%dma_start3A_137 : memref<128x8xf32, #tpu.memory_space<vmem>>) offsets(%dma_start3A_139 : memref<128xi32, #tpu.memory_space<vmem>>) semaphore(%arg22 : memref<!tpu.dma_semaphore, #tpu.memory_space<semaphore_mem>>)
      %dma_start3A_143 = arith.constant 640 : i32
      %dma_start3A_144 = arith.constant 0 : i32
      %dma_start3A_145 = tpu.memref_slice %arg11[%dma_start3A_143, %dma_start3A_144] : memref<2048x8xf32, #tpu.memory_space<vmem>> -> memref<128x8xf32, #tpu.memory_space<vmem>>
      %dma_start3A_146 = arith.constant 640 : i32
      %dma_start3A_147 = tpu.memref_slice %arg9[%dma_start3A_146] : memref<2048xi32, #tpu.memory_space<vmem>> -> memref<128xi32, #tpu.memory_space<vmem>>
      %dma_start3A_148 = arith.constant 0 : i32
      %dma_start3A_149 = arith.constant 0 : i32
      %dma_start3A_150 = tpu.memref_slice %arg2[%dma_start3A_148, %dma_start3A_149] : memref<100000x8xf32, #tpu.memory_space<hbm>> -> memref<100000x8xf32, #tpu.memory_space<hbm>>
      tpu.enqueue_indirect_dma source(%dma_start3A_150 : memref<100000x8xf32, #tpu.memory_space<hbm>>) target(%dma_start3A_145 : memref<128x8xf32, #tpu.memory_space<vmem>>) offsets(%dma_start3A_147 : memref<128xi32, #tpu.memory_space<vmem>>) semaphore(%arg23 : memref<!tpu.dma_semaphore, #tpu.memory_space<semaphore_mem>>)
      %dma_start3A_151 = arith.constant 768 : i32
      %dma_start3A_152 = arith.constant 0 : i32
      %dma_start3A_153 = tpu.memref_slice %arg10[%dma_start3A_151, %dma_start3A_152] : memref<2048x8xf32, #tpu.memory_space<vmem>> -> memref<128x8xf32, #tpu.memory_space<vmem>>
      %dma_start3A_154 = arith.constant 768 : i32
      %dma_start3A_155 = tpu.memref_slice %arg8[%dma_start3A_154] : memref<2048xi32, #tpu.memory_space<vmem>> -> memref<128xi32, #tpu.memory_space<vmem>>
      %dma_start3A_156 = arith.constant 0 : i32
      %dma_start3A_157 = arith.constant 0 : i32
      %dma_start3A_158 = tpu.memref_slice %arg2[%dma_start3A_156, %dma_start3A_157] : memref<100000x8xf32, #tpu.memory_space<hbm>> -> memref<100000x8xf32, #tpu.memory_space<hbm>>
      tpu.enqueue_indirect_dma source(%dma_start3A_158 : memref<100000x8xf32, #tpu.memory_space<hbm>>) target(%dma_start3A_153 : memref<128x8xf32, #tpu.memory_space<vmem>>) offsets(%dma_start3A_155 : memref<128xi32, #tpu.memory_space<vmem>>) semaphore(%arg22 : memref<!tpu.dma_semaphore, #tpu.memory_space<semaphore_mem>>)
      %dma_start3A_159 = arith.constant 768 : i32
      %dma_start3A_160 = arith.constant 0 : i32
      %dma_start3A_161 = tpu.memref_slice %arg11[%dma_start3A_159, %dma_start3A_160] : memref<2048x8xf32, #tpu.memory_space<vmem>> -> memref<128x8xf32, #tpu.memory_space<vmem>>
      %dma_start3A_162 = arith.constant 768 : i32
      %dma_start3A_163 = tpu.memref_slice %arg9[%dma_start3A_162] : memref<2048xi32, #tpu.memory_space<vmem>> -> memref<128xi32, #tpu.memory_space<vmem>>
      %dma_start3A_164 = arith.constant 0 : i32
      %dma_start3A_165 = arith.constant 0 : i32
      %dma_start3A_166 = tpu.memref_slice %arg2[%dma_start3A_164, %dma_start3A_165] : memref<100000x8xf32, #tpu.memory_space<hbm>> -> memref<100000x8xf32, #tpu.memory_space<hbm>>
      tpu.enqueue_indirect_dma source(%dma_start3A_166 : memref<100000x8xf32, #tpu.memory_space<hbm>>) target(%dma_start3A_161 : memref<128x8xf32, #tpu.memory_space<vmem>>) offsets(%dma_start3A_163 : memref<128xi32, #tpu.memory_space<vmem>>) semaphore(%arg23 : memref<!tpu.dma_semaphore, #tpu.memory_space<semaphore_mem>>)
      %dma_start3A_167 = arith.constant 896 : i32
      %dma_start3A_168 = arith.constant 0 : i32
      %dma_start3A_169 = tpu.memref_slice %arg10[%dma_start3A_167, %dma_start3A_168] : memref<2048x8xf32, #tpu.memory_space<vmem>> -> memref<128x8xf32, #tpu.memory_space<vmem>>
      %dma_start3A_170 = arith.constant 896 : i32
      %dma_start3A_171 = tpu.memref_slice %arg8[%dma_start3A_170] : memref<2048xi32, #tpu.memory_space<vmem>> -> memref<128xi32, #tpu.memory_space<vmem>>
      %dma_start3A_172 = arith.constant 0 : i32
      %dma_start3A_173 = arith.constant 0 : i32
      %dma_start3A_174 = tpu.memref_slice %arg2[%dma_start3A_172, %dma_start3A_173] : memref<100000x8xf32, #tpu.memory_space<hbm>> -> memref<100000x8xf32, #tpu.memory_space<hbm>>
      tpu.enqueue_indirect_dma source(%dma_start3A_174 : memref<100000x8xf32, #tpu.memory_space<hbm>>) target(%dma_start3A_169 : memref<128x8xf32, #tpu.memory_space<vmem>>) offsets(%dma_start3A_171 : memref<128xi32, #tpu.memory_space<vmem>>) semaphore(%arg22 : memref<!tpu.dma_semaphore, #tpu.memory_space<semaphore_mem>>)
      %dma_start3A_175 = arith.constant 896 : i32
      %dma_start3A_176 = arith.constant 0 : i32
      %dma_start3A_177 = tpu.memref_slice %arg11[%dma_start3A_175, %dma_start3A_176] : memref<2048x8xf32, #tpu.memory_space<vmem>> -> memref<128x8xf32, #tpu.memory_space<vmem>>
      %dma_start3A_178 = arith.constant 896 : i32
      %dma_start3A_179 = tpu.memref_slice %arg9[%dma_start3A_178] : memref<2048xi32, #tpu.memory_space<vmem>> -> memref<128xi32, #tpu.memory_space<vmem>>
      %dma_start3A_180 = arith.constant 0 : i32
      %dma_start3A_181 = arith.constant 0 : i32
      %dma_start3A_182 = tpu.memref_slice %arg2[%dma_start3A_180, %dma_start3A_181] : memref<100000x8xf32, #tpu.memory_space<hbm>> -> memref<100000x8xf32, #tpu.memory_space<hbm>>
      tpu.enqueue_indirect_dma source(%dma_start3A_182 : memref<100000x8xf32, #tpu.memory_space<hbm>>) target(%dma_start3A_177 : memref<128x8xf32, #tpu.memory_space<vmem>>) offsets(%dma_start3A_179 : memref<128xi32, #tpu.memory_space<vmem>>) semaphore(%arg23 : memref<!tpu.dma_semaphore, #tpu.memory_space<semaphore_mem>>)
      %dma_start3A_183 = arith.constant 1024 : i32
      %dma_start3A_184 = arith.constant 0 : i32
      %dma_start3A_185 = tpu.memref_slice %arg10[%dma_start3A_183, %dma_start3A_184] : memref<2048x8xf32, #tpu.memory_space<vmem>> -> memref<128x8xf32, #tpu.memory_space<vmem>>
      %dma_start3A_186 = arith.constant 1024 : i32
      %dma_start3A_187 = tpu.memref_slice %arg8[%dma_start3A_186] : memref<2048xi32, #tpu.memory_space<vmem>> -> memref<128xi32, #tpu.memory_space<vmem>>
      %dma_start3A_188 = arith.constant 0 : i32
      %dma_start3A_189 = arith.constant 0 : i32
      %dma_start3A_190 = tpu.memref_slice %arg2[%dma_start3A_188, %dma_start3A_189] : memref<100000x8xf32, #tpu.memory_space<hbm>> -> memref<100000x8xf32, #tpu.memory_space<hbm>>
      tpu.enqueue_indirect_dma source(%dma_start3A_190 : memref<100000x8xf32, #tpu.memory_space<hbm>>) target(%dma_start3A_185 : memref<128x8xf32, #tpu.memory_space<vmem>>) offsets(%dma_start3A_187 : memref<128xi32, #tpu.memory_space<vmem>>) semaphore(%arg22 : memref<!tpu.dma_semaphore, #tpu.memory_space<semaphore_mem>>)
      %dma_start3A_191 = arith.constant 1024 : i32
      %dma_start3A_192 = arith.constant 0 : i32
      %dma_start3A_193 = tpu.memref_slice %arg11[%dma_start3A_191, %dma_start3A_192] : memref<2048x8xf32, #tpu.memory_space<vmem>> -> memref<128x8xf32, #tpu.memory_space<vmem>>
      %dma_start3A_194 = arith.constant 1024 : i32
      %dma_start3A_195 = tpu.memref_slice %arg9[%dma_start3A_194] : memref<2048xi32, #tpu.memory_space<vmem>> -> memref<128xi32, #tpu.memory_space<vmem>>
      %dma_start3A_196 = arith.constant 0 : i32
      %dma_start3A_197 = arith.constant 0 : i32
      %dma_start3A_198 = tpu.memref_slice %arg2[%dma_start3A_196, %dma_start3A_197] : memref<100000x8xf32, #tpu.memory_space<hbm>> -> memref<100000x8xf32, #tpu.memory_space<hbm>>
      tpu.enqueue_indirect_dma source(%dma_start3A_198 : memref<100000x8xf32, #tpu.memory_space<hbm>>) target(%dma_start3A_193 : memref<128x8xf32, #tpu.memory_space<vmem>>) offsets(%dma_start3A_195 : memref<128xi32, #tpu.memory_space<vmem>>) semaphore(%arg23 : memref<!tpu.dma_semaphore, #tpu.memory_space<semaphore_mem>>)
      %dma_start3A_199 = arith.constant 1152 : i32
      %dma_start3A_200 = arith.constant 0 : i32
      %dma_start3A_201 = tpu.memref_slice %arg10[%dma_start3A_199, %dma_start3A_200] : memref<2048x8xf32, #tpu.memory_space<vmem>> -> memref<128x8xf32, #tpu.memory_space<vmem>>
      %dma_start3A_202 = arith.constant 1152 : i32
      %dma_start3A_203 = tpu.memref_slice %arg8[%dma_start3A_202] : memref<2048xi32, #tpu.memory_space<vmem>> -> memref<128xi32, #tpu.memory_space<vmem>>
      %dma_start3A_204 = arith.constant 0 : i32
      %dma_start3A_205 = arith.constant 0 : i32
      %dma_start3A_206 = tpu.memref_slice %arg2[%dma_start3A_204, %dma_start3A_205] : memref<100000x8xf32, #tpu.memory_space<hbm>> -> memref<100000x8xf32, #tpu.memory_space<hbm>>
      tpu.enqueue_indirect_dma source(%dma_start3A_206 : memref<100000x8xf32, #tpu.memory_space<hbm>>) target(%dma_start3A_201 : memref<128x8xf32, #tpu.memory_space<vmem>>) offsets(%dma_start3A_203 : memref<128xi32, #tpu.memory_space<vmem>>) semaphore(%arg22 : memref<!tpu.dma_semaphore, #tpu.memory_space<semaphore_mem>>)
      %dma_start3A_207 = arith.constant 1152 : i32
      %dma_start3A_208 = arith.constant 0 : i32
      %dma_start3A_209 = tpu.memref_slice %arg11[%dma_start3A_207, %dma_start3A_208] : memref<2048x8xf32, #tpu.memory_space<vmem>> -> memref<128x8xf32, #tpu.memory_space<vmem>>
      %dma_start3A_210 = arith.constant 1152 : i32
      %dma_start3A_211 = tpu.memref_slice %arg9[%dma_start3A_210] : memref<2048xi32, #tpu.memory_space<vmem>> -> memref<128xi32, #tpu.memory_space<vmem>>
      %dma_start3A_212 = arith.constant 0 : i32
      %dma_start3A_213 = arith.constant 0 : i32
      %dma_start3A_214 = tpu.memref_slice %arg2[%dma_start3A_212, %dma_start3A_213] : memref<100000x8xf32, #tpu.memory_space<hbm>> -> memref<100000x8xf32, #tpu.memory_space<hbm>>
      tpu.enqueue_indirect_dma source(%dma_start3A_214 : memref<100000x8xf32, #tpu.memory_space<hbm>>) target(%dma_start3A_209 : memref<128x8xf32, #tpu.memory_space<vmem>>) offsets(%dma_start3A_211 : memref<128xi32, #tpu.memory_space<vmem>>) semaphore(%arg23 : memref<!tpu.dma_semaphore, #tpu.memory_space<semaphore_mem>>)
      %dma_start3A_215 = arith.constant 1280 : i32
      %dma_start3A_216 = arith.constant 0 : i32
      %dma_start3A_217 = tpu.memref_slice %arg10[%dma_start3A_215, %dma_start3A_216] : memref<2048x8xf32, #tpu.memory_space<vmem>> -> memref<128x8xf32, #tpu.memory_space<vmem>>
      %dma_start3A_218 = arith.constant 1280 : i32
      %dma_start3A_219 = tpu.memref_slice %arg8[%dma_start3A_218] : memref<2048xi32, #tpu.memory_space<vmem>> -> memref<128xi32, #tpu.memory_space<vmem>>
      %dma_start3A_220 = arith.constant 0 : i32
      %dma_start3A_221 = arith.constant 0 : i32
      %dma_start3A_222 = tpu.memref_slice %arg2[%dma_start3A_220, %dma_start3A_221] : memref<100000x8xf32, #tpu.memory_space<hbm>> -> memref<100000x8xf32, #tpu.memory_space<hbm>>
      tpu.enqueue_indirect_dma source(%dma_start3A_222 : memref<100000x8xf32, #tpu.memory_space<hbm>>) target(%dma_start3A_217 : memref<128x8xf32, #tpu.memory_space<vmem>>) offsets(%dma_start3A_219 : memref<128xi32, #tpu.memory_space<vmem>>) semaphore(%arg22 : memref<!tpu.dma_semaphore, #tpu.memory_space<semaphore_mem>>)
      %dma_start3A_223 = arith.constant 1280 : i32
      %dma_start3A_224 = arith.constant 0 : i32
      %dma_start3A_225 = tpu.memref_slice %arg11[%dma_start3A_223, %dma_start3A_224] : memref<2048x8xf32, #tpu.memory_space<vmem>> -> memref<128x8xf32, #tpu.memory_space<vmem>>
      %dma_start3A_226 = arith.constant 1280 : i32
      %dma_start3A_227 = tpu.memref_slice %arg9[%dma_start3A_226] : memref<2048xi32, #tpu.memory_space<vmem>> -> memref<128xi32, #tpu.memory_space<vmem>>
      %dma_start3A_228 = arith.constant 0 : i32
      %dma_start3A_229 = arith.constant 0 : i32
      %dma_start3A_230 = tpu.memref_slice %arg2[%dma_start3A_228, %dma_start3A_229] : memref<100000x8xf32, #tpu.memory_space<hbm>> -> memref<100000x8xf32, #tpu.memory_space<hbm>>
      tpu.enqueue_indirect_dma source(%dma_start3A_230 : memref<100000x8xf32, #tpu.memory_space<hbm>>) target(%dma_start3A_225 : memref<128x8xf32, #tpu.memory_space<vmem>>) offsets(%dma_start3A_227 : memref<128xi32, #tpu.memory_space<vmem>>) semaphore(%arg23 : memref<!tpu.dma_semaphore, #tpu.memory_space<semaphore_mem>>)
      %dma_start3A_231 = arith.constant 1408 : i32
      %dma_start3A_232 = arith.constant 0 : i32
      %dma_start3A_233 = tpu.memref_slice %arg10[%dma_start3A_231, %dma_start3A_232] : memref<2048x8xf32, #tpu.memory_space<vmem>> -> memref<128x8xf32, #tpu.memory_space<vmem>>
      %dma_start3A_234 = arith.constant 1408 : i32
      %dma_start3A_235 = tpu.memref_slice %arg8[%dma_start3A_234] : memref<2048xi32, #tpu.memory_space<vmem>> -> memref<128xi32, #tpu.memory_space<vmem>>
      %dma_start3A_236 = arith.constant 0 : i32
      %dma_start3A_237 = arith.constant 0 : i32
      %dma_start3A_238 = tpu.memref_slice %arg2[%dma_start3A_236, %dma_start3A_237] : memref<100000x8xf32, #tpu.memory_space<hbm>> -> memref<100000x8xf32, #tpu.memory_space<hbm>>
      tpu.enqueue_indirect_dma source(%dma_start3A_238 : memref<100000x8xf32, #tpu.memory_space<hbm>>) target(%dma_start3A_233 : memref<128x8xf32, #tpu.memory_space<vmem>>) offsets(%dma_start3A_235 : memref<128xi32, #tpu.memory_space<vmem>>) semaphore(%arg22 : memref<!tpu.dma_semaphore, #tpu.memory_space<semaphore_mem>>)
      %dma_start3A_239 = arith.constant 1408 : i32
      %dma_start3A_240 = arith.constant 0 : i32
      %dma_start3A_241 = tpu.memref_slice %arg11[%dma_start3A_239, %dma_start3A_240] : memref<2048x8xf32, #tpu.memory_space<vmem>> -> memref<128x8xf32, #tpu.memory_space<vmem>>
      %dma_start3A_242 = arith.constant 1408 : i32
      %dma_start3A_243 = tpu.memref_slice %arg9[%dma_start3A_242] : memref<2048xi32, #tpu.memory_space<vmem>> -> memref<128xi32, #tpu.memory_space<vmem>>
      %dma_start3A_244 = arith.constant 0 : i32
      %dma_start3A_245 = arith.constant 0 : i32
      %dma_start3A_246 = tpu.memref_slice %arg2[%dma_start3A_244, %dma_start3A_245] : memref<100000x8xf32, #tpu.memory_space<hbm>> -> memref<100000x8xf32, #tpu.memory_space<hbm>>
      tpu.enqueue_indirect_dma source(%dma_start3A_246 : memref<100000x8xf32, #tpu.memory_space<hbm>>) target(%dma_start3A_241 : memref<128x8xf32, #tpu.memory_space<vmem>>) offsets(%dma_start3A_243 : memref<128xi32, #tpu.memory_space<vmem>>) semaphore(%arg23 : memref<!tpu.dma_semaphore, #tpu.memory_space<semaphore_mem>>)
      %dma_start3A_247 = arith.constant 1536 : i32
      %dma_start3A_248 = arith.constant 0 : i32
      %dma_start3A_249 = tpu.memref_slice %arg10[%dma_start3A_247, %dma_start3A_248] : memref<2048x8xf32, #tpu.memory_space<vmem>> -> memref<128x8xf32, #tpu.memory_space<vmem>>
      %dma_start3A_250 = arith.constant 1536 : i32
      %dma_start3A_251 = tpu.memref_slice %arg8[%dma_start3A_250] : memref<2048xi32, #tpu.memory_space<vmem>> -> memref<128xi32, #tpu.memory_space<vmem>>
      %dma_start3A_252 = arith.constant 0 : i32
      %dma_start3A_253 = arith.constant 0 : i32
      %dma_start3A_254 = tpu.memref_slice %arg2[%dma_start3A_252, %dma_start3A_253] : memref<100000x8xf32, #tpu.memory_space<hbm>> -> memref<100000x8xf32, #tpu.memory_space<hbm>>
      tpu.enqueue_indirect_dma source(%dma_start3A_254 : memref<100000x8xf32, #tpu.memory_space<hbm>>) target(%dma_start3A_249 : memref<128x8xf32, #tpu.memory_space<vmem>>) offsets(%dma_start3A_251 : memref<128xi32, #tpu.memory_space<vmem>>) semaphore(%arg22 : memref<!tpu.dma_semaphore, #tpu.memory_space<semaphore_mem>>)
      %dma_start3A_255 = arith.constant 1536 : i32
      %dma_start3A_256 = arith.constant 0 : i32
      %dma_start3A_257 = tpu.memref_slice %arg11[%dma_start3A_255, %dma_start3A_256] : memref<2048x8xf32, #tpu.memory_space<vmem>> -> memref<128x8xf32, #tpu.memory_space<vmem>>
      %dma_start3A_258 = arith.constant 1536 : i32
      %dma_start3A_259 = tpu.memref_slice %arg9[%dma_start3A_258] : memref<2048xi32, #tpu.memory_space<vmem>> -> memref<128xi32, #tpu.memory_space<vmem>>
      %dma_start3A_260 = arith.constant 0 : i32
      %dma_start3A_261 = arith.constant 0 : i32
      %dma_start3A_262 = tpu.memref_slice %arg2[%dma_start3A_260, %dma_start3A_261] : memref<100000x8xf32, #tpu.memory_space<hbm>> -> memref<100000x8xf32, #tpu.memory_space<hbm>>
      tpu.enqueue_indirect_dma source(%dma_start3A_262 : memref<100000x8xf32, #tpu.memory_space<hbm>>) target(%dma_start3A_257 : memref<128x8xf32, #tpu.memory_space<vmem>>) offsets(%dma_start3A_259 : memref<128xi32, #tpu.memory_space<vmem>>) semaphore(%arg23 : memref<!tpu.dma_semaphore, #tpu.memory_space<semaphore_mem>>)
      %dma_start3A_263 = arith.constant 1664 : i32
      %dma_start3A_264 = arith.constant 0 : i32
      %dma_start3A_265 = tpu.memref_slice %arg10[%dma_start3A_263, %dma_start3A_264] : memref<2048x8xf32, #tpu.memory_space<vmem>> -> memref<128x8xf32, #tpu.memory_space<vmem>>
      %dma_start3A_266 = arith.constant 1664 : i32
      %dma_start3A_267 = tpu.memref_slice %arg8[%dma_start3A_266] : memref<2048xi32, #tpu.memory_space<vmem>> -> memref<128xi32, #tpu.memory_space<vmem>>
      %dma_start3A_268 = arith.constant 0 : i32
      %dma_start3A_269 = arith.constant 0 : i32
      %dma_start3A_270 = tpu.memref_slice %arg2[%dma_start3A_268, %dma_start3A_269] : memref<100000x8xf32, #tpu.memory_space<hbm>> -> memref<100000x8xf32, #tpu.memory_space<hbm>>
      tpu.enqueue_indirect_dma source(%dma_start3A_270 : memref<100000x8xf32, #tpu.memory_space<hbm>>) target(%dma_start3A_265 : memref<128x8xf32, #tpu.memory_space<vmem>>) offsets(%dma_start3A_267 : memref<128xi32, #tpu.memory_space<vmem>>) semaphore(%arg22 : memref<!tpu.dma_semaphore, #tpu.memory_space<semaphore_mem>>)
      %dma_start3A_271 = arith.constant 1664 : i32
      %dma_start3A_272 = arith.constant 0 : i32
      %dma_start3A_273 = tpu.memref_slice %arg11[%dma_start3A_271, %dma_start3A_272] : memref<2048x8xf32, #tpu.memory_space<vmem>> -> memref<128x8xf32, #tpu.memory_space<vmem>>
      %dma_start3A_274 = arith.constant 1664 : i32
      %dma_start3A_275 = tpu.memref_slice %arg9[%dma_start3A_274] : memref<2048xi32, #tpu.memory_space<vmem>> -> memref<128xi32, #tpu.memory_space<vmem>>
      %dma_start3A_276 = arith.constant 0 : i32
      %dma_start3A_277 = arith.constant 0 : i32
      %dma_start3A_278 = tpu.memref_slice %arg2[%dma_start3A_276, %dma_start3A_277] : memref<100000x8xf32, #tpu.memory_space<hbm>> -> memref<100000x8xf32, #tpu.memory_space<hbm>>
      tpu.enqueue_indirect_dma source(%dma_start3A_278 : memref<100000x8xf32, #tpu.memory_space<hbm>>) target(%dma_start3A_273 : memref<128x8xf32, #tpu.memory_space<vmem>>) offsets(%dma_start3A_275 : memref<128xi32, #tpu.memory_space<vmem>>) semaphore(%arg23 : memref<!tpu.dma_semaphore, #tpu.memory_space<semaphore_mem>>)
      %dma_start3A_279 = arith.constant 1792 : i32
      %dma_start3A_280 = arith.constant 0 : i32
      %dma_start3A_281 = tpu.memref_slice %arg10[%dma_start3A_279, %dma_start3A_280] : memref<2048x8xf32, #tpu.memory_space<vmem>> -> memref<128x8xf32, #tpu.memory_space<vmem>>
      %dma_start3A_282 = arith.constant 1792 : i32
      %dma_start3A_283 = tpu.memref_slice %arg8[%dma_start3A_282] : memref<2048xi32, #tpu.memory_space<vmem>> -> memref<128xi32, #tpu.memory_space<vmem>>
      %dma_start3A_284 = arith.constant 0 : i32
      %dma_start3A_285 = arith.constant 0 : i32
      %dma_start3A_286 = tpu.memref_slice %arg2[%dma_start3A_284, %dma_start3A_285] : memref<100000x8xf32, #tpu.memory_space<hbm>> -> memref<100000x8xf32, #tpu.memory_space<hbm>>
      tpu.enqueue_indirect_dma source(%dma_start3A_286 : memref<100000x8xf32, #tpu.memory_space<hbm>>) target(%dma_start3A_281 : memref<128x8xf32, #tpu.memory_space<vmem>>) offsets(%dma_start3A_283 : memref<128xi32, #tpu.memory_space<vmem>>) semaphore(%arg22 : memref<!tpu.dma_semaphore, #tpu.memory_space<semaphore_mem>>)
      %dma_start3A_287 = arith.constant 1792 : i32
      %dma_start3A_288 = arith.constant 0 : i32
      %dma_start3A_289 = tpu.memref_slice %arg11[%dma_start3A_287, %dma_start3A_288] : memref<2048x8xf32, #tpu.memory_space<vmem>> -> memref<128x8xf32, #tpu.memory_space<vmem>>
      %dma_start3A_290 = arith.constant 1792 : i32
      %dma_start3A_291 = tpu.memref_slice %arg9[%dma_start3A_290] : memref<2048xi32, #tpu.memory_space<vmem>> -> memref<128xi32, #tpu.memory_space<vmem>>
      %dma_start3A_292 = arith.constant 0 : i32
      %dma_start3A_293 = arith.constant 0 : i32
      %dma_start3A_294 = tpu.memref_slice %arg2[%dma_start3A_292, %dma_start3A_293] : memref<100000x8xf32, #tpu.memory_space<hbm>> -> memref<100000x8xf32, #tpu.memory_space<hbm>>
      tpu.enqueue_indirect_dma source(%dma_start3A_294 : memref<100000x8xf32, #tpu.memory_space<hbm>>) target(%dma_start3A_289 : memref<128x8xf32, #tpu.memory_space<vmem>>) offsets(%dma_start3A_291 : memref<128xi32, #tpu.memory_space<vmem>>) semaphore(%arg23 : memref<!tpu.dma_semaphore, #tpu.memory_space<semaphore_mem>>)
      %dma_start3A_295 = arith.constant 1920 : i32
      %dma_start3A_296 = arith.constant 0 : i32
      %dma_start3A_297 = tpu.memref_slice %arg10[%dma_start3A_295, %dma_start3A_296] : memref<2048x8xf32, #tpu.memory_space<vmem>> -> memref<128x8xf32, #tpu.memory_space<vmem>>
      %dma_start3A_298 = arith.constant 1920 : i32
      %dma_start3A_299 = tpu.memref_slice %arg8[%dma_start3A_298] : memref<2048xi32, #tpu.memory_space<vmem>> -> memref<128xi32, #tpu.memory_space<vmem>>
      %dma_start3A_300 = arith.constant 0 : i32
      %dma_start3A_301 = arith.constant 0 : i32
      %dma_start3A_302 = tpu.memref_slice %arg2[%dma_start3A_300, %dma_start3A_301] : memref<100000x8xf32, #tpu.memory_space<hbm>> -> memref<100000x8xf32, #tpu.memory_space<hbm>>
      tpu.enqueue_indirect_dma source(%dma_start3A_302 : memref<100000x8xf32, #tpu.memory_space<hbm>>) target(%dma_start3A_297 : memref<128x8xf32, #tpu.memory_space<vmem>>) offsets(%dma_start3A_299 : memref<128xi32, #tpu.memory_space<vmem>>) semaphore(%arg22 : memref<!tpu.dma_semaphore, #tpu.memory_space<semaphore_mem>>)
      %dma_start3A_303 = arith.constant 1920 : i32
      %dma_start3A_304 = arith.constant 0 : i32
      %dma_start3A_305 = tpu.memref_slice %arg11[%dma_start3A_303, %dma_start3A_304] : memref<2048x8xf32, #tpu.memory_space<vmem>> -> memref<128x8xf32, #tpu.memory_space<vmem>>
      %dma_start3A_306 = arith.constant 1920 : i32
      %dma_start3A_307 = tpu.memref_slice %arg9[%dma_start3A_306] : memref<2048xi32, #tpu.memory_space<vmem>> -> memref<128xi32, #tpu.memory_space<vmem>>
      %dma_start3A_308 = arith.constant 0 : i32
      %dma_start3A_309 = arith.constant 0 : i32
      %dma_start3A_310 = tpu.memref_slice %arg2[%dma_start3A_308, %dma_start3A_309] : memref<100000x8xf32, #tpu.memory_space<hbm>> -> memref<100000x8xf32, #tpu.memory_space<hbm>>
      tpu.enqueue_indirect_dma source(%dma_start3A_310 : memref<100000x8xf32, #tpu.memory_space<hbm>>) target(%dma_start3A_305 : memref<128x8xf32, #tpu.memory_space<vmem>>) offsets(%dma_start3A_307 : memref<128xi32, #tpu.memory_space<vmem>>) semaphore(%arg23 : memref<!tpu.dma_semaphore, #tpu.memory_space<semaphore_mem>>)
    } else {
    }
    %scan3A_17 = arith.constant 0 : i32
    %scan3A_18 = arith.constant 0 : i32
    %scan3A_19 = arith.constant 49 : i32
    %scan3A_20 = arith.addi %scan3A_18, %scan3A_19 : i32
    %scan3A_21 = arith.constant 1 : i32
    scf.for %scan3A_54 = %scan3A_18 to %scan3A_20 step %scan3A_21  : i32 {
      %mul3A_55 = arith.constant 2 : i32
      %mul3A_56 = arith.muli %mul3A_55, %scan3A_54 : i32
      %add3A_57 = arith.constant 0 : i32
      %add3A_58 = arith.addi %mul3A_56, %add3A_57 : i32
      %mul3A_59 = arith.constant 32 : i32
      %mul3A_60 = arith.muli %add3A_58, %mul3A_59 : i32
      %add3A_61 = arith.addi %add3A, %mul3A_60 : i32
      %add3A_62 = arith.constant 32 : i32
      %add3A_63 = arith.addi %add3A_61, %add3A_62 : i32
      %lt3A_64 = arith.constant 3125 : i32
      %lt3A_65 = arith.cmpi slt, %add3A_63, %lt3A_64 : i32
      %convert_element_type3A_66 = arith.extui %lt3A_65 : i1 to i32
      %cond3A_67 = arith.constant 0 : i32
      %cond3A_68 = arith.cmpi ne, %convert_element_type3A_66, %cond3A_67 : i32
      scf.if %cond3A_68 {
        %mul3A_107 = arith.constant 2048 : i32
        %mul3A_108 = arith.muli %add3A_63, %mul3A_107 : i32
        "tpu.region"() ({
          %run_scoped3A = tpu.sem_alloc : memref<!tpu.dma_semaphore, #tpu.memory_space<semaphore_mem>>
          %dma_start3A_364 = tpu.memref_slice %arg3[%mul3A_108] : memref<6400000xi32, #tpu.memory_space<hbm>> -> memref<2048xi32, #tpu.memory_space<hbm>>
          %dma_start3A_365 = tpu.memref_slice %arg3[%mul3A_108] : memref<6400000xi32, #tpu.memory_space<hbm>> -> memref<2048xi32, #tpu.memory_space<hbm>>
          tpu.enqueue_dma source(%dma_start3A_365 : memref<2048xi32, #tpu.memory_space<hbm>>) target(%arg12 : memref<2048xi32, #tpu.memory_space<vmem>>) target_semaphore(%run_scoped3A : memref<!tpu.dma_semaphore, #tpu.memory_space<semaphore_mem>>)
          %dma_wait3A_366 = tpu.memref_slice %arg3[%mul3A_108] : memref<6400000xi32, #tpu.memory_space<hbm>> -> memref<2048xi32, #tpu.memory_space<hbm>>
          %dma_wait3A_367 = tpu.memref_slice %arg3[%mul3A_108] : memref<6400000xi32, #tpu.memory_space<hbm>> -> memref<2048xi32, #tpu.memory_space<hbm>>
          tpu.wait_dma2 semaphore(%run_scoped3A : memref<!tpu.dma_semaphore, #tpu.memory_space<semaphore_mem>>) src(%dma_wait3A_367 : memref<2048xi32, #tpu.memory_space<hbm>>) dst(%arg12 : memref<2048xi32, #tpu.memory_space<vmem>>)
          tpu.yield
        }) : () -> ()
        "tpu.region"() ({
          %run_scoped3A = tpu.sem_alloc : memref<!tpu.dma_semaphore, #tpu.memory_space<semaphore_mem>>
          %dma_start3A_364 = tpu.memref_slice %arg4[%mul3A_108] : memref<6400000xi32, #tpu.memory_space<hbm>> -> memref<2048xi32, #tpu.memory_space<hbm>>
          %dma_start3A_365 = tpu.memref_slice %arg4[%mul3A_108] : memref<6400000xi32, #tpu.memory_space<hbm>> -> memref<2048xi32, #tpu.memory_space<hbm>>
          tpu.enqueue_dma source(%dma_start3A_365 : memref<2048xi32, #tpu.memory_space<hbm>>) target(%arg13 : memref<2048xi32, #tpu.memory_space<vmem>>) target_semaphore(%run_scoped3A : memref<!tpu.dma_semaphore, #tpu.memory_space<semaphore_mem>>)
          %dma_wait3A_366 = tpu.memref_slice %arg4[%mul3A_108] : memref<6400000xi32, #tpu.memory_space<hbm>> -> memref<2048xi32, #tpu.memory_space<hbm>>
          %dma_wait3A_367 = tpu.memref_slice %arg4[%mul3A_108] : memref<6400000xi32, #tpu.memory_space<hbm>> -> memref<2048xi32, #tpu.memory_space<hbm>>
          tpu.wait_dma2 semaphore(%run_scoped3A : memref<!tpu.dma_semaphore, #tpu.memory_space<semaphore_mem>>) src(%dma_wait3A_367 : memref<2048xi32, #tpu.memory_space<hbm>>) dst(%arg13 : memref<2048xi32, #tpu.memory_space<vmem>>)
          tpu.yield
        }) : () -> ()
        %dma_start3A = arith.constant 0 : i32
        %dma_start3A_109 = arith.constant 0 : i32
        %dma_start3A_110 = tpu.memref_slice %arg14[%dma_start3A, %dma_start3A_109] : memref<2048x8xf32, #tpu.memory_space<vmem>> -> memref<128x8xf32, #tpu.memory_space<vmem>>
        %dma_start3A_111 = arith.constant 0 : i32
        %dma_start3A_112 = tpu.memref_slice %arg12[%dma_start3A_111] : memref<2048xi32, #tpu.memory_space<vmem>> -> memref<128xi32, #tpu.memory_space<vmem>>
        %dma_start3A_113 = arith.constant 0 : i32
        %dma_start3A_114 = arith.constant 0 : i32
        %dma_start3A_115 = tpu.memref_slice %arg2[%dma_start3A_113, %dma_start3A_114] : memref<100000x8xf32, #tpu.memory_space<hbm>> -> memref<100000x8xf32, #tpu.memory_space<hbm>>
        tpu.enqueue_indirect_dma source(%dma_start3A_115 : memref<100000x8xf32, #tpu.memory_space<hbm>>) target(%dma_start3A_110 : memref<128x8xf32, #tpu.memory_space<vmem>>) offsets(%dma_start3A_112 : memref<128xi32, #tpu.memory_space<vmem>>) semaphore(%arg24 : memref<!tpu.dma_semaphore, #tpu.memory_space<semaphore_mem>>)
        %dma_start3A_116 = arith.constant 0 : i32
        %dma_start3A_117 = arith.constant 0 : i32
        %dma_start3A_118 = tpu.memref_slice %arg15[%dma_start3A_116, %dma_start3A_117] : memref<2048x8xf32, #tpu.memory_space<vmem>> -> memref<128x8xf32, #tpu.memory_space<vmem>>
        %dma_start3A_119 = arith.constant 0 : i32
        %dma_start3A_120 = tpu.memref_slice %arg13[%dma_start3A_119] : memref<2048xi32, #tpu.memory_space<vmem>> -> memref<128xi32, #tpu.memory_space<vmem>>
        %dma_start3A_121 = arith.constant 0 : i32
        %dma_start3A_122 = arith.constant 0 : i32
        %dma_start3A_123 = tpu.memref_slice %arg2[%dma_start3A_121, %dma_start3A_122] : memref<100000x8xf32, #tpu.memory_space<hbm>> -> memref<100000x8xf32, #tpu.memory_space<hbm>>
        tpu.enqueue_indirect_dma source(%dma_start3A_123 : memref<100000x8xf32, #tpu.memory_space<hbm>>) target(%dma_start3A_118 : memref<128x8xf32, #tpu.memory_space<vmem>>) offsets(%dma_start3A_120 : memref<128xi32, #tpu.memory_space<vmem>>) semaphore(%arg25 : memref<!tpu.dma_semaphore, #tpu.memory_space<semaphore_mem>>)
        %dma_start3A_124 = arith.constant 128 : i32
        %dma_start3A_125 = arith.constant 0 : i32
        %dma_start3A_126 = tpu.memref_slice %arg14[%dma_start3A_124, %dma_start3A_125] : memref<2048x8xf32, #tpu.memory_space<vmem>> -> memref<128x8xf32, #tpu.memory_space<vmem>>
        %dma_start3A_127 = arith.constant 128 : i32
        %dma_start3A_128 = tpu.memref_slice %arg12[%dma_start3A_127] : memref<2048xi32, #tpu.memory_space<vmem>> -> memref<128xi32, #tpu.memory_space<vmem>>
        %dma_start3A_129 = arith.constant 0 : i32
        %dma_start3A_130 = arith.constant 0 : i32
        %dma_start3A_131 = tpu.memref_slice %arg2[%dma_start3A_129, %dma_start3A_130] : memref<100000x8xf32, #tpu.memory_space<hbm>> -> memref<100000x8xf32, #tpu.memory_space<hbm>>
        tpu.enqueue_indirect_dma source(%dma_start3A_131 : memref<100000x8xf32, #tpu.memory_space<hbm>>) target(%dma_start3A_126 : memref<128x8xf32, #tpu.memory_space<vmem>>) offsets(%dma_start3A_128 : memref<128xi32, #tpu.memory_space<vmem>>) semaphore(%arg24 : memref<!tpu.dma_semaphore, #tpu.memory_space<semaphore_mem>>)
        %dma_start3A_132 = arith.constant 128 : i32
        %dma_start3A_133 = arith.constant 0 : i32
        %dma_start3A_134 = tpu.memref_slice %arg15[%dma_start3A_132, %dma_start3A_133] : memref<2048x8xf32, #tpu.memory_space<vmem>> -> memref<128x8xf32, #tpu.memory_space<vmem>>
        %dma_start3A_135 = arith.constant 128 : i32
        %dma_start3A_136 = tpu.memref_slice %arg13[%dma_start3A_135] : memref<2048xi32, #tpu.memory_space<vmem>> -> memref<128xi32, #tpu.memory_space<vmem>>
        %dma_start3A_137 = arith.constant 0 : i32
        %dma_start3A_138 = arith.constant 0 : i32
        %dma_start3A_139 = tpu.memref_slice %arg2[%dma_start3A_137, %dma_start3A_138] : memref<100000x8xf32, #tpu.memory_space<hbm>> -> memref<100000x8xf32, #tpu.memory_space<hbm>>
        tpu.enqueue_indirect_dma source(%dma_start3A_139 : memref<100000x8xf32, #tpu.memory_space<hbm>>) target(%dma_start3A_134 : memref<128x8xf32, #tpu.memory_space<vmem>>) offsets(%dma_start3A_136 : memref<128xi32, #tpu.memory_space<vmem>>) semaphore(%arg25 : memref<!tpu.dma_semaphore, #tpu.memory_space<semaphore_mem>>)
        %dma_start3A_140 = arith.constant 256 : i32
        %dma_start3A_141 = arith.constant 0 : i32
        %dma_start3A_142 = tpu.memref_slice %arg14[%dma_start3A_140, %dma_start3A_141] : memref<2048x8xf32, #tpu.memory_space<vmem>> -> memref<128x8xf32, #tpu.memory_space<vmem>>
        %dma_start3A_143 = arith.constant 256 : i32
        %dma_start3A_144 = tpu.memref_slice %arg12[%dma_start3A_143] : memref<2048xi32, #tpu.memory_space<vmem>> -> memref<128xi32, #tpu.memory_space<vmem>>
        %dma_start3A_145 = arith.constant 0 : i32
        %dma_start3A_146 = arith.constant 0 : i32
        %dma_start3A_147 = tpu.memref_slice %arg2[%dma_start3A_145, %dma_start3A_146] : memref<100000x8xf32, #tpu.memory_space<hbm>> -> memref<100000x8xf32, #tpu.memory_space<hbm>>
        tpu.enqueue_indirect_dma source(%dma_start3A_147 : memref<100000x8xf32, #tpu.memory_space<hbm>>) target(%dma_start3A_142 : memref<128x8xf32, #tpu.memory_space<vmem>>) offsets(%dma_start3A_144 : memref<128xi32, #tpu.memory_space<vmem>>) semaphore(%arg24 : memref<!tpu.dma_semaphore, #tpu.memory_space<semaphore_mem>>)
        %dma_start3A_148 = arith.constant 256 : i32
        %dma_start3A_149 = arith.constant 0 : i32
        %dma_start3A_150 = tpu.memref_slice %arg15[%dma_start3A_148, %dma_start3A_149] : memref<2048x8xf32, #tpu.memory_space<vmem>> -> memref<128x8xf32, #tpu.memory_space<vmem>>
        %dma_start3A_151 = arith.constant 256 : i32
        %dma_start3A_152 = tpu.memref_slice %arg13[%dma_start3A_151] : memref<2048xi32, #tpu.memory_space<vmem>> -> memref<128xi32, #tpu.memory_space<vmem>>
        %dma_start3A_153 = arith.constant 0 : i32
        %dma_start3A_154 = arith.constant 0 : i32
        %dma_start3A_155 = tpu.memref_slice %arg2[%dma_start3A_153, %dma_start3A_154] : memref<100000x8xf32, #tpu.memory_space<hbm>> -> memref<100000x8xf32, #tpu.memory_space<hbm>>
        tpu.enqueue_indirect_dma source(%dma_start3A_155 : memref<100000x8xf32, #tpu.memory_space<hbm>>) target(%dma_start3A_150 : memref<128x8xf32, #tpu.memory_space<vmem>>) offsets(%dma_start3A_152 : memref<128xi32, #tpu.memory_space<vmem>>) semaphore(%arg25 : memref<!tpu.dma_semaphore, #tpu.memory_space<semaphore_mem>>)
        %dma_start3A_156 = arith.constant 384 : i32
        %dma_start3A_157 = arith.constant 0 : i32
        %dma_start3A_158 = tpu.memref_slice %arg14[%dma_start3A_156, %dma_start3A_157] : memref<2048x8xf32, #tpu.memory_space<vmem>> -> memref<128x8xf32, #tpu.memory_space<vmem>>
        %dma_start3A_159 = arith.constant 384 : i32
        %dma_start3A_160 = tpu.memref_slice %arg12[%dma_start3A_159] : memref<2048xi32, #tpu.memory_space<vmem>> -> memref<128xi32, #tpu.memory_space<vmem>>
        %dma_start3A_161 = arith.constant 0 : i32
        %dma_start3A_162 = arith.constant 0 : i32
        %dma_start3A_163 = tpu.memref_slice %arg2[%dma_start3A_161, %dma_start3A_162] : memref<100000x8xf32, #tpu.memory_space<hbm>> -> memref<100000x8xf32, #tpu.memory_space<hbm>>
        tpu.enqueue_indirect_dma source(%dma_start3A_163 : memref<100000x8xf32, #tpu.memory_space<hbm>>) target(%dma_start3A_158 : memref<128x8xf32, #tpu.memory_space<vmem>>) offsets(%dma_start3A_160 : memref<128xi32, #tpu.memory_space<vmem>>) semaphore(%arg24 : memref<!tpu.dma_semaphore, #tpu.memory_space<semaphore_mem>>)
        %dma_start3A_164 = arith.constant 384 : i32
        %dma_start3A_165 = arith.constant 0 : i32
        %dma_start3A_166 = tpu.memref_slice %arg15[%dma_start3A_164, %dma_start3A_165] : memref<2048x8xf32, #tpu.memory_space<vmem>> -> memref<128x8xf32, #tpu.memory_space<vmem>>
        %dma_start3A_167 = arith.constant 384 : i32
        %dma_start3A_168 = tpu.memref_slice %arg13[%dma_start3A_167] : memref<2048xi32, #tpu.memory_space<vmem>> -> memref<128xi32, #tpu.memory_space<vmem>>
        %dma_start3A_169 = arith.constant 0 : i32
        %dma_start3A_170 = arith.constant 0 : i32
        %dma_start3A_171 = tpu.memref_slice %arg2[%dma_start3A_169, %dma_start3A_170] : memref<100000x8xf32, #tpu.memory_space<hbm>> -> memref<100000x8xf32, #tpu.memory_space<hbm>>
        tpu.enqueue_indirect_dma source(%dma_start3A_171 : memref<100000x8xf32, #tpu.memory_space<hbm>>) target(%dma_start3A_166 : memref<128x8xf32, #tpu.memory_space<vmem>>) offsets(%dma_start3A_168 : memref<128xi32, #tpu.memory_space<vmem>>) semaphore(%arg25 : memref<!tpu.dma_semaphore, #tpu.memory_space<semaphore_mem>>)
        %dma_start3A_172 = arith.constant 512 : i32
        %dma_start3A_173 = arith.constant 0 : i32
        %dma_start3A_174 = tpu.memref_slice %arg14[%dma_start3A_172, %dma_start3A_173] : memref<2048x8xf32, #tpu.memory_space<vmem>> -> memref<128x8xf32, #tpu.memory_space<vmem>>
        %dma_start3A_175 = arith.constant 512 : i32
        %dma_start3A_176 = tpu.memref_slice %arg12[%dma_start3A_175] : memref<2048xi32, #tpu.memory_space<vmem>> -> memref<128xi32, #tpu.memory_space<vmem>>
        %dma_start3A_177 = arith.constant 0 : i32
        %dma_start3A_178 = arith.constant 0 : i32
        %dma_start3A_179 = tpu.memref_slice %arg2[%dma_start3A_177, %dma_start3A_178] : memref<100000x8xf32, #tpu.memory_space<hbm>> -> memref<100000x8xf32, #tpu.memory_space<hbm>>
        tpu.enqueue_indirect_dma source(%dma_start3A_179 : memref<100000x8xf32, #tpu.memory_space<hbm>>) target(%dma_start3A_174 : memref<128x8xf32, #tpu.memory_space<vmem>>) offsets(%dma_start3A_176 : memref<128xi32, #tpu.memory_space<vmem>>) semaphore(%arg24 : memref<!tpu.dma_semaphore, #tpu.memory_space<semaphore_mem>>)
        %dma_start3A_180 = arith.constant 512 : i32
        %dma_start3A_181 = arith.constant 0 : i32
        %dma_start3A_182 = tpu.memref_slice %arg15[%dma_start3A_180, %dma_start3A_181] : memref<2048x8xf32, #tpu.memory_space<vmem>> -> memref<128x8xf32, #tpu.memory_space<vmem>>
        %dma_start3A_183 = arith.constant 512 : i32
        %dma_start3A_184 = tpu.memref_slice %arg13[%dma_start3A_183] : memref<2048xi32, #tpu.memory_space<vmem>> -> memref<128xi32, #tpu.memory_space<vmem>>
        %dma_start3A_185 = arith.constant 0 : i32
        %dma_start3A_186 = arith.constant 0 : i32
        %dma_start3A_187 = tpu.memref_slice %arg2[%dma_start3A_185, %dma_start3A_186] : memref<100000x8xf32, #tpu.memory_space<hbm>> -> memref<100000x8xf32, #tpu.memory_space<hbm>>
        tpu.enqueue_indirect_dma source(%dma_start3A_187 : memref<100000x8xf32, #tpu.memory_space<hbm>>) target(%dma_start3A_182 : memref<128x8xf32, #tpu.memory_space<vmem>>) offsets(%dma_start3A_184 : memref<128xi32, #tpu.memory_space<vmem>>) semaphore(%arg25 : memref<!tpu.dma_semaphore, #tpu.memory_space<semaphore_mem>>)
        %dma_start3A_188 = arith.constant 640 : i32
        %dma_start3A_189 = arith.constant 0 : i32
        %dma_start3A_190 = tpu.memref_slice %arg14[%dma_start3A_188, %dma_start3A_189] : memref<2048x8xf32, #tpu.memory_space<vmem>> -> memref<128x8xf32, #tpu.memory_space<vmem>>
        %dma_start3A_191 = arith.constant 640 : i32
        %dma_start3A_192 = tpu.memref_slice %arg12[%dma_start3A_191] : memref<2048xi32, #tpu.memory_space<vmem>> -> memref<128xi32, #tpu.memory_space<vmem>>
        %dma_start3A_193 = arith.constant 0 : i32
        %dma_start3A_194 = arith.constant 0 : i32
        %dma_start3A_195 = tpu.memref_slice %arg2[%dma_start3A_193, %dma_start3A_194] : memref<100000x8xf32, #tpu.memory_space<hbm>> -> memref<100000x8xf32, #tpu.memory_space<hbm>>
        tpu.enqueue_indirect_dma source(%dma_start3A_195 : memref<100000x8xf32, #tpu.memory_space<hbm>>) target(%dma_start3A_190 : memref<128x8xf32, #tpu.memory_space<vmem>>) offsets(%dma_start3A_192 : memref<128xi32, #tpu.memory_space<vmem>>) semaphore(%arg24 : memref<!tpu.dma_semaphore, #tpu.memory_space<semaphore_mem>>)
        %dma_start3A_196 = arith.constant 640 : i32
        %dma_start3A_197 = arith.constant 0 : i32
        %dma_start3A_198 = tpu.memref_slice %arg15[%dma_start3A_196, %dma_start3A_197] : memref<2048x8xf32, #tpu.memory_space<vmem>> -> memref<128x8xf32, #tpu.memory_space<vmem>>
        %dma_start3A_199 = arith.constant 640 : i32
        %dma_start3A_200 = tpu.memref_slice %arg13[%dma_start3A_199] : memref<2048xi32, #tpu.memory_space<vmem>> -> memref<128xi32, #tpu.memory_space<vmem>>
        %dma_start3A_201 = arith.constant 0 : i32
        %dma_start3A_202 = arith.constant 0 : i32
        %dma_start3A_203 = tpu.memref_slice %arg2[%dma_start3A_201, %dma_start3A_202] : memref<100000x8xf32, #tpu.memory_space<hbm>> -> memref<100000x8xf32, #tpu.memory_space<hbm>>
        tpu.enqueue_indirect_dma source(%dma_start3A_203 : memref<100000x8xf32, #tpu.memory_space<hbm>>) target(%dma_start3A_198 : memref<128x8xf32, #tpu.memory_space<vmem>>) offsets(%dma_start3A_200 : memref<128xi32, #tpu.memory_space<vmem>>) semaphore(%arg25 : memref<!tpu.dma_semaphore, #tpu.memory_space<semaphore_mem>>)
        %dma_start3A_204 = arith.constant 768 : i32
        %dma_start3A_205 = arith.constant 0 : i32
        %dma_start3A_206 = tpu.memref_slice %arg14[%dma_start3A_204, %dma_start3A_205] : memref<2048x8xf32, #tpu.memory_space<vmem>> -> memref<128x8xf32, #tpu.memory_space<vmem>>
        %dma_start3A_207 = arith.constant 768 : i32
        %dma_start3A_208 = tpu.memref_slice %arg12[%dma_start3A_207] : memref<2048xi32, #tpu.memory_space<vmem>> -> memref<128xi32, #tpu.memory_space<vmem>>
        %dma_start3A_209 = arith.constant 0 : i32
        %dma_start3A_210 = arith.constant 0 : i32
        %dma_start3A_211 = tpu.memref_slice %arg2[%dma_start3A_209, %dma_start3A_210] : memref<100000x8xf32, #tpu.memory_space<hbm>> -> memref<100000x8xf32, #tpu.memory_space<hbm>>
        tpu.enqueue_indirect_dma source(%dma_start3A_211 : memref<100000x8xf32, #tpu.memory_space<hbm>>) target(%dma_start3A_206 : memref<128x8xf32, #tpu.memory_space<vmem>>) offsets(%dma_start3A_208 : memref<128xi32, #tpu.memory_space<vmem>>) semaphore(%arg24 : memref<!tpu.dma_semaphore, #tpu.memory_space<semaphore_mem>>)
        %dma_start3A_212 = arith.constant 768 : i32
        %dma_start3A_213 = arith.constant 0 : i32
        %dma_start3A_214 = tpu.memref_slice %arg15[%dma_start3A_212, %dma_start3A_213] : memref<2048x8xf32, #tpu.memory_space<vmem>> -> memref<128x8xf32, #tpu.memory_space<vmem>>
        %dma_start3A_215 = arith.constant 768 : i32
        %dma_start3A_216 = tpu.memref_slice %arg13[%dma_start3A_215] : memref<2048xi32, #tpu.memory_space<vmem>> -> memref<128xi32, #tpu.memory_space<vmem>>
        %dma_start3A_217 = arith.constant 0 : i32
        %dma_start3A_218 = arith.constant 0 : i32
        %dma_start3A_219 = tpu.memref_slice %arg2[%dma_start3A_217, %dma_start3A_218] : memref<100000x8xf32, #tpu.memory_space<hbm>> -> memref<100000x8xf32, #tpu.memory_space<hbm>>
        tpu.enqueue_indirect_dma source(%dma_start3A_219 : memref<100000x8xf32, #tpu.memory_space<hbm>>) target(%dma_start3A_214 : memref<128x8xf32, #tpu.memory_space<vmem>>) offsets(%dma_start3A_216 : memref<128xi32, #tpu.memory_space<vmem>>) semaphore(%arg25 : memref<!tpu.dma_semaphore, #tpu.memory_space<semaphore_mem>>)
        %dma_start3A_220 = arith.constant 896 : i32
        %dma_start3A_221 = arith.constant 0 : i32
        %dma_start3A_222 = tpu.memref_slice %arg14[%dma_start3A_220, %dma_start3A_221] : memref<2048x8xf32, #tpu.memory_space<vmem>> -> memref<128x8xf32, #tpu.memory_space<vmem>>
        %dma_start3A_223 = arith.constant 896 : i32
        %dma_start3A_224 = tpu.memref_slice %arg12[%dma_start3A_223] : memref<2048xi32, #tpu.memory_space<vmem>> -> memref<128xi32, #tpu.memory_space<vmem>>
        %dma_start3A_225 = arith.constant 0 : i32
        %dma_start3A_226 = arith.constant 0 : i32
        %dma_start3A_227 = tpu.memref_slice %arg2[%dma_start3A_225, %dma_start3A_226] : memref<100000x8xf32, #tpu.memory_space<hbm>> -> memref<100000x8xf32, #tpu.memory_space<hbm>>
        tpu.enqueue_indirect_dma source(%dma_start3A_227 : memref<100000x8xf32, #tpu.memory_space<hbm>>) target(%dma_start3A_222 : memref<128x8xf32, #tpu.memory_space<vmem>>) offsets(%dma_start3A_224 : memref<128xi32, #tpu.memory_space<vmem>>) semaphore(%arg24 : memref<!tpu.dma_semaphore, #tpu.memory_space<semaphore_mem>>)
        %dma_start3A_228 = arith.constant 896 : i32
        %dma_start3A_229 = arith.constant 0 : i32
        %dma_start3A_230 = tpu.memref_slice %arg15[%dma_start3A_228, %dma_start3A_229] : memref<2048x8xf32, #tpu.memory_space<vmem>> -> memref<128x8xf32, #tpu.memory_space<vmem>>
        %dma_start3A_231 = arith.constant 896 : i32
        %dma_start3A_232 = tpu.memref_slice %arg13[%dma_start3A_231] : memref<2048xi32, #tpu.memory_space<vmem>> -> memref<128xi32, #tpu.memory_space<vmem>>
        %dma_start3A_233 = arith.constant 0 : i32
        %dma_start3A_234 = arith.constant 0 : i32
        %dma_start3A_235 = tpu.memref_slice %arg2[%dma_start3A_233, %dma_start3A_234] : memref<100000x8xf32, #tpu.memory_space<hbm>> -> memref<100000x8xf32, #tpu.memory_space<hbm>>
        tpu.enqueue_indirect_dma source(%dma_start3A_235 : memref<100000x8xf32, #tpu.memory_space<hbm>>) target(%dma_start3A_230 : memref<128x8xf32, #tpu.memory_space<vmem>>) offsets(%dma_start3A_232 : memref<128xi32, #tpu.memory_space<vmem>>) semaphore(%arg25 : memref<!tpu.dma_semaphore, #tpu.memory_space<semaphore_mem>>)
        %dma_start3A_236 = arith.constant 1024 : i32
        %dma_start3A_237 = arith.constant 0 : i32
        %dma_start3A_238 = tpu.memref_slice %arg14[%dma_start3A_236, %dma_start3A_237] : memref<2048x8xf32, #tpu.memory_space<vmem>> -> memref<128x8xf32, #tpu.memory_space<vmem>>
        %dma_start3A_239 = arith.constant 1024 : i32
        %dma_start3A_240 = tpu.memref_slice %arg12[%dma_start3A_239] : memref<2048xi32, #tpu.memory_space<vmem>> -> memref<128xi32, #tpu.memory_space<vmem>>
        %dma_start3A_241 = arith.constant 0 : i32
        %dma_start3A_242 = arith.constant 0 : i32
        %dma_start3A_243 = tpu.memref_slice %arg2[%dma_start3A_241, %dma_start3A_242] : memref<100000x8xf32, #tpu.memory_space<hbm>> -> memref<100000x8xf32, #tpu.memory_space<hbm>>
        tpu.enqueue_indirect_dma source(%dma_start3A_243 : memref<100000x8xf32, #tpu.memory_space<hbm>>) target(%dma_start3A_238 : memref<128x8xf32, #tpu.memory_space<vmem>>) offsets(%dma_start3A_240 : memref<128xi32, #tpu.memory_space<vmem>>) semaphore(%arg24 : memref<!tpu.dma_semaphore, #tpu.memory_space<semaphore_mem>>)
        %dma_start3A_244 = arith.constant 1024 : i32
        %dma_start3A_245 = arith.constant 0 : i32
        %dma_start3A_246 = tpu.memref_slice %arg15[%dma_start3A_244, %dma_start3A_245] : memref<2048x8xf32, #tpu.memory_space<vmem>> -> memref<128x8xf32, #tpu.memory_space<vmem>>
        %dma_start3A_247 = arith.constant 1024 : i32
        %dma_start3A_248 = tpu.memref_slice %arg13[%dma_start3A_247] : memref<2048xi32, #tpu.memory_space<vmem>> -> memref<128xi32, #tpu.memory_space<vmem>>
        %dma_start3A_249 = arith.constant 0 : i32
        %dma_start3A_250 = arith.constant 0 : i32
        %dma_start3A_251 = tpu.memref_slice %arg2[%dma_start3A_249, %dma_start3A_250] : memref<100000x8xf32, #tpu.memory_space<hbm>> -> memref<100000x8xf32, #tpu.memory_space<hbm>>
        tpu.enqueue_indirect_dma source(%dma_start3A_251 : memref<100000x8xf32, #tpu.memory_space<hbm>>) target(%dma_start3A_246 : memref<128x8xf32, #tpu.memory_space<vmem>>) offsets(%dma_start3A_248 : memref<128xi32, #tpu.memory_space<vmem>>) semaphore(%arg25 : memref<!tpu.dma_semaphore, #tpu.memory_space<semaphore_mem>>)
        %dma_start3A_252 = arith.constant 1152 : i32
        %dma_start3A_253 = arith.constant 0 : i32
        %dma_start3A_254 = tpu.memref_slice %arg14[%dma_start3A_252, %dma_start3A_253] : memref<2048x8xf32, #tpu.memory_space<vmem>> -> memref<128x8xf32, #tpu.memory_space<vmem>>
        %dma_start3A_255 = arith.constant 1152 : i32
        %dma_start3A_256 = tpu.memref_slice %arg12[%dma_start3A_255] : memref<2048xi32, #tpu.memory_space<vmem>> -> memref<128xi32, #tpu.memory_space<vmem>>
        %dma_start3A_257 = arith.constant 0 : i32
        %dma_start3A_258 = arith.constant 0 : i32
        %dma_start3A_259 = tpu.memref_slice %arg2[%dma_start3A_257, %dma_start3A_258] : memref<100000x8xf32, #tpu.memory_space<hbm>> -> memref<100000x8xf32, #tpu.memory_space<hbm>>
        tpu.enqueue_indirect_dma source(%dma_start3A_259 : memref<100000x8xf32, #tpu.memory_space<hbm>>) target(%dma_start3A_254 : memref<128x8xf32, #tpu.memory_space<vmem>>) offsets(%dma_start3A_256 : memref<128xi32, #tpu.memory_space<vmem>>) semaphore(%arg24 : memref<!tpu.dma_semaphore, #tpu.memory_space<semaphore_mem>>)
        %dma_start3A_260 = arith.constant 1152 : i32
        %dma_start3A_261 = arith.constant 0 : i32
        %dma_start3A_262 = tpu.memref_slice %arg15[%dma_start3A_260, %dma_start3A_261] : memref<2048x8xf32, #tpu.memory_space<vmem>> -> memref<128x8xf32, #tpu.memory_space<vmem>>
        %dma_start3A_263 = arith.constant 1152 : i32
        %dma_start3A_264 = tpu.memref_slice %arg13[%dma_start3A_263] : memref<2048xi32, #tpu.memory_space<vmem>> -> memref<128xi32, #tpu.memory_space<vmem>>
        %dma_start3A_265 = arith.constant 0 : i32
        %dma_start3A_266 = arith.constant 0 : i32
        %dma_start3A_267 = tpu.memref_slice %arg2[%dma_start3A_265, %dma_start3A_266] : memref<100000x8xf32, #tpu.memory_space<hbm>> -> memref<100000x8xf32, #tpu.memory_space<hbm>>
        tpu.enqueue_indirect_dma source(%dma_start3A_267 : memref<100000x8xf32, #tpu.memory_space<hbm>>) target(%dma_start3A_262 : memref<128x8xf32, #tpu.memory_space<vmem>>) offsets(%dma_start3A_264 : memref<128xi32, #tpu.memory_space<vmem>>) semaphore(%arg25 : memref<!tpu.dma_semaphore, #tpu.memory_space<semaphore_mem>>)
        %dma_start3A_268 = arith.constant 1280 : i32
        %dma_start3A_269 = arith.constant 0 : i32
        %dma_start3A_270 = tpu.memref_slice %arg14[%dma_start3A_268, %dma_start3A_269] : memref<2048x8xf32, #tpu.memory_space<vmem>> -> memref<128x8xf32, #tpu.memory_space<vmem>>
        %dma_start3A_271 = arith.constant 1280 : i32
        %dma_start3A_272 = tpu.memref_slice %arg12[%dma_start3A_271] : memref<2048xi32, #tpu.memory_space<vmem>> -> memref<128xi32, #tpu.memory_space<vmem>>
        %dma_start3A_273 = arith.constant 0 : i32
        %dma_start3A_274 = arith.constant 0 : i32
        %dma_start3A_275 = tpu.memref_slice %arg2[%dma_start3A_273, %dma_start3A_274] : memref<100000x8xf32, #tpu.memory_space<hbm>> -> memref<100000x8xf32, #tpu.memory_space<hbm>>
        tpu.enqueue_indirect_dma source(%dma_start3A_275 : memref<100000x8xf32, #tpu.memory_space<hbm>>) target(%dma_start3A_270 : memref<128x8xf32, #tpu.memory_space<vmem>>) offsets(%dma_start3A_272 : memref<128xi32, #tpu.memory_space<vmem>>) semaphore(%arg24 : memref<!tpu.dma_semaphore, #tpu.memory_space<semaphore_mem>>)
        %dma_start3A_276 = arith.constant 1280 : i32
        %dma_start3A_277 = arith.constant 0 : i32
        %dma_start3A_278 = tpu.memref_slice %arg15[%dma_start3A_276, %dma_start3A_277] : memref<2048x8xf32, #tpu.memory_space<vmem>> -> memref<128x8xf32, #tpu.memory_space<vmem>>
        %dma_start3A_279 = arith.constant 1280 : i32
        %dma_start3A_280 = tpu.memref_slice %arg13[%dma_start3A_279] : memref<2048xi32, #tpu.memory_space<vmem>> -> memref<128xi32, #tpu.memory_space<vmem>>
        %dma_start3A_281 = arith.constant 0 : i32
        %dma_start3A_282 = arith.constant 0 : i32
        %dma_start3A_283 = tpu.memref_slice %arg2[%dma_start3A_281, %dma_start3A_282] : memref<100000x8xf32, #tpu.memory_space<hbm>> -> memref<100000x8xf32, #tpu.memory_space<hbm>>
        tpu.enqueue_indirect_dma source(%dma_start3A_283 : memref<100000x8xf32, #tpu.memory_space<hbm>>) target(%dma_start3A_278 : memref<128x8xf32, #tpu.memory_space<vmem>>) offsets(%dma_start3A_280 : memref<128xi32, #tpu.memory_space<vmem>>) semaphore(%arg25 : memref<!tpu.dma_semaphore, #tpu.memory_space<semaphore_mem>>)
        %dma_start3A_284 = arith.constant 1408 : i32
        %dma_start3A_285 = arith.constant 0 : i32
        %dma_start3A_286 = tpu.memref_slice %arg14[%dma_start3A_284, %dma_start3A_285] : memref<2048x8xf32, #tpu.memory_space<vmem>> -> memref<128x8xf32, #tpu.memory_space<vmem>>
        %dma_start3A_287 = arith.constant 1408 : i32
        %dma_start3A_288 = tpu.memref_slice %arg12[%dma_start3A_287] : memref<2048xi32, #tpu.memory_space<vmem>> -> memref<128xi32, #tpu.memory_space<vmem>>
        %dma_start3A_289 = arith.constant 0 : i32
        %dma_start3A_290 = arith.constant 0 : i32
        %dma_start3A_291 = tpu.memref_slice %arg2[%dma_start3A_289, %dma_start3A_290] : memref<100000x8xf32, #tpu.memory_space<hbm>> -> memref<100000x8xf32, #tpu.memory_space<hbm>>
        tpu.enqueue_indirect_dma source(%dma_start3A_291 : memref<100000x8xf32, #tpu.memory_space<hbm>>) target(%dma_start3A_286 : memref<128x8xf32, #tpu.memory_space<vmem>>) offsets(%dma_start3A_288 : memref<128xi32, #tpu.memory_space<vmem>>) semaphore(%arg24 : memref<!tpu.dma_semaphore, #tpu.memory_space<semaphore_mem>>)
        %dma_start3A_292 = arith.constant 1408 : i32
        %dma_start3A_293 = arith.constant 0 : i32
        %dma_start3A_294 = tpu.memref_slice %arg15[%dma_start3A_292, %dma_start3A_293] : memref<2048x8xf32, #tpu.memory_space<vmem>> -> memref<128x8xf32, #tpu.memory_space<vmem>>
        %dma_start3A_295 = arith.constant 1408 : i32
        %dma_start3A_296 = tpu.memref_slice %arg13[%dma_start3A_295] : memref<2048xi32, #tpu.memory_space<vmem>> -> memref<128xi32, #tpu.memory_space<vmem>>
        %dma_start3A_297 = arith.constant 0 : i32
        %dma_start3A_298 = arith.constant 0 : i32
        %dma_start3A_299 = tpu.memref_slice %arg2[%dma_start3A_297, %dma_start3A_298] : memref<100000x8xf32, #tpu.memory_space<hbm>> -> memref<100000x8xf32, #tpu.memory_space<hbm>>
        tpu.enqueue_indirect_dma source(%dma_start3A_299 : memref<100000x8xf32, #tpu.memory_space<hbm>>) target(%dma_start3A_294 : memref<128x8xf32, #tpu.memory_space<vmem>>) offsets(%dma_start3A_296 : memref<128xi32, #tpu.memory_space<vmem>>) semaphore(%arg25 : memref<!tpu.dma_semaphore, #tpu.memory_space<semaphore_mem>>)
        %dma_start3A_300 = arith.constant 1536 : i32
        %dma_start3A_301 = arith.constant 0 : i32
        %dma_start3A_302 = tpu.memref_slice %arg14[%dma_start3A_300, %dma_start3A_301] : memref<2048x8xf32, #tpu.memory_space<vmem>> -> memref<128x8xf32, #tpu.memory_space<vmem>>
        %dma_start3A_303 = arith.constant 1536 : i32
        %dma_start3A_304 = tpu.memref_slice %arg12[%dma_start3A_303] : memref<2048xi32, #tpu.memory_space<vmem>> -> memref<128xi32, #tpu.memory_space<vmem>>
        %dma_start3A_305 = arith.constant 0 : i32
        %dma_start3A_306 = arith.constant 0 : i32
        %dma_start3A_307 = tpu.memref_slice %arg2[%dma_start3A_305, %dma_start3A_306] : memref<100000x8xf32, #tpu.memory_space<hbm>> -> memref<100000x8xf32, #tpu.memory_space<hbm>>
        tpu.enqueue_indirect_dma source(%dma_start3A_307 : memref<100000x8xf32, #tpu.memory_space<hbm>>) target(%dma_start3A_302 : memref<128x8xf32, #tpu.memory_space<vmem>>) offsets(%dma_start3A_304 : memref<128xi32, #tpu.memory_space<vmem>>) semaphore(%arg24 : memref<!tpu.dma_semaphore, #tpu.memory_space<semaphore_mem>>)
        %dma_start3A_308 = arith.constant 1536 : i32
        %dma_start3A_309 = arith.constant 0 : i32
        %dma_start3A_310 = tpu.memref_slice %arg15[%dma_start3A_308, %dma_start3A_309] : memref<2048x8xf32, #tpu.memory_space<vmem>> -> memref<128x8xf32, #tpu.memory_space<vmem>>
        %dma_start3A_311 = arith.constant 1536 : i32
        %dma_start3A_312 = tpu.memref_slice %arg13[%dma_start3A_311] : memref<2048xi32, #tpu.memory_space<vmem>> -> memref<128xi32, #tpu.memory_space<vmem>>
        %dma_start3A_313 = arith.constant 0 : i32
        %dma_start3A_314 = arith.constant 0 : i32
        %dma_start3A_315 = tpu.memref_slice %arg2[%dma_start3A_313, %dma_start3A_314] : memref<100000x8xf32, #tpu.memory_space<hbm>> -> memref<100000x8xf32, #tpu.memory_space<hbm>>
        tpu.enqueue_indirect_dma source(%dma_start3A_315 : memref<100000x8xf32, #tpu.memory_space<hbm>>) target(%dma_start3A_310 : memref<128x8xf32, #tpu.memory_space<vmem>>) offsets(%dma_start3A_312 : memref<128xi32, #tpu.memory_space<vmem>>) semaphore(%arg25 : memref<!tpu.dma_semaphore, #tpu.memory_space<semaphore_mem>>)
        %dma_start3A_316 = arith.constant 1664 : i32
        %dma_start3A_317 = arith.constant 0 : i32
        %dma_start3A_318 = tpu.memref_slice %arg14[%dma_start3A_316, %dma_start3A_317] : memref<2048x8xf32, #tpu.memory_space<vmem>> -> memref<128x8xf32, #tpu.memory_space<vmem>>
        %dma_start3A_319 = arith.constant 1664 : i32
        %dma_start3A_320 = tpu.memref_slice %arg12[%dma_start3A_319] : memref<2048xi32, #tpu.memory_space<vmem>> -> memref<128xi32, #tpu.memory_space<vmem>>
        %dma_start3A_321 = arith.constant 0 : i32
        %dma_start3A_322 = arith.constant 0 : i32
        %dma_start3A_323 = tpu.memref_slice %arg2[%dma_start3A_321, %dma_start3A_322] : memref<100000x8xf32, #tpu.memory_space<hbm>> -> memref<100000x8xf32, #tpu.memory_space<hbm>>
        tpu.enqueue_indirect_dma source(%dma_start3A_323 : memref<100000x8xf32, #tpu.memory_space<hbm>>) target(%dma_start3A_318 : memref<128x8xf32, #tpu.memory_space<vmem>>) offsets(%dma_start3A_320 : memref<128xi32, #tpu.memory_space<vmem>>) semaphore(%arg24 : memref<!tpu.dma_semaphore, #tpu.memory_space<semaphore_mem>>)
        %dma_start3A_324 = arith.constant 1664 : i32
        %dma_start3A_325 = arith.constant 0 : i32
        %dma_start3A_326 = tpu.memref_slice %arg15[%dma_start3A_324, %dma_start3A_325] : memref<2048x8xf32, #tpu.memory_space<vmem>> -> memref<128x8xf32, #tpu.memory_space<vmem>>
        %dma_start3A_327 = arith.constant 1664 : i32
        %dma_start3A_328 = tpu.memref_slice %arg13[%dma_start3A_327] : memref<2048xi32, #tpu.memory_space<vmem>> -> memref<128xi32, #tpu.memory_space<vmem>>
        %dma_start3A_329 = arith.constant 0 : i32
        %dma_start3A_330 = arith.constant 0 : i32
        %dma_start3A_331 = tpu.memref_slice %arg2[%dma_start3A_329, %dma_start3A_330] : memref<100000x8xf32, #tpu.memory_space<hbm>> -> memref<100000x8xf32, #tpu.memory_space<hbm>>
        tpu.enqueue_indirect_dma source(%dma_start3A_331 : memref<100000x8xf32, #tpu.memory_space<hbm>>) target(%dma_start3A_326 : memref<128x8xf32, #tpu.memory_space<vmem>>) offsets(%dma_start3A_328 : memref<128xi32, #tpu.memory_space<vmem>>) semaphore(%arg25 : memref<!tpu.dma_semaphore, #tpu.memory_space<semaphore_mem>>)
        %dma_start3A_332 = arith.constant 1792 : i32
        %dma_start3A_333 = arith.constant 0 : i32
        %dma_start3A_334 = tpu.memref_slice %arg14[%dma_start3A_332, %dma_start3A_333] : memref<2048x8xf32, #tpu.memory_space<vmem>> -> memref<128x8xf32, #tpu.memory_space<vmem>>
        %dma_start3A_335 = arith.constant 1792 : i32
        %dma_start3A_336 = tpu.memref_slice %arg12[%dma_start3A_335] : memref<2048xi32, #tpu.memory_space<vmem>> -> memref<128xi32, #tpu.memory_space<vmem>>
        %dma_start3A_337 = arith.constant 0 : i32
        %dma_start3A_338 = arith.constant 0 : i32
        %dma_start3A_339 = tpu.memref_slice %arg2[%dma_start3A_337, %dma_start3A_338] : memref<100000x8xf32, #tpu.memory_space<hbm>> -> memref<100000x8xf32, #tpu.memory_space<hbm>>
        tpu.enqueue_indirect_dma source(%dma_start3A_339 : memref<100000x8xf32, #tpu.memory_space<hbm>>) target(%dma_start3A_334 : memref<128x8xf32, #tpu.memory_space<vmem>>) offsets(%dma_start3A_336 : memref<128xi32, #tpu.memory_space<vmem>>) semaphore(%arg24 : memref<!tpu.dma_semaphore, #tpu.memory_space<semaphore_mem>>)
        %dma_start3A_340 = arith.constant 1792 : i32
        %dma_start3A_341 = arith.constant 0 : i32
        %dma_start3A_342 = tpu.memref_slice %arg15[%dma_start3A_340, %dma_start3A_341] : memref<2048x8xf32, #tpu.memory_space<vmem>> -> memref<128x8xf32, #tpu.memory_space<vmem>>
        %dma_start3A_343 = arith.constant 1792 : i32
        %dma_start3A_344 = tpu.memref_slice %arg13[%dma_start3A_343] : memref<2048xi32, #tpu.memory_space<vmem>> -> memref<128xi32, #tpu.memory_space<vmem>>
        %dma_start3A_345 = arith.constant 0 : i32
        %dma_start3A_346 = arith.constant 0 : i32
        %dma_start3A_347 = tpu.memref_slice %arg2[%dma_start3A_345, %dma_start3A_346] : memref<100000x8xf32, #tpu.memory_space<hbm>> -> memref<100000x8xf32, #tpu.memory_space<hbm>>
        tpu.enqueue_indirect_dma source(%dma_start3A_347 : memref<100000x8xf32, #tpu.memory_space<hbm>>) target(%dma_start3A_342 : memref<128x8xf32, #tpu.memory_space<vmem>>) offsets(%dma_start3A_344 : memref<128xi32, #tpu.memory_space<vmem>>) semaphore(%arg25 : memref<!tpu.dma_semaphore, #tpu.memory_space<semaphore_mem>>)
        %dma_start3A_348 = arith.constant 1920 : i32
        %dma_start3A_349 = arith.constant 0 : i32
        %dma_start3A_350 = tpu.memref_slice %arg14[%dma_start3A_348, %dma_start3A_349] : memref<2048x8xf32, #tpu.memory_space<vmem>> -> memref<128x8xf32, #tpu.memory_space<vmem>>
        %dma_start3A_351 = arith.constant 1920 : i32
        %dma_start3A_352 = tpu.memref_slice %arg12[%dma_start3A_351] : memref<2048xi32, #tpu.memory_space<vmem>> -> memref<128xi32, #tpu.memory_space<vmem>>
        %dma_start3A_353 = arith.constant 0 : i32
        %dma_start3A_354 = arith.constant 0 : i32
        %dma_start3A_355 = tpu.memref_slice %arg2[%dma_start3A_353, %dma_start3A_354] : memref<100000x8xf32, #tpu.memory_space<hbm>> -> memref<100000x8xf32, #tpu.memory_space<hbm>>
        tpu.enqueue_indirect_dma source(%dma_start3A_355 : memref<100000x8xf32, #tpu.memory_space<hbm>>) target(%dma_start3A_350 : memref<128x8xf32, #tpu.memory_space<vmem>>) offsets(%dma_start3A_352 : memref<128xi32, #tpu.memory_space<vmem>>) semaphore(%arg24 : memref<!tpu.dma_semaphore, #tpu.memory_space<semaphore_mem>>)
        %dma_start3A_356 = arith.constant 1920 : i32
        %dma_start3A_357 = arith.constant 0 : i32
        %dma_start3A_358 = tpu.memref_slice %arg15[%dma_start3A_356, %dma_start3A_357] : memref<2048x8xf32, #tpu.memory_space<vmem>> -> memref<128x8xf32, #tpu.memory_space<vmem>>
        %dma_start3A_359 = arith.constant 1920 : i32
        %dma_start3A_360 = tpu.memref_slice %arg13[%dma_start3A_359] : memref<2048xi32, #tpu.memory_space<vmem>> -> memref<128xi32, #tpu.memory_space<vmem>>
        %dma_start3A_361 = arith.constant 0 : i32
        %dma_start3A_362 = arith.constant 0 : i32
        %dma_start3A_363 = tpu.memref_slice %arg2[%dma_start3A_361, %dma_start3A_362] : memref<100000x8xf32, #tpu.memory_space<hbm>> -> memref<100000x8xf32, #tpu.memory_space<hbm>>
        tpu.enqueue_indirect_dma source(%dma_start3A_363 : memref<100000x8xf32, #tpu.memory_space<hbm>>) target(%dma_start3A_358 : memref<128x8xf32, #tpu.memory_space<vmem>>) offsets(%dma_start3A_360 : memref<128xi32, #tpu.memory_space<vmem>>) semaphore(%arg25 : memref<!tpu.dma_semaphore, #tpu.memory_space<semaphore_mem>>)
      } else {
      }
      %lt3A_69 = arith.constant 3125 : i32
      %lt3A_70 = arith.cmpi slt, %add3A_61, %lt3A_69 : i32
      %gt3A = arith.constant 0 : i32
      %gt3A_71 = arith.cmpi sgt, %scan3A_54, %gt3A : i32
      %and3A = arith.andi %lt3A_70, %gt3A_71 : i1
      %convert_element_type3A_72 = arith.extui %and3A : i1 to i32
      %cond3A_73 = arith.constant 0 : i32
      %cond3A_74 = arith.cmpi ne, %convert_element_type3A_72, %cond3A_73 : i32
      scf.if %cond3A_74 {
        %mul3A_107 = arith.constant 16 : i32
        %mul3A_108 = arith.muli %add3A_61, %mul3A_107 : i32
        %dma_wait3A_109 = arith.constant 0 : i32
        %dma_wait3A_110 = arith.constant 0 : i32
        %dma_wait3A_111 = tpu.memref_slice %arg5[%mul3A_108, %dma_wait3A_109, %dma_wait3A_110] : memref<50000x4x128xf32, #tpu.memory_space<hbm>> -> memref<16x4x128xf32, #tpu.memory_space<hbm>>
        %dma_wait3A_112 = arith.constant 0 : i32
        %dma_wait3A_113 = arith.constant 0 : i32
        %dma_wait3A_114 = tpu.memref_slice %arg5[%mul3A_108, %dma_wait3A_112, %dma_wait3A_113] : memref<50000x4x128xf32, #tpu.memory_space<hbm>> -> memref<16x4x128xf32, #tpu.memory_space<hbm>>
        tpu.wait_dma2 semaphore(%arg26 : memref<!tpu.dma_semaphore, #tpu.memory_space<semaphore_mem>>) src(%arg16 : memref<16x4x128xf32, #tpu.memory_space<vmem>>) dst(%dma_wait3A_114 : memref<16x4x128xf32, #tpu.memory_space<hbm>>)
        %mul3A_115 = arith.constant 2048 : i32
        %mul3A_116 = arith.muli %add3A_61, %mul3A_115 : i32
        %dma_wait3A_117 = tpu.memref_slice %arg6[%mul3A_116] : memref<6400000xf32, #tpu.memory_space<hbm>> -> memref<2048xf32, #tpu.memory_space<hbm>>
        %dma_wait3A_118 = tpu.memref_slice %arg6[%mul3A_116] : memref<6400000xf32, #tpu.memory_space<hbm>> -> memref<2048xf32, #tpu.memory_space<hbm>>
        tpu.wait_dma2 semaphore(%arg26 : memref<!tpu.dma_semaphore, #tpu.memory_space<semaphore_mem>>) src(%arg17 : memref<2048xf32, #tpu.memory_space<vmem>>) dst(%dma_wait3A_118 : memref<2048xf32, #tpu.memory_space<hbm>>)
        %mul3A_119 = arith.constant 2048 : i32
        %mul3A_120 = arith.muli %add3A_61, %mul3A_119 : i32
        %dma_wait3A_121 = tpu.memref_slice %arg7[%mul3A_120] : memref<6400000xf32, #tpu.memory_space<hbm>> -> memref<2048xf32, #tpu.memory_space<hbm>>
        %dma_wait3A_122 = tpu.memref_slice %arg7[%mul3A_120] : memref<6400000xf32, #tpu.memory_space<hbm>> -> memref<2048xf32, #tpu.memory_space<hbm>>
        tpu.wait_dma2 semaphore(%arg26 : memref<!tpu.dma_semaphore, #tpu.memory_space<semaphore_mem>>) src(%arg18 : memref<2048xf32, #tpu.memory_space<vmem>>) dst(%dma_wait3A_122 : memref<2048xf32, #tpu.memory_space<hbm>>)
      } else {
      }
      %lt3A_75 = arith.constant 3125 : i32
      %lt3A_76 = arith.cmpi slt, %add3A_61, %lt3A_75 : i32
      %convert_element_type3A_77 = arith.extui %lt3A_76 : i1 to i32
      %cond3A_78 = arith.constant 0 : i32
      %cond3A_79 = arith.cmpi ne, %convert_element_type3A_77, %cond3A_78 : i32
      scf.if %cond3A_79 {
        %dma_wait3A_107 = arith.constant 0 : i32
        %dma_wait3A_108 = arith.constant 0 : i32
        %dma_wait3A_109 = tpu.memref_slice %arg10[%dma_wait3A_107, %dma_wait3A_108] : memref<2048x8xf32, #tpu.memory_space<vmem>> -> memref<128x8xf32, #tpu.memory_space<vmem>>
        %dma_wait3A_110 = arith.constant 0 : i32
        %dma_wait3A_111 = arith.constant 0 : i32
        %dma_wait3A_112 = tpu.memref_slice %arg2[%dma_wait3A_110, %dma_wait3A_111] : memref<100000x8xf32, #tpu.memory_space<hbm>> -> memref<128x8xf32, #tpu.memory_space<hbm>>
        %dma_wait3A_113 = arith.constant 0 : i32
        %dma_wait3A_114 = arith.constant 0 : i32
        %dma_wait3A_115 = tpu.memref_slice %arg10[%dma_wait3A_113, %dma_wait3A_114] : memref<2048x8xf32, #tpu.memory_space<vmem>> -> memref<128x8xf32, #tpu.memory_space<vmem>>
        %dma_wait3A_116 = arith.constant 0 : i32
        %dma_wait3A_117 = arith.constant 0 : i32
        %dma_wait3A_118 = tpu.memref_slice %arg2[%dma_wait3A_116, %dma_wait3A_117] : memref<100000x8xf32, #tpu.memory_space<hbm>> -> memref<128x8xf32, #tpu.memory_space<hbm>>
        tpu.wait_dma2 semaphore(%arg22 : memref<!tpu.dma_semaphore, #tpu.memory_space<semaphore_mem>>) src(%dma_wait3A_118 : memref<128x8xf32, #tpu.memory_space<hbm>>) dst(%dma_wait3A_115 : memref<128x8xf32, #tpu.memory_space<vmem>>)
        %dma_wait3A_119 = arith.constant 0 : i32
        %dma_wait3A_120 = arith.constant 0 : i32
        %dma_wait3A_121 = tpu.memref_slice %arg11[%dma_wait3A_119, %dma_wait3A_120] : memref<2048x8xf32, #tpu.memory_space<vmem>> -> memref<128x8xf32, #tpu.memory_space<vmem>>
        %dma_wait3A_122 = arith.constant 0 : i32
        %dma_wait3A_123 = arith.constant 0 : i32
        %dma_wait3A_124 = tpu.memref_slice %arg2[%dma_wait3A_122, %dma_wait3A_123] : memref<100000x8xf32, #tpu.memory_space<hbm>> -> memref<128x8xf32, #tpu.memory_space<hbm>>
        %dma_wait3A_125 = arith.constant 0 : i32
        %dma_wait3A_126 = arith.constant 0 : i32
        %dma_wait3A_127 = tpu.memref_slice %arg11[%dma_wait3A_125, %dma_wait3A_126] : memref<2048x8xf32, #tpu.memory_space<vmem>> -> memref<128x8xf32, #tpu.memory_space<vmem>>
        %dma_wait3A_128 = arith.constant 0 : i32
        %dma_wait3A_129 = arith.constant 0 : i32
        %dma_wait3A_130 = tpu.memref_slice %arg2[%dma_wait3A_128, %dma_wait3A_129] : memref<100000x8xf32, #tpu.memory_space<hbm>> -> memref<128x8xf32, #tpu.memory_space<hbm>>
        tpu.wait_dma2 semaphore(%arg23 : memref<!tpu.dma_semaphore, #tpu.memory_space<semaphore_mem>>) src(%dma_wait3A_130 : memref<128x8xf32, #tpu.memory_space<hbm>>) dst(%dma_wait3A_127 : memref<128x8xf32, #tpu.memory_space<vmem>>)
        %dma_wait3A_131 = arith.constant 128 : i32
        %dma_wait3A_132 = arith.constant 0 : i32
        %dma_wait3A_133 = tpu.memref_slice %arg10[%dma_wait3A_131, %dma_wait3A_132] : memref<2048x8xf32, #tpu.memory_space<vmem>> -> memref<128x8xf32, #tpu.memory_space<vmem>>
        %dma_wait3A_134 = arith.constant 0 : i32
        %dma_wait3A_135 = arith.constant 0 : i32
        %dma_wait3A_136 = tpu.memref_slice %arg2[%dma_wait3A_134, %dma_wait3A_135] : memref<100000x8xf32, #tpu.memory_space<hbm>> -> memref<128x8xf32, #tpu.memory_space<hbm>>
        %dma_wait3A_137 = arith.constant 128 : i32
        %dma_wait3A_138 = arith.constant 0 : i32
        %dma_wait3A_139 = tpu.memref_slice %arg10[%dma_wait3A_137, %dma_wait3A_138] : memref<2048x8xf32, #tpu.memory_space<vmem>> -> memref<128x8xf32, #tpu.memory_space<vmem>>
        %dma_wait3A_140 = arith.constant 0 : i32
        %dma_wait3A_141 = arith.constant 0 : i32
        %dma_wait3A_142 = tpu.memref_slice %arg2[%dma_wait3A_140, %dma_wait3A_141] : memref<100000x8xf32, #tpu.memory_space<hbm>> -> memref<128x8xf32, #tpu.memory_space<hbm>>
        tpu.wait_dma2 semaphore(%arg22 : memref<!tpu.dma_semaphore, #tpu.memory_space<semaphore_mem>>) src(%dma_wait3A_142 : memref<128x8xf32, #tpu.memory_space<hbm>>) dst(%dma_wait3A_139 : memref<128x8xf32, #tpu.memory_space<vmem>>)
        %dma_wait3A_143 = arith.constant 128 : i32
        %dma_wait3A_144 = arith.constant 0 : i32
        %dma_wait3A_145 = tpu.memref_slice %arg11[%dma_wait3A_143, %dma_wait3A_144] : memref<2048x8xf32, #tpu.memory_space<vmem>> -> memref<128x8xf32, #tpu.memory_space<vmem>>
        %dma_wait3A_146 = arith.constant 0 : i32
        %dma_wait3A_147 = arith.constant 0 : i32
        %dma_wait3A_148 = tpu.memref_slice %arg2[%dma_wait3A_146, %dma_wait3A_147] : memref<100000x8xf32, #tpu.memory_space<hbm>> -> memref<128x8xf32, #tpu.memory_space<hbm>>
        %dma_wait3A_149 = arith.constant 128 : i32
        %dma_wait3A_150 = arith.constant 0 : i32
        %dma_wait3A_151 = tpu.memref_slice %arg11[%dma_wait3A_149, %dma_wait3A_150] : memref<2048x8xf32, #tpu.memory_space<vmem>> -> memref<128x8xf32, #tpu.memory_space<vmem>>
        %dma_wait3A_152 = arith.constant 0 : i32
        %dma_wait3A_153 = arith.constant 0 : i32
        %dma_wait3A_154 = tpu.memref_slice %arg2[%dma_wait3A_152, %dma_wait3A_153] : memref<100000x8xf32, #tpu.memory_space<hbm>> -> memref<128x8xf32, #tpu.memory_space<hbm>>
        tpu.wait_dma2 semaphore(%arg23 : memref<!tpu.dma_semaphore, #tpu.memory_space<semaphore_mem>>) src(%dma_wait3A_154 : memref<128x8xf32, #tpu.memory_space<hbm>>) dst(%dma_wait3A_151 : memref<128x8xf32, #tpu.memory_space<vmem>>)
        %dma_wait3A_155 = arith.constant 256 : i32
        %dma_wait3A_156 = arith.constant 0 : i32
        %dma_wait3A_157 = tpu.memref_slice %arg10[%dma_wait3A_155, %dma_wait3A_156] : memref<2048x8xf32, #tpu.memory_space<vmem>> -> memref<128x8xf32, #tpu.memory_space<vmem>>
        %dma_wait3A_158 = arith.constant 0 : i32
        %dma_wait3A_159 = arith.constant 0 : i32
        %dma_wait3A_160 = tpu.memref_slice %arg2[%dma_wait3A_158, %dma_wait3A_159] : memref<100000x8xf32, #tpu.memory_space<hbm>> -> memref<128x8xf32, #tpu.memory_space<hbm>>
        %dma_wait3A_161 = arith.constant 256 : i32
        %dma_wait3A_162 = arith.constant 0 : i32
        %dma_wait3A_163 = tpu.memref_slice %arg10[%dma_wait3A_161, %dma_wait3A_162] : memref<2048x8xf32, #tpu.memory_space<vmem>> -> memref<128x8xf32, #tpu.memory_space<vmem>>
        %dma_wait3A_164 = arith.constant 0 : i32
        %dma_wait3A_165 = arith.constant 0 : i32
        %dma_wait3A_166 = tpu.memref_slice %arg2[%dma_wait3A_164, %dma_wait3A_165] : memref<100000x8xf32, #tpu.memory_space<hbm>> -> memref<128x8xf32, #tpu.memory_space<hbm>>
        tpu.wait_dma2 semaphore(%arg22 : memref<!tpu.dma_semaphore, #tpu.memory_space<semaphore_mem>>) src(%dma_wait3A_166 : memref<128x8xf32, #tpu.memory_space<hbm>>) dst(%dma_wait3A_163 : memref<128x8xf32, #tpu.memory_space<vmem>>)
        %dma_wait3A_167 = arith.constant 256 : i32
        %dma_wait3A_168 = arith.constant 0 : i32
        %dma_wait3A_169 = tpu.memref_slice %arg11[%dma_wait3A_167, %dma_wait3A_168] : memref<2048x8xf32, #tpu.memory_space<vmem>> -> memref<128x8xf32, #tpu.memory_space<vmem>>
        %dma_wait3A_170 = arith.constant 0 : i32
        %dma_wait3A_171 = arith.constant 0 : i32
        %dma_wait3A_172 = tpu.memref_slice %arg2[%dma_wait3A_170, %dma_wait3A_171] : memref<100000x8xf32, #tpu.memory_space<hbm>> -> memref<128x8xf32, #tpu.memory_space<hbm>>
        %dma_wait3A_173 = arith.constant 256 : i32
        %dma_wait3A_174 = arith.constant 0 : i32
        %dma_wait3A_175 = tpu.memref_slice %arg11[%dma_wait3A_173, %dma_wait3A_174] : memref<2048x8xf32, #tpu.memory_space<vmem>> -> memref<128x8xf32, #tpu.memory_space<vmem>>
        %dma_wait3A_176 = arith.constant 0 : i32
        %dma_wait3A_177 = arith.constant 0 : i32
        %dma_wait3A_178 = tpu.memref_slice %arg2[%dma_wait3A_176, %dma_wait3A_177] : memref<100000x8xf32, #tpu.memory_space<hbm>> -> memref<128x8xf32, #tpu.memory_space<hbm>>
        tpu.wait_dma2 semaphore(%arg23 : memref<!tpu.dma_semaphore, #tpu.memory_space<semaphore_mem>>) src(%dma_wait3A_178 : memref<128x8xf32, #tpu.memory_space<hbm>>) dst(%dma_wait3A_175 : memref<128x8xf32, #tpu.memory_space<vmem>>)
        %dma_wait3A_179 = arith.constant 384 : i32
        %dma_wait3A_180 = arith.constant 0 : i32
        %dma_wait3A_181 = tpu.memref_slice %arg10[%dma_wait3A_179, %dma_wait3A_180] : memref<2048x8xf32, #tpu.memory_space<vmem>> -> memref<128x8xf32, #tpu.memory_space<vmem>>
        %dma_wait3A_182 = arith.constant 0 : i32
        %dma_wait3A_183 = arith.constant 0 : i32
        %dma_wait3A_184 = tpu.memref_slice %arg2[%dma_wait3A_182, %dma_wait3A_183] : memref<100000x8xf32, #tpu.memory_space<hbm>> -> memref<128x8xf32, #tpu.memory_space<hbm>>
        %dma_wait3A_185 = arith.constant 384 : i32
        %dma_wait3A_186 = arith.constant 0 : i32
        %dma_wait3A_187 = tpu.memref_slice %arg10[%dma_wait3A_185, %dma_wait3A_186] : memref<2048x8xf32, #tpu.memory_space<vmem>> -> memref<128x8xf32, #tpu.memory_space<vmem>>
        %dma_wait3A_188 = arith.constant 0 : i32
        %dma_wait3A_189 = arith.constant 0 : i32
        %dma_wait3A_190 = tpu.memref_slice %arg2[%dma_wait3A_188, %dma_wait3A_189] : memref<100000x8xf32, #tpu.memory_space<hbm>> -> memref<128x8xf32, #tpu.memory_space<hbm>>
        tpu.wait_dma2 semaphore(%arg22 : memref<!tpu.dma_semaphore, #tpu.memory_space<semaphore_mem>>) src(%dma_wait3A_190 : memref<128x8xf32, #tpu.memory_space<hbm>>) dst(%dma_wait3A_187 : memref<128x8xf32, #tpu.memory_space<vmem>>)
        %dma_wait3A_191 = arith.constant 384 : i32
        %dma_wait3A_192 = arith.constant 0 : i32
        %dma_wait3A_193 = tpu.memref_slice %arg11[%dma_wait3A_191, %dma_wait3A_192] : memref<2048x8xf32, #tpu.memory_space<vmem>> -> memref<128x8xf32, #tpu.memory_space<vmem>>
        %dma_wait3A_194 = arith.constant 0 : i32
        %dma_wait3A_195 = arith.constant 0 : i32
        %dma_wait3A_196 = tpu.memref_slice %arg2[%dma_wait3A_194, %dma_wait3A_195] : memref<100000x8xf32, #tpu.memory_space<hbm>> -> memref<128x8xf32, #tpu.memory_space<hbm>>
        %dma_wait3A_197 = arith.constant 384 : i32
        %dma_wait3A_198 = arith.constant 0 : i32
        %dma_wait3A_199 = tpu.memref_slice %arg11[%dma_wait3A_197, %dma_wait3A_198] : memref<2048x8xf32, #tpu.memory_space<vmem>> -> memref<128x8xf32, #tpu.memory_space<vmem>>
        %dma_wait3A_200 = arith.constant 0 : i32
        %dma_wait3A_201 = arith.constant 0 : i32
        %dma_wait3A_202 = tpu.memref_slice %arg2[%dma_wait3A_200, %dma_wait3A_201] : memref<100000x8xf32, #tpu.memory_space<hbm>> -> memref<128x8xf32, #tpu.memory_space<hbm>>
        tpu.wait_dma2 semaphore(%arg23 : memref<!tpu.dma_semaphore, #tpu.memory_space<semaphore_mem>>) src(%dma_wait3A_202 : memref<128x8xf32, #tpu.memory_space<hbm>>) dst(%dma_wait3A_199 : memref<128x8xf32, #tpu.memory_space<vmem>>)
        %dma_wait3A_203 = arith.constant 512 : i32
        %dma_wait3A_204 = arith.constant 0 : i32
        %dma_wait3A_205 = tpu.memref_slice %arg10[%dma_wait3A_203, %dma_wait3A_204] : memref<2048x8xf32, #tpu.memory_space<vmem>> -> memref<128x8xf32, #tpu.memory_space<vmem>>
        %dma_wait3A_206 = arith.constant 0 : i32
        %dma_wait3A_207 = arith.constant 0 : i32
        %dma_wait3A_208 = tpu.memref_slice %arg2[%dma_wait3A_206, %dma_wait3A_207] : memref<100000x8xf32, #tpu.memory_space<hbm>> -> memref<128x8xf32, #tpu.memory_space<hbm>>
        %dma_wait3A_209 = arith.constant 512 : i32
        %dma_wait3A_210 = arith.constant 0 : i32
        %dma_wait3A_211 = tpu.memref_slice %arg10[%dma_wait3A_209, %dma_wait3A_210] : memref<2048x8xf32, #tpu.memory_space<vmem>> -> memref<128x8xf32, #tpu.memory_space<vmem>>
        %dma_wait3A_212 = arith.constant 0 : i32
        %dma_wait3A_213 = arith.constant 0 : i32
        %dma_wait3A_214 = tpu.memref_slice %arg2[%dma_wait3A_212, %dma_wait3A_213] : memref<100000x8xf32, #tpu.memory_space<hbm>> -> memref<128x8xf32, #tpu.memory_space<hbm>>
        tpu.wait_dma2 semaphore(%arg22 : memref<!tpu.dma_semaphore, #tpu.memory_space<semaphore_mem>>) src(%dma_wait3A_214 : memref<128x8xf32, #tpu.memory_space<hbm>>) dst(%dma_wait3A_211 : memref<128x8xf32, #tpu.memory_space<vmem>>)
        %dma_wait3A_215 = arith.constant 512 : i32
        %dma_wait3A_216 = arith.constant 0 : i32
        %dma_wait3A_217 = tpu.memref_slice %arg11[%dma_wait3A_215, %dma_wait3A_216] : memref<2048x8xf32, #tpu.memory_space<vmem>> -> memref<128x8xf32, #tpu.memory_space<vmem>>
        %dma_wait3A_218 = arith.constant 0 : i32
        %dma_wait3A_219 = arith.constant 0 : i32
        %dma_wait3A_220 = tpu.memref_slice %arg2[%dma_wait3A_218, %dma_wait3A_219] : memref<100000x8xf32, #tpu.memory_space<hbm>> -> memref<128x8xf32, #tpu.memory_space<hbm>>
        %dma_wait3A_221 = arith.constant 512 : i32
        %dma_wait3A_222 = arith.constant 0 : i32
        %dma_wait3A_223 = tpu.memref_slice %arg11[%dma_wait3A_221, %dma_wait3A_222] : memref<2048x8xf32, #tpu.memory_space<vmem>> -> memref<128x8xf32, #tpu.memory_space<vmem>>
        %dma_wait3A_224 = arith.constant 0 : i32
        %dma_wait3A_225 = arith.constant 0 : i32
        %dma_wait3A_226 = tpu.memref_slice %arg2[%dma_wait3A_224, %dma_wait3A_225] : memref<100000x8xf32, #tpu.memory_space<hbm>> -> memref<128x8xf32, #tpu.memory_space<hbm>>
        tpu.wait_dma2 semaphore(%arg23 : memref<!tpu.dma_semaphore, #tpu.memory_space<semaphore_mem>>) src(%dma_wait3A_226 : memref<128x8xf32, #tpu.memory_space<hbm>>) dst(%dma_wait3A_223 : memref<128x8xf32, #tpu.memory_space<vmem>>)
        %dma_wait3A_227 = arith.constant 640 : i32
        %dma_wait3A_228 = arith.constant 0 : i32
        %dma_wait3A_229 = tpu.memref_slice %arg10[%dma_wait3A_227, %dma_wait3A_228] : memref<2048x8xf32, #tpu.memory_space<vmem>> -> memref<128x8xf32, #tpu.memory_space<vmem>>
        %dma_wait3A_230 = arith.constant 0 : i32
        %dma_wait3A_231 = arith.constant 0 : i32
        %dma_wait3A_232 = tpu.memref_slice %arg2[%dma_wait3A_230, %dma_wait3A_231] : memref<100000x8xf32, #tpu.memory_space<hbm>> -> memref<128x8xf32, #tpu.memory_space<hbm>>
        %dma_wait3A_233 = arith.constant 640 : i32
        %dma_wait3A_234 = arith.constant 0 : i32
        %dma_wait3A_235 = tpu.memref_slice %arg10[%dma_wait3A_233, %dma_wait3A_234] : memref<2048x8xf32, #tpu.memory_space<vmem>> -> memref<128x8xf32, #tpu.memory_space<vmem>>
        %dma_wait3A_236 = arith.constant 0 : i32
        %dma_wait3A_237 = arith.constant 0 : i32
        %dma_wait3A_238 = tpu.memref_slice %arg2[%dma_wait3A_236, %dma_wait3A_237] : memref<100000x8xf32, #tpu.memory_space<hbm>> -> memref<128x8xf32, #tpu.memory_space<hbm>>
        tpu.wait_dma2 semaphore(%arg22 : memref<!tpu.dma_semaphore, #tpu.memory_space<semaphore_mem>>) src(%dma_wait3A_238 : memref<128x8xf32, #tpu.memory_space<hbm>>) dst(%dma_wait3A_235 : memref<128x8xf32, #tpu.memory_space<vmem>>)
        %dma_wait3A_239 = arith.constant 640 : i32
        %dma_wait3A_240 = arith.constant 0 : i32
        %dma_wait3A_241 = tpu.memref_slice %arg11[%dma_wait3A_239, %dma_wait3A_240] : memref<2048x8xf32, #tpu.memory_space<vmem>> -> memref<128x8xf32, #tpu.memory_space<vmem>>
        %dma_wait3A_242 = arith.constant 0 : i32
        %dma_wait3A_243 = arith.constant 0 : i32
        %dma_wait3A_244 = tpu.memref_slice %arg2[%dma_wait3A_242, %dma_wait3A_243] : memref<100000x8xf32, #tpu.memory_space<hbm>> -> memref<128x8xf32, #tpu.memory_space<hbm>>
        %dma_wait3A_245 = arith.constant 640 : i32
        %dma_wait3A_246 = arith.constant 0 : i32
        %dma_wait3A_247 = tpu.memref_slice %arg11[%dma_wait3A_245, %dma_wait3A_246] : memref<2048x8xf32, #tpu.memory_space<vmem>> -> memref<128x8xf32, #tpu.memory_space<vmem>>
        %dma_wait3A_248 = arith.constant 0 : i32
        %dma_wait3A_249 = arith.constant 0 : i32
        %dma_wait3A_250 = tpu.memref_slice %arg2[%dma_wait3A_248, %dma_wait3A_249] : memref<100000x8xf32, #tpu.memory_space<hbm>> -> memref<128x8xf32, #tpu.memory_space<hbm>>
        tpu.wait_dma2 semaphore(%arg23 : memref<!tpu.dma_semaphore, #tpu.memory_space<semaphore_mem>>) src(%dma_wait3A_250 : memref<128x8xf32, #tpu.memory_space<hbm>>) dst(%dma_wait3A_247 : memref<128x8xf32, #tpu.memory_space<vmem>>)
        %dma_wait3A_251 = arith.constant 768 : i32
        %dma_wait3A_252 = arith.constant 0 : i32
        %dma_wait3A_253 = tpu.memref_slice %arg10[%dma_wait3A_251, %dma_wait3A_252] : memref<2048x8xf32, #tpu.memory_space<vmem>> -> memref<128x8xf32, #tpu.memory_space<vmem>>
        %dma_wait3A_254 = arith.constant 0 : i32
        %dma_wait3A_255 = arith.constant 0 : i32
        %dma_wait3A_256 = tpu.memref_slice %arg2[%dma_wait3A_254, %dma_wait3A_255] : memref<100000x8xf32, #tpu.memory_space<hbm>> -> memref<128x8xf32, #tpu.memory_space<hbm>>
        %dma_wait3A_257 = arith.constant 768 : i32
        %dma_wait3A_258 = arith.constant 0 : i32
        %dma_wait3A_259 = tpu.memref_slice %arg10[%dma_wait3A_257, %dma_wait3A_258] : memref<2048x8xf32, #tpu.memory_space<vmem>> -> memref<128x8xf32, #tpu.memory_space<vmem>>
        %dma_wait3A_260 = arith.constant 0 : i32
        %dma_wait3A_261 = arith.constant 0 : i32
        %dma_wait3A_262 = tpu.memref_slice %arg2[%dma_wait3A_260, %dma_wait3A_261] : memref<100000x8xf32, #tpu.memory_space<hbm>> -> memref<128x8xf32, #tpu.memory_space<hbm>>
        tpu.wait_dma2 semaphore(%arg22 : memref<!tpu.dma_semaphore, #tpu.memory_space<semaphore_mem>>) src(%dma_wait3A_262 : memref<128x8xf32, #tpu.memory_space<hbm>>) dst(%dma_wait3A_259 : memref<128x8xf32, #tpu.memory_space<vmem>>)
        %dma_wait3A_263 = arith.constant 768 : i32
        %dma_wait3A_264 = arith.constant 0 : i32
        %dma_wait3A_265 = tpu.memref_slice %arg11[%dma_wait3A_263, %dma_wait3A_264] : memref<2048x8xf32, #tpu.memory_space<vmem>> -> memref<128x8xf32, #tpu.memory_space<vmem>>
        %dma_wait3A_266 = arith.constant 0 : i32
        %dma_wait3A_267 = arith.constant 0 : i32
        %dma_wait3A_268 = tpu.memref_slice %arg2[%dma_wait3A_266, %dma_wait3A_267] : memref<100000x8xf32, #tpu.memory_space<hbm>> -> memref<128x8xf32, #tpu.memory_space<hbm>>
        %dma_wait3A_269 = arith.constant 768 : i32
        %dma_wait3A_270 = arith.constant 0 : i32
        %dma_wait3A_271 = tpu.memref_slice %arg11[%dma_wait3A_269, %dma_wait3A_270] : memref<2048x8xf32, #tpu.memory_space<vmem>> -> memref<128x8xf32, #tpu.memory_space<vmem>>
        %dma_wait3A_272 = arith.constant 0 : i32
        %dma_wait3A_273 = arith.constant 0 : i32
        %dma_wait3A_274 = tpu.memref_slice %arg2[%dma_wait3A_272, %dma_wait3A_273] : memref<100000x8xf32, #tpu.memory_space<hbm>> -> memref<128x8xf32, #tpu.memory_space<hbm>>
        tpu.wait_dma2 semaphore(%arg23 : memref<!tpu.dma_semaphore, #tpu.memory_space<semaphore_mem>>) src(%dma_wait3A_274 : memref<128x8xf32, #tpu.memory_space<hbm>>) dst(%dma_wait3A_271 : memref<128x8xf32, #tpu.memory_space<vmem>>)
        %dma_wait3A_275 = arith.constant 896 : i32
        %dma_wait3A_276 = arith.constant 0 : i32
        %dma_wait3A_277 = tpu.memref_slice %arg10[%dma_wait3A_275, %dma_wait3A_276] : memref<2048x8xf32, #tpu.memory_space<vmem>> -> memref<128x8xf32, #tpu.memory_space<vmem>>
        %dma_wait3A_278 = arith.constant 0 : i32
        %dma_wait3A_279 = arith.constant 0 : i32
        %dma_wait3A_280 = tpu.memref_slice %arg2[%dma_wait3A_278, %dma_wait3A_279] : memref<100000x8xf32, #tpu.memory_space<hbm>> -> memref<128x8xf32, #tpu.memory_space<hbm>>
        %dma_wait3A_281 = arith.constant 896 : i32
        %dma_wait3A_282 = arith.constant 0 : i32
        %dma_wait3A_283 = tpu.memref_slice %arg10[%dma_wait3A_281, %dma_wait3A_282] : memref<2048x8xf32, #tpu.memory_space<vmem>> -> memref<128x8xf32, #tpu.memory_space<vmem>>
        %dma_wait3A_284 = arith.constant 0 : i32
        %dma_wait3A_285 = arith.constant 0 : i32
        %dma_wait3A_286 = tpu.memref_slice %arg2[%dma_wait3A_284, %dma_wait3A_285] : memref<100000x8xf32, #tpu.memory_space<hbm>> -> memref<128x8xf32, #tpu.memory_space<hbm>>
        tpu.wait_dma2 semaphore(%arg22 : memref<!tpu.dma_semaphore, #tpu.memory_space<semaphore_mem>>) src(%dma_wait3A_286 : memref<128x8xf32, #tpu.memory_space<hbm>>) dst(%dma_wait3A_283 : memref<128x8xf32, #tpu.memory_space<vmem>>)
        %dma_wait3A_287 = arith.constant 896 : i32
        %dma_wait3A_288 = arith.constant 0 : i32
        %dma_wait3A_289 = tpu.memref_slice %arg11[%dma_wait3A_287, %dma_wait3A_288] : memref<2048x8xf32, #tpu.memory_space<vmem>> -> memref<128x8xf32, #tpu.memory_space<vmem>>
        %dma_wait3A_290 = arith.constant 0 : i32
        %dma_wait3A_291 = arith.constant 0 : i32
        %dma_wait3A_292 = tpu.memref_slice %arg2[%dma_wait3A_290, %dma_wait3A_291] : memref<100000x8xf32, #tpu.memory_space<hbm>> -> memref<128x8xf32, #tpu.memory_space<hbm>>
        %dma_wait3A_293 = arith.constant 896 : i32
        %dma_wait3A_294 = arith.constant 0 : i32
        %dma_wait3A_295 = tpu.memref_slice %arg11[%dma_wait3A_293, %dma_wait3A_294] : memref<2048x8xf32, #tpu.memory_space<vmem>> -> memref<128x8xf32, #tpu.memory_space<vmem>>
        %dma_wait3A_296 = arith.constant 0 : i32
        %dma_wait3A_297 = arith.constant 0 : i32
        %dma_wait3A_298 = tpu.memref_slice %arg2[%dma_wait3A_296, %dma_wait3A_297] : memref<100000x8xf32, #tpu.memory_space<hbm>> -> memref<128x8xf32, #tpu.memory_space<hbm>>
        tpu.wait_dma2 semaphore(%arg23 : memref<!tpu.dma_semaphore, #tpu.memory_space<semaphore_mem>>) src(%dma_wait3A_298 : memref<128x8xf32, #tpu.memory_space<hbm>>) dst(%dma_wait3A_295 : memref<128x8xf32, #tpu.memory_space<vmem>>)
        %dma_wait3A_299 = arith.constant 1024 : i32
        %dma_wait3A_300 = arith.constant 0 : i32
        %dma_wait3A_301 = tpu.memref_slice %arg10[%dma_wait3A_299, %dma_wait3A_300] : memref<2048x8xf32, #tpu.memory_space<vmem>> -> memref<128x8xf32, #tpu.memory_space<vmem>>
        %dma_wait3A_302 = arith.constant 0 : i32
        %dma_wait3A_303 = arith.constant 0 : i32
        %dma_wait3A_304 = tpu.memref_slice %arg2[%dma_wait3A_302, %dma_wait3A_303] : memref<100000x8xf32, #tpu.memory_space<hbm>> -> memref<128x8xf32, #tpu.memory_space<hbm>>
        %dma_wait3A_305 = arith.constant 1024 : i32
        %dma_wait3A_306 = arith.constant 0 : i32
        %dma_wait3A_307 = tpu.memref_slice %arg10[%dma_wait3A_305, %dma_wait3A_306] : memref<2048x8xf32, #tpu.memory_space<vmem>> -> memref<128x8xf32, #tpu.memory_space<vmem>>
        %dma_wait3A_308 = arith.constant 0 : i32
        %dma_wait3A_309 = arith.constant 0 : i32
        %dma_wait3A_310 = tpu.memref_slice %arg2[%dma_wait3A_308, %dma_wait3A_309] : memref<100000x8xf32, #tpu.memory_space<hbm>> -> memref<128x8xf32, #tpu.memory_space<hbm>>
        tpu.wait_dma2 semaphore(%arg22 : memref<!tpu.dma_semaphore, #tpu.memory_space<semaphore_mem>>) src(%dma_wait3A_310 : memref<128x8xf32, #tpu.memory_space<hbm>>) dst(%dma_wait3A_307 : memref<128x8xf32, #tpu.memory_space<vmem>>)
        %dma_wait3A_311 = arith.constant 1024 : i32
        %dma_wait3A_312 = arith.constant 0 : i32
        %dma_wait3A_313 = tpu.memref_slice %arg11[%dma_wait3A_311, %dma_wait3A_312] : memref<2048x8xf32, #tpu.memory_space<vmem>> -> memref<128x8xf32, #tpu.memory_space<vmem>>
        %dma_wait3A_314 = arith.constant 0 : i32
        %dma_wait3A_315 = arith.constant 0 : i32
        %dma_wait3A_316 = tpu.memref_slice %arg2[%dma_wait3A_314, %dma_wait3A_315] : memref<100000x8xf32, #tpu.memory_space<hbm>> -> memref<128x8xf32, #tpu.memory_space<hbm>>
        %dma_wait3A_317 = arith.constant 1024 : i32
        %dma_wait3A_318 = arith.constant 0 : i32
        %dma_wait3A_319 = tpu.memref_slice %arg11[%dma_wait3A_317, %dma_wait3A_318] : memref<2048x8xf32, #tpu.memory_space<vmem>> -> memref<128x8xf32, #tpu.memory_space<vmem>>
        %dma_wait3A_320 = arith.constant 0 : i32
        %dma_wait3A_321 = arith.constant 0 : i32
        %dma_wait3A_322 = tpu.memref_slice %arg2[%dma_wait3A_320, %dma_wait3A_321] : memref<100000x8xf32, #tpu.memory_space<hbm>> -> memref<128x8xf32, #tpu.memory_space<hbm>>
        tpu.wait_dma2 semaphore(%arg23 : memref<!tpu.dma_semaphore, #tpu.memory_space<semaphore_mem>>) src(%dma_wait3A_322 : memref<128x8xf32, #tpu.memory_space<hbm>>) dst(%dma_wait3A_319 : memref<128x8xf32, #tpu.memory_space<vmem>>)
        %dma_wait3A_323 = arith.constant 1152 : i32
        %dma_wait3A_324 = arith.constant 0 : i32
        %dma_wait3A_325 = tpu.memref_slice %arg10[%dma_wait3A_323, %dma_wait3A_324] : memref<2048x8xf32, #tpu.memory_space<vmem>> -> memref<128x8xf32, #tpu.memory_space<vmem>>
        %dma_wait3A_326 = arith.constant 0 : i32
        %dma_wait3A_327 = arith.constant 0 : i32
        %dma_wait3A_328 = tpu.memref_slice %arg2[%dma_wait3A_326, %dma_wait3A_327] : memref<100000x8xf32, #tpu.memory_space<hbm>> -> memref<128x8xf32, #tpu.memory_space<hbm>>
        %dma_wait3A_329 = arith.constant 1152 : i32
        %dma_wait3A_330 = arith.constant 0 : i32
        %dma_wait3A_331 = tpu.memref_slice %arg10[%dma_wait3A_329, %dma_wait3A_330] : memref<2048x8xf32, #tpu.memory_space<vmem>> -> memref<128x8xf32, #tpu.memory_space<vmem>>
        %dma_wait3A_332 = arith.constant 0 : i32
        %dma_wait3A_333 = arith.constant 0 : i32
        %dma_wait3A_334 = tpu.memref_slice %arg2[%dma_wait3A_332, %dma_wait3A_333] : memref<100000x8xf32, #tpu.memory_space<hbm>> -> memref<128x8xf32, #tpu.memory_space<hbm>>
        tpu.wait_dma2 semaphore(%arg22 : memref<!tpu.dma_semaphore, #tpu.memory_space<semaphore_mem>>) src(%dma_wait3A_334 : memref<128x8xf32, #tpu.memory_space<hbm>>) dst(%dma_wait3A_331 : memref<128x8xf32, #tpu.memory_space<vmem>>)
        %dma_wait3A_335 = arith.constant 1152 : i32
        %dma_wait3A_336 = arith.constant 0 : i32
        %dma_wait3A_337 = tpu.memref_slice %arg11[%dma_wait3A_335, %dma_wait3A_336] : memref<2048x8xf32, #tpu.memory_space<vmem>> -> memref<128x8xf32, #tpu.memory_space<vmem>>
        %dma_wait3A_338 = arith.constant 0 : i32
        %dma_wait3A_339 = arith.constant 0 : i32
        %dma_wait3A_340 = tpu.memref_slice %arg2[%dma_wait3A_338, %dma_wait3A_339] : memref<100000x8xf32, #tpu.memory_space<hbm>> -> memref<128x8xf32, #tpu.memory_space<hbm>>
        %dma_wait3A_341 = arith.constant 1152 : i32
        %dma_wait3A_342 = arith.constant 0 : i32
        %dma_wait3A_343 = tpu.memref_slice %arg11[%dma_wait3A_341, %dma_wait3A_342] : memref<2048x8xf32, #tpu.memory_space<vmem>> -> memref<128x8xf32, #tpu.memory_space<vmem>>
        %dma_wait3A_344 = arith.constant 0 : i32
        %dma_wait3A_345 = arith.constant 0 : i32
        %dma_wait3A_346 = tpu.memref_slice %arg2[%dma_wait3A_344, %dma_wait3A_345] : memref<100000x8xf32, #tpu.memory_space<hbm>> -> memref<128x8xf32, #tpu.memory_space<hbm>>
        tpu.wait_dma2 semaphore(%arg23 : memref<!tpu.dma_semaphore, #tpu.memory_space<semaphore_mem>>) src(%dma_wait3A_346 : memref<128x8xf32, #tpu.memory_space<hbm>>) dst(%dma_wait3A_343 : memref<128x8xf32, #tpu.memory_space<vmem>>)
        %dma_wait3A_347 = arith.constant 1280 : i32
        %dma_wait3A_348 = arith.constant 0 : i32
        %dma_wait3A_349 = tpu.memref_slice %arg10[%dma_wait3A_347, %dma_wait3A_348] : memref<2048x8xf32, #tpu.memory_space<vmem>> -> memref<128x8xf32, #tpu.memory_space<vmem>>
        %dma_wait3A_350 = arith.constant 0 : i32
        %dma_wait3A_351 = arith.constant 0 : i32
        %dma_wait3A_352 = tpu.memref_slice %arg2[%dma_wait3A_350, %dma_wait3A_351] : memref<100000x8xf32, #tpu.memory_space<hbm>> -> memref<128x8xf32, #tpu.memory_space<hbm>>
        %dma_wait3A_353 = arith.constant 1280 : i32
        %dma_wait3A_354 = arith.constant 0 : i32
        %dma_wait3A_355 = tpu.memref_slice %arg10[%dma_wait3A_353, %dma_wait3A_354] : memref<2048x8xf32, #tpu.memory_space<vmem>> -> memref<128x8xf32, #tpu.memory_space<vmem>>
        %dma_wait3A_356 = arith.constant 0 : i32
        %dma_wait3A_357 = arith.constant 0 : i32
        %dma_wait3A_358 = tpu.memref_slice %arg2[%dma_wait3A_356, %dma_wait3A_357] : memref<100000x8xf32, #tpu.memory_space<hbm>> -> memref<128x8xf32, #tpu.memory_space<hbm>>
        tpu.wait_dma2 semaphore(%arg22 : memref<!tpu.dma_semaphore, #tpu.memory_space<semaphore_mem>>) src(%dma_wait3A_358 : memref<128x8xf32, #tpu.memory_space<hbm>>) dst(%dma_wait3A_355 : memref<128x8xf32, #tpu.memory_space<vmem>>)
        %dma_wait3A_359 = arith.constant 1280 : i32
        %dma_wait3A_360 = arith.constant 0 : i32
        %dma_wait3A_361 = tpu.memref_slice %arg11[%dma_wait3A_359, %dma_wait3A_360] : memref<2048x8xf32, #tpu.memory_space<vmem>> -> memref<128x8xf32, #tpu.memory_space<vmem>>
        %dma_wait3A_362 = arith.constant 0 : i32
        %dma_wait3A_363 = arith.constant 0 : i32
        %dma_wait3A_364 = tpu.memref_slice %arg2[%dma_wait3A_362, %dma_wait3A_363] : memref<100000x8xf32, #tpu.memory_space<hbm>> -> memref<128x8xf32, #tpu.memory_space<hbm>>
        %dma_wait3A_365 = arith.constant 1280 : i32
        %dma_wait3A_366 = arith.constant 0 : i32
        %dma_wait3A_367 = tpu.memref_slice %arg11[%dma_wait3A_365, %dma_wait3A_366] : memref<2048x8xf32, #tpu.memory_space<vmem>> -> memref<128x8xf32, #tpu.memory_space<vmem>>
        %dma_wait3A_368 = arith.constant 0 : i32
        %dma_wait3A_369 = arith.constant 0 : i32
        %dma_wait3A_370 = tpu.memref_slice %arg2[%dma_wait3A_368, %dma_wait3A_369] : memref<100000x8xf32, #tpu.memory_space<hbm>> -> memref<128x8xf32, #tpu.memory_space<hbm>>
        tpu.wait_dma2 semaphore(%arg23 : memref<!tpu.dma_semaphore, #tpu.memory_space<semaphore_mem>>) src(%dma_wait3A_370 : memref<128x8xf32, #tpu.memory_space<hbm>>) dst(%dma_wait3A_367 : memref<128x8xf32, #tpu.memory_space<vmem>>)
        %dma_wait3A_371 = arith.constant 1408 : i32
        %dma_wait3A_372 = arith.constant 0 : i32
        %dma_wait3A_373 = tpu.memref_slice %arg10[%dma_wait3A_371, %dma_wait3A_372] : memref<2048x8xf32, #tpu.memory_space<vmem>> -> memref<128x8xf32, #tpu.memory_space<vmem>>
        %dma_wait3A_374 = arith.constant 0 : i32
        %dma_wait3A_375 = arith.constant 0 : i32
        %dma_wait3A_376 = tpu.memref_slice %arg2[%dma_wait3A_374, %dma_wait3A_375] : memref<100000x8xf32, #tpu.memory_space<hbm>> -> memref<128x8xf32, #tpu.memory_space<hbm>>
        %dma_wait3A_377 = arith.constant 1408 : i32
        %dma_wait3A_378 = arith.constant 0 : i32
        %dma_wait3A_379 = tpu.memref_slice %arg10[%dma_wait3A_377, %dma_wait3A_378] : memref<2048x8xf32, #tpu.memory_space<vmem>> -> memref<128x8xf32, #tpu.memory_space<vmem>>
        %dma_wait3A_380 = arith.constant 0 : i32
        %dma_wait3A_381 = arith.constant 0 : i32
        %dma_wait3A_382 = tpu.memref_slice %arg2[%dma_wait3A_380, %dma_wait3A_381] : memref<100000x8xf32, #tpu.memory_space<hbm>> -> memref<128x8xf32, #tpu.memory_space<hbm>>
        tpu.wait_dma2 semaphore(%arg22 : memref<!tpu.dma_semaphore, #tpu.memory_space<semaphore_mem>>) src(%dma_wait3A_382 : memref<128x8xf32, #tpu.memory_space<hbm>>) dst(%dma_wait3A_379 : memref<128x8xf32, #tpu.memory_space<vmem>>)
        %dma_wait3A_383 = arith.constant 1408 : i32
        %dma_wait3A_384 = arith.constant 0 : i32
        %dma_wait3A_385 = tpu.memref_slice %arg11[%dma_wait3A_383, %dma_wait3A_384] : memref<2048x8xf32, #tpu.memory_space<vmem>> -> memref<128x8xf32, #tpu.memory_space<vmem>>
        %dma_wait3A_386 = arith.constant 0 : i32
        %dma_wait3A_387 = arith.constant 0 : i32
        %dma_wait3A_388 = tpu.memref_slice %arg2[%dma_wait3A_386, %dma_wait3A_387] : memref<100000x8xf32, #tpu.memory_space<hbm>> -> memref<128x8xf32, #tpu.memory_space<hbm>>
        %dma_wait3A_389 = arith.constant 1408 : i32
        %dma_wait3A_390 = arith.constant 0 : i32
        %dma_wait3A_391 = tpu.memref_slice %arg11[%dma_wait3A_389, %dma_wait3A_390] : memref<2048x8xf32, #tpu.memory_space<vmem>> -> memref<128x8xf32, #tpu.memory_space<vmem>>
        %dma_wait3A_392 = arith.constant 0 : i32
        %dma_wait3A_393 = arith.constant 0 : i32
        %dma_wait3A_394 = tpu.memref_slice %arg2[%dma_wait3A_392, %dma_wait3A_393] : memref<100000x8xf32, #tpu.memory_space<hbm>> -> memref<128x8xf32, #tpu.memory_space<hbm>>
        tpu.wait_dma2 semaphore(%arg23 : memref<!tpu.dma_semaphore, #tpu.memory_space<semaphore_mem>>) src(%dma_wait3A_394 : memref<128x8xf32, #tpu.memory_space<hbm>>) dst(%dma_wait3A_391 : memref<128x8xf32, #tpu.memory_space<vmem>>)
        %dma_wait3A_395 = arith.constant 1536 : i32
        %dma_wait3A_396 = arith.constant 0 : i32
        %dma_wait3A_397 = tpu.memref_slice %arg10[%dma_wait3A_395, %dma_wait3A_396] : memref<2048x8xf32, #tpu.memory_space<vmem>> -> memref<128x8xf32, #tpu.memory_space<vmem>>
        %dma_wait3A_398 = arith.constant 0 : i32
        %dma_wait3A_399 = arith.constant 0 : i32
        %dma_wait3A_400 = tpu.memref_slice %arg2[%dma_wait3A_398, %dma_wait3A_399] : memref<100000x8xf32, #tpu.memory_space<hbm>> -> memref<128x8xf32, #tpu.memory_space<hbm>>
        %dma_wait3A_401 = arith.constant 1536 : i32
        %dma_wait3A_402 = arith.constant 0 : i32
        %dma_wait3A_403 = tpu.memref_slice %arg10[%dma_wait3A_401, %dma_wait3A_402] : memref<2048x8xf32, #tpu.memory_space<vmem>> -> memref<128x8xf32, #tpu.memory_space<vmem>>
        %dma_wait3A_404 = arith.constant 0 : i32
        %dma_wait3A_405 = arith.constant 0 : i32
        %dma_wait3A_406 = tpu.memref_slice %arg2[%dma_wait3A_404, %dma_wait3A_405] : memref<100000x8xf32, #tpu.memory_space<hbm>> -> memref<128x8xf32, #tpu.memory_space<hbm>>
        tpu.wait_dma2 semaphore(%arg22 : memref<!tpu.dma_semaphore, #tpu.memory_space<semaphore_mem>>) src(%dma_wait3A_406 : memref<128x8xf32, #tpu.memory_space<hbm>>) dst(%dma_wait3A_403 : memref<128x8xf32, #tpu.memory_space<vmem>>)
        %dma_wait3A_407 = arith.constant 1536 : i32
        %dma_wait3A_408 = arith.constant 0 : i32
        %dma_wait3A_409 = tpu.memref_slice %arg11[%dma_wait3A_407, %dma_wait3A_408] : memref<2048x8xf32, #tpu.memory_space<vmem>> -> memref<128x8xf32, #tpu.memory_space<vmem>>
        %dma_wait3A_410 = arith.constant 0 : i32
        %dma_wait3A_411 = arith.constant 0 : i32
        %dma_wait3A_412 = tpu.memref_slice %arg2[%dma_wait3A_410, %dma_wait3A_411] : memref<100000x8xf32, #tpu.memory_space<hbm>> -> memref<128x8xf32, #tpu.memory_space<hbm>>
        %dma_wait3A_413 = arith.constant 1536 : i32
        %dma_wait3A_414 = arith.constant 0 : i32
        %dma_wait3A_415 = tpu.memref_slice %arg11[%dma_wait3A_413, %dma_wait3A_414] : memref<2048x8xf32, #tpu.memory_space<vmem>> -> memref<128x8xf32, #tpu.memory_space<vmem>>
        %dma_wait3A_416 = arith.constant 0 : i32
        %dma_wait3A_417 = arith.constant 0 : i32
        %dma_wait3A_418 = tpu.memref_slice %arg2[%dma_wait3A_416, %dma_wait3A_417] : memref<100000x8xf32, #tpu.memory_space<hbm>> -> memref<128x8xf32, #tpu.memory_space<hbm>>
        tpu.wait_dma2 semaphore(%arg23 : memref<!tpu.dma_semaphore, #tpu.memory_space<semaphore_mem>>) src(%dma_wait3A_418 : memref<128x8xf32, #tpu.memory_space<hbm>>) dst(%dma_wait3A_415 : memref<128x8xf32, #tpu.memory_space<vmem>>)
        %dma_wait3A_419 = arith.constant 1664 : i32
        %dma_wait3A_420 = arith.constant 0 : i32
        %dma_wait3A_421 = tpu.memref_slice %arg10[%dma_wait3A_419, %dma_wait3A_420] : memref<2048x8xf32, #tpu.memory_space<vmem>> -> memref<128x8xf32, #tpu.memory_space<vmem>>
        %dma_wait3A_422 = arith.constant 0 : i32
        %dma_wait3A_423 = arith.constant 0 : i32
        %dma_wait3A_424 = tpu.memref_slice %arg2[%dma_wait3A_422, %dma_wait3A_423] : memref<100000x8xf32, #tpu.memory_space<hbm>> -> memref<128x8xf32, #tpu.memory_space<hbm>>
        %dma_wait3A_425 = arith.constant 1664 : i32
        %dma_wait3A_426 = arith.constant 0 : i32
        %dma_wait3A_427 = tpu.memref_slice %arg10[%dma_wait3A_425, %dma_wait3A_426] : memref<2048x8xf32, #tpu.memory_space<vmem>> -> memref<128x8xf32, #tpu.memory_space<vmem>>
        %dma_wait3A_428 = arith.constant 0 : i32
        %dma_wait3A_429 = arith.constant 0 : i32
        %dma_wait3A_430 = tpu.memref_slice %arg2[%dma_wait3A_428, %dma_wait3A_429] : memref<100000x8xf32, #tpu.memory_space<hbm>> -> memref<128x8xf32, #tpu.memory_space<hbm>>
        tpu.wait_dma2 semaphore(%arg22 : memref<!tpu.dma_semaphore, #tpu.memory_space<semaphore_mem>>) src(%dma_wait3A_430 : memref<128x8xf32, #tpu.memory_space<hbm>>) dst(%dma_wait3A_427 : memref<128x8xf32, #tpu.memory_space<vmem>>)
        %dma_wait3A_431 = arith.constant 1664 : i32
        %dma_wait3A_432 = arith.constant 0 : i32
        %dma_wait3A_433 = tpu.memref_slice %arg11[%dma_wait3A_431, %dma_wait3A_432] : memref<2048x8xf32, #tpu.memory_space<vmem>> -> memref<128x8xf32, #tpu.memory_space<vmem>>
        %dma_wait3A_434 = arith.constant 0 : i32
        %dma_wait3A_435 = arith.constant 0 : i32
        %dma_wait3A_436 = tpu.memref_slice %arg2[%dma_wait3A_434, %dma_wait3A_435] : memref<100000x8xf32, #tpu.memory_space<hbm>> -> memref<128x8xf32, #tpu.memory_space<hbm>>
        %dma_wait3A_437 = arith.constant 1664 : i32
        %dma_wait3A_438 = arith.constant 0 : i32
        %dma_wait3A_439 = tpu.memref_slice %arg11[%dma_wait3A_437, %dma_wait3A_438] : memref<2048x8xf32, #tpu.memory_space<vmem>> -> memref<128x8xf32, #tpu.memory_space<vmem>>
        %dma_wait3A_440 = arith.constant 0 : i32
        %dma_wait3A_441 = arith.constant 0 : i32
        %dma_wait3A_442 = tpu.memref_slice %arg2[%dma_wait3A_440, %dma_wait3A_441] : memref<100000x8xf32, #tpu.memory_space<hbm>> -> memref<128x8xf32, #tpu.memory_space<hbm>>
        tpu.wait_dma2 semaphore(%arg23 : memref<!tpu.dma_semaphore, #tpu.memory_space<semaphore_mem>>) src(%dma_wait3A_442 : memref<128x8xf32, #tpu.memory_space<hbm>>) dst(%dma_wait3A_439 : memref<128x8xf32, #tpu.memory_space<vmem>>)
        %dma_wait3A_443 = arith.constant 1792 : i32
        %dma_wait3A_444 = arith.constant 0 : i32
        %dma_wait3A_445 = tpu.memref_slice %arg10[%dma_wait3A_443, %dma_wait3A_444] : memref<2048x8xf32, #tpu.memory_space<vmem>> -> memref<128x8xf32, #tpu.memory_space<vmem>>
        %dma_wait3A_446 = arith.constant 0 : i32
        %dma_wait3A_447 = arith.constant 0 : i32
        %dma_wait3A_448 = tpu.memref_slice %arg2[%dma_wait3A_446, %dma_wait3A_447] : memref<100000x8xf32, #tpu.memory_space<hbm>> -> memref<128x8xf32, #tpu.memory_space<hbm>>
        %dma_wait3A_449 = arith.constant 1792 : i32
        %dma_wait3A_450 = arith.constant 0 : i32
        %dma_wait3A_451 = tpu.memref_slice %arg10[%dma_wait3A_449, %dma_wait3A_450] : memref<2048x8xf32, #tpu.memory_space<vmem>> -> memref<128x8xf32, #tpu.memory_space<vmem>>
        %dma_wait3A_452 = arith.constant 0 : i32
        %dma_wait3A_453 = arith.constant 0 : i32
        %dma_wait3A_454 = tpu.memref_slice %arg2[%dma_wait3A_452, %dma_wait3A_453] : memref<100000x8xf32, #tpu.memory_space<hbm>> -> memref<128x8xf32, #tpu.memory_space<hbm>>
        tpu.wait_dma2 semaphore(%arg22 : memref<!tpu.dma_semaphore, #tpu.memory_space<semaphore_mem>>) src(%dma_wait3A_454 : memref<128x8xf32, #tpu.memory_space<hbm>>) dst(%dma_wait3A_451 : memref<128x8xf32, #tpu.memory_space<vmem>>)
        %dma_wait3A_455 = arith.constant 1792 : i32
        %dma_wait3A_456 = arith.constant 0 : i32
        %dma_wait3A_457 = tpu.memref_slice %arg11[%dma_wait3A_455, %dma_wait3A_456] : memref<2048x8xf32, #tpu.memory_space<vmem>> -> memref<128x8xf32, #tpu.memory_space<vmem>>
        %dma_wait3A_458 = arith.constant 0 : i32
        %dma_wait3A_459 = arith.constant 0 : i32
        %dma_wait3A_460 = tpu.memref_slice %arg2[%dma_wait3A_458, %dma_wait3A_459] : memref<100000x8xf32, #tpu.memory_space<hbm>> -> memref<128x8xf32, #tpu.memory_space<hbm>>
        %dma_wait3A_461 = arith.constant 1792 : i32
        %dma_wait3A_462 = arith.constant 0 : i32
        %dma_wait3A_463 = tpu.memref_slice %arg11[%dma_wait3A_461, %dma_wait3A_462] : memref<2048x8xf32, #tpu.memory_space<vmem>> -> memref<128x8xf32, #tpu.memory_space<vmem>>
        %dma_wait3A_464 = arith.constant 0 : i32
        %dma_wait3A_465 = arith.constant 0 : i32
        %dma_wait3A_466 = tpu.memref_slice %arg2[%dma_wait3A_464, %dma_wait3A_465] : memref<100000x8xf32, #tpu.memory_space<hbm>> -> memref<128x8xf32, #tpu.memory_space<hbm>>
        tpu.wait_dma2 semaphore(%arg23 : memref<!tpu.dma_semaphore, #tpu.memory_space<semaphore_mem>>) src(%dma_wait3A_466 : memref<128x8xf32, #tpu.memory_space<hbm>>) dst(%dma_wait3A_463 : memref<128x8xf32, #tpu.memory_space<vmem>>)
        %dma_wait3A_467 = arith.constant 1920 : i32
        %dma_wait3A_468 = arith.constant 0 : i32
        %dma_wait3A_469 = tpu.memref_slice %arg10[%dma_wait3A_467, %dma_wait3A_468] : memref<2048x8xf32, #tpu.memory_space<vmem>> -> memref<128x8xf32, #tpu.memory_space<vmem>>
        %dma_wait3A_470 = arith.constant 0 : i32
        %dma_wait3A_471 = arith.constant 0 : i32
        %dma_wait3A_472 = tpu.memref_slice %arg2[%dma_wait3A_470, %dma_wait3A_471] : memref<100000x8xf32, #tpu.memory_space<hbm>> -> memref<128x8xf32, #tpu.memory_space<hbm>>
        %dma_wait3A_473 = arith.constant 1920 : i32
        %dma_wait3A_474 = arith.constant 0 : i32
        %dma_wait3A_475 = tpu.memref_slice %arg10[%dma_wait3A_473, %dma_wait3A_474] : memref<2048x8xf32, #tpu.memory_space<vmem>> -> memref<128x8xf32, #tpu.memory_space<vmem>>
        %dma_wait3A_476 = arith.constant 0 : i32
        %dma_wait3A_477 = arith.constant 0 : i32
        %dma_wait3A_478 = tpu.memref_slice %arg2[%dma_wait3A_476, %dma_wait3A_477] : memref<100000x8xf32, #tpu.memory_space<hbm>> -> memref<128x8xf32, #tpu.memory_space<hbm>>
        tpu.wait_dma2 semaphore(%arg22 : memref<!tpu.dma_semaphore, #tpu.memory_space<semaphore_mem>>) src(%dma_wait3A_478 : memref<128x8xf32, #tpu.memory_space<hbm>>) dst(%dma_wait3A_475 : memref<128x8xf32, #tpu.memory_space<vmem>>)
        %dma_wait3A_479 = arith.constant 1920 : i32
        %dma_wait3A_480 = arith.constant 0 : i32
        %dma_wait3A_481 = tpu.memref_slice %arg11[%dma_wait3A_479, %dma_wait3A_480] : memref<2048x8xf32, #tpu.memory_space<vmem>> -> memref<128x8xf32, #tpu.memory_space<vmem>>
        %dma_wait3A_482 = arith.constant 0 : i32
        %dma_wait3A_483 = arith.constant 0 : i32
        %dma_wait3A_484 = tpu.memref_slice %arg2[%dma_wait3A_482, %dma_wait3A_483] : memref<100000x8xf32, #tpu.memory_space<hbm>> -> memref<128x8xf32, #tpu.memory_space<hbm>>
        %dma_wait3A_485 = arith.constant 1920 : i32
        %dma_wait3A_486 = arith.constant 0 : i32
        %dma_wait3A_487 = tpu.memref_slice %arg11[%dma_wait3A_485, %dma_wait3A_486] : memref<2048x8xf32, #tpu.memory_space<vmem>> -> memref<128x8xf32, #tpu.memory_space<vmem>>
        %dma_wait3A_488 = arith.constant 0 : i32
        %dma_wait3A_489 = arith.constant 0 : i32
        %dma_wait3A_490 = tpu.memref_slice %arg2[%dma_wait3A_488, %dma_wait3A_489] : memref<100000x8xf32, #tpu.memory_space<hbm>> -> memref<128x8xf32, #tpu.memory_space<hbm>>
        tpu.wait_dma2 semaphore(%arg23 : memref<!tpu.dma_semaphore, #tpu.memory_space<semaphore_mem>>) src(%dma_wait3A_490 : memref<128x8xf32, #tpu.memory_space<hbm>>) dst(%dma_wait3A_487 : memref<128x8xf32, #tpu.memory_space<vmem>>)
        %mul3A_491 = arith.constant 2048 : i32
        %mul3A_492 = arith.muli %add3A_61, %mul3A_491 : i32
        %scan3A_493 = arith.constant 0 : i32
        %scan3A_494 = arith.constant 0 : i32
        %scan3A_495 = arith.constant 128 : i32
        %scan3A_496 = arith.addi %scan3A_494, %scan3A_495 : i32
        %scan3A_497 = arith.constant 1 : i32
        scf.for %scan3A_510 = %scan3A_494 to %scan3A_496 step %scan3A_497  : i32 {
          %mul3A_511 = arith.constant 16 : i32
          %mul3A_512 = arith.muli %scan3A_510, %mul3A_511 : i32
          %add3A_513 = vector.broadcast %mul3A_512 : i32 to vector<16xi32>
          %add3A_514 = arith.addi %add3A_513, %iota3A : vector<16xi32>
          %jit3A = arith.constant 8 : i32
          %div3A = arith.divsi %scan3A_510, %jit3A : i32
          %sign3A = arith.constant 0 : i32
          %sign3A_515 = arith.cmpi sgt, %scan3A_510, %sign3A : i32
          %sign3A_516 = arith.extui %sign3A_515 : i1 to i32
          %sign3A_517 = arith.constant 0 : i32
          %sign3A_518 = arith.cmpi slt, %scan3A_510, %sign3A_517 : i32
          %sign3A_519 = arith.extui %sign3A_518 : i1 to i32
          %sign3A_520 = arith.subi %sign3A_516, %sign3A_519 : i32
          %sign3A_521 = arith.constant 0 : i32
          %sign3A_522 = arith.cmpi sgt, %jit3A, %sign3A_521 : i32
          %sign3A_523 = arith.extui %sign3A_522 : i1 to i32
          %sign3A_524 = arith.constant 0 : i32
          %sign3A_525 = arith.cmpi slt, %jit3A, %sign3A_524 : i32
          %sign3A_526 = arith.extui %sign3A_525 : i1 to i32
          %sign3A_527 = arith.subi %sign3A_523, %sign3A_526 : i32
          %ne3A = arith.cmpi ne, %sign3A_520, %sign3A_527 : i32
          %rem3A = arith.remsi %scan3A_510, %jit3A : i32
          %ne3A_528 = arith.constant 0 : i32
          %ne3A_529 = arith.cmpi ne, %rem3A, %ne3A_528 : i32
          %and3A_530 = arith.andi %ne3A, %ne3A_529 : i1
          %sub3A = arith.constant 1 : i32
          %sub3A_531 = arith.subi %div3A, %sub3A : i32
          %select_n3A = arith.select %and3A_530, %sub3A_531, %div3A : i32
          %jit3A_532 = arith.constant 8 : i32
          %eq3A = arith.constant 0 : i32
          %eq3A_533 = arith.cmpi eq, %jit3A_532, %eq3A : i32
          %jit3A_534 = arith.constant 1 : i32
          %select_n3A_535 = arith.select %eq3A_533, %jit3A_534, %jit3A_532 : i32
          %rem3A_536 = arith.remsi %scan3A_510, %select_n3A_535 : i32
          %ne3A_537 = arith.constant 0 : i32
          %ne3A_538 = arith.cmpi ne, %rem3A_536, %ne3A_537 : i32
          %lt3A_539 = arith.constant 0 : i32
          %lt3A_540 = arith.cmpi slt, %rem3A_536, %lt3A_539 : i32
          %lt3A_541 = arith.constant 0 : i32
          %lt3A_542 = arith.cmpi slt, %select_n3A_535, %lt3A_541 : i32
          %ne3A_543 = arith.xori %lt3A_540, %lt3A_542 : i1
          %and3A_544 = arith.andi %ne3A_543, %ne3A_538 : i1
          %add3A_545 = arith.addi %rem3A_536, %select_n3A_535 : i32
          %select_n3A_546 = arith.select %and3A_544, %add3A_545, %rem3A_536 : i32
          %mul3A_547 = arith.constant 16 : i32
          %mul3A_548 = arith.muli %select_n3A_546, %mul3A_547 : i32
          %gather3A = tpu.vector_load_idx %arg11[%add3A_514, %broadcast_in_dim3A_1] : memref<2048x8xf32, #tpu.memory_space<vmem>>[vector<16xi32>, vector<16xi32>], vector<16xf32>,
          %gather3A_549 = tpu.vector_load_idx %arg10[%add3A_514, %broadcast_in_dim3A_1] : memref<2048x8xf32, #tpu.memory_space<vmem>>[vector<16xi32>, vector<16xi32>], vector<16xf32>,
          %sub3A_550 = arith.subf %gather3A, %gather3A_549 : vector<16xf32>
          %gather3A_551 = tpu.vector_load_idx %arg11[%add3A_514, %add3A_4] : memref<2048x8xf32, #tpu.memory_space<vmem>>[vector<16xi32>, vector<16xi32>], vector<16xf32>,
          %gather3A_552 = tpu.vector_load_idx %arg10[%add3A_514, %add3A_4] : memref<2048x8xf32, #tpu.memory_space<vmem>>[vector<16xi32>, vector<16xi32>], vector<16xf32>,
          %sub3A_553 = arith.subf %gather3A_551, %gather3A_552 : vector<16xf32>
          %gather3A_554 = tpu.vector_load_idx %arg11[%add3A_514, %add3A_7] : memref<2048x8xf32, #tpu.memory_space<vmem>>[vector<16xi32>, vector<16xi32>], vector<16xf32>,
          %gather3A_555 = tpu.vector_load_idx %arg10[%add3A_514, %add3A_7] : memref<2048x8xf32, #tpu.memory_space<vmem>>[vector<16xi32>, vector<16xi32>], vector<16xf32>,
          %sub3A_556 = arith.subf %gather3A_554, %gather3A_555 : vector<16xf32>
          %swap3A = arith.constant 0 : i32
          %swap3A_557 = arith.index_cast %select_n3A : i32 to index
          %swap3A_558 = arith.index_cast %swap3A : i32 to index
          %swap3A_559 = arith.index_cast %mul3A_548 : i32 to index
          %swap3A_560 = tpu.vector_load %arg16[%swap3A_557, %swap3A_558, %swap3A_559] {strides = array<i32>} : memref<16x4x128xf32, #tpu.memory_space<vmem>>, vector<16xf32>,
          tpu.vector_store %arg16[%swap3A_557, %swap3A_558, %swap3A_559], %sub3A_550 {strides = array<i32>} : memref<16x4x128xf32, #tpu.memory_space<vmem>>, vector<16xf32>,
          %swap3A_561 = arith.constant 1 : i32
          %swap3A_562 = arith.index_cast %select_n3A : i32 to index
          %swap3A_563 = arith.index_cast %swap3A_561 : i32 to index
          %swap3A_564 = arith.index_cast %mul3A_548 : i32 to index
          %swap3A_565 = tpu.vector_load %arg16[%swap3A_562, %swap3A_563, %swap3A_564] {strides = array<i32>} : memref<16x4x128xf32, #tpu.memory_space<vmem>>, vector<16xf32>,
          tpu.vector_store %arg16[%swap3A_562, %swap3A_563, %swap3A_564], %sub3A_553 {strides = array<i32>} : memref<16x4x128xf32, #tpu.memory_space<vmem>>, vector<16xf32>,
          %swap3A_566 = arith.constant 2 : i32
          %swap3A_567 = arith.index_cast %select_n3A : i32 to index
          %swap3A_568 = arith.index_cast %swap3A_566 : i32 to index
          %swap3A_569 = arith.index_cast %mul3A_548 : i32 to index
          %swap3A_570 = tpu.vector_load %arg16[%swap3A_567, %swap3A_568, %swap3A_569] {strides = array<i32>} : memref<16x4x128xf32, #tpu.memory_space<vmem>>, vector<16xf32>,
          tpu.vector_store %arg16[%swap3A_567, %swap3A_568, %swap3A_569], %sub3A_556 {strides = array<i32>} : memref<16x4x128xf32, #tpu.memory_space<vmem>>, vector<16xf32>,
          %mul3A_571 = arith.mulf %sub3A_550, %sub3A_550 : vector<16xf32>
          %mul3A_572 = arith.mulf %sub3A_553, %sub3A_553 : vector<16xf32>
          %add3A_573 = arith.addf %mul3A_571, %mul3A_572 : vector<16xf32>
          %mul3A_574 = arith.mulf %sub3A_556, %sub3A_556 : vector<16xf32>
          %add3A_575 = arith.addf %add3A_573, %mul3A_574 : vector<16xf32>
          %bitcast3A = vector.bitcast %add3A_575 : vector<16xf32> to vector<16xi32>
          %shift_right_arithmetic3A = arith.constant 1 : i32
          %shift_right_arithmetic3A_576 = vector.broadcast %shift_right_arithmetic3A : i32 to vector<16xi32>
          %shift_right_arithmetic3A_577 = arith.shrsi %bitcast3A, %shift_right_arithmetic3A_576 : vector<16xi32>
          %sub3A_578 = arith.constant 1597463007 : i32
          %sub3A_579 = vector.broadcast %sub3A_578 : i32 to vector<16xi32>
          %sub3A_580 = arith.subi %sub3A_579, %shift_right_arithmetic3A_577 : vector<16xi32>
          %bitcast3A_581 = vector.bitcast %sub3A_580 : vector<16xi32> to vector<16xf32>
          %mul3A_582 = arith.constant 5.000000e-01 : f32
          %mul3A_583 = vector.broadcast %mul3A_582 : f32 to vector<16xf32>
          %mul3A_584 = arith.mulf %mul3A_583, %add3A_575 : vector<16xf32>
          %mul3A_585 = arith.mulf %mul3A_584, %bitcast3A_581 : vector<16xf32>
          %mul3A_586 = arith.mulf %mul3A_585, %bitcast3A_581 : vector<16xf32>
          %sub3A_587 = arith.constant 1.500000e+00 : f32
          %sub3A_588 = vector.broadcast %sub3A_587 : f32 to vector<16xf32>
          %sub3A_589 = arith.subf %sub3A_588, %mul3A_586 : vector<16xf32>
          %mul3A_590 = arith.mulf %bitcast3A_581, %sub3A_589 : vector<16xf32>
          %mul3A_591 = arith.constant 5.000000e-01 : f32
          %mul3A_592 = vector.broadcast %mul3A_591 : f32 to vector<16xf32>
          %mul3A_593 = arith.mulf %mul3A_592, %add3A_575 : vector<16xf32>
          %mul3A_594 = arith.mulf %mul3A_593, %mul3A_590 : vector<16xf32>
          %mul3A_595 = arith.mulf %mul3A_594, %mul3A_590 : vector<16xf32>
          %sub3A_596 = arith.constant 1.500000e+00 : f32
          %sub3A_597 = vector.broadcast %sub3A_596 : f32 to vector<16xf32>
          %sub3A_598 = arith.subf %sub3A_597, %mul3A_595 : vector<16xf32>
          %mul3A_599 = arith.mulf %mul3A_590, %sub3A_598 : vector<16xf32>
          %mul3A_600 = arith.constant 5.000000e-01 : f32
          %mul3A_601 = vector.broadcast %mul3A_600 : f32 to vector<16xf32>
          %mul3A_602 = arith.mulf %mul3A_601, %add3A_575 : vector<16xf32>
          %mul3A_603 = arith.mulf %mul3A_602, %mul3A_599 : vector<16xf32>
          %mul3A_604 = arith.mulf %mul3A_603, %mul3A_599 : vector<16xf32>
          %sub3A_605 = arith.constant 1.500000e+00 : f32
          %sub3A_606 = vector.broadcast %sub3A_605 : f32 to vector<16xf32>
          %sub3A_607 = arith.subf %sub3A_606, %mul3A_604 : vector<16xf32>
          %mul3A_608 = arith.mulf %mul3A_599, %sub3A_607 : vector<16xf32>
          %mul3A_609 = arith.mulf %add3A_575, %mul3A_608 : vector<16xf32>
          %eq3A_610 = arith.constant 0.000000e+00 : f32
          %eq3A_611 = vector.broadcast %eq3A_610 : f32 to vector<16xf32>
          %eq3A_612 = arith.cmpf oeq, %add3A_575, %eq3A_611 : vector<16xf32>
          %jit3A_613 = arith.constant 0.000000e+00 : f32
          %broadcast_in_dim3A_614 = vector.broadcast %jit3A_613 : f32 to vector<16xf32>
          %select_n3A_615 = arith.select %eq3A_612, %broadcast_in_dim3A_614, %mul3A_609 : vector<16xi1>, vector<16xf32>
          %mul3A_616 = arith.constant 16 : i32
          %mul3A_617 = arith.muli %scan3A_510, %mul3A_616 : i32
          %swap3A_618 = arith.index_cast %mul3A_617 : i32 to index
          %swap3A_619 = tpu.vector_load %arg17[%swap3A_618] {strides = array<i32>} : memref<2048xf32, #tpu.memory_space<vmem>>, vector<16xf32>,
          tpu.vector_store %arg17[%swap3A_618], %select_n3A_615 {strides = array<i32>} : memref<2048xf32, #tpu.memory_space<vmem>>, vector<16xf32>,
          %mul3A_620 = arith.constant 0.314159274 : f32
          %mul3A_621 = vector.broadcast %mul3A_620 : f32 to vector<16xf32>
          %mul3A_622 = arith.mulf %select_n3A_615, %mul3A_621 : vector<16xf32>
          %min3A = arith.constant 1.57079637 : f32
          %min3A_623 = vector.broadcast %min3A : f32 to vector<16xf32>
          %min3A_624 = arith.minimumf %mul3A_622, %min3A_623 : vector<16xf32>
          %mul3A_625 = arith.mulf %min3A_624, %min3A_624 : vector<16xf32>
          %mul3A_626 = arith.constant -1.278710e-03 : f32
          %mul3A_627 = vector.broadcast %mul3A_626 : f32 to vector<16xf32>
          %mul3A_628 = arith.mulf %mul3A_625, %mul3A_627 : vector<16xf32>
          %add3A_629 = arith.constant 0.0415117182 : f32
          %add3A_630 = vector.broadcast %add3A_629 : f32 to vector<16xf32>
          %add3A_631 = arith.addf %add3A_630, %mul3A_628 : vector<16xf32>
          %mul3A_632 = arith.mulf %mul3A_625, %add3A_631 : vector<16xf32>
          %add3A_633 = arith.constant -0.499930918 : f32
          %add3A_634 = vector.broadcast %add3A_633 : f32 to vector<16xf32>
          %add3A_635 = arith.addf %add3A_634, %mul3A_632 : vector<16xf32>
          %mul3A_636 = arith.mulf %mul3A_625, %add3A_635 : vector<16xf32>
          %add3A_637 = arith.constant 0.999995291 : f32
          %add3A_638 = vector.broadcast %add3A_637 : f32 to vector<16xf32>
          %add3A_639 = arith.addf %add3A_638, %mul3A_636 : vector<16xf32>
          %lt3A_640 = arith.constant 5.000000e+00 : f32
          %lt3A_641 = vector.broadcast %lt3A_640 : f32 to vector<16xf32>
          %lt3A_642 = arith.cmpf olt, %select_n3A_615, %lt3A_641 : vector<16xf32>
          %mul3A_643 = arith.mulf %add3A_639, %add3A_639 : vector<16xf32>
          %jit3A_644 = arith.constant 0.000000e+00 : f32
          %broadcast_in_dim3A_645 = vector.broadcast %jit3A_644 : f32 to vector<16xf32>
          %select_n3A_646 = arith.select %lt3A_642, %mul3A_643, %broadcast_in_dim3A_645 : vector<16xi1>, vector<16xf32>
          %mul3A_647 = arith.constant 16 : i32
          %mul3A_648 = arith.muli %scan3A_510, %mul3A_647 : i32
          %swap3A_649 = arith.index_cast %mul3A_648 : i32 to index
          %swap3A_650 = tpu.vector_load %arg18[%swap3A_649] {strides = array<i32>} : memref<2048xf32, #tpu.memory_space<vmem>>, vector<16xf32>,
          tpu.vector_store %arg18[%swap3A_649], %select_n3A_646 {strides = array<i32>} : memref<2048xf32, #tpu.memory_space<vmem>>, vector<16xf32>,
        }
        %scan3A_498 = arith.constant 128 : i32
        %mul3A_499 = arith.constant 16 : i32
        %mul3A_500 = arith.muli %add3A_61, %mul3A_499 : i32
        %dma_start3A = arith.constant 0 : i32
        %dma_start3A_501 = arith.constant 0 : i32
        %dma_start3A_502 = tpu.memref_slice %arg5[%mul3A_500, %dma_start3A, %dma_start3A_501] : memref<50000x4x128xf32, #tpu.memory_space<hbm>> -> memref<16x4x128xf32, #tpu.memory_space<hbm>>
        %dma_start3A_503 = arith.constant 0 : i32
        %dma_start3A_504 = arith.constant 0 : i32
        %dma_start3A_505 = tpu.memref_slice %arg5[%mul3A_500, %dma_start3A_503, %dma_start3A_504] : memref<50000x4x128xf32, #tpu.memory_space<hbm>> -> memref<16x4x128xf32, #tpu.memory_space<hbm>>
        tpu.enqueue_dma source(%arg16 : memref<16x4x128xf32, #tpu.memory_space<vmem>>) target(%dma_start3A_505 : memref<16x4x128xf32, #tpu.memory_space<hbm>>) target_semaphore(%arg26 : memref<!tpu.dma_semaphore, #tpu.memory_space<semaphore_mem>>)
        %dma_start3A_506 = tpu.memref_slice %arg6[%mul3A_492] : memref<6400000xf32, #tpu.memory_space<hbm>> -> memref<2048xf32, #tpu.memory_space<hbm>>
        %dma_start3A_507 = tpu.memref_slice %arg6[%mul3A_492] : memref<6400000xf32, #tpu.memory_space<hbm>> -> memref<2048xf32, #tpu.memory_space<hbm>>
        tpu.enqueue_dma source(%arg17 : memref<2048xf32, #tpu.memory_space<vmem>>) target(%dma_start3A_507 : memref<2048xf32, #tpu.memory_space<hbm>>) target_semaphore(%arg26 : memref<!tpu.dma_semaphore, #tpu.memory_space<semaphore_mem>>)
        %dma_start3A_508 = tpu.memref_slice %arg7[%mul3A_492] : memref<6400000xf32, #tpu.memory_space<hbm>> -> memref<2048xf32, #tpu.memory_space<hbm>>
        %dma_start3A_509 = tpu.memref_slice %arg7[%mul3A_492] : memref<6400000xf32, #tpu.memory_space<hbm>> -> memref<2048xf32, #tpu.memory_space<hbm>>
        tpu.enqueue_dma source(%arg18 : memref<2048xf32, #tpu.memory_space<vmem>>) target(%dma_start3A_509 : memref<2048xf32, #tpu.memory_space<hbm>>) target_semaphore(%arg26 : memref<!tpu.dma_semaphore, #tpu.memory_space<semaphore_mem>>)
      } else {
      }
      %mul3A_80 = arith.constant 2 : i32
      %mul3A_81 = arith.muli %mul3A_80, %scan3A_54 : i32
      %add3A_82 = arith.constant 1 : i32
      %add3A_83 = arith.addi %mul3A_81, %add3A_82 : i32
      %mul3A_84 = arith.constant 32 : i32
      %mul3A_85 = arith.muli %add3A_83, %mul3A_84 : i32
      %add3A_86 = arith.addi %add3A, %mul3A_85 : i32
      %add3A_87 = arith.constant 32 : i32
      %add3A_88 = arith.addi %add3A_86, %add3A_87 : i32
      %lt3A_89 = arith.constant 3125 : i32
      %lt3A_90 = arith.cmpi slt, %add3A_88, %lt3A_89 : i32
      %convert_element_type3A_91 = arith.extui %lt3A_90 : i1 to i32
      %cond3A_92 = arith.constant 0 : i32
      %cond3A_93 = arith.cmpi ne, %convert_element_type3A_91, %cond3A_92 : i32
      scf.if %cond3A_93 {
        %mul3A_107 = arith.constant 2048 : i32
        %mul3A_108 = arith.muli %add3A_88, %mul3A_107 : i32
        "tpu.region"() ({
          %run_scoped3A = tpu.sem_alloc : memref<!tpu.dma_semaphore, #tpu.memory_space<semaphore_mem>>
          %dma_start3A_364 = tpu.memref_slice %arg3[%mul3A_108] : memref<6400000xi32, #tpu.memory_space<hbm>> -> memref<2048xi32, #tpu.memory_space<hbm>>
          %dma_start3A_365 = tpu.memref_slice %arg3[%mul3A_108] : memref<6400000xi32, #tpu.memory_space<hbm>> -> memref<2048xi32, #tpu.memory_space<hbm>>
          tpu.enqueue_dma source(%dma_start3A_365 : memref<2048xi32, #tpu.memory_space<hbm>>) target(%arg8 : memref<2048xi32, #tpu.memory_space<vmem>>) target_semaphore(%run_scoped3A : memref<!tpu.dma_semaphore, #tpu.memory_space<semaphore_mem>>)
          %dma_wait3A_366 = tpu.memref_slice %arg3[%mul3A_108] : memref<6400000xi32, #tpu.memory_space<hbm>> -> memref<2048xi32, #tpu.memory_space<hbm>>
          %dma_wait3A_367 = tpu.memref_slice %arg3[%mul3A_108] : memref<6400000xi32, #tpu.memory_space<hbm>> -> memref<2048xi32, #tpu.memory_space<hbm>>
          tpu.wait_dma2 semaphore(%run_scoped3A : memref<!tpu.dma_semaphore, #tpu.memory_space<semaphore_mem>>) src(%dma_wait3A_367 : memref<2048xi32, #tpu.memory_space<hbm>>) dst(%arg8 : memref<2048xi32, #tpu.memory_space<vmem>>)
          tpu.yield
        }) : () -> ()
        "tpu.region"() ({
          %run_scoped3A = tpu.sem_alloc : memref<!tpu.dma_semaphore, #tpu.memory_space<semaphore_mem>>
          %dma_start3A_364 = tpu.memref_slice %arg4[%mul3A_108] : memref<6400000xi32, #tpu.memory_space<hbm>> -> memref<2048xi32, #tpu.memory_space<hbm>>
          %dma_start3A_365 = tpu.memref_slice %arg4[%mul3A_108] : memref<6400000xi32, #tpu.memory_space<hbm>> -> memref<2048xi32, #tpu.memory_space<hbm>>
          tpu.enqueue_dma source(%dma_start3A_365 : memref<2048xi32, #tpu.memory_space<hbm>>) target(%arg9 : memref<2048xi32, #tpu.memory_space<vmem>>) target_semaphore(%run_scoped3A : memref<!tpu.dma_semaphore, #tpu.memory_space<semaphore_mem>>)
          %dma_wait3A_366 = tpu.memref_slice %arg4[%mul3A_108] : memref<6400000xi32, #tpu.memory_space<hbm>> -> memref<2048xi32, #tpu.memory_space<hbm>>
          %dma_wait3A_367 = tpu.memref_slice %arg4[%mul3A_108] : memref<6400000xi32, #tpu.memory_space<hbm>> -> memref<2048xi32, #tpu.memory_space<hbm>>
          tpu.wait_dma2 semaphore(%run_scoped3A : memref<!tpu.dma_semaphore, #tpu.memory_space<semaphore_mem>>) src(%dma_wait3A_367 : memref<2048xi32, #tpu.memory_space<hbm>>) dst(%arg9 : memref<2048xi32, #tpu.memory_space<vmem>>)
          tpu.yield
        }) : () -> ()
        %dma_start3A = arith.constant 0 : i32
        %dma_start3A_109 = arith.constant 0 : i32
        %dma_start3A_110 = tpu.memref_slice %arg10[%dma_start3A, %dma_start3A_109] : memref<2048x8xf32, #tpu.memory_space<vmem>> -> memref<128x8xf32, #tpu.memory_space<vmem>>
        %dma_start3A_111 = arith.constant 0 : i32
        %dma_start3A_112 = tpu.memref_slice %arg8[%dma_start3A_111] : memref<2048xi32, #tpu.memory_space<vmem>> -> memref<128xi32, #tpu.memory_space<vmem>>
        %dma_start3A_113 = arith.constant 0 : i32
        %dma_start3A_114 = arith.constant 0 : i32
        %dma_start3A_115 = tpu.memref_slice %arg2[%dma_start3A_113, %dma_start3A_114] : memref<100000x8xf32, #tpu.memory_space<hbm>> -> memref<100000x8xf32, #tpu.memory_space<hbm>>
        tpu.enqueue_indirect_dma source(%dma_start3A_115 : memref<100000x8xf32, #tpu.memory_space<hbm>>) target(%dma_start3A_110 : memref<128x8xf32, #tpu.memory_space<vmem>>) offsets(%dma_start3A_112 : memref<128xi32, #tpu.memory_space<vmem>>) semaphore(%arg22 : memref<!tpu.dma_semaphore, #tpu.memory_space<semaphore_mem>>)
        %dma_start3A_116 = arith.constant 0 : i32
        %dma_start3A_117 = arith.constant 0 : i32
        %dma_start3A_118 = tpu.memref_slice %arg11[%dma_start3A_116, %dma_start3A_117] : memref<2048x8xf32, #tpu.memory_space<vmem>> -> memref<128x8xf32, #tpu.memory_space<vmem>>
        %dma_start3A_119 = arith.constant 0 : i32
        %dma_start3A_120 = tpu.memref_slice %arg9[%dma_start3A_119] : memref<2048xi32, #tpu.memory_space<vmem>> -> memref<128xi32, #tpu.memory_space<vmem>>
        %dma_start3A_121 = arith.constant 0 : i32
        %dma_start3A_122 = arith.constant 0 : i32
        %dma_start3A_123 = tpu.memref_slice %arg2[%dma_start3A_121, %dma_start3A_122] : memref<100000x8xf32, #tpu.memory_space<hbm>> -> memref<100000x8xf32, #tpu.memory_space<hbm>>
        tpu.enqueue_indirect_dma source(%dma_start3A_123 : memref<100000x8xf32, #tpu.memory_space<hbm>>) target(%dma_start3A_118 : memref<128x8xf32, #tpu.memory_space<vmem>>) offsets(%dma_start3A_120 : memref<128xi32, #tpu.memory_space<vmem>>) semaphore(%arg23 : memref<!tpu.dma_semaphore, #tpu.memory_space<semaphore_mem>>)
        %dma_start3A_124 = arith.constant 128 : i32
        %dma_start3A_125 = arith.constant 0 : i32
        %dma_start3A_126 = tpu.memref_slice %arg10[%dma_start3A_124, %dma_start3A_125] : memref<2048x8xf32, #tpu.memory_space<vmem>> -> memref<128x8xf32, #tpu.memory_space<vmem>>
        %dma_start3A_127 = arith.constant 128 : i32
        %dma_start3A_128 = tpu.memref_slice %arg8[%dma_start3A_127] : memref<2048xi32, #tpu.memory_space<vmem>> -> memref<128xi32, #tpu.memory_space<vmem>>
        %dma_start3A_129 = arith.constant 0 : i32
        %dma_start3A_130 = arith.constant 0 : i32
        %dma_start3A_131 = tpu.memref_slice %arg2[%dma_start3A_129, %dma_start3A_130] : memref<100000x8xf32, #tpu.memory_space<hbm>> -> memref<100000x8xf32, #tpu.memory_space<hbm>>
        tpu.enqueue_indirect_dma source(%dma_start3A_131 : memref<100000x8xf32, #tpu.memory_space<hbm>>) target(%dma_start3A_126 : memref<128x8xf32, #tpu.memory_space<vmem>>) offsets(%dma_start3A_128 : memref<128xi32, #tpu.memory_space<vmem>>) semaphore(%arg22 : memref<!tpu.dma_semaphore, #tpu.memory_space<semaphore_mem>>)
        %dma_start3A_132 = arith.constant 128 : i32
        %dma_start3A_133 = arith.constant 0 : i32
        %dma_start3A_134 = tpu.memref_slice %arg11[%dma_start3A_132, %dma_start3A_133] : memref<2048x8xf32, #tpu.memory_space<vmem>> -> memref<128x8xf32, #tpu.memory_space<vmem>>
        %dma_start3A_135 = arith.constant 128 : i32
        %dma_start3A_136 = tpu.memref_slice %arg9[%dma_start3A_135] : memref<2048xi32, #tpu.memory_space<vmem>> -> memref<128xi32, #tpu.memory_space<vmem>>
        %dma_start3A_137 = arith.constant 0 : i32
        %dma_start3A_138 = arith.constant 0 : i32
        %dma_start3A_139 = tpu.memref_slice %arg2[%dma_start3A_137, %dma_start3A_138] : memref<100000x8xf32, #tpu.memory_space<hbm>> -> memref<100000x8xf32, #tpu.memory_space<hbm>>
        tpu.enqueue_indirect_dma source(%dma_start3A_139 : memref<100000x8xf32, #tpu.memory_space<hbm>>) target(%dma_start3A_134 : memref<128x8xf32, #tpu.memory_space<vmem>>) offsets(%dma_start3A_136 : memref<128xi32, #tpu.memory_space<vmem>>) semaphore(%arg23 : memref<!tpu.dma_semaphore, #tpu.memory_space<semaphore_mem>>)
        %dma_start3A_140 = arith.constant 256 : i32
        %dma_start3A_141 = arith.constant 0 : i32
        %dma_start3A_142 = tpu.memref_slice %arg10[%dma_start3A_140, %dma_start3A_141] : memref<2048x8xf32, #tpu.memory_space<vmem>> -> memref<128x8xf32, #tpu.memory_space<vmem>>
        %dma_start3A_143 = arith.constant 256 : i32
        %dma_start3A_144 = tpu.memref_slice %arg8[%dma_start3A_143] : memref<2048xi32, #tpu.memory_space<vmem>> -> memref<128xi32, #tpu.memory_space<vmem>>
        %dma_start3A_145 = arith.constant 0 : i32
        %dma_start3A_146 = arith.constant 0 : i32
        %dma_start3A_147 = tpu.memref_slice %arg2[%dma_start3A_145, %dma_start3A_146] : memref<100000x8xf32, #tpu.memory_space<hbm>> -> memref<100000x8xf32, #tpu.memory_space<hbm>>
        tpu.enqueue_indirect_dma source(%dma_start3A_147 : memref<100000x8xf32, #tpu.memory_space<hbm>>) target(%dma_start3A_142 : memref<128x8xf32, #tpu.memory_space<vmem>>) offsets(%dma_start3A_144 : memref<128xi32, #tpu.memory_space<vmem>>) semaphore(%arg22 : memref<!tpu.dma_semaphore, #tpu.memory_space<semaphore_mem>>)
        %dma_start3A_148 = arith.constant 256 : i32
        %dma_start3A_149 = arith.constant 0 : i32
        %dma_start3A_150 = tpu.memref_slice %arg11[%dma_start3A_148, %dma_start3A_149] : memref<2048x8xf32, #tpu.memory_space<vmem>> -> memref<128x8xf32, #tpu.memory_space<vmem>>
        %dma_start3A_151 = arith.constant 256 : i32
        %dma_start3A_152 = tpu.memref_slice %arg9[%dma_start3A_151] : memref<2048xi32, #tpu.memory_space<vmem>> -> memref<128xi32, #tpu.memory_space<vmem>>
        %dma_start3A_153 = arith.constant 0 : i32
        %dma_start3A_154 = arith.constant 0 : i32
        %dma_start3A_155 = tpu.memref_slice %arg2[%dma_start3A_153, %dma_start3A_154] : memref<100000x8xf32, #tpu.memory_space<hbm>> -> memref<100000x8xf32, #tpu.memory_space<hbm>>
        tpu.enqueue_indirect_dma source(%dma_start3A_155 : memref<100000x8xf32, #tpu.memory_space<hbm>>) target(%dma_start3A_150 : memref<128x8xf32, #tpu.memory_space<vmem>>) offsets(%dma_start3A_152 : memref<128xi32, #tpu.memory_space<vmem>>) semaphore(%arg23 : memref<!tpu.dma_semaphore, #tpu.memory_space<semaphore_mem>>)
        %dma_start3A_156 = arith.constant 384 : i32
        %dma_start3A_157 = arith.constant 0 : i32
        %dma_start3A_158 = tpu.memref_slice %arg10[%dma_start3A_156, %dma_start3A_157] : memref<2048x8xf32, #tpu.memory_space<vmem>> -> memref<128x8xf32, #tpu.memory_space<vmem>>
        %dma_start3A_159 = arith.constant 384 : i32
        %dma_start3A_160 = tpu.memref_slice %arg8[%dma_start3A_159] : memref<2048xi32, #tpu.memory_space<vmem>> -> memref<128xi32, #tpu.memory_space<vmem>>
        %dma_start3A_161 = arith.constant 0 : i32
        %dma_start3A_162 = arith.constant 0 : i32
        %dma_start3A_163 = tpu.memref_slice %arg2[%dma_start3A_161, %dma_start3A_162] : memref<100000x8xf32, #tpu.memory_space<hbm>> -> memref<100000x8xf32, #tpu.memory_space<hbm>>
        tpu.enqueue_indirect_dma source(%dma_start3A_163 : memref<100000x8xf32, #tpu.memory_space<hbm>>) target(%dma_start3A_158 : memref<128x8xf32, #tpu.memory_space<vmem>>) offsets(%dma_start3A_160 : memref<128xi32, #tpu.memory_space<vmem>>) semaphore(%arg22 : memref<!tpu.dma_semaphore, #tpu.memory_space<semaphore_mem>>)
        %dma_start3A_164 = arith.constant 384 : i32
        %dma_start3A_165 = arith.constant 0 : i32
        %dma_start3A_166 = tpu.memref_slice %arg11[%dma_start3A_164, %dma_start3A_165] : memref<2048x8xf32, #tpu.memory_space<vmem>> -> memref<128x8xf32, #tpu.memory_space<vmem>>
        %dma_start3A_167 = arith.constant 384 : i32
        %dma_start3A_168 = tpu.memref_slice %arg9[%dma_start3A_167] : memref<2048xi32, #tpu.memory_space<vmem>> -> memref<128xi32, #tpu.memory_space<vmem>>
        %dma_start3A_169 = arith.constant 0 : i32
        %dma_start3A_170 = arith.constant 0 : i32
        %dma_start3A_171 = tpu.memref_slice %arg2[%dma_start3A_169, %dma_start3A_170] : memref<100000x8xf32, #tpu.memory_space<hbm>> -> memref<100000x8xf32, #tpu.memory_space<hbm>>
        tpu.enqueue_indirect_dma source(%dma_start3A_171 : memref<100000x8xf32, #tpu.memory_space<hbm>>) target(%dma_start3A_166 : memref<128x8xf32, #tpu.memory_space<vmem>>) offsets(%dma_start3A_168 : memref<128xi32, #tpu.memory_space<vmem>>) semaphore(%arg23 : memref<!tpu.dma_semaphore, #tpu.memory_space<semaphore_mem>>)
        %dma_start3A_172 = arith.constant 512 : i32
        %dma_start3A_173 = arith.constant 0 : i32
        %dma_start3A_174 = tpu.memref_slice %arg10[%dma_start3A_172, %dma_start3A_173] : memref<2048x8xf32, #tpu.memory_space<vmem>> -> memref<128x8xf32, #tpu.memory_space<vmem>>
        %dma_start3A_175 = arith.constant 512 : i32
        %dma_start3A_176 = tpu.memref_slice %arg8[%dma_start3A_175] : memref<2048xi32, #tpu.memory_space<vmem>> -> memref<128xi32, #tpu.memory_space<vmem>>
        %dma_start3A_177 = arith.constant 0 : i32
        %dma_start3A_178 = arith.constant 0 : i32
        %dma_start3A_179 = tpu.memref_slice %arg2[%dma_start3A_177, %dma_start3A_178] : memref<100000x8xf32, #tpu.memory_space<hbm>> -> memref<100000x8xf32, #tpu.memory_space<hbm>>
        tpu.enqueue_indirect_dma source(%dma_start3A_179 : memref<100000x8xf32, #tpu.memory_space<hbm>>) target(%dma_start3A_174 : memref<128x8xf32, #tpu.memory_space<vmem>>) offsets(%dma_start3A_176 : memref<128xi32, #tpu.memory_space<vmem>>) semaphore(%arg22 : memref<!tpu.dma_semaphore, #tpu.memory_space<semaphore_mem>>)
        %dma_start3A_180 = arith.constant 512 : i32
        %dma_start3A_181 = arith.constant 0 : i32
        %dma_start3A_182 = tpu.memref_slice %arg11[%dma_start3A_180, %dma_start3A_181] : memref<2048x8xf32, #tpu.memory_space<vmem>> -> memref<128x8xf32, #tpu.memory_space<vmem>>
        %dma_start3A_183 = arith.constant 512 : i32
        %dma_start3A_184 = tpu.memref_slice %arg9[%dma_start3A_183] : memref<2048xi32, #tpu.memory_space<vmem>> -> memref<128xi32, #tpu.memory_space<vmem>>
        %dma_start3A_185 = arith.constant 0 : i32
        %dma_start3A_186 = arith.constant 0 : i32
        %dma_start3A_187 = tpu.memref_slice %arg2[%dma_start3A_185, %dma_start3A_186] : memref<100000x8xf32, #tpu.memory_space<hbm>> -> memref<100000x8xf32, #tpu.memory_space<hbm>>
        tpu.enqueue_indirect_dma source(%dma_start3A_187 : memref<100000x8xf32, #tpu.memory_space<hbm>>) target(%dma_start3A_182 : memref<128x8xf32, #tpu.memory_space<vmem>>) offsets(%dma_start3A_184 : memref<128xi32, #tpu.memory_space<vmem>>) semaphore(%arg23 : memref<!tpu.dma_semaphore, #tpu.memory_space<semaphore_mem>>)
        %dma_start3A_188 = arith.constant 640 : i32
        %dma_start3A_189 = arith.constant 0 : i32
        %dma_start3A_190 = tpu.memref_slice %arg10[%dma_start3A_188, %dma_start3A_189] : memref<2048x8xf32, #tpu.memory_space<vmem>> -> memref<128x8xf32, #tpu.memory_space<vmem>>
        %dma_start3A_191 = arith.constant 640 : i32
        %dma_start3A_192 = tpu.memref_slice %arg8[%dma_start3A_191] : memref<2048xi32, #tpu.memory_space<vmem>> -> memref<128xi32, #tpu.memory_space<vmem>>
        %dma_start3A_193 = arith.constant 0 : i32
        %dma_start3A_194 = arith.constant 0 : i32
        %dma_start3A_195 = tpu.memref_slice %arg2[%dma_start3A_193, %dma_start3A_194] : memref<100000x8xf32, #tpu.memory_space<hbm>> -> memref<100000x8xf32, #tpu.memory_space<hbm>>
        tpu.enqueue_indirect_dma source(%dma_start3A_195 : memref<100000x8xf32, #tpu.memory_space<hbm>>) target(%dma_start3A_190 : memref<128x8xf32, #tpu.memory_space<vmem>>) offsets(%dma_start3A_192 : memref<128xi32, #tpu.memory_space<vmem>>) semaphore(%arg22 : memref<!tpu.dma_semaphore, #tpu.memory_space<semaphore_mem>>)
        %dma_start3A_196 = arith.constant 640 : i32
        %dma_start3A_197 = arith.constant 0 : i32
        %dma_start3A_198 = tpu.memref_slice %arg11[%dma_start3A_196, %dma_start3A_197] : memref<2048x8xf32, #tpu.memory_space<vmem>> -> memref<128x8xf32, #tpu.memory_space<vmem>>
        %dma_start3A_199 = arith.constant 640 : i32
        %dma_start3A_200 = tpu.memref_slice %arg9[%dma_start3A_199] : memref<2048xi32, #tpu.memory_space<vmem>> -> memref<128xi32, #tpu.memory_space<vmem>>
        %dma_start3A_201 = arith.constant 0 : i32
        %dma_start3A_202 = arith.constant 0 : i32
        %dma_start3A_203 = tpu.memref_slice %arg2[%dma_start3A_201, %dma_start3A_202] : memref<100000x8xf32, #tpu.memory_space<hbm>> -> memref<100000x8xf32, #tpu.memory_space<hbm>>
        tpu.enqueue_indirect_dma source(%dma_start3A_203 : memref<100000x8xf32, #tpu.memory_space<hbm>>) target(%dma_start3A_198 : memref<128x8xf32, #tpu.memory_space<vmem>>) offsets(%dma_start3A_200 : memref<128xi32, #tpu.memory_space<vmem>>) semaphore(%arg23 : memref<!tpu.dma_semaphore, #tpu.memory_space<semaphore_mem>>)
        %dma_start3A_204 = arith.constant 768 : i32
        %dma_start3A_205 = arith.constant 0 : i32
        %dma_start3A_206 = tpu.memref_slice %arg10[%dma_start3A_204, %dma_start3A_205] : memref<2048x8xf32, #tpu.memory_space<vmem>> -> memref<128x8xf32, #tpu.memory_space<vmem>>
        %dma_start3A_207 = arith.constant 768 : i32
        %dma_start3A_208 = tpu.memref_slice %arg8[%dma_start3A_207] : memref<2048xi32, #tpu.memory_space<vmem>> -> memref<128xi32, #tpu.memory_space<vmem>>
        %dma_start3A_209 = arith.constant 0 : i32
        %dma_start3A_210 = arith.constant 0 : i32
        %dma_start3A_211 = tpu.memref_slice %arg2[%dma_start3A_209, %dma_start3A_210] : memref<100000x8xf32, #tpu.memory_space<hbm>> -> memref<100000x8xf32, #tpu.memory_space<hbm>>
        tpu.enqueue_indirect_dma source(%dma_start3A_211 : memref<100000x8xf32, #tpu.memory_space<hbm>>) target(%dma_start3A_206 : memref<128x8xf32, #tpu.memory_space<vmem>>) offsets(%dma_start3A_208 : memref<128xi32, #tpu.memory_space<vmem>>) semaphore(%arg22 : memref<!tpu.dma_semaphore, #tpu.memory_space<semaphore_mem>>)
        %dma_start3A_212 = arith.constant 768 : i32
        %dma_start3A_213 = arith.constant 0 : i32
        %dma_start3A_214 = tpu.memref_slice %arg11[%dma_start3A_212, %dma_start3A_213] : memref<2048x8xf32, #tpu.memory_space<vmem>> -> memref<128x8xf32, #tpu.memory_space<vmem>>
        %dma_start3A_215 = arith.constant 768 : i32
        %dma_start3A_216 = tpu.memref_slice %arg9[%dma_start3A_215] : memref<2048xi32, #tpu.memory_space<vmem>> -> memref<128xi32, #tpu.memory_space<vmem>>
        %dma_start3A_217 = arith.constant 0 : i32
        %dma_start3A_218 = arith.constant 0 : i32
        %dma_start3A_219 = tpu.memref_slice %arg2[%dma_start3A_217, %dma_start3A_218] : memref<100000x8xf32, #tpu.memory_space<hbm>> -> memref<100000x8xf32, #tpu.memory_space<hbm>>
        tpu.enqueue_indirect_dma source(%dma_start3A_219 : memref<100000x8xf32, #tpu.memory_space<hbm>>) target(%dma_start3A_214 : memref<128x8xf32, #tpu.memory_space<vmem>>) offsets(%dma_start3A_216 : memref<128xi32, #tpu.memory_space<vmem>>) semaphore(%arg23 : memref<!tpu.dma_semaphore, #tpu.memory_space<semaphore_mem>>)
        %dma_start3A_220 = arith.constant 896 : i32
        %dma_start3A_221 = arith.constant 0 : i32
        %dma_start3A_222 = tpu.memref_slice %arg10[%dma_start3A_220, %dma_start3A_221] : memref<2048x8xf32, #tpu.memory_space<vmem>> -> memref<128x8xf32, #tpu.memory_space<vmem>>
        %dma_start3A_223 = arith.constant 896 : i32
        %dma_start3A_224 = tpu.memref_slice %arg8[%dma_start3A_223] : memref<2048xi32, #tpu.memory_space<vmem>> -> memref<128xi32, #tpu.memory_space<vmem>>
        %dma_start3A_225 = arith.constant 0 : i32
        %dma_start3A_226 = arith.constant 0 : i32
        %dma_start3A_227 = tpu.memref_slice %arg2[%dma_start3A_225, %dma_start3A_226] : memref<100000x8xf32, #tpu.memory_space<hbm>> -> memref<100000x8xf32, #tpu.memory_space<hbm>>
        tpu.enqueue_indirect_dma source(%dma_start3A_227 : memref<100000x8xf32, #tpu.memory_space<hbm>>) target(%dma_start3A_222 : memref<128x8xf32, #tpu.memory_space<vmem>>) offsets(%dma_start3A_224 : memref<128xi32, #tpu.memory_space<vmem>>) semaphore(%arg22 : memref<!tpu.dma_semaphore, #tpu.memory_space<semaphore_mem>>)
        %dma_start3A_228 = arith.constant 896 : i32
        %dma_start3A_229 = arith.constant 0 : i32
        %dma_start3A_230 = tpu.memref_slice %arg11[%dma_start3A_228, %dma_start3A_229] : memref<2048x8xf32, #tpu.memory_space<vmem>> -> memref<128x8xf32, #tpu.memory_space<vmem>>
        %dma_start3A_231 = arith.constant 896 : i32
        %dma_start3A_232 = tpu.memref_slice %arg9[%dma_start3A_231] : memref<2048xi32, #tpu.memory_space<vmem>> -> memref<128xi32, #tpu.memory_space<vmem>>
        %dma_start3A_233 = arith.constant 0 : i32
        %dma_start3A_234 = arith.constant 0 : i32
        %dma_start3A_235 = tpu.memref_slice %arg2[%dma_start3A_233, %dma_start3A_234] : memref<100000x8xf32, #tpu.memory_space<hbm>> -> memref<100000x8xf32, #tpu.memory_space<hbm>>
        tpu.enqueue_indirect_dma source(%dma_start3A_235 : memref<100000x8xf32, #tpu.memory_space<hbm>>) target(%dma_start3A_230 : memref<128x8xf32, #tpu.memory_space<vmem>>) offsets(%dma_start3A_232 : memref<128xi32, #tpu.memory_space<vmem>>) semaphore(%arg23 : memref<!tpu.dma_semaphore, #tpu.memory_space<semaphore_mem>>)
        %dma_start3A_236 = arith.constant 1024 : i32
        %dma_start3A_237 = arith.constant 0 : i32
        %dma_start3A_238 = tpu.memref_slice %arg10[%dma_start3A_236, %dma_start3A_237] : memref<2048x8xf32, #tpu.memory_space<vmem>> -> memref<128x8xf32, #tpu.memory_space<vmem>>
        %dma_start3A_239 = arith.constant 1024 : i32
        %dma_start3A_240 = tpu.memref_slice %arg8[%dma_start3A_239] : memref<2048xi32, #tpu.memory_space<vmem>> -> memref<128xi32, #tpu.memory_space<vmem>>
        %dma_start3A_241 = arith.constant 0 : i32
        %dma_start3A_242 = arith.constant 0 : i32
        %dma_start3A_243 = tpu.memref_slice %arg2[%dma_start3A_241, %dma_start3A_242] : memref<100000x8xf32, #tpu.memory_space<hbm>> -> memref<100000x8xf32, #tpu.memory_space<hbm>>
        tpu.enqueue_indirect_dma source(%dma_start3A_243 : memref<100000x8xf32, #tpu.memory_space<hbm>>) target(%dma_start3A_238 : memref<128x8xf32, #tpu.memory_space<vmem>>) offsets(%dma_start3A_240 : memref<128xi32, #tpu.memory_space<vmem>>) semaphore(%arg22 : memref<!tpu.dma_semaphore, #tpu.memory_space<semaphore_mem>>)
        %dma_start3A_244 = arith.constant 1024 : i32
        %dma_start3A_245 = arith.constant 0 : i32
        %dma_start3A_246 = tpu.memref_slice %arg11[%dma_start3A_244, %dma_start3A_245] : memref<2048x8xf32, #tpu.memory_space<vmem>> -> memref<128x8xf32, #tpu.memory_space<vmem>>
        %dma_start3A_247 = arith.constant 1024 : i32
        %dma_start3A_248 = tpu.memref_slice %arg9[%dma_start3A_247] : memref<2048xi32, #tpu.memory_space<vmem>> -> memref<128xi32, #tpu.memory_space<vmem>>
        %dma_start3A_249 = arith.constant 0 : i32
        %dma_start3A_250 = arith.constant 0 : i32
        %dma_start3A_251 = tpu.memref_slice %arg2[%dma_start3A_249, %dma_start3A_250] : memref<100000x8xf32, #tpu.memory_space<hbm>> -> memref<100000x8xf32, #tpu.memory_space<hbm>>
        tpu.enqueue_indirect_dma source(%dma_start3A_251 : memref<100000x8xf32, #tpu.memory_space<hbm>>) target(%dma_start3A_246 : memref<128x8xf32, #tpu.memory_space<vmem>>) offsets(%dma_start3A_248 : memref<128xi32, #tpu.memory_space<vmem>>) semaphore(%arg23 : memref<!tpu.dma_semaphore, #tpu.memory_space<semaphore_mem>>)
        %dma_start3A_252 = arith.constant 1152 : i32
        %dma_start3A_253 = arith.constant 0 : i32
        %dma_start3A_254 = tpu.memref_slice %arg10[%dma_start3A_252, %dma_start3A_253] : memref<2048x8xf32, #tpu.memory_space<vmem>> -> memref<128x8xf32, #tpu.memory_space<vmem>>
        %dma_start3A_255 = arith.constant 1152 : i32
        %dma_start3A_256 = tpu.memref_slice %arg8[%dma_start3A_255] : memref<2048xi32, #tpu.memory_space<vmem>> -> memref<128xi32, #tpu.memory_space<vmem>>
        %dma_start3A_257 = arith.constant 0 : i32
        %dma_start3A_258 = arith.constant 0 : i32
        %dma_start3A_259 = tpu.memref_slice %arg2[%dma_start3A_257, %dma_start3A_258] : memref<100000x8xf32, #tpu.memory_space<hbm>> -> memref<100000x8xf32, #tpu.memory_space<hbm>>
        tpu.enqueue_indirect_dma source(%dma_start3A_259 : memref<100000x8xf32, #tpu.memory_space<hbm>>) target(%dma_start3A_254 : memref<128x8xf32, #tpu.memory_space<vmem>>) offsets(%dma_start3A_256 : memref<128xi32, #tpu.memory_space<vmem>>) semaphore(%arg22 : memref<!tpu.dma_semaphore, #tpu.memory_space<semaphore_mem>>)
        %dma_start3A_260 = arith.constant 1152 : i32
        %dma_start3A_261 = arith.constant 0 : i32
        %dma_start3A_262 = tpu.memref_slice %arg11[%dma_start3A_260, %dma_start3A_261] : memref<2048x8xf32, #tpu.memory_space<vmem>> -> memref<128x8xf32, #tpu.memory_space<vmem>>
        %dma_start3A_263 = arith.constant 1152 : i32
        %dma_start3A_264 = tpu.memref_slice %arg9[%dma_start3A_263] : memref<2048xi32, #tpu.memory_space<vmem>> -> memref<128xi32, #tpu.memory_space<vmem>>
        %dma_start3A_265 = arith.constant 0 : i32
        %dma_start3A_266 = arith.constant 0 : i32
        %dma_start3A_267 = tpu.memref_slice %arg2[%dma_start3A_265, %dma_start3A_266] : memref<100000x8xf32, #tpu.memory_space<hbm>> -> memref<100000x8xf32, #tpu.memory_space<hbm>>
        tpu.enqueue_indirect_dma source(%dma_start3A_267 : memref<100000x8xf32, #tpu.memory_space<hbm>>) target(%dma_start3A_262 : memref<128x8xf32, #tpu.memory_space<vmem>>) offsets(%dma_start3A_264 : memref<128xi32, #tpu.memory_space<vmem>>) semaphore(%arg23 : memref<!tpu.dma_semaphore, #tpu.memory_space<semaphore_mem>>)
        %dma_start3A_268 = arith.constant 1280 : i32
        %dma_start3A_269 = arith.constant 0 : i32
        %dma_start3A_270 = tpu.memref_slice %arg10[%dma_start3A_268, %dma_start3A_269] : memref<2048x8xf32, #tpu.memory_space<vmem>> -> memref<128x8xf32, #tpu.memory_space<vmem>>
        %dma_start3A_271 = arith.constant 1280 : i32
        %dma_start3A_272 = tpu.memref_slice %arg8[%dma_start3A_271] : memref<2048xi32, #tpu.memory_space<vmem>> -> memref<128xi32, #tpu.memory_space<vmem>>
        %dma_start3A_273 = arith.constant 0 : i32
        %dma_start3A_274 = arith.constant 0 : i32
        %dma_start3A_275 = tpu.memref_slice %arg2[%dma_start3A_273, %dma_start3A_274] : memref<100000x8xf32, #tpu.memory_space<hbm>> -> memref<100000x8xf32, #tpu.memory_space<hbm>>
        tpu.enqueue_indirect_dma source(%dma_start3A_275 : memref<100000x8xf32, #tpu.memory_space<hbm>>) target(%dma_start3A_270 : memref<128x8xf32, #tpu.memory_space<vmem>>) offsets(%dma_start3A_272 : memref<128xi32, #tpu.memory_space<vmem>>) semaphore(%arg22 : memref<!tpu.dma_semaphore, #tpu.memory_space<semaphore_mem>>)
        %dma_start3A_276 = arith.constant 1280 : i32
        %dma_start3A_277 = arith.constant 0 : i32
        %dma_start3A_278 = tpu.memref_slice %arg11[%dma_start3A_276, %dma_start3A_277] : memref<2048x8xf32, #tpu.memory_space<vmem>> -> memref<128x8xf32, #tpu.memory_space<vmem>>
        %dma_start3A_279 = arith.constant 1280 : i32
        %dma_start3A_280 = tpu.memref_slice %arg9[%dma_start3A_279] : memref<2048xi32, #tpu.memory_space<vmem>> -> memref<128xi32, #tpu.memory_space<vmem>>
        %dma_start3A_281 = arith.constant 0 : i32
        %dma_start3A_282 = arith.constant 0 : i32
        %dma_start3A_283 = tpu.memref_slice %arg2[%dma_start3A_281, %dma_start3A_282] : memref<100000x8xf32, #tpu.memory_space<hbm>> -> memref<100000x8xf32, #tpu.memory_space<hbm>>
        tpu.enqueue_indirect_dma source(%dma_start3A_283 : memref<100000x8xf32, #tpu.memory_space<hbm>>) target(%dma_start3A_278 : memref<128x8xf32, #tpu.memory_space<vmem>>) offsets(%dma_start3A_280 : memref<128xi32, #tpu.memory_space<vmem>>) semaphore(%arg23 : memref<!tpu.dma_semaphore, #tpu.memory_space<semaphore_mem>>)
        %dma_start3A_284 = arith.constant 1408 : i32
        %dma_start3A_285 = arith.constant 0 : i32
        %dma_start3A_286 = tpu.memref_slice %arg10[%dma_start3A_284, %dma_start3A_285] : memref<2048x8xf32, #tpu.memory_space<vmem>> -> memref<128x8xf32, #tpu.memory_space<vmem>>
        %dma_start3A_287 = arith.constant 1408 : i32
        %dma_start3A_288 = tpu.memref_slice %arg8[%dma_start3A_287] : memref<2048xi32, #tpu.memory_space<vmem>> -> memref<128xi32, #tpu.memory_space<vmem>>
        %dma_start3A_289 = arith.constant 0 : i32
        %dma_start3A_290 = arith.constant 0 : i32
        %dma_start3A_291 = tpu.memref_slice %arg2[%dma_start3A_289, %dma_start3A_290] : memref<100000x8xf32, #tpu.memory_space<hbm>> -> memref<100000x8xf32, #tpu.memory_space<hbm>>
        tpu.enqueue_indirect_dma source(%dma_start3A_291 : memref<100000x8xf32, #tpu.memory_space<hbm>>) target(%dma_start3A_286 : memref<128x8xf32, #tpu.memory_space<vmem>>) offsets(%dma_start3A_288 : memref<128xi32, #tpu.memory_space<vmem>>) semaphore(%arg22 : memref<!tpu.dma_semaphore, #tpu.memory_space<semaphore_mem>>)
        %dma_start3A_292 = arith.constant 1408 : i32
        %dma_start3A_293 = arith.constant 0 : i32
        %dma_start3A_294 = tpu.memref_slice %arg11[%dma_start3A_292, %dma_start3A_293] : memref<2048x8xf32, #tpu.memory_space<vmem>> -> memref<128x8xf32, #tpu.memory_space<vmem>>
        %dma_start3A_295 = arith.constant 1408 : i32
        %dma_start3A_296 = tpu.memref_slice %arg9[%dma_start3A_295] : memref<2048xi32, #tpu.memory_space<vmem>> -> memref<128xi32, #tpu.memory_space<vmem>>
        %dma_start3A_297 = arith.constant 0 : i32
        %dma_start3A_298 = arith.constant 0 : i32
        %dma_start3A_299 = tpu.memref_slice %arg2[%dma_start3A_297, %dma_start3A_298] : memref<100000x8xf32, #tpu.memory_space<hbm>> -> memref<100000x8xf32, #tpu.memory_space<hbm>>
        tpu.enqueue_indirect_dma source(%dma_start3A_299 : memref<100000x8xf32, #tpu.memory_space<hbm>>) target(%dma_start3A_294 : memref<128x8xf32, #tpu.memory_space<vmem>>) offsets(%dma_start3A_296 : memref<128xi32, #tpu.memory_space<vmem>>) semaphore(%arg23 : memref<!tpu.dma_semaphore, #tpu.memory_space<semaphore_mem>>)
        %dma_start3A_300 = arith.constant 1536 : i32
        %dma_start3A_301 = arith.constant 0 : i32
        %dma_start3A_302 = tpu.memref_slice %arg10[%dma_start3A_300, %dma_start3A_301] : memref<2048x8xf32, #tpu.memory_space<vmem>> -> memref<128x8xf32, #tpu.memory_space<vmem>>
        %dma_start3A_303 = arith.constant 1536 : i32
        %dma_start3A_304 = tpu.memref_slice %arg8[%dma_start3A_303] : memref<2048xi32, #tpu.memory_space<vmem>> -> memref<128xi32, #tpu.memory_space<vmem>>
        %dma_start3A_305 = arith.constant 0 : i32
        %dma_start3A_306 = arith.constant 0 : i32
        %dma_start3A_307 = tpu.memref_slice %arg2[%dma_start3A_305, %dma_start3A_306] : memref<100000x8xf32, #tpu.memory_space<hbm>> -> memref<100000x8xf32, #tpu.memory_space<hbm>>
        tpu.enqueue_indirect_dma source(%dma_start3A_307 : memref<100000x8xf32, #tpu.memory_space<hbm>>) target(%dma_start3A_302 : memref<128x8xf32, #tpu.memory_space<vmem>>) offsets(%dma_start3A_304 : memref<128xi32, #tpu.memory_space<vmem>>) semaphore(%arg22 : memref<!tpu.dma_semaphore, #tpu.memory_space<semaphore_mem>>)
        %dma_start3A_308 = arith.constant 1536 : i32
        %dma_start3A_309 = arith.constant 0 : i32
        %dma_start3A_310 = tpu.memref_slice %arg11[%dma_start3A_308, %dma_start3A_309] : memref<2048x8xf32, #tpu.memory_space<vmem>> -> memref<128x8xf32, #tpu.memory_space<vmem>>
        %dma_start3A_311 = arith.constant 1536 : i32
        %dma_start3A_312 = tpu.memref_slice %arg9[%dma_start3A_311] : memref<2048xi32, #tpu.memory_space<vmem>> -> memref<128xi32, #tpu.memory_space<vmem>>
        %dma_start3A_313 = arith.constant 0 : i32
        %dma_start3A_314 = arith.constant 0 : i32
        %dma_start3A_315 = tpu.memref_slice %arg2[%dma_start3A_313, %dma_start3A_314] : memref<100000x8xf32, #tpu.memory_space<hbm>> -> memref<100000x8xf32, #tpu.memory_space<hbm>>
        tpu.enqueue_indirect_dma source(%dma_start3A_315 : memref<100000x8xf32, #tpu.memory_space<hbm>>) target(%dma_start3A_310 : memref<128x8xf32, #tpu.memory_space<vmem>>) offsets(%dma_start3A_312 : memref<128xi32, #tpu.memory_space<vmem>>) semaphore(%arg23 : memref<!tpu.dma_semaphore, #tpu.memory_space<semaphore_mem>>)
        %dma_start3A_316 = arith.constant 1664 : i32
        %dma_start3A_317 = arith.constant 0 : i32
        %dma_start3A_318 = tpu.memref_slice %arg10[%dma_start3A_316, %dma_start3A_317] : memref<2048x8xf32, #tpu.memory_space<vmem>> -> memref<128x8xf32, #tpu.memory_space<vmem>>
        %dma_start3A_319 = arith.constant 1664 : i32
        %dma_start3A_320 = tpu.memref_slice %arg8[%dma_start3A_319] : memref<2048xi32, #tpu.memory_space<vmem>> -> memref<128xi32, #tpu.memory_space<vmem>>
        %dma_start3A_321 = arith.constant 0 : i32
        %dma_start3A_322 = arith.constant 0 : i32
        %dma_start3A_323 = tpu.memref_slice %arg2[%dma_start3A_321, %dma_start3A_322] : memref<100000x8xf32, #tpu.memory_space<hbm>> -> memref<100000x8xf32, #tpu.memory_space<hbm>>
        tpu.enqueue_indirect_dma source(%dma_start3A_323 : memref<100000x8xf32, #tpu.memory_space<hbm>>) target(%dma_start3A_318 : memref<128x8xf32, #tpu.memory_space<vmem>>) offsets(%dma_start3A_320 : memref<128xi32, #tpu.memory_space<vmem>>) semaphore(%arg22 : memref<!tpu.dma_semaphore, #tpu.memory_space<semaphore_mem>>)
        %dma_start3A_324 = arith.constant 1664 : i32
        %dma_start3A_325 = arith.constant 0 : i32
        %dma_start3A_326 = tpu.memref_slice %arg11[%dma_start3A_324, %dma_start3A_325] : memref<2048x8xf32, #tpu.memory_space<vmem>> -> memref<128x8xf32, #tpu.memory_space<vmem>>
        %dma_start3A_327 = arith.constant 1664 : i32
        %dma_start3A_328 = tpu.memref_slice %arg9[%dma_start3A_327] : memref<2048xi32, #tpu.memory_space<vmem>> -> memref<128xi32, #tpu.memory_space<vmem>>
        %dma_start3A_329 = arith.constant 0 : i32
        %dma_start3A_330 = arith.constant 0 : i32
        %dma_start3A_331 = tpu.memref_slice %arg2[%dma_start3A_329, %dma_start3A_330] : memref<100000x8xf32, #tpu.memory_space<hbm>> -> memref<100000x8xf32, #tpu.memory_space<hbm>>
        tpu.enqueue_indirect_dma source(%dma_start3A_331 : memref<100000x8xf32, #tpu.memory_space<hbm>>) target(%dma_start3A_326 : memref<128x8xf32, #tpu.memory_space<vmem>>) offsets(%dma_start3A_328 : memref<128xi32, #tpu.memory_space<vmem>>) semaphore(%arg23 : memref<!tpu.dma_semaphore, #tpu.memory_space<semaphore_mem>>)
        %dma_start3A_332 = arith.constant 1792 : i32
        %dma_start3A_333 = arith.constant 0 : i32
        %dma_start3A_334 = tpu.memref_slice %arg10[%dma_start3A_332, %dma_start3A_333] : memref<2048x8xf32, #tpu.memory_space<vmem>> -> memref<128x8xf32, #tpu.memory_space<vmem>>
        %dma_start3A_335 = arith.constant 1792 : i32
        %dma_start3A_336 = tpu.memref_slice %arg8[%dma_start3A_335] : memref<2048xi32, #tpu.memory_space<vmem>> -> memref<128xi32, #tpu.memory_space<vmem>>
        %dma_start3A_337 = arith.constant 0 : i32
        %dma_start3A_338 = arith.constant 0 : i32
        %dma_start3A_339 = tpu.memref_slice %arg2[%dma_start3A_337, %dma_start3A_338] : memref<100000x8xf32, #tpu.memory_space<hbm>> -> memref<100000x8xf32, #tpu.memory_space<hbm>>
        tpu.enqueue_indirect_dma source(%dma_start3A_339 : memref<100000x8xf32, #tpu.memory_space<hbm>>) target(%dma_start3A_334 : memref<128x8xf32, #tpu.memory_space<vmem>>) offsets(%dma_start3A_336 : memref<128xi32, #tpu.memory_space<vmem>>) semaphore(%arg22 : memref<!tpu.dma_semaphore, #tpu.memory_space<semaphore_mem>>)
        %dma_start3A_340 = arith.constant 1792 : i32
        %dma_start3A_341 = arith.constant 0 : i32
        %dma_start3A_342 = tpu.memref_slice %arg11[%dma_start3A_340, %dma_start3A_341] : memref<2048x8xf32, #tpu.memory_space<vmem>> -> memref<128x8xf32, #tpu.memory_space<vmem>>
        %dma_start3A_343 = arith.constant 1792 : i32
        %dma_start3A_344 = tpu.memref_slice %arg9[%dma_start3A_343] : memref<2048xi32, #tpu.memory_space<vmem>> -> memref<128xi32, #tpu.memory_space<vmem>>
        %dma_start3A_345 = arith.constant 0 : i32
        %dma_start3A_346 = arith.constant 0 : i32
        %dma_start3A_347 = tpu.memref_slice %arg2[%dma_start3A_345, %dma_start3A_346] : memref<100000x8xf32, #tpu.memory_space<hbm>> -> memref<100000x8xf32, #tpu.memory_space<hbm>>
        tpu.enqueue_indirect_dma source(%dma_start3A_347 : memref<100000x8xf32, #tpu.memory_space<hbm>>) target(%dma_start3A_342 : memref<128x8xf32, #tpu.memory_space<vmem>>) offsets(%dma_start3A_344 : memref<128xi32, #tpu.memory_space<vmem>>) semaphore(%arg23 : memref<!tpu.dma_semaphore, #tpu.memory_space<semaphore_mem>>)
        %dma_start3A_348 = arith.constant 1920 : i32
        %dma_start3A_349 = arith.constant 0 : i32
        %dma_start3A_350 = tpu.memref_slice %arg10[%dma_start3A_348, %dma_start3A_349] : memref<2048x8xf32, #tpu.memory_space<vmem>> -> memref<128x8xf32, #tpu.memory_space<vmem>>
        %dma_start3A_351 = arith.constant 1920 : i32
        %dma_start3A_352 = tpu.memref_slice %arg8[%dma_start3A_351] : memref<2048xi32, #tpu.memory_space<vmem>> -> memref<128xi32, #tpu.memory_space<vmem>>
        %dma_start3A_353 = arith.constant 0 : i32
        %dma_start3A_354 = arith.constant 0 : i32
        %dma_start3A_355 = tpu.memref_slice %arg2[%dma_start3A_353, %dma_start3A_354] : memref<100000x8xf32, #tpu.memory_space<hbm>> -> memref<100000x8xf32, #tpu.memory_space<hbm>>
        tpu.enqueue_indirect_dma source(%dma_start3A_355 : memref<100000x8xf32, #tpu.memory_space<hbm>>) target(%dma_start3A_350 : memref<128x8xf32, #tpu.memory_space<vmem>>) offsets(%dma_start3A_352 : memref<128xi32, #tpu.memory_space<vmem>>) semaphore(%arg22 : memref<!tpu.dma_semaphore, #tpu.memory_space<semaphore_mem>>)
        %dma_start3A_356 = arith.constant 1920 : i32
        %dma_start3A_357 = arith.constant 0 : i32
        %dma_start3A_358 = tpu.memref_slice %arg11[%dma_start3A_356, %dma_start3A_357] : memref<2048x8xf32, #tpu.memory_space<vmem>> -> memref<128x8xf32, #tpu.memory_space<vmem>>
        %dma_start3A_359 = arith.constant 1920 : i32
        %dma_start3A_360 = tpu.memref_slice %arg9[%dma_start3A_359] : memref<2048xi32, #tpu.memory_space<vmem>> -> memref<128xi32, #tpu.memory_space<vmem>>
        %dma_start3A_361 = arith.constant 0 : i32
        %dma_start3A_362 = arith.constant 0 : i32
        %dma_start3A_363 = tpu.memref_slice %arg2[%dma_start3A_361, %dma_start3A_362] : memref<100000x8xf32, #tpu.memory_space<hbm>> -> memref<100000x8xf32, #tpu.memory_space<hbm>>
        tpu.enqueue_indirect_dma source(%dma_start3A_363 : memref<100000x8xf32, #tpu.memory_space<hbm>>) target(%dma_start3A_358 : memref<128x8xf32, #tpu.memory_space<vmem>>) offsets(%dma_start3A_360 : memref<128xi32, #tpu.memory_space<vmem>>) semaphore(%arg23 : memref<!tpu.dma_semaphore, #tpu.memory_space<semaphore_mem>>)
      } else {
      }
      %lt3A_94 = arith.constant 3125 : i32
      %lt3A_95 = arith.cmpi slt, %add3A_86, %lt3A_94 : i32
      %gt3A_96 = arith.constant 0 : i32
      %gt3A_97 = arith.cmpi sgt, %scan3A_54, %gt3A_96 : i32
      %and3A_98 = arith.andi %lt3A_95, %gt3A_97 : i1
      %convert_element_type3A_99 = arith.extui %and3A_98 : i1 to i32
      %cond3A_100 = arith.constant 0 : i32
      %cond3A_101 = arith.cmpi ne, %convert_element_type3A_99, %cond3A_100 : i32
      scf.if %cond3A_101 {
        %mul3A_107 = arith.constant 16 : i32
        %mul3A_108 = arith.muli %add3A_86, %mul3A_107 : i32
        %dma_wait3A_109 = arith.constant 0 : i32
        %dma_wait3A_110 = arith.constant 0 : i32
        %dma_wait3A_111 = tpu.memref_slice %arg5[%mul3A_108, %dma_wait3A_109, %dma_wait3A_110] : memref<50000x4x128xf32, #tpu.memory_space<hbm>> -> memref<16x4x128xf32, #tpu.memory_space<hbm>>
        %dma_wait3A_112 = arith.constant 0 : i32
        %dma_wait3A_113 = arith.constant 0 : i32
        %dma_wait3A_114 = tpu.memref_slice %arg5[%mul3A_108, %dma_wait3A_112, %dma_wait3A_113] : memref<50000x4x128xf32, #tpu.memory_space<hbm>> -> memref<16x4x128xf32, #tpu.memory_space<hbm>>
        tpu.wait_dma2 semaphore(%arg27 : memref<!tpu.dma_semaphore, #tpu.memory_space<semaphore_mem>>) src(%arg19 : memref<16x4x128xf32, #tpu.memory_space<vmem>>) dst(%dma_wait3A_114 : memref<16x4x128xf32, #tpu.memory_space<hbm>>)
        %mul3A_115 = arith.constant 2048 : i32
        %mul3A_116 = arith.muli %add3A_86, %mul3A_115 : i32
        %dma_wait3A_117 = tpu.memref_slice %arg6[%mul3A_116] : memref<6400000xf32, #tpu.memory_space<hbm>> -> memref<2048xf32, #tpu.memory_space<hbm>>
        %dma_wait3A_118 = tpu.memref_slice %arg6[%mul3A_116] : memref<6400000xf32, #tpu.memory_space<hbm>> -> memref<2048xf32, #tpu.memory_space<hbm>>
        tpu.wait_dma2 semaphore(%arg27 : memref<!tpu.dma_semaphore, #tpu.memory_space<semaphore_mem>>) src(%arg20 : memref<2048xf32, #tpu.memory_space<vmem>>) dst(%dma_wait3A_118 : memref<2048xf32, #tpu.memory_space<hbm>>)
        %mul3A_119 = arith.constant 2048 : i32
        %mul3A_120 = arith.muli %add3A_86, %mul3A_119 : i32
        %dma_wait3A_121 = tpu.memref_slice %arg7[%mul3A_120] : memref<6400000xf32, #tpu.memory_space<hbm>> -> memref<2048xf32, #tpu.memory_space<hbm>>
        %dma_wait3A_122 = tpu.memref_slice %arg7[%mul3A_120] : memref<6400000xf32, #tpu.memory_space<hbm>> -> memref<2048xf32, #tpu.memory_space<hbm>>
        tpu.wait_dma2 semaphore(%arg27 : memref<!tpu.dma_semaphore, #tpu.memory_space<semaphore_mem>>) src(%arg21 : memref<2048xf32, #tpu.memory_space<vmem>>) dst(%dma_wait3A_122 : memref<2048xf32, #tpu.memory_space<hbm>>)
      } else {
      }
      %lt3A_102 = arith.constant 3125 : i32
      %lt3A_103 = arith.cmpi slt, %add3A_86, %lt3A_102 : i32
      %convert_element_type3A_104 = arith.extui %lt3A_103 : i1 to i32
      %cond3A_105 = arith.constant 0 : i32
      %cond3A_106 = arith.cmpi ne, %convert_element_type3A_104, %cond3A_105 : i32
      scf.if %cond3A_106 {
        %dma_wait3A_107 = arith.constant 0 : i32
        %dma_wait3A_108 = arith.constant 0 : i32
        %dma_wait3A_109 = tpu.memref_slice %arg14[%dma_wait3A_107, %dma_wait3A_108] : memref<2048x8xf32, #tpu.memory_space<vmem>> -> memref<128x8xf32, #tpu.memory_space<vmem>>
        %dma_wait3A_110 = arith.constant 0 : i32
        %dma_wait3A_111 = arith.constant 0 : i32
        %dma_wait3A_112 = tpu.memref_slice %arg2[%dma_wait3A_110, %dma_wait3A_111] : memref<100000x8xf32, #tpu.memory_space<hbm>> -> memref<128x8xf32, #tpu.memory_space<hbm>>
        %dma_wait3A_113 = arith.constant 0 : i32
        %dma_wait3A_114 = arith.constant 0 : i32
        %dma_wait3A_115 = tpu.memref_slice %arg14[%dma_wait3A_113, %dma_wait3A_114] : memref<2048x8xf32, #tpu.memory_space<vmem>> -> memref<128x8xf32, #tpu.memory_space<vmem>>
        %dma_wait3A_116 = arith.constant 0 : i32
        %dma_wait3A_117 = arith.constant 0 : i32
        %dma_wait3A_118 = tpu.memref_slice %arg2[%dma_wait3A_116, %dma_wait3A_117] : memref<100000x8xf32, #tpu.memory_space<hbm>> -> memref<128x8xf32, #tpu.memory_space<hbm>>
        tpu.wait_dma2 semaphore(%arg24 : memref<!tpu.dma_semaphore, #tpu.memory_space<semaphore_mem>>) src(%dma_wait3A_118 : memref<128x8xf32, #tpu.memory_space<hbm>>) dst(%dma_wait3A_115 : memref<128x8xf32, #tpu.memory_space<vmem>>)
        %dma_wait3A_119 = arith.constant 0 : i32
        %dma_wait3A_120 = arith.constant 0 : i32
        %dma_wait3A_121 = tpu.memref_slice %arg15[%dma_wait3A_119, %dma_wait3A_120] : memref<2048x8xf32, #tpu.memory_space<vmem>> -> memref<128x8xf32, #tpu.memory_space<vmem>>
        %dma_wait3A_122 = arith.constant 0 : i32
        %dma_wait3A_123 = arith.constant 0 : i32
        %dma_wait3A_124 = tpu.memref_slice %arg2[%dma_wait3A_122, %dma_wait3A_123] : memref<100000x8xf32, #tpu.memory_space<hbm>> -> memref<128x8xf32, #tpu.memory_space<hbm>>
        %dma_wait3A_125 = arith.constant 0 : i32
        %dma_wait3A_126 = arith.constant 0 : i32
        %dma_wait3A_127 = tpu.memref_slice %arg15[%dma_wait3A_125, %dma_wait3A_126] : memref<2048x8xf32, #tpu.memory_space<vmem>> -> memref<128x8xf32, #tpu.memory_space<vmem>>
        %dma_wait3A_128 = arith.constant 0 : i32
        %dma_wait3A_129 = arith.constant 0 : i32
        %dma_wait3A_130 = tpu.memref_slice %arg2[%dma_wait3A_128, %dma_wait3A_129] : memref<100000x8xf32, #tpu.memory_space<hbm>> -> memref<128x8xf32, #tpu.memory_space<hbm>>
        tpu.wait_dma2 semaphore(%arg25 : memref<!tpu.dma_semaphore, #tpu.memory_space<semaphore_mem>>) src(%dma_wait3A_130 : memref<128x8xf32, #tpu.memory_space<hbm>>) dst(%dma_wait3A_127 : memref<128x8xf32, #tpu.memory_space<vmem>>)
        %dma_wait3A_131 = arith.constant 128 : i32
        %dma_wait3A_132 = arith.constant 0 : i32
        %dma_wait3A_133 = tpu.memref_slice %arg14[%dma_wait3A_131, %dma_wait3A_132] : memref<2048x8xf32, #tpu.memory_space<vmem>> -> memref<128x8xf32, #tpu.memory_space<vmem>>
        %dma_wait3A_134 = arith.constant 0 : i32
        %dma_wait3A_135 = arith.constant 0 : i32
        %dma_wait3A_136 = tpu.memref_slice %arg2[%dma_wait3A_134, %dma_wait3A_135] : memref<100000x8xf32, #tpu.memory_space<hbm>> -> memref<128x8xf32, #tpu.memory_space<hbm>>
        %dma_wait3A_137 = arith.constant 128 : i32
        %dma_wait3A_138 = arith.constant 0 : i32
        %dma_wait3A_139 = tpu.memref_slice %arg14[%dma_wait3A_137, %dma_wait3A_138] : memref<2048x8xf32, #tpu.memory_space<vmem>> -> memref<128x8xf32, #tpu.memory_space<vmem>>
        %dma_wait3A_140 = arith.constant 0 : i32
        %dma_wait3A_141 = arith.constant 0 : i32
        %dma_wait3A_142 = tpu.memref_slice %arg2[%dma_wait3A_140, %dma_wait3A_141] : memref<100000x8xf32, #tpu.memory_space<hbm>> -> memref<128x8xf32, #tpu.memory_space<hbm>>
        tpu.wait_dma2 semaphore(%arg24 : memref<!tpu.dma_semaphore, #tpu.memory_space<semaphore_mem>>) src(%dma_wait3A_142 : memref<128x8xf32, #tpu.memory_space<hbm>>) dst(%dma_wait3A_139 : memref<128x8xf32, #tpu.memory_space<vmem>>)
        %dma_wait3A_143 = arith.constant 128 : i32
        %dma_wait3A_144 = arith.constant 0 : i32
        %dma_wait3A_145 = tpu.memref_slice %arg15[%dma_wait3A_143, %dma_wait3A_144] : memref<2048x8xf32, #tpu.memory_space<vmem>> -> memref<128x8xf32, #tpu.memory_space<vmem>>
        %dma_wait3A_146 = arith.constant 0 : i32
        %dma_wait3A_147 = arith.constant 0 : i32
        %dma_wait3A_148 = tpu.memref_slice %arg2[%dma_wait3A_146, %dma_wait3A_147] : memref<100000x8xf32, #tpu.memory_space<hbm>> -> memref<128x8xf32, #tpu.memory_space<hbm>>
        %dma_wait3A_149 = arith.constant 128 : i32
        %dma_wait3A_150 = arith.constant 0 : i32
        %dma_wait3A_151 = tpu.memref_slice %arg15[%dma_wait3A_149, %dma_wait3A_150] : memref<2048x8xf32, #tpu.memory_space<vmem>> -> memref<128x8xf32, #tpu.memory_space<vmem>>
        %dma_wait3A_152 = arith.constant 0 : i32
        %dma_wait3A_153 = arith.constant 0 : i32
        %dma_wait3A_154 = tpu.memref_slice %arg2[%dma_wait3A_152, %dma_wait3A_153] : memref<100000x8xf32, #tpu.memory_space<hbm>> -> memref<128x8xf32, #tpu.memory_space<hbm>>
        tpu.wait_dma2 semaphore(%arg25 : memref<!tpu.dma_semaphore, #tpu.memory_space<semaphore_mem>>) src(%dma_wait3A_154 : memref<128x8xf32, #tpu.memory_space<hbm>>) dst(%dma_wait3A_151 : memref<128x8xf32, #tpu.memory_space<vmem>>)
        %dma_wait3A_155 = arith.constant 256 : i32
        %dma_wait3A_156 = arith.constant 0 : i32
        %dma_wait3A_157 = tpu.memref_slice %arg14[%dma_wait3A_155, %dma_wait3A_156] : memref<2048x8xf32, #tpu.memory_space<vmem>> -> memref<128x8xf32, #tpu.memory_space<vmem>>
        %dma_wait3A_158 = arith.constant 0 : i32
        %dma_wait3A_159 = arith.constant 0 : i32
        %dma_wait3A_160 = tpu.memref_slice %arg2[%dma_wait3A_158, %dma_wait3A_159] : memref<100000x8xf32, #tpu.memory_space<hbm>> -> memref<128x8xf32, #tpu.memory_space<hbm>>
        %dma_wait3A_161 = arith.constant 256 : i32
        %dma_wait3A_162 = arith.constant 0 : i32
        %dma_wait3A_163 = tpu.memref_slice %arg14[%dma_wait3A_161, %dma_wait3A_162] : memref<2048x8xf32, #tpu.memory_space<vmem>> -> memref<128x8xf32, #tpu.memory_space<vmem>>
        %dma_wait3A_164 = arith.constant 0 : i32
        %dma_wait3A_165 = arith.constant 0 : i32
        %dma_wait3A_166 = tpu.memref_slice %arg2[%dma_wait3A_164, %dma_wait3A_165] : memref<100000x8xf32, #tpu.memory_space<hbm>> -> memref<128x8xf32, #tpu.memory_space<hbm>>
        tpu.wait_dma2 semaphore(%arg24 : memref<!tpu.dma_semaphore, #tpu.memory_space<semaphore_mem>>) src(%dma_wait3A_166 : memref<128x8xf32, #tpu.memory_space<hbm>>) dst(%dma_wait3A_163 : memref<128x8xf32, #tpu.memory_space<vmem>>)
        %dma_wait3A_167 = arith.constant 256 : i32
        %dma_wait3A_168 = arith.constant 0 : i32
        %dma_wait3A_169 = tpu.memref_slice %arg15[%dma_wait3A_167, %dma_wait3A_168] : memref<2048x8xf32, #tpu.memory_space<vmem>> -> memref<128x8xf32, #tpu.memory_space<vmem>>
        %dma_wait3A_170 = arith.constant 0 : i32
        %dma_wait3A_171 = arith.constant 0 : i32
        %dma_wait3A_172 = tpu.memref_slice %arg2[%dma_wait3A_170, %dma_wait3A_171] : memref<100000x8xf32, #tpu.memory_space<hbm>> -> memref<128x8xf32, #tpu.memory_space<hbm>>
        %dma_wait3A_173 = arith.constant 256 : i32
        %dma_wait3A_174 = arith.constant 0 : i32
        %dma_wait3A_175 = tpu.memref_slice %arg15[%dma_wait3A_173, %dma_wait3A_174] : memref<2048x8xf32, #tpu.memory_space<vmem>> -> memref<128x8xf32, #tpu.memory_space<vmem>>
        %dma_wait3A_176 = arith.constant 0 : i32
        %dma_wait3A_177 = arith.constant 0 : i32
        %dma_wait3A_178 = tpu.memref_slice %arg2[%dma_wait3A_176, %dma_wait3A_177] : memref<100000x8xf32, #tpu.memory_space<hbm>> -> memref<128x8xf32, #tpu.memory_space<hbm>>
        tpu.wait_dma2 semaphore(%arg25 : memref<!tpu.dma_semaphore, #tpu.memory_space<semaphore_mem>>) src(%dma_wait3A_178 : memref<128x8xf32, #tpu.memory_space<hbm>>) dst(%dma_wait3A_175 : memref<128x8xf32, #tpu.memory_space<vmem>>)
        %dma_wait3A_179 = arith.constant 384 : i32
        %dma_wait3A_180 = arith.constant 0 : i32
        %dma_wait3A_181 = tpu.memref_slice %arg14[%dma_wait3A_179, %dma_wait3A_180] : memref<2048x8xf32, #tpu.memory_space<vmem>> -> memref<128x8xf32, #tpu.memory_space<vmem>>
        %dma_wait3A_182 = arith.constant 0 : i32
        %dma_wait3A_183 = arith.constant 0 : i32
        %dma_wait3A_184 = tpu.memref_slice %arg2[%dma_wait3A_182, %dma_wait3A_183] : memref<100000x8xf32, #tpu.memory_space<hbm>> -> memref<128x8xf32, #tpu.memory_space<hbm>>
        %dma_wait3A_185 = arith.constant 384 : i32
        %dma_wait3A_186 = arith.constant 0 : i32
        %dma_wait3A_187 = tpu.memref_slice %arg14[%dma_wait3A_185, %dma_wait3A_186] : memref<2048x8xf32, #tpu.memory_space<vmem>> -> memref<128x8xf32, #tpu.memory_space<vmem>>
        %dma_wait3A_188 = arith.constant 0 : i32
        %dma_wait3A_189 = arith.constant 0 : i32
        %dma_wait3A_190 = tpu.memref_slice %arg2[%dma_wait3A_188, %dma_wait3A_189] : memref<100000x8xf32, #tpu.memory_space<hbm>> -> memref<128x8xf32, #tpu.memory_space<hbm>>
        tpu.wait_dma2 semaphore(%arg24 : memref<!tpu.dma_semaphore, #tpu.memory_space<semaphore_mem>>) src(%dma_wait3A_190 : memref<128x8xf32, #tpu.memory_space<hbm>>) dst(%dma_wait3A_187 : memref<128x8xf32, #tpu.memory_space<vmem>>)
        %dma_wait3A_191 = arith.constant 384 : i32
        %dma_wait3A_192 = arith.constant 0 : i32
        %dma_wait3A_193 = tpu.memref_slice %arg15[%dma_wait3A_191, %dma_wait3A_192] : memref<2048x8xf32, #tpu.memory_space<vmem>> -> memref<128x8xf32, #tpu.memory_space<vmem>>
        %dma_wait3A_194 = arith.constant 0 : i32
        %dma_wait3A_195 = arith.constant 0 : i32
        %dma_wait3A_196 = tpu.memref_slice %arg2[%dma_wait3A_194, %dma_wait3A_195] : memref<100000x8xf32, #tpu.memory_space<hbm>> -> memref<128x8xf32, #tpu.memory_space<hbm>>
        %dma_wait3A_197 = arith.constant 384 : i32
        %dma_wait3A_198 = arith.constant 0 : i32
        %dma_wait3A_199 = tpu.memref_slice %arg15[%dma_wait3A_197, %dma_wait3A_198] : memref<2048x8xf32, #tpu.memory_space<vmem>> -> memref<128x8xf32, #tpu.memory_space<vmem>>
        %dma_wait3A_200 = arith.constant 0 : i32
        %dma_wait3A_201 = arith.constant 0 : i32
        %dma_wait3A_202 = tpu.memref_slice %arg2[%dma_wait3A_200, %dma_wait3A_201] : memref<100000x8xf32, #tpu.memory_space<hbm>> -> memref<128x8xf32, #tpu.memory_space<hbm>>
        tpu.wait_dma2 semaphore(%arg25 : memref<!tpu.dma_semaphore, #tpu.memory_space<semaphore_mem>>) src(%dma_wait3A_202 : memref<128x8xf32, #tpu.memory_space<hbm>>) dst(%dma_wait3A_199 : memref<128x8xf32, #tpu.memory_space<vmem>>)
        %dma_wait3A_203 = arith.constant 512 : i32
        %dma_wait3A_204 = arith.constant 0 : i32
        %dma_wait3A_205 = tpu.memref_slice %arg14[%dma_wait3A_203, %dma_wait3A_204] : memref<2048x8xf32, #tpu.memory_space<vmem>> -> memref<128x8xf32, #tpu.memory_space<vmem>>
        %dma_wait3A_206 = arith.constant 0 : i32
        %dma_wait3A_207 = arith.constant 0 : i32
        %dma_wait3A_208 = tpu.memref_slice %arg2[%dma_wait3A_206, %dma_wait3A_207] : memref<100000x8xf32, #tpu.memory_space<hbm>> -> memref<128x8xf32, #tpu.memory_space<hbm>>
        %dma_wait3A_209 = arith.constant 512 : i32
        %dma_wait3A_210 = arith.constant 0 : i32
        %dma_wait3A_211 = tpu.memref_slice %arg14[%dma_wait3A_209, %dma_wait3A_210] : memref<2048x8xf32, #tpu.memory_space<vmem>> -> memref<128x8xf32, #tpu.memory_space<vmem>>
        %dma_wait3A_212 = arith.constant 0 : i32
        %dma_wait3A_213 = arith.constant 0 : i32
        %dma_wait3A_214 = tpu.memref_slice %arg2[%dma_wait3A_212, %dma_wait3A_213] : memref<100000x8xf32, #tpu.memory_space<hbm>> -> memref<128x8xf32, #tpu.memory_space<hbm>>
        tpu.wait_dma2 semaphore(%arg24 : memref<!tpu.dma_semaphore, #tpu.memory_space<semaphore_mem>>) src(%dma_wait3A_214 : memref<128x8xf32, #tpu.memory_space<hbm>>) dst(%dma_wait3A_211 : memref<128x8xf32, #tpu.memory_space<vmem>>)
        %dma_wait3A_215 = arith.constant 512 : i32
        %dma_wait3A_216 = arith.constant 0 : i32
        %dma_wait3A_217 = tpu.memref_slice %arg15[%dma_wait3A_215, %dma_wait3A_216] : memref<2048x8xf32, #tpu.memory_space<vmem>> -> memref<128x8xf32, #tpu.memory_space<vmem>>
        %dma_wait3A_218 = arith.constant 0 : i32
        %dma_wait3A_219 = arith.constant 0 : i32
        %dma_wait3A_220 = tpu.memref_slice %arg2[%dma_wait3A_218, %dma_wait3A_219] : memref<100000x8xf32, #tpu.memory_space<hbm>> -> memref<128x8xf32, #tpu.memory_space<hbm>>
        %dma_wait3A_221 = arith.constant 512 : i32
        %dma_wait3A_222 = arith.constant 0 : i32
        %dma_wait3A_223 = tpu.memref_slice %arg15[%dma_wait3A_221, %dma_wait3A_222] : memref<2048x8xf32, #tpu.memory_space<vmem>> -> memref<128x8xf32, #tpu.memory_space<vmem>>
        %dma_wait3A_224 = arith.constant 0 : i32
        %dma_wait3A_225 = arith.constant 0 : i32
        %dma_wait3A_226 = tpu.memref_slice %arg2[%dma_wait3A_224, %dma_wait3A_225] : memref<100000x8xf32, #tpu.memory_space<hbm>> -> memref<128x8xf32, #tpu.memory_space<hbm>>
        tpu.wait_dma2 semaphore(%arg25 : memref<!tpu.dma_semaphore, #tpu.memory_space<semaphore_mem>>) src(%dma_wait3A_226 : memref<128x8xf32, #tpu.memory_space<hbm>>) dst(%dma_wait3A_223 : memref<128x8xf32, #tpu.memory_space<vmem>>)
        %dma_wait3A_227 = arith.constant 640 : i32
        %dma_wait3A_228 = arith.constant 0 : i32
        %dma_wait3A_229 = tpu.memref_slice %arg14[%dma_wait3A_227, %dma_wait3A_228] : memref<2048x8xf32, #tpu.memory_space<vmem>> -> memref<128x8xf32, #tpu.memory_space<vmem>>
        %dma_wait3A_230 = arith.constant 0 : i32
        %dma_wait3A_231 = arith.constant 0 : i32
        %dma_wait3A_232 = tpu.memref_slice %arg2[%dma_wait3A_230, %dma_wait3A_231] : memref<100000x8xf32, #tpu.memory_space<hbm>> -> memref<128x8xf32, #tpu.memory_space<hbm>>
        %dma_wait3A_233 = arith.constant 640 : i32
        %dma_wait3A_234 = arith.constant 0 : i32
        %dma_wait3A_235 = tpu.memref_slice %arg14[%dma_wait3A_233, %dma_wait3A_234] : memref<2048x8xf32, #tpu.memory_space<vmem>> -> memref<128x8xf32, #tpu.memory_space<vmem>>
        %dma_wait3A_236 = arith.constant 0 : i32
        %dma_wait3A_237 = arith.constant 0 : i32
        %dma_wait3A_238 = tpu.memref_slice %arg2[%dma_wait3A_236, %dma_wait3A_237] : memref<100000x8xf32, #tpu.memory_space<hbm>> -> memref<128x8xf32, #tpu.memory_space<hbm>>
        tpu.wait_dma2 semaphore(%arg24 : memref<!tpu.dma_semaphore, #tpu.memory_space<semaphore_mem>>) src(%dma_wait3A_238 : memref<128x8xf32, #tpu.memory_space<hbm>>) dst(%dma_wait3A_235 : memref<128x8xf32, #tpu.memory_space<vmem>>)
        %dma_wait3A_239 = arith.constant 640 : i32
        %dma_wait3A_240 = arith.constant 0 : i32
        %dma_wait3A_241 = tpu.memref_slice %arg15[%dma_wait3A_239, %dma_wait3A_240] : memref<2048x8xf32, #tpu.memory_space<vmem>> -> memref<128x8xf32, #tpu.memory_space<vmem>>
        %dma_wait3A_242 = arith.constant 0 : i32
        %dma_wait3A_243 = arith.constant 0 : i32
        %dma_wait3A_244 = tpu.memref_slice %arg2[%dma_wait3A_242, %dma_wait3A_243] : memref<100000x8xf32, #tpu.memory_space<hbm>> -> memref<128x8xf32, #tpu.memory_space<hbm>>
        %dma_wait3A_245 = arith.constant 640 : i32
        %dma_wait3A_246 = arith.constant 0 : i32
        %dma_wait3A_247 = tpu.memref_slice %arg15[%dma_wait3A_245, %dma_wait3A_246] : memref<2048x8xf32, #tpu.memory_space<vmem>> -> memref<128x8xf32, #tpu.memory_space<vmem>>
        %dma_wait3A_248 = arith.constant 0 : i32
        %dma_wait3A_249 = arith.constant 0 : i32
        %dma_wait3A_250 = tpu.memref_slice %arg2[%dma_wait3A_248, %dma_wait3A_249] : memref<100000x8xf32, #tpu.memory_space<hbm>> -> memref<128x8xf32, #tpu.memory_space<hbm>>
        tpu.wait_dma2 semaphore(%arg25 : memref<!tpu.dma_semaphore, #tpu.memory_space<semaphore_mem>>) src(%dma_wait3A_250 : memref<128x8xf32, #tpu.memory_space<hbm>>) dst(%dma_wait3A_247 : memref<128x8xf32, #tpu.memory_space<vmem>>)
        %dma_wait3A_251 = arith.constant 768 : i32
        %dma_wait3A_252 = arith.constant 0 : i32
        %dma_wait3A_253 = tpu.memref_slice %arg14[%dma_wait3A_251, %dma_wait3A_252] : memref<2048x8xf32, #tpu.memory_space<vmem>> -> memref<128x8xf32, #tpu.memory_space<vmem>>
        %dma_wait3A_254 = arith.constant 0 : i32
        %dma_wait3A_255 = arith.constant 0 : i32
        %dma_wait3A_256 = tpu.memref_slice %arg2[%dma_wait3A_254, %dma_wait3A_255] : memref<100000x8xf32, #tpu.memory_space<hbm>> -> memref<128x8xf32, #tpu.memory_space<hbm>>
        %dma_wait3A_257 = arith.constant 768 : i32
        %dma_wait3A_258 = arith.constant 0 : i32
        %dma_wait3A_259 = tpu.memref_slice %arg14[%dma_wait3A_257, %dma_wait3A_258] : memref<2048x8xf32, #tpu.memory_space<vmem>> -> memref<128x8xf32, #tpu.memory_space<vmem>>
        %dma_wait3A_260 = arith.constant 0 : i32
        %dma_wait3A_261 = arith.constant 0 : i32
        %dma_wait3A_262 = tpu.memref_slice %arg2[%dma_wait3A_260, %dma_wait3A_261] : memref<100000x8xf32, #tpu.memory_space<hbm>> -> memref<128x8xf32, #tpu.memory_space<hbm>>
        tpu.wait_dma2 semaphore(%arg24 : memref<!tpu.dma_semaphore, #tpu.memory_space<semaphore_mem>>) src(%dma_wait3A_262 : memref<128x8xf32, #tpu.memory_space<hbm>>) dst(%dma_wait3A_259 : memref<128x8xf32, #tpu.memory_space<vmem>>)
        %dma_wait3A_263 = arith.constant 768 : i32
        %dma_wait3A_264 = arith.constant 0 : i32
        %dma_wait3A_265 = tpu.memref_slice %arg15[%dma_wait3A_263, %dma_wait3A_264] : memref<2048x8xf32, #tpu.memory_space<vmem>> -> memref<128x8xf32, #tpu.memory_space<vmem>>
        %dma_wait3A_266 = arith.constant 0 : i32
        %dma_wait3A_267 = arith.constant 0 : i32
        %dma_wait3A_268 = tpu.memref_slice %arg2[%dma_wait3A_266, %dma_wait3A_267] : memref<100000x8xf32, #tpu.memory_space<hbm>> -> memref<128x8xf32, #tpu.memory_space<hbm>>
        %dma_wait3A_269 = arith.constant 768 : i32
        %dma_wait3A_270 = arith.constant 0 : i32
        %dma_wait3A_271 = tpu.memref_slice %arg15[%dma_wait3A_269, %dma_wait3A_270] : memref<2048x8xf32, #tpu.memory_space<vmem>> -> memref<128x8xf32, #tpu.memory_space<vmem>>
        %dma_wait3A_272 = arith.constant 0 : i32
        %dma_wait3A_273 = arith.constant 0 : i32
        %dma_wait3A_274 = tpu.memref_slice %arg2[%dma_wait3A_272, %dma_wait3A_273] : memref<100000x8xf32, #tpu.memory_space<hbm>> -> memref<128x8xf32, #tpu.memory_space<hbm>>
        tpu.wait_dma2 semaphore(%arg25 : memref<!tpu.dma_semaphore, #tpu.memory_space<semaphore_mem>>) src(%dma_wait3A_274 : memref<128x8xf32, #tpu.memory_space<hbm>>) dst(%dma_wait3A_271 : memref<128x8xf32, #tpu.memory_space<vmem>>)
        %dma_wait3A_275 = arith.constant 896 : i32
        %dma_wait3A_276 = arith.constant 0 : i32
        %dma_wait3A_277 = tpu.memref_slice %arg14[%dma_wait3A_275, %dma_wait3A_276] : memref<2048x8xf32, #tpu.memory_space<vmem>> -> memref<128x8xf32, #tpu.memory_space<vmem>>
        %dma_wait3A_278 = arith.constant 0 : i32
        %dma_wait3A_279 = arith.constant 0 : i32
        %dma_wait3A_280 = tpu.memref_slice %arg2[%dma_wait3A_278, %dma_wait3A_279] : memref<100000x8xf32, #tpu.memory_space<hbm>> -> memref<128x8xf32, #tpu.memory_space<hbm>>
        %dma_wait3A_281 = arith.constant 896 : i32
        %dma_wait3A_282 = arith.constant 0 : i32
        %dma_wait3A_283 = tpu.memref_slice %arg14[%dma_wait3A_281, %dma_wait3A_282] : memref<2048x8xf32, #tpu.memory_space<vmem>> -> memref<128x8xf32, #tpu.memory_space<vmem>>
        %dma_wait3A_284 = arith.constant 0 : i32
        %dma_wait3A_285 = arith.constant 0 : i32
        %dma_wait3A_286 = tpu.memref_slice %arg2[%dma_wait3A_284, %dma_wait3A_285] : memref<100000x8xf32, #tpu.memory_space<hbm>> -> memref<128x8xf32, #tpu.memory_space<hbm>>
        tpu.wait_dma2 semaphore(%arg24 : memref<!tpu.dma_semaphore, #tpu.memory_space<semaphore_mem>>) src(%dma_wait3A_286 : memref<128x8xf32, #tpu.memory_space<hbm>>) dst(%dma_wait3A_283 : memref<128x8xf32, #tpu.memory_space<vmem>>)
        %dma_wait3A_287 = arith.constant 896 : i32
        %dma_wait3A_288 = arith.constant 0 : i32
        %dma_wait3A_289 = tpu.memref_slice %arg15[%dma_wait3A_287, %dma_wait3A_288] : memref<2048x8xf32, #tpu.memory_space<vmem>> -> memref<128x8xf32, #tpu.memory_space<vmem>>
        %dma_wait3A_290 = arith.constant 0 : i32
        %dma_wait3A_291 = arith.constant 0 : i32
        %dma_wait3A_292 = tpu.memref_slice %arg2[%dma_wait3A_290, %dma_wait3A_291] : memref<100000x8xf32, #tpu.memory_space<hbm>> -> memref<128x8xf32, #tpu.memory_space<hbm>>
        %dma_wait3A_293 = arith.constant 896 : i32
        %dma_wait3A_294 = arith.constant 0 : i32
        %dma_wait3A_295 = tpu.memref_slice %arg15[%dma_wait3A_293, %dma_wait3A_294] : memref<2048x8xf32, #tpu.memory_space<vmem>> -> memref<128x8xf32, #tpu.memory_space<vmem>>
        %dma_wait3A_296 = arith.constant 0 : i32
        %dma_wait3A_297 = arith.constant 0 : i32
        %dma_wait3A_298 = tpu.memref_slice %arg2[%dma_wait3A_296, %dma_wait3A_297] : memref<100000x8xf32, #tpu.memory_space<hbm>> -> memref<128x8xf32, #tpu.memory_space<hbm>>
        tpu.wait_dma2 semaphore(%arg25 : memref<!tpu.dma_semaphore, #tpu.memory_space<semaphore_mem>>) src(%dma_wait3A_298 : memref<128x8xf32, #tpu.memory_space<hbm>>) dst(%dma_wait3A_295 : memref<128x8xf32, #tpu.memory_space<vmem>>)
        %dma_wait3A_299 = arith.constant 1024 : i32
        %dma_wait3A_300 = arith.constant 0 : i32
        %dma_wait3A_301 = tpu.memref_slice %arg14[%dma_wait3A_299, %dma_wait3A_300] : memref<2048x8xf32, #tpu.memory_space<vmem>> -> memref<128x8xf32, #tpu.memory_space<vmem>>
        %dma_wait3A_302 = arith.constant 0 : i32
        %dma_wait3A_303 = arith.constant 0 : i32
        %dma_wait3A_304 = tpu.memref_slice %arg2[%dma_wait3A_302, %dma_wait3A_303] : memref<100000x8xf32, #tpu.memory_space<hbm>> -> memref<128x8xf32, #tpu.memory_space<hbm>>
        %dma_wait3A_305 = arith.constant 1024 : i32
        %dma_wait3A_306 = arith.constant 0 : i32
        %dma_wait3A_307 = tpu.memref_slice %arg14[%dma_wait3A_305, %dma_wait3A_306] : memref<2048x8xf32, #tpu.memory_space<vmem>> -> memref<128x8xf32, #tpu.memory_space<vmem>>
        %dma_wait3A_308 = arith.constant 0 : i32
        %dma_wait3A_309 = arith.constant 0 : i32
        %dma_wait3A_310 = tpu.memref_slice %arg2[%dma_wait3A_308, %dma_wait3A_309] : memref<100000x8xf32, #tpu.memory_space<hbm>> -> memref<128x8xf32, #tpu.memory_space<hbm>>
        tpu.wait_dma2 semaphore(%arg24 : memref<!tpu.dma_semaphore, #tpu.memory_space<semaphore_mem>>) src(%dma_wait3A_310 : memref<128x8xf32, #tpu.memory_space<hbm>>) dst(%dma_wait3A_307 : memref<128x8xf32, #tpu.memory_space<vmem>>)
        %dma_wait3A_311 = arith.constant 1024 : i32
        %dma_wait3A_312 = arith.constant 0 : i32
        %dma_wait3A_313 = tpu.memref_slice %arg15[%dma_wait3A_311, %dma_wait3A_312] : memref<2048x8xf32, #tpu.memory_space<vmem>> -> memref<128x8xf32, #tpu.memory_space<vmem>>
        %dma_wait3A_314 = arith.constant 0 : i32
        %dma_wait3A_315 = arith.constant 0 : i32
        %dma_wait3A_316 = tpu.memref_slice %arg2[%dma_wait3A_314, %dma_wait3A_315] : memref<100000x8xf32, #tpu.memory_space<hbm>> -> memref<128x8xf32, #tpu.memory_space<hbm>>
        %dma_wait3A_317 = arith.constant 1024 : i32
        %dma_wait3A_318 = arith.constant 0 : i32
        %dma_wait3A_319 = tpu.memref_slice %arg15[%dma_wait3A_317, %dma_wait3A_318] : memref<2048x8xf32, #tpu.memory_space<vmem>> -> memref<128x8xf32, #tpu.memory_space<vmem>>
        %dma_wait3A_320 = arith.constant 0 : i32
        %dma_wait3A_321 = arith.constant 0 : i32
        %dma_wait3A_322 = tpu.memref_slice %arg2[%dma_wait3A_320, %dma_wait3A_321] : memref<100000x8xf32, #tpu.memory_space<hbm>> -> memref<128x8xf32, #tpu.memory_space<hbm>>
        tpu.wait_dma2 semaphore(%arg25 : memref<!tpu.dma_semaphore, #tpu.memory_space<semaphore_mem>>) src(%dma_wait3A_322 : memref<128x8xf32, #tpu.memory_space<hbm>>) dst(%dma_wait3A_319 : memref<128x8xf32, #tpu.memory_space<vmem>>)
        %dma_wait3A_323 = arith.constant 1152 : i32
        %dma_wait3A_324 = arith.constant 0 : i32
        %dma_wait3A_325 = tpu.memref_slice %arg14[%dma_wait3A_323, %dma_wait3A_324] : memref<2048x8xf32, #tpu.memory_space<vmem>> -> memref<128x8xf32, #tpu.memory_space<vmem>>
        %dma_wait3A_326 = arith.constant 0 : i32
        %dma_wait3A_327 = arith.constant 0 : i32
        %dma_wait3A_328 = tpu.memref_slice %arg2[%dma_wait3A_326, %dma_wait3A_327] : memref<100000x8xf32, #tpu.memory_space<hbm>> -> memref<128x8xf32, #tpu.memory_space<hbm>>
        %dma_wait3A_329 = arith.constant 1152 : i32
        %dma_wait3A_330 = arith.constant 0 : i32
        %dma_wait3A_331 = tpu.memref_slice %arg14[%dma_wait3A_329, %dma_wait3A_330] : memref<2048x8xf32, #tpu.memory_space<vmem>> -> memref<128x8xf32, #tpu.memory_space<vmem>>
        %dma_wait3A_332 = arith.constant 0 : i32
        %dma_wait3A_333 = arith.constant 0 : i32
        %dma_wait3A_334 = tpu.memref_slice %arg2[%dma_wait3A_332, %dma_wait3A_333] : memref<100000x8xf32, #tpu.memory_space<hbm>> -> memref<128x8xf32, #tpu.memory_space<hbm>>
        tpu.wait_dma2 semaphore(%arg24 : memref<!tpu.dma_semaphore, #tpu.memory_space<semaphore_mem>>) src(%dma_wait3A_334 : memref<128x8xf32, #tpu.memory_space<hbm>>) dst(%dma_wait3A_331 : memref<128x8xf32, #tpu.memory_space<vmem>>)
        %dma_wait3A_335 = arith.constant 1152 : i32
        %dma_wait3A_336 = arith.constant 0 : i32
        %dma_wait3A_337 = tpu.memref_slice %arg15[%dma_wait3A_335, %dma_wait3A_336] : memref<2048x8xf32, #tpu.memory_space<vmem>> -> memref<128x8xf32, #tpu.memory_space<vmem>>
        %dma_wait3A_338 = arith.constant 0 : i32
        %dma_wait3A_339 = arith.constant 0 : i32
        %dma_wait3A_340 = tpu.memref_slice %arg2[%dma_wait3A_338, %dma_wait3A_339] : memref<100000x8xf32, #tpu.memory_space<hbm>> -> memref<128x8xf32, #tpu.memory_space<hbm>>
        %dma_wait3A_341 = arith.constant 1152 : i32
        %dma_wait3A_342 = arith.constant 0 : i32
        %dma_wait3A_343 = tpu.memref_slice %arg15[%dma_wait3A_341, %dma_wait3A_342] : memref<2048x8xf32, #tpu.memory_space<vmem>> -> memref<128x8xf32, #tpu.memory_space<vmem>>
        %dma_wait3A_344 = arith.constant 0 : i32
        %dma_wait3A_345 = arith.constant 0 : i32
        %dma_wait3A_346 = tpu.memref_slice %arg2[%dma_wait3A_344, %dma_wait3A_345] : memref<100000x8xf32, #tpu.memory_space<hbm>> -> memref<128x8xf32, #tpu.memory_space<hbm>>
        tpu.wait_dma2 semaphore(%arg25 : memref<!tpu.dma_semaphore, #tpu.memory_space<semaphore_mem>>) src(%dma_wait3A_346 : memref<128x8xf32, #tpu.memory_space<hbm>>) dst(%dma_wait3A_343 : memref<128x8xf32, #tpu.memory_space<vmem>>)
        %dma_wait3A_347 = arith.constant 1280 : i32
        %dma_wait3A_348 = arith.constant 0 : i32
        %dma_wait3A_349 = tpu.memref_slice %arg14[%dma_wait3A_347, %dma_wait3A_348] : memref<2048x8xf32, #tpu.memory_space<vmem>> -> memref<128x8xf32, #tpu.memory_space<vmem>>
        %dma_wait3A_350 = arith.constant 0 : i32
        %dma_wait3A_351 = arith.constant 0 : i32
        %dma_wait3A_352 = tpu.memref_slice %arg2[%dma_wait3A_350, %dma_wait3A_351] : memref<100000x8xf32, #tpu.memory_space<hbm>> -> memref<128x8xf32, #tpu.memory_space<hbm>>
        %dma_wait3A_353 = arith.constant 1280 : i32
        %dma_wait3A_354 = arith.constant 0 : i32
        %dma_wait3A_355 = tpu.memref_slice %arg14[%dma_wait3A_353, %dma_wait3A_354] : memref<2048x8xf32, #tpu.memory_space<vmem>> -> memref<128x8xf32, #tpu.memory_space<vmem>>
        %dma_wait3A_356 = arith.constant 0 : i32
        %dma_wait3A_357 = arith.constant 0 : i32
        %dma_wait3A_358 = tpu.memref_slice %arg2[%dma_wait3A_356, %dma_wait3A_357] : memref<100000x8xf32, #tpu.memory_space<hbm>> -> memref<128x8xf32, #tpu.memory_space<hbm>>
        tpu.wait_dma2 semaphore(%arg24 : memref<!tpu.dma_semaphore, #tpu.memory_space<semaphore_mem>>) src(%dma_wait3A_358 : memref<128x8xf32, #tpu.memory_space<hbm>>) dst(%dma_wait3A_355 : memref<128x8xf32, #tpu.memory_space<vmem>>)
        %dma_wait3A_359 = arith.constant 1280 : i32
        %dma_wait3A_360 = arith.constant 0 : i32
        %dma_wait3A_361 = tpu.memref_slice %arg15[%dma_wait3A_359, %dma_wait3A_360] : memref<2048x8xf32, #tpu.memory_space<vmem>> -> memref<128x8xf32, #tpu.memory_space<vmem>>
        %dma_wait3A_362 = arith.constant 0 : i32
        %dma_wait3A_363 = arith.constant 0 : i32
        %dma_wait3A_364 = tpu.memref_slice %arg2[%dma_wait3A_362, %dma_wait3A_363] : memref<100000x8xf32, #tpu.memory_space<hbm>> -> memref<128x8xf32, #tpu.memory_space<hbm>>
        %dma_wait3A_365 = arith.constant 1280 : i32
        %dma_wait3A_366 = arith.constant 0 : i32
        %dma_wait3A_367 = tpu.memref_slice %arg15[%dma_wait3A_365, %dma_wait3A_366] : memref<2048x8xf32, #tpu.memory_space<vmem>> -> memref<128x8xf32, #tpu.memory_space<vmem>>
        %dma_wait3A_368 = arith.constant 0 : i32
        %dma_wait3A_369 = arith.constant 0 : i32
        %dma_wait3A_370 = tpu.memref_slice %arg2[%dma_wait3A_368, %dma_wait3A_369] : memref<100000x8xf32, #tpu.memory_space<hbm>> -> memref<128x8xf32, #tpu.memory_space<hbm>>
        tpu.wait_dma2 semaphore(%arg25 : memref<!tpu.dma_semaphore, #tpu.memory_space<semaphore_mem>>) src(%dma_wait3A_370 : memref<128x8xf32, #tpu.memory_space<hbm>>) dst(%dma_wait3A_367 : memref<128x8xf32, #tpu.memory_space<vmem>>)
        %dma_wait3A_371 = arith.constant 1408 : i32
        %dma_wait3A_372 = arith.constant 0 : i32
        %dma_wait3A_373 = tpu.memref_slice %arg14[%dma_wait3A_371, %dma_wait3A_372] : memref<2048x8xf32, #tpu.memory_space<vmem>> -> memref<128x8xf32, #tpu.memory_space<vmem>>
        %dma_wait3A_374 = arith.constant 0 : i32
        %dma_wait3A_375 = arith.constant 0 : i32
        %dma_wait3A_376 = tpu.memref_slice %arg2[%dma_wait3A_374, %dma_wait3A_375] : memref<100000x8xf32, #tpu.memory_space<hbm>> -> memref<128x8xf32, #tpu.memory_space<hbm>>
        %dma_wait3A_377 = arith.constant 1408 : i32
        %dma_wait3A_378 = arith.constant 0 : i32
        %dma_wait3A_379 = tpu.memref_slice %arg14[%dma_wait3A_377, %dma_wait3A_378] : memref<2048x8xf32, #tpu.memory_space<vmem>> -> memref<128x8xf32, #tpu.memory_space<vmem>>
        %dma_wait3A_380 = arith.constant 0 : i32
        %dma_wait3A_381 = arith.constant 0 : i32
        %dma_wait3A_382 = tpu.memref_slice %arg2[%dma_wait3A_380, %dma_wait3A_381] : memref<100000x8xf32, #tpu.memory_space<hbm>> -> memref<128x8xf32, #tpu.memory_space<hbm>>
        tpu.wait_dma2 semaphore(%arg24 : memref<!tpu.dma_semaphore, #tpu.memory_space<semaphore_mem>>) src(%dma_wait3A_382 : memref<128x8xf32, #tpu.memory_space<hbm>>) dst(%dma_wait3A_379 : memref<128x8xf32, #tpu.memory_space<vmem>>)
        %dma_wait3A_383 = arith.constant 1408 : i32
        %dma_wait3A_384 = arith.constant 0 : i32
        %dma_wait3A_385 = tpu.memref_slice %arg15[%dma_wait3A_383, %dma_wait3A_384] : memref<2048x8xf32, #tpu.memory_space<vmem>> -> memref<128x8xf32, #tpu.memory_space<vmem>>
        %dma_wait3A_386 = arith.constant 0 : i32
        %dma_wait3A_387 = arith.constant 0 : i32
        %dma_wait3A_388 = tpu.memref_slice %arg2[%dma_wait3A_386, %dma_wait3A_387] : memref<100000x8xf32, #tpu.memory_space<hbm>> -> memref<128x8xf32, #tpu.memory_space<hbm>>
        %dma_wait3A_389 = arith.constant 1408 : i32
        %dma_wait3A_390 = arith.constant 0 : i32
        %dma_wait3A_391 = tpu.memref_slice %arg15[%dma_wait3A_389, %dma_wait3A_390] : memref<2048x8xf32, #tpu.memory_space<vmem>> -> memref<128x8xf32, #tpu.memory_space<vmem>>
        %dma_wait3A_392 = arith.constant 0 : i32
        %dma_wait3A_393 = arith.constant 0 : i32
        %dma_wait3A_394 = tpu.memref_slice %arg2[%dma_wait3A_392, %dma_wait3A_393] : memref<100000x8xf32, #tpu.memory_space<hbm>> -> memref<128x8xf32, #tpu.memory_space<hbm>>
        tpu.wait_dma2 semaphore(%arg25 : memref<!tpu.dma_semaphore, #tpu.memory_space<semaphore_mem>>) src(%dma_wait3A_394 : memref<128x8xf32, #tpu.memory_space<hbm>>) dst(%dma_wait3A_391 : memref<128x8xf32, #tpu.memory_space<vmem>>)
        %dma_wait3A_395 = arith.constant 1536 : i32
        %dma_wait3A_396 = arith.constant 0 : i32
        %dma_wait3A_397 = tpu.memref_slice %arg14[%dma_wait3A_395, %dma_wait3A_396] : memref<2048x8xf32, #tpu.memory_space<vmem>> -> memref<128x8xf32, #tpu.memory_space<vmem>>
        %dma_wait3A_398 = arith.constant 0 : i32
        %dma_wait3A_399 = arith.constant 0 : i32
        %dma_wait3A_400 = tpu.memref_slice %arg2[%dma_wait3A_398, %dma_wait3A_399] : memref<100000x8xf32, #tpu.memory_space<hbm>> -> memref<128x8xf32, #tpu.memory_space<hbm>>
        %dma_wait3A_401 = arith.constant 1536 : i32
        %dma_wait3A_402 = arith.constant 0 : i32
        %dma_wait3A_403 = tpu.memref_slice %arg14[%dma_wait3A_401, %dma_wait3A_402] : memref<2048x8xf32, #tpu.memory_space<vmem>> -> memref<128x8xf32, #tpu.memory_space<vmem>>
        %dma_wait3A_404 = arith.constant 0 : i32
        %dma_wait3A_405 = arith.constant 0 : i32
        %dma_wait3A_406 = tpu.memref_slice %arg2[%dma_wait3A_404, %dma_wait3A_405] : memref<100000x8xf32, #tpu.memory_space<hbm>> -> memref<128x8xf32, #tpu.memory_space<hbm>>
        tpu.wait_dma2 semaphore(%arg24 : memref<!tpu.dma_semaphore, #tpu.memory_space<semaphore_mem>>) src(%dma_wait3A_406 : memref<128x8xf32, #tpu.memory_space<hbm>>) dst(%dma_wait3A_403 : memref<128x8xf32, #tpu.memory_space<vmem>>)
        %dma_wait3A_407 = arith.constant 1536 : i32
        %dma_wait3A_408 = arith.constant 0 : i32
        %dma_wait3A_409 = tpu.memref_slice %arg15[%dma_wait3A_407, %dma_wait3A_408] : memref<2048x8xf32, #tpu.memory_space<vmem>> -> memref<128x8xf32, #tpu.memory_space<vmem>>
        %dma_wait3A_410 = arith.constant 0 : i32
        %dma_wait3A_411 = arith.constant 0 : i32
        %dma_wait3A_412 = tpu.memref_slice %arg2[%dma_wait3A_410, %dma_wait3A_411] : memref<100000x8xf32, #tpu.memory_space<hbm>> -> memref<128x8xf32, #tpu.memory_space<hbm>>
        %dma_wait3A_413 = arith.constant 1536 : i32
        %dma_wait3A_414 = arith.constant 0 : i32
        %dma_wait3A_415 = tpu.memref_slice %arg15[%dma_wait3A_413, %dma_wait3A_414] : memref<2048x8xf32, #tpu.memory_space<vmem>> -> memref<128x8xf32, #tpu.memory_space<vmem>>
        %dma_wait3A_416 = arith.constant 0 : i32
        %dma_wait3A_417 = arith.constant 0 : i32
        %dma_wait3A_418 = tpu.memref_slice %arg2[%dma_wait3A_416, %dma_wait3A_417] : memref<100000x8xf32, #tpu.memory_space<hbm>> -> memref<128x8xf32, #tpu.memory_space<hbm>>
        tpu.wait_dma2 semaphore(%arg25 : memref<!tpu.dma_semaphore, #tpu.memory_space<semaphore_mem>>) src(%dma_wait3A_418 : memref<128x8xf32, #tpu.memory_space<hbm>>) dst(%dma_wait3A_415 : memref<128x8xf32, #tpu.memory_space<vmem>>)
        %dma_wait3A_419 = arith.constant 1664 : i32
        %dma_wait3A_420 = arith.constant 0 : i32
        %dma_wait3A_421 = tpu.memref_slice %arg14[%dma_wait3A_419, %dma_wait3A_420] : memref<2048x8xf32, #tpu.memory_space<vmem>> -> memref<128x8xf32, #tpu.memory_space<vmem>>
        %dma_wait3A_422 = arith.constant 0 : i32
        %dma_wait3A_423 = arith.constant 0 : i32
        %dma_wait3A_424 = tpu.memref_slice %arg2[%dma_wait3A_422, %dma_wait3A_423] : memref<100000x8xf32, #tpu.memory_space<hbm>> -> memref<128x8xf32, #tpu.memory_space<hbm>>
        %dma_wait3A_425 = arith.constant 1664 : i32
        %dma_wait3A_426 = arith.constant 0 : i32
        %dma_wait3A_427 = tpu.memref_slice %arg14[%dma_wait3A_425, %dma_wait3A_426] : memref<2048x8xf32, #tpu.memory_space<vmem>> -> memref<128x8xf32, #tpu.memory_space<vmem>>
        %dma_wait3A_428 = arith.constant 0 : i32
        %dma_wait3A_429 = arith.constant 0 : i32
        %dma_wait3A_430 = tpu.memref_slice %arg2[%dma_wait3A_428, %dma_wait3A_429] : memref<100000x8xf32, #tpu.memory_space<hbm>> -> memref<128x8xf32, #tpu.memory_space<hbm>>
        tpu.wait_dma2 semaphore(%arg24 : memref<!tpu.dma_semaphore, #tpu.memory_space<semaphore_mem>>) src(%dma_wait3A_430 : memref<128x8xf32, #tpu.memory_space<hbm>>) dst(%dma_wait3A_427 : memref<128x8xf32, #tpu.memory_space<vmem>>)
        %dma_wait3A_431 = arith.constant 1664 : i32
        %dma_wait3A_432 = arith.constant 0 : i32
        %dma_wait3A_433 = tpu.memref_slice %arg15[%dma_wait3A_431, %dma_wait3A_432] : memref<2048x8xf32, #tpu.memory_space<vmem>> -> memref<128x8xf32, #tpu.memory_space<vmem>>
        %dma_wait3A_434 = arith.constant 0 : i32
        %dma_wait3A_435 = arith.constant 0 : i32
        %dma_wait3A_436 = tpu.memref_slice %arg2[%dma_wait3A_434, %dma_wait3A_435] : memref<100000x8xf32, #tpu.memory_space<hbm>> -> memref<128x8xf32, #tpu.memory_space<hbm>>
        %dma_wait3A_437 = arith.constant 1664 : i32
        %dma_wait3A_438 = arith.constant 0 : i32
        %dma_wait3A_439 = tpu.memref_slice %arg15[%dma_wait3A_437, %dma_wait3A_438] : memref<2048x8xf32, #tpu.memory_space<vmem>> -> memref<128x8xf32, #tpu.memory_space<vmem>>
        %dma_wait3A_440 = arith.constant 0 : i32
        %dma_wait3A_441 = arith.constant 0 : i32
        %dma_wait3A_442 = tpu.memref_slice %arg2[%dma_wait3A_440, %dma_wait3A_441] : memref<100000x8xf32, #tpu.memory_space<hbm>> -> memref<128x8xf32, #tpu.memory_space<hbm>>
        tpu.wait_dma2 semaphore(%arg25 : memref<!tpu.dma_semaphore, #tpu.memory_space<semaphore_mem>>) src(%dma_wait3A_442 : memref<128x8xf32, #tpu.memory_space<hbm>>) dst(%dma_wait3A_439 : memref<128x8xf32, #tpu.memory_space<vmem>>)
        %dma_wait3A_443 = arith.constant 1792 : i32
        %dma_wait3A_444 = arith.constant 0 : i32
        %dma_wait3A_445 = tpu.memref_slice %arg14[%dma_wait3A_443, %dma_wait3A_444] : memref<2048x8xf32, #tpu.memory_space<vmem>> -> memref<128x8xf32, #tpu.memory_space<vmem>>
        %dma_wait3A_446 = arith.constant 0 : i32
        %dma_wait3A_447 = arith.constant 0 : i32
        %dma_wait3A_448 = tpu.memref_slice %arg2[%dma_wait3A_446, %dma_wait3A_447] : memref<100000x8xf32, #tpu.memory_space<hbm>> -> memref<128x8xf32, #tpu.memory_space<hbm>>
        %dma_wait3A_449 = arith.constant 1792 : i32
        %dma_wait3A_450 = arith.constant 0 : i32
        %dma_wait3A_451 = tpu.memref_slice %arg14[%dma_wait3A_449, %dma_wait3A_450] : memref<2048x8xf32, #tpu.memory_space<vmem>> -> memref<128x8xf32, #tpu.memory_space<vmem>>
        %dma_wait3A_452 = arith.constant 0 : i32
        %dma_wait3A_453 = arith.constant 0 : i32
        %dma_wait3A_454 = tpu.memref_slice %arg2[%dma_wait3A_452, %dma_wait3A_453] : memref<100000x8xf32, #tpu.memory_space<hbm>> -> memref<128x8xf32, #tpu.memory_space<hbm>>
        tpu.wait_dma2 semaphore(%arg24 : memref<!tpu.dma_semaphore, #tpu.memory_space<semaphore_mem>>) src(%dma_wait3A_454 : memref<128x8xf32, #tpu.memory_space<hbm>>) dst(%dma_wait3A_451 : memref<128x8xf32, #tpu.memory_space<vmem>>)
        %dma_wait3A_455 = arith.constant 1792 : i32
        %dma_wait3A_456 = arith.constant 0 : i32
        %dma_wait3A_457 = tpu.memref_slice %arg15[%dma_wait3A_455, %dma_wait3A_456] : memref<2048x8xf32, #tpu.memory_space<vmem>> -> memref<128x8xf32, #tpu.memory_space<vmem>>
        %dma_wait3A_458 = arith.constant 0 : i32
        %dma_wait3A_459 = arith.constant 0 : i32
        %dma_wait3A_460 = tpu.memref_slice %arg2[%dma_wait3A_458, %dma_wait3A_459] : memref<100000x8xf32, #tpu.memory_space<hbm>> -> memref<128x8xf32, #tpu.memory_space<hbm>>
        %dma_wait3A_461 = arith.constant 1792 : i32
        %dma_wait3A_462 = arith.constant 0 : i32
        %dma_wait3A_463 = tpu.memref_slice %arg15[%dma_wait3A_461, %dma_wait3A_462] : memref<2048x8xf32, #tpu.memory_space<vmem>> -> memref<128x8xf32, #tpu.memory_space<vmem>>
        %dma_wait3A_464 = arith.constant 0 : i32
        %dma_wait3A_465 = arith.constant 0 : i32
        %dma_wait3A_466 = tpu.memref_slice %arg2[%dma_wait3A_464, %dma_wait3A_465] : memref<100000x8xf32, #tpu.memory_space<hbm>> -> memref<128x8xf32, #tpu.memory_space<hbm>>
        tpu.wait_dma2 semaphore(%arg25 : memref<!tpu.dma_semaphore, #tpu.memory_space<semaphore_mem>>) src(%dma_wait3A_466 : memref<128x8xf32, #tpu.memory_space<hbm>>) dst(%dma_wait3A_463 : memref<128x8xf32, #tpu.memory_space<vmem>>)
        %dma_wait3A_467 = arith.constant 1920 : i32
        %dma_wait3A_468 = arith.constant 0 : i32
        %dma_wait3A_469 = tpu.memref_slice %arg14[%dma_wait3A_467, %dma_wait3A_468] : memref<2048x8xf32, #tpu.memory_space<vmem>> -> memref<128x8xf32, #tpu.memory_space<vmem>>
        %dma_wait3A_470 = arith.constant 0 : i32
        %dma_wait3A_471 = arith.constant 0 : i32
        %dma_wait3A_472 = tpu.memref_slice %arg2[%dma_wait3A_470, %dma_wait3A_471] : memref<100000x8xf32, #tpu.memory_space<hbm>> -> memref<128x8xf32, #tpu.memory_space<hbm>>
        %dma_wait3A_473 = arith.constant 1920 : i32
        %dma_wait3A_474 = arith.constant 0 : i32
        %dma_wait3A_475 = tpu.memref_slice %arg14[%dma_wait3A_473, %dma_wait3A_474] : memref<2048x8xf32, #tpu.memory_space<vmem>> -> memref<128x8xf32, #tpu.memory_space<vmem>>
        %dma_wait3A_476 = arith.constant 0 : i32
        %dma_wait3A_477 = arith.constant 0 : i32
        %dma_wait3A_478 = tpu.memref_slice %arg2[%dma_wait3A_476, %dma_wait3A_477] : memref<100000x8xf32, #tpu.memory_space<hbm>> -> memref<128x8xf32, #tpu.memory_space<hbm>>
        tpu.wait_dma2 semaphore(%arg24 : memref<!tpu.dma_semaphore, #tpu.memory_space<semaphore_mem>>) src(%dma_wait3A_478 : memref<128x8xf32, #tpu.memory_space<hbm>>) dst(%dma_wait3A_475 : memref<128x8xf32, #tpu.memory_space<vmem>>)
        %dma_wait3A_479 = arith.constant 1920 : i32
        %dma_wait3A_480 = arith.constant 0 : i32
        %dma_wait3A_481 = tpu.memref_slice %arg15[%dma_wait3A_479, %dma_wait3A_480] : memref<2048x8xf32, #tpu.memory_space<vmem>> -> memref<128x8xf32, #tpu.memory_space<vmem>>
        %dma_wait3A_482 = arith.constant 0 : i32
        %dma_wait3A_483 = arith.constant 0 : i32
        %dma_wait3A_484 = tpu.memref_slice %arg2[%dma_wait3A_482, %dma_wait3A_483] : memref<100000x8xf32, #tpu.memory_space<hbm>> -> memref<128x8xf32, #tpu.memory_space<hbm>>
        %dma_wait3A_485 = arith.constant 1920 : i32
        %dma_wait3A_486 = arith.constant 0 : i32
        %dma_wait3A_487 = tpu.memref_slice %arg15[%dma_wait3A_485, %dma_wait3A_486] : memref<2048x8xf32, #tpu.memory_space<vmem>> -> memref<128x8xf32, #tpu.memory_space<vmem>>
        %dma_wait3A_488 = arith.constant 0 : i32
        %dma_wait3A_489 = arith.constant 0 : i32
        %dma_wait3A_490 = tpu.memref_slice %arg2[%dma_wait3A_488, %dma_wait3A_489] : memref<100000x8xf32, #tpu.memory_space<hbm>> -> memref<128x8xf32, #tpu.memory_space<hbm>>
        tpu.wait_dma2 semaphore(%arg25 : memref<!tpu.dma_semaphore, #tpu.memory_space<semaphore_mem>>) src(%dma_wait3A_490 : memref<128x8xf32, #tpu.memory_space<hbm>>) dst(%dma_wait3A_487 : memref<128x8xf32, #tpu.memory_space<vmem>>)
        %mul3A_491 = arith.constant 2048 : i32
        %mul3A_492 = arith.muli %add3A_86, %mul3A_491 : i32
        %scan3A_493 = arith.constant 0 : i32
        %scan3A_494 = arith.constant 0 : i32
        %scan3A_495 = arith.constant 128 : i32
        %scan3A_496 = arith.addi %scan3A_494, %scan3A_495 : i32
        %scan3A_497 = arith.constant 1 : i32
        scf.for %scan3A_510 = %scan3A_494 to %scan3A_496 step %scan3A_497  : i32 {
          %mul3A_511 = arith.constant 16 : i32
          %mul3A_512 = arith.muli %scan3A_510, %mul3A_511 : i32
          %add3A_513 = vector.broadcast %mul3A_512 : i32 to vector<16xi32>
          %add3A_514 = arith.addi %add3A_513, %iota3A : vector<16xi32>
          %jit3A = arith.constant 8 : i32
          %div3A = arith.divsi %scan3A_510, %jit3A : i32
          %sign3A = arith.constant 0 : i32
          %sign3A_515 = arith.cmpi sgt, %scan3A_510, %sign3A : i32
          %sign3A_516 = arith.extui %sign3A_515 : i1 to i32
          %sign3A_517 = arith.constant 0 : i32
          %sign3A_518 = arith.cmpi slt, %scan3A_510, %sign3A_517 : i32
          %sign3A_519 = arith.extui %sign3A_518 : i1 to i32
          %sign3A_520 = arith.subi %sign3A_516, %sign3A_519 : i32
          %sign3A_521 = arith.constant 0 : i32
          %sign3A_522 = arith.cmpi sgt, %jit3A, %sign3A_521 : i32
          %sign3A_523 = arith.extui %sign3A_522 : i1 to i32
          %sign3A_524 = arith.constant 0 : i32
          %sign3A_525 = arith.cmpi slt, %jit3A, %sign3A_524 : i32
          %sign3A_526 = arith.extui %sign3A_525 : i1 to i32
          %sign3A_527 = arith.subi %sign3A_523, %sign3A_526 : i32
          %ne3A = arith.cmpi ne, %sign3A_520, %sign3A_527 : i32
          %rem3A = arith.remsi %scan3A_510, %jit3A : i32
          %ne3A_528 = arith.constant 0 : i32
          %ne3A_529 = arith.cmpi ne, %rem3A, %ne3A_528 : i32
          %and3A_530 = arith.andi %ne3A, %ne3A_529 : i1
          %sub3A = arith.constant 1 : i32
          %sub3A_531 = arith.subi %div3A, %sub3A : i32
          %select_n3A = arith.select %and3A_530, %sub3A_531, %div3A : i32
          %jit3A_532 = arith.constant 8 : i32
          %eq3A = arith.constant 0 : i32
          %eq3A_533 = arith.cmpi eq, %jit3A_532, %eq3A : i32
          %jit3A_534 = arith.constant 1 : i32
          %select_n3A_535 = arith.select %eq3A_533, %jit3A_534, %jit3A_532 : i32
          %rem3A_536 = arith.remsi %scan3A_510, %select_n3A_535 : i32
          %ne3A_537 = arith.constant 0 : i32
          %ne3A_538 = arith.cmpi ne, %rem3A_536, %ne3A_537 : i32
          %lt3A_539 = arith.constant 0 : i32
          %lt3A_540 = arith.cmpi slt, %rem3A_536, %lt3A_539 : i32
          %lt3A_541 = arith.constant 0 : i32
          %lt3A_542 = arith.cmpi slt, %select_n3A_535, %lt3A_541 : i32
          %ne3A_543 = arith.xori %lt3A_540, %lt3A_542 : i1
          %and3A_544 = arith.andi %ne3A_543, %ne3A_538 : i1
          %add3A_545 = arith.addi %rem3A_536, %select_n3A_535 : i32
          %select_n3A_546 = arith.select %and3A_544, %add3A_545, %rem3A_536 : i32
          %mul3A_547 = arith.constant 16 : i32
          %mul3A_548 = arith.muli %select_n3A_546, %mul3A_547 : i32
          %gather3A = tpu.vector_load_idx %arg15[%add3A_514, %broadcast_in_dim3A_1] : memref<2048x8xf32, #tpu.memory_space<vmem>>[vector<16xi32>, vector<16xi32>], vector<16xf32>,
          %gather3A_549 = tpu.vector_load_idx %arg14[%add3A_514, %broadcast_in_dim3A_1] : memref<2048x8xf32, #tpu.memory_space<vmem>>[vector<16xi32>, vector<16xi32>], vector<16xf32>,
          %sub3A_550 = arith.subf %gather3A, %gather3A_549 : vector<16xf32>
          %gather3A_551 = tpu.vector_load_idx %arg15[%add3A_514, %add3A_4] : memref<2048x8xf32, #tpu.memory_space<vmem>>[vector<16xi32>, vector<16xi32>], vector<16xf32>,
          %gather3A_552 = tpu.vector_load_idx %arg14[%add3A_514, %add3A_4] : memref<2048x8xf32, #tpu.memory_space<vmem>>[vector<16xi32>, vector<16xi32>], vector<16xf32>,
          %sub3A_553 = arith.subf %gather3A_551, %gather3A_552 : vector<16xf32>
          %gather3A_554 = tpu.vector_load_idx %arg15[%add3A_514, %add3A_7] : memref<2048x8xf32, #tpu.memory_space<vmem>>[vector<16xi32>, vector<16xi32>], vector<16xf32>,
          %gather3A_555 = tpu.vector_load_idx %arg14[%add3A_514, %add3A_7] : memref<2048x8xf32, #tpu.memory_space<vmem>>[vector<16xi32>, vector<16xi32>], vector<16xf32>,
          %sub3A_556 = arith.subf %gather3A_554, %gather3A_555 : vector<16xf32>
          %swap3A = arith.constant 0 : i32
          %swap3A_557 = arith.index_cast %select_n3A : i32 to index
          %swap3A_558 = arith.index_cast %swap3A : i32 to index
          %swap3A_559 = arith.index_cast %mul3A_548 : i32 to index
          %swap3A_560 = tpu.vector_load %arg19[%swap3A_557, %swap3A_558, %swap3A_559] {strides = array<i32>} : memref<16x4x128xf32, #tpu.memory_space<vmem>>, vector<16xf32>,
          tpu.vector_store %arg19[%swap3A_557, %swap3A_558, %swap3A_559], %sub3A_550 {strides = array<i32>} : memref<16x4x128xf32, #tpu.memory_space<vmem>>, vector<16xf32>,
          %swap3A_561 = arith.constant 1 : i32
          %swap3A_562 = arith.index_cast %select_n3A : i32 to index
          %swap3A_563 = arith.index_cast %swap3A_561 : i32 to index
          %swap3A_564 = arith.index_cast %mul3A_548 : i32 to index
          %swap3A_565 = tpu.vector_load %arg19[%swap3A_562, %swap3A_563, %swap3A_564] {strides = array<i32>} : memref<16x4x128xf32, #tpu.memory_space<vmem>>, vector<16xf32>,
          tpu.vector_store %arg19[%swap3A_562, %swap3A_563, %swap3A_564], %sub3A_553 {strides = array<i32>} : memref<16x4x128xf32, #tpu.memory_space<vmem>>, vector<16xf32>,
          %swap3A_566 = arith.constant 2 : i32
          %swap3A_567 = arith.index_cast %select_n3A : i32 to index
          %swap3A_568 = arith.index_cast %swap3A_566 : i32 to index
          %swap3A_569 = arith.index_cast %mul3A_548 : i32 to index
          %swap3A_570 = tpu.vector_load %arg19[%swap3A_567, %swap3A_568, %swap3A_569] {strides = array<i32>} : memref<16x4x128xf32, #tpu.memory_space<vmem>>, vector<16xf32>,
          tpu.vector_store %arg19[%swap3A_567, %swap3A_568, %swap3A_569], %sub3A_556 {strides = array<i32>} : memref<16x4x128xf32, #tpu.memory_space<vmem>>, vector<16xf32>,
          %mul3A_571 = arith.mulf %sub3A_550, %sub3A_550 : vector<16xf32>
          %mul3A_572 = arith.mulf %sub3A_553, %sub3A_553 : vector<16xf32>
          %add3A_573 = arith.addf %mul3A_571, %mul3A_572 : vector<16xf32>
          %mul3A_574 = arith.mulf %sub3A_556, %sub3A_556 : vector<16xf32>
          %add3A_575 = arith.addf %add3A_573, %mul3A_574 : vector<16xf32>
          %bitcast3A = vector.bitcast %add3A_575 : vector<16xf32> to vector<16xi32>
          %shift_right_arithmetic3A = arith.constant 1 : i32
          %shift_right_arithmetic3A_576 = vector.broadcast %shift_right_arithmetic3A : i32 to vector<16xi32>
          %shift_right_arithmetic3A_577 = arith.shrsi %bitcast3A, %shift_right_arithmetic3A_576 : vector<16xi32>
          %sub3A_578 = arith.constant 1597463007 : i32
          %sub3A_579 = vector.broadcast %sub3A_578 : i32 to vector<16xi32>
          %sub3A_580 = arith.subi %sub3A_579, %shift_right_arithmetic3A_577 : vector<16xi32>
          %bitcast3A_581 = vector.bitcast %sub3A_580 : vector<16xi32> to vector<16xf32>
          %mul3A_582 = arith.constant 5.000000e-01 : f32
          %mul3A_583 = vector.broadcast %mul3A_582 : f32 to vector<16xf32>
          %mul3A_584 = arith.mulf %mul3A_583, %add3A_575 : vector<16xf32>
          %mul3A_585 = arith.mulf %mul3A_584, %bitcast3A_581 : vector<16xf32>
          %mul3A_586 = arith.mulf %mul3A_585, %bitcast3A_581 : vector<16xf32>
          %sub3A_587 = arith.constant 1.500000e+00 : f32
          %sub3A_588 = vector.broadcast %sub3A_587 : f32 to vector<16xf32>
          %sub3A_589 = arith.subf %sub3A_588, %mul3A_586 : vector<16xf32>
          %mul3A_590 = arith.mulf %bitcast3A_581, %sub3A_589 : vector<16xf32>
          %mul3A_591 = arith.constant 5.000000e-01 : f32
          %mul3A_592 = vector.broadcast %mul3A_591 : f32 to vector<16xf32>
          %mul3A_593 = arith.mulf %mul3A_592, %add3A_575 : vector<16xf32>
          %mul3A_594 = arith.mulf %mul3A_593, %mul3A_590 : vector<16xf32>
          %mul3A_595 = arith.mulf %mul3A_594, %mul3A_590 : vector<16xf32>
          %sub3A_596 = arith.constant 1.500000e+00 : f32
          %sub3A_597 = vector.broadcast %sub3A_596 : f32 to vector<16xf32>
          %sub3A_598 = arith.subf %sub3A_597, %mul3A_595 : vector<16xf32>
          %mul3A_599 = arith.mulf %mul3A_590, %sub3A_598 : vector<16xf32>
          %mul3A_600 = arith.constant 5.000000e-01 : f32
          %mul3A_601 = vector.broadcast %mul3A_600 : f32 to vector<16xf32>
          %mul3A_602 = arith.mulf %mul3A_601, %add3A_575 : vector<16xf32>
          %mul3A_603 = arith.mulf %mul3A_602, %mul3A_599 : vector<16xf32>
          %mul3A_604 = arith.mulf %mul3A_603, %mul3A_599 : vector<16xf32>
          %sub3A_605 = arith.constant 1.500000e+00 : f32
          %sub3A_606 = vector.broadcast %sub3A_605 : f32 to vector<16xf32>
          %sub3A_607 = arith.subf %sub3A_606, %mul3A_604 : vector<16xf32>
          %mul3A_608 = arith.mulf %mul3A_599, %sub3A_607 : vector<16xf32>
          %mul3A_609 = arith.mulf %add3A_575, %mul3A_608 : vector<16xf32>
          %eq3A_610 = arith.constant 0.000000e+00 : f32
          %eq3A_611 = vector.broadcast %eq3A_610 : f32 to vector<16xf32>
          %eq3A_612 = arith.cmpf oeq, %add3A_575, %eq3A_611 : vector<16xf32>
          %jit3A_613 = arith.constant 0.000000e+00 : f32
          %broadcast_in_dim3A_614 = vector.broadcast %jit3A_613 : f32 to vector<16xf32>
          %select_n3A_615 = arith.select %eq3A_612, %broadcast_in_dim3A_614, %mul3A_609 : vector<16xi1>, vector<16xf32>
          %mul3A_616 = arith.constant 16 : i32
          %mul3A_617 = arith.muli %scan3A_510, %mul3A_616 : i32
          %swap3A_618 = arith.index_cast %mul3A_617 : i32 to index
          %swap3A_619 = tpu.vector_load %arg20[%swap3A_618] {strides = array<i32>} : memref<2048xf32, #tpu.memory_space<vmem>>, vector<16xf32>,
          tpu.vector_store %arg20[%swap3A_618], %select_n3A_615 {strides = array<i32>} : memref<2048xf32, #tpu.memory_space<vmem>>, vector<16xf32>,
          %mul3A_620 = arith.constant 0.314159274 : f32
          %mul3A_621 = vector.broadcast %mul3A_620 : f32 to vector<16xf32>
          %mul3A_622 = arith.mulf %select_n3A_615, %mul3A_621 : vector<16xf32>
          %min3A = arith.constant 1.57079637 : f32
          %min3A_623 = vector.broadcast %min3A : f32 to vector<16xf32>
          %min3A_624 = arith.minimumf %mul3A_622, %min3A_623 : vector<16xf32>
          %mul3A_625 = arith.mulf %min3A_624, %min3A_624 : vector<16xf32>
          %mul3A_626 = arith.constant -1.278710e-03 : f32
          %mul3A_627 = vector.broadcast %mul3A_626 : f32 to vector<16xf32>
          %mul3A_628 = arith.mulf %mul3A_625, %mul3A_627 : vector<16xf32>
          %add3A_629 = arith.constant 0.0415117182 : f32
          %add3A_630 = vector.broadcast %add3A_629 : f32 to vector<16xf32>
          %add3A_631 = arith.addf %add3A_630, %mul3A_628 : vector<16xf32>
          %mul3A_632 = arith.mulf %mul3A_625, %add3A_631 : vector<16xf32>
          %add3A_633 = arith.constant -0.499930918 : f32
          %add3A_634 = vector.broadcast %add3A_633 : f32 to vector<16xf32>
          %add3A_635 = arith.addf %add3A_634, %mul3A_632 : vector<16xf32>
          %mul3A_636 = arith.mulf %mul3A_625, %add3A_635 : vector<16xf32>
          %add3A_637 = arith.constant 0.999995291 : f32
          %add3A_638 = vector.broadcast %add3A_637 : f32 to vector<16xf32>
          %add3A_639 = arith.addf %add3A_638, %mul3A_636 : vector<16xf32>
          %lt3A_640 = arith.constant 5.000000e+00 : f32
          %lt3A_641 = vector.broadcast %lt3A_640 : f32 to vector<16xf32>
          %lt3A_642 = arith.cmpf olt, %select_n3A_615, %lt3A_641 : vector<16xf32>
          %mul3A_643 = arith.mulf %add3A_639, %add3A_639 : vector<16xf32>
          %jit3A_644 = arith.constant 0.000000e+00 : f32
          %broadcast_in_dim3A_645 = vector.broadcast %jit3A_644 : f32 to vector<16xf32>
          %select_n3A_646 = arith.select %lt3A_642, %mul3A_643, %broadcast_in_dim3A_645 : vector<16xi1>, vector<16xf32>
          %mul3A_647 = arith.constant 16 : i32
          %mul3A_648 = arith.muli %scan3A_510, %mul3A_647 : i32
          %swap3A_649 = arith.index_cast %mul3A_648 : i32 to index
          %swap3A_650 = tpu.vector_load %arg21[%swap3A_649] {strides = array<i32>} : memref<2048xf32, #tpu.memory_space<vmem>>, vector<16xf32>,
          tpu.vector_store %arg21[%swap3A_649], %select_n3A_646 {strides = array<i32>} : memref<2048xf32, #tpu.memory_space<vmem>>, vector<16xf32>,
        }
        %scan3A_498 = arith.constant 128 : i32
        %mul3A_499 = arith.constant 16 : i32
        %mul3A_500 = arith.muli %add3A_86, %mul3A_499 : i32
        %dma_start3A = arith.constant 0 : i32
        %dma_start3A_501 = arith.constant 0 : i32
        %dma_start3A_502 = tpu.memref_slice %arg5[%mul3A_500, %dma_start3A, %dma_start3A_501] : memref<50000x4x128xf32, #tpu.memory_space<hbm>> -> memref<16x4x128xf32, #tpu.memory_space<hbm>>
        %dma_start3A_503 = arith.constant 0 : i32
        %dma_start3A_504 = arith.constant 0 : i32
        %dma_start3A_505 = tpu.memref_slice %arg5[%mul3A_500, %dma_start3A_503, %dma_start3A_504] : memref<50000x4x128xf32, #tpu.memory_space<hbm>> -> memref<16x4x128xf32, #tpu.memory_space<hbm>>
        tpu.enqueue_dma source(%arg19 : memref<16x4x128xf32, #tpu.memory_space<vmem>>) target(%dma_start3A_505 : memref<16x4x128xf32, #tpu.memory_space<hbm>>) target_semaphore(%arg27 : memref<!tpu.dma_semaphore, #tpu.memory_space<semaphore_mem>>)
        %dma_start3A_506 = tpu.memref_slice %arg6[%mul3A_492] : memref<6400000xf32, #tpu.memory_space<hbm>> -> memref<2048xf32, #tpu.memory_space<hbm>>
        %dma_start3A_507 = tpu.memref_slice %arg6[%mul3A_492] : memref<6400000xf32, #tpu.memory_space<hbm>> -> memref<2048xf32, #tpu.memory_space<hbm>>
        tpu.enqueue_dma source(%arg20 : memref<2048xf32, #tpu.memory_space<vmem>>) target(%dma_start3A_507 : memref<2048xf32, #tpu.memory_space<hbm>>) target_semaphore(%arg27 : memref<!tpu.dma_semaphore, #tpu.memory_space<semaphore_mem>>)
        %dma_start3A_508 = tpu.memref_slice %arg7[%mul3A_492] : memref<6400000xf32, #tpu.memory_space<hbm>> -> memref<2048xf32, #tpu.memory_space<hbm>>
        %dma_start3A_509 = tpu.memref_slice %arg7[%mul3A_492] : memref<6400000xf32, #tpu.memory_space<hbm>> -> memref<2048xf32, #tpu.memory_space<hbm>>
        tpu.enqueue_dma source(%arg21 : memref<2048xf32, #tpu.memory_space<vmem>>) target(%dma_start3A_509 : memref<2048xf32, #tpu.memory_space<hbm>>) target_semaphore(%arg27 : memref<!tpu.dma_semaphore, #tpu.memory_space<semaphore_mem>>)
      } else {
      }
    }
    %scan3A_22 = arith.constant 49 : i32
    %dma_wait3A = arith.constant 0 : i32
    %dma_wait3A_23 = arith.constant 0 : i32
    %dma_wait3A_24 = arith.constant 0 : i32
    %dma_wait3A_25 = tpu.memref_slice %arg5[%dma_wait3A, %dma_wait3A_23, %dma_wait3A_24] : memref<50000x4x128xf32, #tpu.memory_space<hbm>> -> memref<16x4x128xf32, #tpu.memory_space<hbm>>
    %dma_wait3A_26 = arith.constant 0 : i32
    %dma_wait3A_27 = arith.constant 0 : i32
    %dma_wait3A_28 = arith.constant 0 : i32
    %dma_wait3A_29 = tpu.memref_slice %arg5[%dma_wait3A_26, %dma_wait3A_27, %dma_wait3A_28] : memref<50000x4x128xf32, #tpu.memory_space<hbm>> -> memref<16x4x128xf32, #tpu.memory_space<hbm>>
    tpu.wait_dma2 semaphore(%arg26 : memref<!tpu.dma_semaphore, #tpu.memory_space<semaphore_mem>>) src(%arg16 : memref<16x4x128xf32, #tpu.memory_space<vmem>>) dst(%dma_wait3A_29 : memref<16x4x128xf32, #tpu.memory_space<hbm>>)
    %dma_wait3A_30 = arith.constant 0 : i32
    %dma_wait3A_31 = tpu.memref_slice %arg6[%dma_wait3A_30] : memref<6400000xf32, #tpu.memory_space<hbm>> -> memref<2048xf32, #tpu.memory_space<hbm>>
    %dma_wait3A_32 = arith.constant 0 : i32
    %dma_wait3A_33 = tpu.memref_slice %arg6[%dma_wait3A_32] : memref<6400000xf32, #tpu.memory_space<hbm>> -> memref<2048xf32, #tpu.memory_space<hbm>>
    tpu.wait_dma2 semaphore(%arg26 : memref<!tpu.dma_semaphore, #tpu.memory_space<semaphore_mem>>) src(%arg17 : memref<2048xf32, #tpu.memory_space<vmem>>) dst(%dma_wait3A_33 : memref<2048xf32, #tpu.memory_space<hbm>>)
    %dma_wait3A_34 = arith.constant 0 : i32
    %dma_wait3A_35 = tpu.memref_slice %arg7[%dma_wait3A_34] : memref<6400000xf32, #tpu.memory_space<hbm>> -> memref<2048xf32, #tpu.memory_space<hbm>>
    %dma_wait3A_36 = arith.constant 0 : i32
    %dma_wait3A_37 = tpu.memref_slice %arg7[%dma_wait3A_36] : memref<6400000xf32, #tpu.memory_space<hbm>> -> memref<2048xf32, #tpu.memory_space<hbm>>
    tpu.wait_dma2 semaphore(%arg26 : memref<!tpu.dma_semaphore, #tpu.memory_space<semaphore_mem>>) src(%arg18 : memref<2048xf32, #tpu.memory_space<vmem>>) dst(%dma_wait3A_37 : memref<2048xf32, #tpu.memory_space<hbm>>)
    %dma_wait3A_38 = arith.constant 0 : i32
    %dma_wait3A_39 = arith.constant 0 : i32
    %dma_wait3A_40 = arith.constant 0 : i32
    %dma_wait3A_41 = tpu.memref_slice %arg5[%dma_wait3A_38, %dma_wait3A_39, %dma_wait3A_40] : memref<50000x4x128xf32, #tpu.memory_space<hbm>> -> memref<16x4x128xf32, #tpu.memory_space<hbm>>
    %dma_wait3A_42 = arith.constant 0 : i32
    %dma_wait3A_43 = arith.constant 0 : i32
    %dma_wait3A_44 = arith.constant 0 : i32
    %dma_wait3A_45 = tpu.memref_slice %arg5[%dma_wait3A_42, %dma_wait3A_43, %dma_wait3A_44] : memref<50000x4x128xf32, #tpu.memory_space<hbm>> -> memref<16x4x128xf32, #tpu.memory_space<hbm>>
    tpu.wait_dma2 semaphore(%arg27 : memref<!tpu.dma_semaphore, #tpu.memory_space<semaphore_mem>>) src(%arg19 : memref<16x4x128xf32, #tpu.memory_space<vmem>>) dst(%dma_wait3A_45 : memref<16x4x128xf32, #tpu.memory_space<hbm>>)
    %dma_wait3A_46 = arith.constant 0 : i32
    %dma_wait3A_47 = tpu.memref_slice %arg6[%dma_wait3A_46] : memref<6400000xf32, #tpu.memory_space<hbm>> -> memref<2048xf32, #tpu.memory_space<hbm>>
    %dma_wait3A_48 = arith.constant 0 : i32
    %dma_wait3A_49 = tpu.memref_slice %arg6[%dma_wait3A_48] : memref<6400000xf32, #tpu.memory_space<hbm>> -> memref<2048xf32, #tpu.memory_space<hbm>>
    tpu.wait_dma2 semaphore(%arg27 : memref<!tpu.dma_semaphore, #tpu.memory_space<semaphore_mem>>) src(%arg20 : memref<2048xf32, #tpu.memory_space<vmem>>) dst(%dma_wait3A_49 : memref<2048xf32, #tpu.memory_space<hbm>>)
    %dma_wait3A_50 = arith.constant 0 : i32
    %dma_wait3A_51 = tpu.memref_slice %arg7[%dma_wait3A_50] : memref<6400000xf32, #tpu.memory_space<hbm>> -> memref<2048xf32, #tpu.memory_space<hbm>>
    %dma_wait3A_52 = arith.constant 0 : i32
    %dma_wait3A_53 = tpu.memref_slice %arg7[%dma_wait3A_52] : memref<6400000xf32, #tpu.memory_space<hbm>> -> memref<2048xf32, #tpu.memory_space<hbm>>
    tpu.wait_dma2 semaphore(%arg27 : memref<!tpu.dma_semaphore, #tpu.memory_space<semaphore_mem>>) src(%arg21 : memref<2048xf32, #tpu.memory_space<vmem>>) dst(%dma_wait3A_53 : memref<2048xf32, #tpu.memory_space<hbm>>)
    return
  }
}

</mosaic_0001>

<sc_bundles>
// kernel: kernel.3.cloned.1.call-start
scs
__scs_entry_jumppad:
0x0: {  	(pc) =	sbr.rel $0x88, $3  }
0x1: {  	(tag) =	ssettag $0x0;
	lr =	simm.s32 $0x1  }
0x2: {  	[smem:$0x3F9E] =	sst lr;
	_ =	strace $0xD0000000  }
0x3: {  	_ = 	snop  }
0x4: {  	_ = 	snop  }
0x5: {  	_ = 	snop  }
0x6: {  	_ = 	snop  }
0x7: {  	_ = 	snop  }
__scs_overlays_trampoline_lowered:
0x8: {  	[smem:$0x3FAD] =	sst s0  }
0x9: {  	[smem:$0x3FAE] =	sst s1  }
0xa: {  	[smem:$0x3FAF] =	sst s2  }
0xb: {  	[smem:$0x3FB0] =	sst s3  }
0xc: {  	[smem:$0x3FB1] =	sst s4  }
0xd: {  	[smem:$0x3FB2] =	sst s5  }
0xe: {  	[smem:$0x3FB3] =	sst s6  }
0xf: {  	[smem:$0x3FB4] =	sst s7  }
0x10: {  	[smem:$0x3FB5] =	sst s8  }
0x11: {  	[smem:$0x3FB6] =	sst s9;
	s0 =	simm.s32 @!p0 $0x0  }
0x12: {  	s1 =	sld [smem:$0x3F9C];
	s0 =	simm.s32 @p0 $0x1  }
0x13: {  	[smem:$0x3FB7] =	sst s0;
	s0 =	simm.s32 @!p1 $0x0  }
0x14: {  	s2 =	sld [smem:$0x3F9B];
	s0 =	simm.s32 @p1 $0x1  }
0x15: {  	[smem:$0x3FB8] =	sst s0;
	s0 =	simm.s32 @!p2 $0x0  }
0x16: {  	s3 =	sld [smem:$0x3FDB];
	s0 =	simm.s32 @p2 $0x1  }
0x17: {  	s4 =	simm.s32 $0x1BF5;
	[smem:$0x3FBA] =	sst s0  }
0x18: {  	s0 =	sld [smem:$0x3F9D];
	_ =	swait.ge [sflag:s4], $0x0  }
0x19: {  	s7 =	sld [smem:$0x3F9E]  }
0x1a: {  	s8 =	sadd.s32 $0xFFFFE003, lr  }
0x1b: {  	s9 =	sadd.s32 $0xFFFFFEF7, lr;
	s5 =	simm.s32 $0xFFFFFFFF;
	p2 =	slt.u32 s8, $0xFFFFF086  }
0x1c: {  	p1 =	slt.u32 s9, $0xF7A;
	s5 =	simm.s32 @!p2 $0x0  }
0x1d: {  	s5 =	simm.s32 @p1 $0x1;
	p0 =	seq.s32 s7, s2  }
0x1e: {  	s7 =	smul.u32 @!p0 $0xF7A, s2;
	p2 =	seq.s32 @!p0 s5, $0x0  }
0x1f: {  	s9 =	smul.u32 $0xF7A, s1;
	s8 =	simm.s32 @!p0 $0x1BF5;
	p2 =	por !p2, p0  }
0x20: {  	[sflag:s8] =	ssyncset.s32 @!p0 $0xFFFFF086;
	s6 =	sadd.s32 @!p0 s3, s7;
	s7 =	simm.s32 @!p0 $0x108  }
0x21: {  	s3 =	sadd.s32 s3, s9;
	s6 =	sadd.s32 @!p0 $0x88, s6;
	s7 =	simm.s32 @p2 $0x1082  }
0x22: {  	[simem:s7], [sflag:s8] =	dma.local @!p0 [hbm:s6], $0xF7A  }
0x23: {  	s9 =	sor.u32 $0xD0000000, s2;
	s6 =	simm.s32 $0x108;
	_ =	swait.ge @!p0 [sflag:s8], $0x0  }
0x24: {  	s3 =	sadd.s32 $0x88, s3;
	s6 =	simm.s32 @!p1 $0x1082;
	[sflag:s4] =	ssyncset.s32 $0xFFFFF086  }
0x25: {  	[simem:s6], [sflag:s4] =	dma.local [hbm:s3], $0xF7A  }
0x26: {  	[smem:$0x3F9E] =	sst s1;
	(tag) =	ssettag s2;
	_ =	strace s9  }
0x27: {  	s1 =	sld [smem:$0x3FAE]  }
0x28: {  	s2 =	sld [smem:$0x3FAF]  }
0x29: {  	s4 =	sld [smem:$0x3FB1]  }
0x2a: {  	p0 =	seq.s32 s5, $0x0;
	s5 =	sld [smem:$0x3FB2]  }
0x2b: {  	s6 =	sld [smem:$0x3FB3]  }
0x2c: {  	s7 =	sld [smem:$0x3FB4]  }
0x2d: {  	s3 =	simm.s32 $0x108;
	s8 =	sld [smem:$0x3FB5]  }
0x2e: {  	s3 =	simm.s32 @!p0 $0x1082;
	s9 =	sld [smem:$0x3FB6]  }
0x2f: {  	lr =	sadd.s32 s0, s3;
	s0 =	sld [smem:$0x3FAD]  }
0x30: {  	s3 =	sld [smem:$0x3FB0]  }
0x31: {  	[smem:$0x3FB9] =	sst s10  }
0x32: {  	s10 =	sld [smem:$0x3FB7];
	_ =	sdelay $0x3  }
0x33: {  	p0 =	seq.s32 s10, $0x1;
	s10 =	sld [smem:$0x3FB9];
	_ =	sdelay $0x3  }
0x34: {  	[smem:$0x3FB9] =	sst s10  }
0x35: {  	s10 =	sld [smem:$0x3FB8];
	_ =	sdelay $0x3  }
0x36: {  	p1 =	seq.s32 s10, $0x1;
	s10 =	sld [smem:$0x3FB9];
	_ =	sdelay $0x3  }
0x37: {  	[smem:$0x3FB9] =	sst s10  }
0x38: {  	s10 =	sld [smem:$0x3FBA]  }
0x39: {  	_ = 	snop;
	(pc) =	sbr.ind lr, $3  }
0x3a: {  	_ = 	snop  }
0x3b: {  	_ = 	snop  }
0x3c: {  	p2 =	seq.s32 s10, $0x1;
	s10 =	sld [smem:$0x3FB9]  }
0x3d: {  	_ =	shalt  }
0x3e: {  	_ =	shalt  }
0x3f: {  	_ =	shalt  }
0x40: {  	_ =	shalt  }
0x41: {  	_ =	shalt  }
0x42: {  	_ =	shalt  }
0x43: {  	_ =	shalt  }
0x44: {  	_ =	shalt  }
0x45: {  	_ =	shalt  }
0x46: {  	_ =	shalt  }
0x47: {  	_ =	shalt  }
0x48: {  	_ =	shalt  }
0x49: {  	_ =	shalt  }
0x4a: {  	_ =	shalt  }
0x4b: {  	_ =	shalt  }
0x4c: {  	_ =	shalt  }
0x4d: {  	_ =	shalt  }
0x4e: {  	_ =	shalt  }
0x4f: {  	_ =	shalt  }
0x50: {  	_ =	shalt  }
0x51: {  	_ =	shalt  }
0x52: {  	_ =	shalt  }
0x53: {  	_ =	shalt  }
0x54: {  	_ =	shalt  }
0x55: {  	_ =	shalt  }
0x56: {  	_ =	shalt  }
0x57: {  	_ =	shalt  }
0x58: {  	_ =	shalt  }
0x59: {  	_ =	shalt  }
0x5a: {  	_ =	shalt  }
0x5b: {  	_ =	shalt  }
0x5c: {  	_ =	shalt  }
0x5d: {  	_ =	shalt  }
0x5e: {  	_ =	shalt  }
0x5f: {  	_ =	shalt  }
0x60: {  	_ =	shalt  }
0x61: {  	_ =	shalt  }
0x62: {  	_ =	shalt  }
0x63: {  	_ =	shalt  }
0x64: {  	_ =	shalt  }
0x65: {  	_ =	shalt  }
0x66: {  	_ =	shalt  }
0x67: {  	_ =	shalt  }
0x68: {  	_ =	shalt  }
0x69: {  	_ =	shalt  }
0x6a: {  	_ =	shalt  }
0x6b: {  	_ =	shalt  }
0x6c: {  	_ =	shalt  }
0x6d: {  	_ =	shalt  }
0x6e: {  	_ =	shalt  }
0x6f: {  	_ =	shalt  }
0x70: {  	_ =	shalt  }
0x71: {  	_ =	shalt  }
0x72: {  	_ =	shalt  }
0x73: {  	_ =	shalt  }
0x74: {  	_ =	shalt  }
0x75: {  	_ =	shalt  }
0x76: {  	_ =	shalt  }
0x77: {  	_ =	shalt  }
0x78: {  	_ =	shalt  }
0x79: {  	_ =	shalt  }
0x7a: {  	_ =	shalt  }
0x7b: {  	_ =	shalt  }
0x7c: {  	_ =	shalt  }
0x7d: {  	_ =	shalt  }
0x7e: {  	_ =	shalt  }
0x7f: {  	_ =	shalt  }
0x80: {  	_ =	shalt  }
0x81: {  	_ =	shalt  }
0x82: {  	_ =	shalt  }
0x83: {  	_ =	shalt  }
0x84: {  	_ =	shalt  }
0x85: {  	_ =	shalt  }
0x86: {  	_ =	shalt  }
0x87: {  	_ =	shalt  }
.Lfunc_end0:
.L_simem_size_0:
called_computation_lowered:
.L_overlay_start_0:
0x88: {  	s2 =	sld [smem:$0x3FD9]  }
0x89: {  	s3 =	sld [smem:$0x3FFE];
	_ =	sdelay $0x1  }
0x8a: {  	s1 =	srdreg.scid  }
0x8b: {  	s0 =	sand.u32 $0x1, s1  }
0x8c: {  	s15 =	sshll.u32 s0, $0xA;
	s2 =	sadd.s32 s3, s2  }
0x8d: {  	s2 =	sadd.s32 s2, s15  }
0x8e: {  	[smem:$0x3FC5] =	sst s2  }
0x8f: {  	_ = 	snop  }
0x90: {  	s2 =	sld [smem:$0x3FD0];
	_ =	sdelay $0x1  }
0x91: {  	s16 =	sld [smem:$0x3FC8]  }
0x92: {  	s5 =	simm.s32 $0xA;
	s6 =	simm.s32 $0x10;
	s4 =	sld [smem:$0x3FC7]  }
0x93: {  	[smem:s6], [sflag:s5] =	dma.local [hbm:s2], $0x1  }
0x94: {  	_ =	swait.eq [sflag:s5], $0x1  }
0x95: {  	s17 =	sld [smem:$0x10]  }
0x96: {  	s18 =	sld [smem:$0x11];
	[sflag:s5] =	ssyncset.done $0x0  }
0x97: {  	s7 =	sld [smem:$0x12];
	[sflag:s5] =	ssyncadd.s32 $0xFFFFFFFF  }
0x98: {  	s19 =	sld [smem:$0x13];
	(tm) =	ssettm $0x1  }
0x99: {  	s8 =	sld [smem:$0x3FFB];
	_ =	sdelay $0x3  }
0x9a: {  	_ =	strace s8  }
0x9b: {  	s8 =	sld [smem:$0x3FFC];
	_ =	sdelay $0x3  }
0x9c: {  	_ =	strace s8  }
0x9d: {  	s8 =	sld [smem:$0x3FFD];
	_ =	sdelay $0x3  }
0x9e: {  	_ =	strace s8  }
0x9f: {  	_ =	strace $0x8FFFFFFF  }
0xa0: {  	s20 =	sld [smem:$0x3FDB];
	_ =	sdelay $0x1  }
0xa1: {  	s9 =	simm.s32 $_scs_section_size  }
0xa2: {  	s10 =	simm.s32 $_size__tile_overlayer_lowered;
	s11 =	simm.s32 $_tile_overlayer_lowered  }
0xa3: {  	s23 =	simm.s32 $0x1BFF;
	s22 =	sshll.u32 s11, $0x1;
	s8 =	sadd.s32 s9, s20  }
0xa4: {  	s12 =	simm.s32 $0x0;
	s21 =	sshll.u32 s10, $0x1;
	s10 =	sadd.s32 s22, s8  }
0xa5: {  	[timem:s12], [sflag:s23] =	dma.local [hbm:s10], s21  }
0xa6: {  	_ =	swait.ge [sflag:s23], s21  }
0xa7: {  	s9 =	ssub.s32 $0x0, s21;
	[sflag:s23] =	ssyncset.done $0x0  }
0xa8: {  	[sflag:s23] =	ssyncadd.s32 s9;
	_ =	sdelay $0x1  }
0xa9: {  	s24 =	simm.s32 $0x1B8B  }
0xaa: {  	_ =	swait.ge [sflag:s24], $0x1  }
0xab: {  	[sflag:s24] =	ssyncset.done $0x0  }
0xac: {  	s25 =	simm.s32 $0x1B8E;
	[sflag:s24] =	ssyncadd.s32 $0xFFFFFFFF  }
0xad: {  	s26 =	simm.s32 $execute0_lowered;
	[smem:$0x3FD2] =	sst s25  }
0xae: {  	s9 =	sshll.u32 s26, $0x1;
	_ =	strace $0x80000046;
	[dreg:$0x1] =	wrdreg $0xFFFFFFFF  }
0xaf: {  	s28 =	simm.s32 $_size_execute0_lowered;
	s8 =	sadd.s32 s8, s9;
	[dreg:$0x0] =	wrdreg $0x0  }
0xb0: {  	s9 =	sshll.u32 s28, $0x1;
	[dreg:$0x2] =	wrdreg s8  }
0xb1: {  	[dreg:$0x3] =	wrdreg s9  }
0xb2: {  	[dreg:$0x4] =	wrdreg $0xC0  }
0xb3: {  	_ =	task [dreg:s12], $0x5FFFF  }
0xb4: {  	[dreg:$0x1] =	wrdreg $0xFFFFFFFF  }
0xb5: {  	[dreg:$0x0] =	wrdreg $0x60  }
0xb6: {  	[dreg:$0x2] =	wrdreg s19  }
0xb7: {  	[dreg:$0x3] =	wrdreg s16  }
0xb8: {  	[dreg:$0x4] =	wrdreg s4  }
0xb9: {  	[dreg:$0x5] =	wrdreg s17  }
0xba: {  	[dreg:$0x6] =	wrdreg s18  }
0xbb: {  	[dreg:$0x7] =	wrdreg s7  }
0xbc: {  	[dreg:$0x8] =	wrdreg $0x9  }
0xbd: {  	_ =	task.clear_ibuf [dreg:s12], $0x9FFFF;
	_ =	strace $0x90000046  }
0xbe: {  	s29 =	simm.s32 $0x9;
	_ =	strace $0x80000048  }
0xbf: {  	_ =	swait.ge [sflag:s29], $0x1  }
0xc0: {  	[sflag:s29] =	ssyncadd.s32 $0xFFFFFFFF  }
0xc1: {  	_ =	strace $0x90000048  }
0xc2: {  	_ =	sfence  }
0xc3: {  	s30 =	sld [smem:$0x0];
	_ =	sdelay $0x2  }
0xc4: {  	s31 =	sshll.u32 s1, $0xD;
	s1 =	sshrl.u32 s1, $0x2  }
0xc5: {  	s3 =	sand.u32 $0x4000, s31;
	s1 =	sadd.s32 s1, s30  }
0xc6: {  	s0 =	sor.u32 s3, s0;
	s1 =	sshll.u32 s1, $0x11  }
0xc7: {  	s0 =	sor.u32 s1, s0  }
0xc8: {  	s0 =	sadd.s32 $0x8F2B, s0  }
0xc9: {  	[sflag:s0] =	ssyncadd.remote.s32 $0x1  }
0xca: {  	_ =	sfence.sel $0xFFFF  }
0xcb: {  	[dreg:$0x0] =	wrdreg $0xFFFFFFFF;
	(pc) =	sbr.abs _section_cstart, $3  }
0xcc: {  	[dreg:$0x1] =	wrdreg $0xFFFFFFFF  }
0xcd: {  	_ =	task.clear_ibuf [dreg:s12], $0x2FFFF;
	_ =	strace $0x9FFFFFFF  }
0xce: {  	(tm) =	ssettm $0x7FFFFFFF  }
0xcf: {  	_ =	shalt  }
tec
execute0_lowered:
.L_overlay_start_1:
0x0: {  	(tag) =	ssettag $0x1  }
0x1: {  	s0 =	rddreg [dreg:$0x0]  }
0x2: {  	s10 =	rddreg [dreg:$0x1]  }
0x3: {  	s11 =	rddreg [dreg:$0x2]  }
0x4: {  	s4 =	rddreg [dreg:$0x3]  }
0x5: {  	s6 =	rddreg [dreg:$0x4]  }
0x6: {  	s7 =	rddreg [dreg:$0x5]  }
0x7: {  	s1 =	srdreg.scid;
	s3 =	stileid.u32  }
0x8: {  	s8 =	simm.s32 $0x0;
	s13 =	simm.s32 $0x7;
	s14 =	simm.s32 $0x800  }
0x9: {  	s15 =	simm.s32 $0x80;
	s16 =	simm.s32 $0x1000;
	s17 =	simm.s32 $0x5000  }
0xa: {  	s25 =	simm.s32 $0xA000;
	s12 =	simm.s32 $0x1;
	s28 =	simm.s32 $0x2  }
0xb: {  	s18 =	simm.s32 $0x12000;
	s19 =	simm.s32 $0x14800;
	s30 =	simm.s32 $0x6  }
0xc: {  	s20 =	simm.s32 $0x3;
	s1 =	sand.u32 $0x1, s1;
	s3 =	sshll.u32 s3, $0x1  }
0xd: {  	[smem:$0x7FF] =	sst s8;
	s2 =	ssub.s32 $0x2, s1;
	s9 =	sor.u32 s1, s3  }
.Ltmp0:
0xe: {  	_ =	strace $0x80000047;
	s29 =	sshll.u32 s9, $0x8;
	(pc) =	sbr.rel .LBB2_1-.Ltmp0, $4  }
0xf: {  	s3 =	simm.s32 $0x0;
	s5 =	sshrl.u32 s2, $0x1;
	s31 =	sadd.s32 s10, s29  }
0x10: {  	s26 =	ssub.s32 s2, s5;
	s2 =	sadd.s32 s11, s29;
	[dreg:$0x7] =	wrdreg s31  }
0x11: {  	v1 =	vlaneseq.u32;
	s5 =	simm.s32 $0x4;
	[dreg:$0x8] =	wrdreg s2;
	s1 =	smax.u32 s26, $0x1  }
0x12: {  	v0 =	vimm.f32 $0.0e+00;
	v1 =	vmul.u32 $0x8, v1;
	s26 =	simm.s32 $0xE000;
	[dreg:$0x9] =	wrdreg s1;
	s1 =	simm.s32 $0x14000  }
.LBB2_17:
0x13: {  	s2 =	simm.s32 $0x5  }
0x14: {  	_ =	swait.ge [sflag:s2], $0x2000  }
0x15: {  	[sflag:s2] =	ssyncset.done $0x0  }
0x16: {  	[sflag:s2] =	ssyncadd.s32 $0xFFFFE000  }
0x17: {  	_ =	swait.ge [sflag:s2], $0x800  }
0x18: {  	[sflag:s2] =	ssyncset.done $0x0  }
0x19: {  	[sflag:s2] =	ssyncadd.s32 $0xFFFFF800  }
0x1a: {  	_ =	swait.ge [sflag:s2], $0x800  }
0x1b: {  	[sflag:s2] =	ssyncset.done $0x0  }
0x1c: {  	[sflag:s2] =	ssyncadd.s32 $0xFFFFF800  }
0x1d: {  	_ =	swait.ge [sflag:s30], $0x2000  }
0x1e: {  	[sflag:s30] =	ssyncset.done $0x0  }
0x1f: {  	[sflag:s30] =	ssyncadd.s32 $0xFFFFE000  }
0x20: {  	_ =	swait.ge [sflag:s30], $0x800  }
0x21: {  	[sflag:s30] =	ssyncset.done $0x0  }
0x22: {  	[sflag:s30] =	ssyncadd.s32 $0xFFFFF800  }
0x23: {  	_ =	swait.ge [sflag:s30], $0x800  }
0x24: {  	s3 =	rddreg [dreg:$0xa]  }
0x25: {  	s31 =	rddreg [dreg:$0x9];
	s3 =	sadd.s32 $0x1, s3  }
0x26: {  	p0 =	sne.s32 s3, s31  }
.Ltmp1:
0x27: {  	_ = 	snop;
	(pc) =	sbr.rel @!p0 .LBB2_18-.Ltmp1, $3  }
0x28: {  	_ =	sdelay $0x1  }
0x29: {  	[sflag:s30] =	ssyncset.done $0x0  }
0x2a: {  	[sflag:s30] =	ssyncadd.s32 $0xFFFFF800  }
.LBB2_1:
0x2b: {  	s2 =	sand.u32 $0x1E00, s8;
	s31 =	sand.u32 $0x70, s8  }
0x2c: {  	[dreg:$0xa] =	wrdreg s3;
	s3 =	sor.u32 s2, s31  }
0x2d: {  	[tilespmem:s3+$0x15180] =	vst v0  }
0x2e: {  	s2 =	simm.s32 $0x40;
	[tilespmem:s3+$0x12180] =	vst v0;
	s3 =	simm.s32 $0x0  }
.LBB2_2:
0x2f: {  	p0 =	sne.s32 s2, $0x1FC0  }
.Ltmp2:
0x30: {  	s10 =	sand.u32 $0x1E00, s2;
	s3 =	sadd.s32 $0x10, s3;
	(pc) =	sbr.rel @p0 .LBB2_2-.Ltmp2, $4  }
0x31: {  	s2 =	sadd.s32 $0x40, s2;
	s11 =	sand.u32 $0x70, s3  }
0x32: {  	s10 =	sor.u32 s10, s11  }
0x33: {  	[tilespmem:s10+$0x15180] =	vst v0  }
0x34: {  	[tilespmem:s10+$0x12180] =	vst v0  }
0x35: {  	s10 =	simm.s32 $0x0;
	s2 =	rddreg [dreg:$0x7]  }
0x36: {  	[tilespmem:s10], [sflag:$0x7] =	stream.linear.gather [hbm4b:s2+s10], $0x800, $0x38;
	[tilespmem:$0x18000] =	vst v63  }
0x37: {  	_ =	swait.ge [sflag:s13], $0x800  }
0x38: {  	[sflag:s13] =	ssyncset.done $0x0  }
0x39: {  	s24 =	rddreg [dreg:$0x8];
	[sflag:s13] =	ssyncadd.s32 $0xFFFFF800  }
0x3a: {  	[tilespmem:s14], [sflag:$0x7] =	stream.linear.gather [hbm4b:s24+s10], $0x800, $0x38;
	[tilespmem:$0x18000] =	vst v63  }
0x3b: {  	_ =	swait.ge [sflag:s13], $0x800  }
0x3c: {  	[sflag:s13] =	ssyncset.done $0x0  }
0x3d: {  	[sflag:s13] =	ssyncadd.s32 $0xFFFFF800  }
0x3e: {  	[tilespmem:s16], [sflag:$0x1] =	stream.indirect.gather [hbm4b:s0+s15], $0x8, s10, s15, $0xb8;
	[tilespmem:$0x18000] =	vst v63  }
0x3f: {  	_ = 	snop  }
0x40: {  	[tilespmem:s17], [sflag:$0x2] =	stream.indirect.gather [hbm4b:s0+s15], $0x8, s14, s15, $0xb8;
	[tilespmem:$0x18000] =	vst v63  }
0x41: {  	s29 =	simm.s32 $0x1400  }
0x42: {  	[tilespmem:s29], [sflag:$0x1] =	stream.indirect.gather [hbm4b:s0+s15], $0x8, s15, s15, $0xb8;
	[tilespmem:$0x18000] =	vst v63  }
0x43: {  	s31 =	simm.s32 $0x880;
	s3 =	simm.s32 $0x5400  }
0x44: {  	[tilespmem:s3], [sflag:$0x2] =	stream.indirect.gather [hbm4b:s0+s15], $0x8, s31, s15, $0xb8;
	[tilespmem:$0x18000] =	vst v63  }
0x45: {  	s11 =	simm.s32 $0x1800;
	s3 =	simm.s32 $0x100  }
0x46: {  	[tilespmem:s11], [sflag:$0x1] =	stream.indirect.gather [hbm4b:s0+s15], $0x8, s3, s15, $0xb8;
	[tilespmem:$0x18000] =	vst v63  }
0x47: {  	s21 =	simm.s32 $0x900;
	s22 =	simm.s32 $0x5800  }
0x48: {  	[tilespmem:s22], [sflag:$0x2] =	stream.indirect.gather [hbm4b:s0+s15], $0x8, s21, s15, $0xb8;
	[tilespmem:$0x18000] =	vst v63  }
0x49: {  	s23 =	simm.s32 $0x180;
	s24 =	simm.s32 $0x1C00  }
0x4a: {  	[tilespmem:s24], [sflag:$0x1] =	stream.indirect.gather [hbm4b:s0+s15], $0x8, s23, s15, $0xb8;
	[tilespmem:$0x18000] =	vst v63  }
0x4b: {  	s29 =	simm.s32 $0x980;
	s31 =	simm.s32 $0x5C00  }
0x4c: {  	[tilespmem:s31], [sflag:$0x2] =	stream.indirect.gather [hbm4b:s0+s15], $0x8, s29, s15, $0xb8;
	[tilespmem:$0x18000] =	vst v63  }
0x4d: {  	s3 =	simm.s32 $0x200;
	s11 =	simm.s32 $0x2000  }
0x4e: {  	[tilespmem:s11], [sflag:$0x1] =	stream.indirect.gather [hbm4b:s0+s15], $0x8, s3, s15, $0xb8;
	[tilespmem:$0x18000] =	vst v63  }
0x4f: {  	s21 =	simm.s32 $0xA00;
	s22 =	simm.s32 $0x6000  }
0x50: {  	[tilespmem:s22], [sflag:$0x2] =	stream.indirect.gather [hbm4b:s0+s15], $0x8, s21, s15, $0xb8;
	[tilespmem:$0x18000] =	vst v63  }
0x51: {  	s23 =	simm.s32 $0x280;
	s24 =	simm.s32 $0x2400  }
0x52: {  	[tilespmem:s24], [sflag:$0x1] =	stream.indirect.gather [hbm4b:s0+s15], $0x8, s23, s15, $0xb8;
	[tilespmem:$0x18000] =	vst v63  }
0x53: {  	s29 =	simm.s32 $0xA80;
	s31 =	simm.s32 $0x6400  }
0x54: {  	[tilespmem:s31], [sflag:$0x2] =	stream.indirect.gather [hbm4b:s0+s15], $0x8, s29, s15, $0xb8;
	[tilespmem:$0x18000] =	vst v63  }
0x55: {  	s3 =	simm.s32 $0x300;
	s11 =	simm.s32 $0x2800  }
0x56: {  	[tilespmem:s11], [sflag:$0x1] =	stream.indirect.gather [hbm4b:s0+s15], $0x8, s3, s15, $0xb8;
	[tilespmem:$0x18000] =	vst v63  }
0x57: {  	s21 =	simm.s32 $0xB00;
	s22 =	simm.s32 $0x6800  }
0x58: {  	[tilespmem:s22], [sflag:$0x2] =	stream.indirect.gather [hbm4b:s0+s15], $0x8, s21, s15, $0xb8;
	[tilespmem:$0x18000] =	vst v63  }
0x59: {  	s23 =	simm.s32 $0x380;
	s24 =	simm.s32 $0x2C00  }
0x5a: {  	[tilespmem:s24], [sflag:$0x1] =	stream.indirect.gather [hbm4b:s0+s15], $0x8, s23, s15, $0xb8;
	[tilespmem:$0x18000] =	vst v63  }
0x5b: {  	s29 =	simm.s32 $0xB80;
	s31 =	simm.s32 $0x6C00  }
0x5c: {  	[tilespmem:s31], [sflag:$0x2] =	stream.indirect.gather [hbm4b:s0+s15], $0x8, s29, s15, $0xb8;
	[tilespmem:$0x18000] =	vst v63  }
0x5d: {  	s3 =	simm.s32 $0x400;
	s11 =	simm.s32 $0x3000  }
0x5e: {  	[tilespmem:s11], [sflag:$0x1] =	stream.indirect.gather [hbm4b:s0+s15], $0x8, s3, s15, $0xb8;
	[tilespmem:$0x18000] =	vst v63  }
0x5f: {  	s21 =	simm.s32 $0xC00;
	s22 =	simm.s32 $0x7000  }
0x60: {  	[tilespmem:s22], [sflag:$0x2] =	stream.indirect.gather [hbm4b:s0+s15], $0x8, s21, s15, $0xb8;
	[tilespmem:$0x18000] =	vst v63  }
0x61: {  	s23 =	simm.s32 $0x480;
	s24 =	simm.s32 $0x3400  }
0x62: {  	[tilespmem:s24], [sflag:$0x1] =	stream.indirect.gather [hbm4b:s0+s15], $0x8, s23, s15, $0xb8;
	[tilespmem:$0x18000] =	vst v63  }
0x63: {  	s29 =	simm.s32 $0xC80;
	s31 =	simm.s32 $0x7400  }
0x64: {  	[tilespmem:s31], [sflag:$0x2] =	stream.indirect.gather [hbm4b:s0+s15], $0x8, s29, s15, $0xb8;
	[tilespmem:$0x18000] =	vst v63  }
0x65: {  	s3 =	simm.s32 $0x500;
	s11 =	simm.s32 $0x3800  }
0x66: {  	[tilespmem:s11], [sflag:$0x1] =	stream.indirect.gather [hbm4b:s0+s15], $0x8, s3, s15, $0xb8;
	[tilespmem:$0x18000] =	vst v63  }
0x67: {  	s21 =	simm.s32 $0xD00;
	s22 =	simm.s32 $0x7800  }
0x68: {  	[tilespmem:s22], [sflag:$0x2] =	stream.indirect.gather [hbm4b:s0+s15], $0x8, s21, s15, $0xb8;
	[tilespmem:$0x18000] =	vst v63  }
0x69: {  	s23 =	simm.s32 $0x580;
	s24 =	simm.s32 $0x3C00  }
0x6a: {  	[tilespmem:s24], [sflag:$0x1] =	stream.indirect.gather [hbm4b:s0+s15], $0x8, s23, s15, $0xb8;
	[tilespmem:$0x18000] =	vst v63  }
0x6b: {  	s29 =	simm.s32 $0xD80;
	s31 =	simm.s32 $0x7C00  }
0x6c: {  	[tilespmem:s31], [sflag:$0x2] =	stream.indirect.gather [hbm4b:s0+s15], $0x8, s29, s15, $0xb8;
	[tilespmem:$0x18000] =	vst v63  }
0x6d: {  	s3 =	simm.s32 $0x600;
	s11 =	simm.s32 $0x4000  }
0x6e: {  	[tilespmem:s11], [sflag:$0x1] =	stream.indirect.gather [hbm4b:s0+s15], $0x8, s3, s15, $0xb8;
	[tilespmem:$0x18000] =	vst v63  }
0x6f: {  	s21 =	simm.s32 $0xE00;
	s22 =	simm.s32 $0x8000  }
0x70: {  	[tilespmem:s22], [sflag:$0x2] =	stream.indirect.gather [hbm4b:s0+s15], $0x8, s21, s15, $0xb8;
	[tilespmem:$0x18000] =	vst v63  }
0x71: {  	s23 =	simm.s32 $0x680;
	s24 =	simm.s32 $0x4400  }
0x72: {  	[tilespmem:s24], [sflag:$0x1] =	stream.indirect.gather [hbm4b:s0+s15], $0x8, s23, s15, $0xb8;
	[tilespmem:$0x18000] =	vst v63  }
0x73: {  	s29 =	simm.s32 $0xE80;
	s31 =	simm.s32 $0x8400  }
0x74: {  	[tilespmem:s31], [sflag:$0x2] =	stream.indirect.gather [hbm4b:s0+s15], $0x8, s29, s15, $0xb8;
	[tilespmem:$0x18000] =	vst v63  }
0x75: {  	s3 =	simm.s32 $0x700;
	s11 =	simm.s32 $0x4800  }
0x76: {  	[tilespmem:s11], [sflag:$0x1] =	stream.indirect.gather [hbm4b:s0+s15], $0x8, s3, s15, $0xb8;
	[tilespmem:$0x18000] =	vst v63  }
0x77: {  	s21 =	simm.s32 $0xF00;
	s22 =	simm.s32 $0x8800  }
0x78: {  	[tilespmem:s22], [sflag:$0x2] =	stream.indirect.gather [hbm4b:s0+s15], $0x8, s21, s15, $0xb8;
	[tilespmem:$0x18000] =	vst v63  }
.Ltmp3:
0x79: {  	_ = 	snop;
	(pc) =	sbr.rel .LBB2_4-.Ltmp3, $4  }
0x7a: {  	s23 =	simm.s32 $0x780;
	s24 =	simm.s32 $0x4C00  }
0x7b: {  	[tilespmem:s24], [sflag:$0x1] =	stream.indirect.gather [hbm4b:s0+s15], $0x8, s23, s15, $0xb8;
	[tilespmem:$0x18000] =	vst v63  }
0x7c: {  	s29 =	simm.s32 $0xF80;
	s31 =	simm.s32 $0x8C00  }
0x7d: {  	[tilespmem:s31], [sflag:$0x2] =	stream.indirect.gather [hbm4b:s0+s15], $0x8, s29, s15, $0xb8;
	[tilespmem:$0x18000] =	vst v63  }
.LBB2_16:
0x7e: {  	s10 =	sadd.s32 $0x1, s10  }
0x7f: {  	p0 =	sne.s32 s10, $0x31  }
.Ltmp4:
0x80: {  	_ = 	snop;
	(pc) =	sbr.rel @!p0 .LBB2_17-.Ltmp4, $1  }
0x81: {  	_ =	sdelay $0x3  }
.LBB2_4:
0x82: {  	s2 =	sshll.u32 s10, $0x6  }
0x83: {  	s21 =	sor.u32 s9, s2  }
0x84: {  	s31 =	sor.u32 $0x20, s21  }
0x85: {  	p0 =	sgt.u32 s31, $0xC34  }
.Ltmp5:
0x86: {  	_ = 	snop;
	(pc) =	sbr.rel @p0 .LBB2_6-.Ltmp5, $2  }
0x87: {  	_ =	sdelay $0x2  }
0x88: {  	s11 =	sshll.u32 s31, $0x8  }
0x89: {  	s2 =	rddreg [dreg:$0x1]  }
0x8a: {  	s3 =	simm.s32 $0x9000;
	s2 =	sadd.s32 s2, s11  }
0x8b: {  	[tilespmem:s3], [sflag:$0x7] =	stream.linear.gather [hbm4b:s2+s8], $0x800, $0x38;
	[tilespmem:$0x18000] =	vst v63  }
0x8c: {  	_ =	swait.ge [sflag:s13], $0x800  }
0x8d: {  	[sflag:s13] =	ssyncset.done $0x0  }
0x8e: {  	[sflag:s13] =	ssyncadd.s32 $0xFFFFF800  }
0x8f: {  	s29 =	rddreg [dreg:$0x2]  }
0x90: {  	s22 =	simm.s32 $0x9800;
	s2 =	sadd.s32 s29, s11  }
0x91: {  	[tilespmem:s22], [sflag:$0x7] =	stream.linear.gather [hbm4b:s2+s8], $0x800, $0x38;
	[tilespmem:$0x18000] =	vst v63  }
0x92: {  	_ =	swait.ge [sflag:s13], $0x800  }
0x93: {  	[sflag:s13] =	ssyncset.done $0x0  }
0x94: {  	[sflag:s13] =	ssyncadd.s32 $0xFFFFF800  }
0x95: {  	[tilespmem:s25], [sflag:$0x3] =	stream.indirect.gather [hbm4b:s0+s15], $0x8, s3, s15, $0xb8;
	[tilespmem:$0x18000] =	vst v63  }
0x96: {  	_ = 	snop  }
0x97: {  	[tilespmem:s26], [sflag:$0x4] =	stream.indirect.gather [hbm4b:s0+s15], $0x8, s22, s15, $0xb8;
	[tilespmem:$0x18000] =	vst v63  }
0x98: {  	s23 =	simm.s32 $0xA400;
	s22 =	simm.s32 $0x9080  }
0x99: {  	[tilespmem:s23], [sflag:$0x3] =	stream.indirect.gather [hbm4b:s0+s15], $0x8, s22, s15, $0xb8;
	[tilespmem:$0x18000] =	vst v63  }
0x9a: {  	s24 =	simm.s32 $0x9880;
	s29 =	simm.s32 $0xE400  }
0x9b: {  	[tilespmem:s29], [sflag:$0x4] =	stream.indirect.gather [hbm4b:s0+s15], $0x8, s24, s15, $0xb8;
	[tilespmem:$0x18000] =	vst v63  }
0x9c: {  	s22 =	simm.s32 $0x9100;
	s23 =	simm.s32 $0xA800  }
0x9d: {  	[tilespmem:s23], [sflag:$0x3] =	stream.indirect.gather [hbm4b:s0+s15], $0x8, s22, s15, $0xb8;
	[tilespmem:$0x18000] =	vst v63  }
0x9e: {  	s24 =	simm.s32 $0x9900;
	s29 =	simm.s32 $0xE800  }
0x9f: {  	[tilespmem:s29], [sflag:$0x4] =	stream.indirect.gather [hbm4b:s0+s15], $0x8, s24, s15, $0xb8;
	[tilespmem:$0x18000] =	vst v63  }
0xa0: {  	s22 =	simm.s32 $0x9180;
	s23 =	simm.s32 $0xAC00  }
0xa1: {  	[tilespmem:s23], [sflag:$0x3] =	stream.indirect.gather [hbm4b:s0+s15], $0x8, s22, s15, $0xb8;
	[tilespmem:$0x18000] =	vst v63  }
0xa2: {  	s24 =	simm.s32 $0x9980;
	s29 =	simm.s32 $0xEC00  }
0xa3: {  	[tilespmem:s29], [sflag:$0x4] =	stream.indirect.gather [hbm4b:s0+s15], $0x8, s24, s15, $0xb8;
	[tilespmem:$0x18000] =	vst v63  }
0xa4: {  	s22 =	simm.s32 $0x9200;
	s23 =	simm.s32 $0xB000  }
0xa5: {  	[tilespmem:s23], [sflag:$0x3] =	stream.indirect.gather [hbm4b:s0+s15], $0x8, s22, s15, $0xb8;
	[tilespmem:$0x18000] =	vst v63  }
0xa6: {  	s24 =	simm.s32 $0x9A00;
	s29 =	simm.s32 $0xF000  }
0xa7: {  	[tilespmem:s29], [sflag:$0x4] =	stream.indirect.gather [hbm4b:s0+s15], $0x8, s24, s15, $0xb8;
	[tilespmem:$0x18000] =	vst v63  }
0xa8: {  	s22 =	simm.s32 $0x9280;
	s23 =	simm.s32 $0xB400  }
0xa9: {  	[tilespmem:s23], [sflag:$0x3] =	stream.indirect.gather [hbm4b:s0+s15], $0x8, s22, s15, $0xb8;
	[tilespmem:$0x18000] =	vst v63  }
0xaa: {  	s24 =	simm.s32 $0x9A80;
	s29 =	simm.s32 $0xF400  }
0xab: {  	[tilespmem:s29], [sflag:$0x4] =	stream.indirect.gather [hbm4b:s0+s15], $0x8, s24, s15, $0xb8;
	[tilespmem:$0x18000] =	vst v63  }
0xac: {  	s22 =	simm.s32 $0x9300;
	s23 =	simm.s32 $0xB800  }
0xad: {  	[tilespmem:s23], [sflag:$0x3] =	stream.indirect.gather [hbm4b:s0+s15], $0x8, s22, s15, $0xb8;
	[tilespmem:$0x18000] =	vst v63  }
0xae: {  	s24 =	simm.s32 $0x9B00;
	s29 =	simm.s32 $0xF800  }
0xaf: {  	[tilespmem:s29], [sflag:$0x4] =	stream.indirect.gather [hbm4b:s0+s15], $0x8, s24, s15, $0xb8;
	[tilespmem:$0x18000] =	vst v63  }
0xb0: {  	s22 =	simm.s32 $0x9380;
	s23 =	simm.s32 $0xBC00  }
0xb1: {  	[tilespmem:s23], [sflag:$0x3] =	stream.indirect.gather [hbm4b:s0+s15], $0x8, s22, s15, $0xb8;
	[tilespmem:$0x18000] =	vst v63  }
0xb2: {  	s24 =	simm.s32 $0x9B80;
	s29 =	simm.s32 $0xFC00  }
0xb3: {  	[tilespmem:s29], [sflag:$0x4] =	stream.indirect.gather [hbm4b:s0+s15], $0x8, s24, s15, $0xb8;
	[tilespmem:$0x18000] =	vst v63  }
0xb4: {  	s22 =	simm.s32 $0x9400;
	s23 =	simm.s32 $0xC000  }
0xb5: {  	[tilespmem:s23], [sflag:$0x3] =	stream.indirect.gather [hbm4b:s0+s15], $0x8, s22, s15, $0xb8;
	[tilespmem:$0x18000] =	vst v63  }
0xb6: {  	s24 =	simm.s32 $0x9C00;
	s29 =	simm.s32 $0x10000  }
0xb7: {  	[tilespmem:s29], [sflag:$0x4] =	stream.indirect.gather [hbm4b:s0+s15], $0x8, s24, s15, $0xb8;
	[tilespmem:$0x18000] =	vst v63  }
0xb8: {  	s22 =	simm.s32 $0x9480;
	s23 =	simm.s32 $0xC400  }
0xb9: {  	[tilespmem:s23], [sflag:$0x3] =	stream.indirect.gather [hbm4b:s0+s15], $0x8, s22, s15, $0xb8;
	[tilespmem:$0x18000] =	vst v63  }
0xba: {  	s24 =	simm.s32 $0x9C80;
	s29 =	simm.s32 $0x10400  }
0xbb: {  	[tilespmem:s29], [sflag:$0x4] =	stream.indirect.gather [hbm4b:s0+s15], $0x8, s24, s15, $0xb8;
	[tilespmem:$0x18000] =	vst v63  }
0xbc: {  	s22 =	simm.s32 $0x9500;
	s23 =	simm.s32 $0xC800  }
0xbd: {  	[tilespmem:s23], [sflag:$0x3] =	stream.indirect.gather [hbm4b:s0+s15], $0x8, s22, s15, $0xb8;
	[tilespmem:$0x18000] =	vst v63  }
0xbe: {  	s24 =	simm.s32 $0x9D00;
	s29 =	simm.s32 $0x10800  }
0xbf: {  	[tilespmem:s29], [sflag:$0x4] =	stream.indirect.gather [hbm4b:s0+s15], $0x8, s24, s15, $0xb8;
	[tilespmem:$0x18000] =	vst v63  }
0xc0: {  	s22 =	simm.s32 $0x9580;
	s23 =	simm.s32 $0xCC00  }
0xc1: {  	[tilespmem:s23], [sflag:$0x3] =	stream.indirect.gather [hbm4b:s0+s15], $0x8, s22, s15, $0xb8;
	[tilespmem:$0x18000] =	vst v63  }
0xc2: {  	s24 =	simm.s32 $0x9D80;
	s29 =	simm.s32 $0x10C00  }
0xc3: {  	[tilespmem:s29], [sflag:$0x4] =	stream.indirect.gather [hbm4b:s0+s15], $0x8, s24, s15, $0xb8;
	[tilespmem:$0x18000] =	vst v63  }
0xc4: {  	s22 =	simm.s32 $0x9600;
	s23 =	simm.s32 $0xD000  }
0xc5: {  	[tilespmem:s23], [sflag:$0x3] =	stream.indirect.gather [hbm4b:s0+s15], $0x8, s22, s15, $0xb8;
	[tilespmem:$0x18000] =	vst v63  }
0xc6: {  	s24 =	simm.s32 $0x9E00;
	s29 =	simm.s32 $0x11000  }
0xc7: {  	[tilespmem:s29], [sflag:$0x4] =	stream.indirect.gather [hbm4b:s0+s15], $0x8, s24, s15, $0xb8;
	[tilespmem:$0x18000] =	vst v63  }
0xc8: {  	s22 =	simm.s32 $0x9680;
	s23 =	simm.s32 $0xD400  }
0xc9: {  	[tilespmem:s23], [sflag:$0x3] =	stream.indirect.gather [hbm4b:s0+s15], $0x8, s22, s15, $0xb8;
	[tilespmem:$0x18000] =	vst v63  }
0xca: {  	s24 =	simm.s32 $0x9E80;
	s29 =	simm.s32 $0x11400  }
0xcb: {  	[tilespmem:s29], [sflag:$0x4] =	stream.indirect.gather [hbm4b:s0+s15], $0x8, s24, s15, $0xb8;
	[tilespmem:$0x18000] =	vst v63  }
0xcc: {  	s22 =	simm.s32 $0x9700;
	s23 =	simm.s32 $0xD800  }
0xcd: {  	[tilespmem:s23], [sflag:$0x3] =	stream.indirect.gather [hbm4b:s0+s15], $0x8, s22, s15, $0xb8;
	[tilespmem:$0x18000] =	vst v63  }
0xce: {  	s24 =	simm.s32 $0x9F00;
	s29 =	simm.s32 $0x11800  }
0xcf: {  	[tilespmem:s29], [sflag:$0x4] =	stream.indirect.gather [hbm4b:s0+s15], $0x8, s24, s15, $0xb8;
	[tilespmem:$0x18000] =	vst v63  }
0xd0: {  	s22 =	simm.s32 $0x9780;
	s23 =	simm.s32 $0xDC00  }
0xd1: {  	[tilespmem:s23], [sflag:$0x3] =	stream.indirect.gather [hbm4b:s0+s15], $0x8, s22, s15, $0xb8;
	[tilespmem:$0x18000] =	vst v63  }
0xd2: {  	s24 =	simm.s32 $0x9F80;
	s29 =	simm.s32 $0x11C00  }
0xd3: {  	[tilespmem:s29], [sflag:$0x4] =	stream.indirect.gather [hbm4b:s0+s15], $0x8, s24, s15, $0xb8;
	[tilespmem:$0x18000] =	vst v63  }
.LBB2_6:
0xd4: {  	p1 =	seq.s32 s10, $0x0  }
0xd5: {  	s2 =	simm.s32 @!p1 $0x5  }
0xd6: {  	_ =	swait.ge @!p1 [sflag:s2], $0x2000  }
0xd7: {  	[sflag:s2] =	ssyncset.done @!p1 $0x0  }
0xd8: {  	[sflag:s2] =	ssyncadd.s32 @!p1 $0xFFFFE000  }
0xd9: {  	_ =	swait.ge @!p1 [sflag:s2], $0x800  }
0xda: {  	[sflag:s2] =	ssyncset.done @!p1 $0x0  }
0xdb: {  	[sflag:s2] =	ssyncadd.s32 @!p1 $0xFFFFF800  }
0xdc: {  	_ =	swait.ge @!p1 [sflag:s2], $0x800  }
0xdd: {  	[sflag:s2] =	ssyncset.done @!p1 $0x0  }
0xde: {  	[sflag:s2] =	ssyncadd.s32 @!p1 $0xFFFFF800  }
0xdf: {  	_ =	swait.ge [sflag:s12], $0x400  }
0xe0: {  	[sflag:s12] =	ssyncset.done $0x0  }
0xe1: {  	[sflag:s12] =	ssyncadd.s32 $0xFFFFFC00  }
0xe2: {  	_ =	swait.ge [sflag:s28], $0x400  }
0xe3: {  	[sflag:s28] =	ssyncset.done $0x0  }
0xe4: {  	[sflag:s28] =	ssyncadd.s32 $0xFFFFFC00  }
0xe5: {  	_ =	swait.ge [sflag:s12], $0x400  }
0xe6: {  	[sflag:s12] =	ssyncset.done $0x0  }
0xe7: {  	[sflag:s12] =	ssyncadd.s32 $0xFFFFFC00  }
0xe8: {  	_ =	swait.ge [sflag:s28], $0x400  }
0xe9: {  	[sflag:s28] =	ssyncset.done $0x0  }
0xea: {  	[sflag:s28] =	ssyncadd.s32 $0xFFFFFC00  }
0xeb: {  	_ =	swait.ge [sflag:s12], $0x400  }
0xec: {  	[sflag:s12] =	ssyncset.done $0x0  }
0xed: {  	[sflag:s12] =	ssyncadd.s32 $0xFFFFFC00  }
0xee: {  	_ =	swait.ge [sflag:s28], $0x400  }
0xef: {  	[sflag:s28] =	ssyncset.done $0x0  }
0xf0: {  	[sflag:s28] =	ssyncadd.s32 $0xFFFFFC00  }
0xf1: {  	_ =	swait.ge [sflag:s12], $0x400  }
0xf2: {  	[sflag:s12] =	ssyncset.done $0x0  }
0xf3: {  	[sflag:s12] =	ssyncadd.s32 $0xFFFFFC00  }
0xf4: {  	_ =	swait.ge [sflag:s28], $0x400  }
0xf5: {  	[sflag:s28] =	ssyncset.done $0x0  }
0xf6: {  	[sflag:s28] =	ssyncadd.s32 $0xFFFFFC00  }
0xf7: {  	_ =	swait.ge [sflag:s12], $0x400  }
0xf8: {  	[sflag:s12] =	ssyncset.done $0x0  }
0xf9: {  	[sflag:s12] =	ssyncadd.s32 $0xFFFFFC00  }
0xfa: {  	_ =	swait.ge [sflag:s28], $0x400  }
0xfb: {  	[sflag:s28] =	ssyncset.done $0x0  }
0xfc: {  	[sflag:s28] =	ssyncadd.s32 $0xFFFFFC00  }
0xfd: {  	_ =	swait.ge [sflag:s12], $0x400  }
0xfe: {  	[sflag:s12] =	ssyncset.done $0x0  }
0xff: {  	[sflag:s12] =	ssyncadd.s32 $0xFFFFFC00  }
0x100: {  	_ =	swait.ge [sflag:s28], $0x400  }
0x101: {  	[sflag:s28] =	ssyncset.done $0x0  }
0x102: {  	[sflag:s28] =	ssyncadd.s32 $0xFFFFFC00  }
0x103: {  	_ =	swait.ge [sflag:s12], $0x400  }
0x104: {  	[sflag:s12] =	ssyncset.done $0x0  }
0x105: {  	[sflag:s12] =	ssyncadd.s32 $0xFFFFFC00  }
0x106: {  	_ =	swait.ge [sflag:s28], $0x400  }
0x107: {  	[sflag:s28] =	ssyncset.done $0x0  }
0x108: {  	[sflag:s28] =	ssyncadd.s32 $0xFFFFFC00  }
0x109: {  	_ =	swait.ge [sflag:s12], $0x400  }
0x10a: {  	[sflag:s12] =	ssyncset.done $0x0  }
0x10b: {  	[sflag:s12] =	ssyncadd.s32 $0xFFFFFC00  }
0x10c: {  	_ =	swait.ge [sflag:s28], $0x400  }
0x10d: {  	[sflag:s28] =	ssyncset.done $0x0  }
0x10e: {  	[sflag:s28] =	ssyncadd.s32 $0xFFFFFC00  }
0x10f: {  	_ =	swait.ge [sflag:s12], $0x400  }
0x110: {  	[sflag:s12] =	ssyncset.done $0x0  }
0x111: {  	[sflag:s12] =	ssyncadd.s32 $0xFFFFFC00  }
0x112: {  	_ =	swait.ge [sflag:s28], $0x400  }
0x113: {  	[sflag:s28] =	ssyncset.done $0x0  }
0x114: {  	[sflag:s28] =	ssyncadd.s32 $0xFFFFFC00  }
0x115: {  	_ =	swait.ge [sflag:s12], $0x400  }
0x116: {  	[sflag:s12] =	ssyncset.done $0x0  }
0x117: {  	[sflag:s12] =	ssyncadd.s32 $0xFFFFFC00  }
0x118: {  	_ =	swait.ge [sflag:s28], $0x400  }
0x119: {  	[sflag:s28] =	ssyncset.done $0x0  }
0x11a: {  	[sflag:s28] =	ssyncadd.s32 $0xFFFFFC00  }
0x11b: {  	_ =	swait.ge [sflag:s12], $0x400  }
0x11c: {  	[sflag:s12] =	ssyncset.done $0x0  }
0x11d: {  	[sflag:s12] =	ssyncadd.s32 $0xFFFFFC00  }
0x11e: {  	_ =	swait.ge [sflag:s28], $0x400  }
0x11f: {  	[sflag:s28] =	ssyncset.done $0x0  }
0x120: {  	[sflag:s28] =	ssyncadd.s32 $0xFFFFFC00  }
0x121: {  	_ =	swait.ge [sflag:s12], $0x400  }
0x122: {  	[sflag:s12] =	ssyncset.done $0x0  }
0x123: {  	[sflag:s12] =	ssyncadd.s32 $0xFFFFFC00  }
0x124: {  	_ =	swait.ge [sflag:s28], $0x400  }
0x125: {  	[sflag:s28] =	ssyncset.done $0x0  }
0x126: {  	[sflag:s28] =	ssyncadd.s32 $0xFFFFFC00  }
0x127: {  	_ =	swait.ge [sflag:s12], $0x400  }
0x128: {  	[sflag:s12] =	ssyncset.done $0x0  }
0x129: {  	[sflag:s12] =	ssyncadd.s32 $0xFFFFFC00  }
0x12a: {  	_ =	swait.ge [sflag:s28], $0x400  }
0x12b: {  	[sflag:s28] =	ssyncset.done $0x0  }
0x12c: {  	[sflag:s28] =	ssyncadd.s32 $0xFFFFFC00  }
0x12d: {  	_ =	swait.ge [sflag:s12], $0x400  }
0x12e: {  	[sflag:s12] =	ssyncset.done $0x0  }
0x12f: {  	[sflag:s12] =	ssyncadd.s32 $0xFFFFFC00  }
0x130: {  	_ =	swait.ge [sflag:s28], $0x400  }
0x131: {  	[sflag:s28] =	ssyncset.done $0x0  }
0x132: {  	[sflag:s28] =	ssyncadd.s32 $0xFFFFFC00  }
0x133: {  	_ =	swait.ge [sflag:s12], $0x400  }
0x134: {  	[sflag:s12] =	ssyncset.done $0x0  }
0x135: {  	[sflag:s12] =	ssyncadd.s32 $0xFFFFFC00  }
0x136: {  	_ =	swait.ge [sflag:s28], $0x400  }
0x137: {  	s2 =	simm.s32 $0x0;
	[sflag:s28] =	ssyncset.done $0x0  }
0x138: {  	v2 =	vmov s2;
	[sflag:s28] =	ssyncadd.s32 $0xFFFFFC00  }
0x139: {  	v2 =	vshll.u32 v2, $0x3;
	_ =	swait.ge [sflag:s12], $0x400  }
0x13a: {  	v2 =	vor.u32 v1, v2;
	[sflag:s12] =	ssyncset.done $0x0  }
0x13b: {  	[sflag:s12] =	ssyncadd.s32 $0xFFFFFC00  }
0x13c: {  	v3 =	vor.u32 $0x1, v2;
	_ =	swait.ge [sflag:s28], $0x400  }
0x13d: {  	[sflag:s28] =	ssyncset.done $0x0  }
0x13e: {  	v4 =	vor.u32 $0x2, v2;
	[sflag:s28] =	ssyncadd.s32 $0xFFFFFC00  }
0x13f: {  	v5 =	vld.idx.msk [tilespmem:v2+s17+$0x0], $0xffff  }
0x140: {  	v2 =	vld.idx.msk [tilespmem:v2+s16+$0x0], $0xffff  }
0x141: {  	v6 =	vld.idx.msk [tilespmem:v3+s17+$0x0], $0xffff  }
0x142: {  	v3 =	vld.idx.msk [tilespmem:v3+s16+$0x0], $0xffff  }
0x143: {  	v7 =	vld.idx.msk [tilespmem:v4+s16+$0x0], $0xffff  }
0x144: {  	v4 =	vld.idx.msk [tilespmem:v4+s17+$0x0], $0xffff;
	_ =	sdelay $0x2  }
0x145: {  	v2 =	vsub.f32 v5, v2;
	v3 =	vsub.f32 v6, v3;
	_ =	sdelay $0x1  }
0x146: {  	s3 =	sand.u32 $0x70, s2;
	s22 =	sand.u32 $0x1E00, s2;
	v4 =	vsub.f32 v4, v7;
	v5 =	vmul.f32 v2, v2;
	v6 =	vmul.f32 v3, v3  }
0x147: {  	s29 =	simm.s32 $0x10;
	s23 =	sor.u32 s3, s22  }
0x148: {  	v7 =	vmov s29;
	[tilespmem:s23+$0x12000] =	vst v2;
	v2 =	vadd.f32 v6, v5;
	v5 =	vmul.f32 v4, v4  }
0x149: {  	v6 =	vshll.u32 v7, $0x3  }
0x14a: {  	[tilespmem:s23+$0x12080] =	vst v3;
	v3 =	vor.u32 v1, v6;
	v5 =	vadd.f32 v5, v2  }
0x14b: {  	s22 =	simm.s32 $0x40;
	s3 =	simm.s32 $0x80;
	[tilespmem:s23+$0x12100] =	vst v4;
	v4 =	vor.u32 $0x1, v3;
	v2 =	vor.u32 $0x2, v3  }
.LBB2_7:
0x14c: {  	p2 =	sne.s32 s3, $0x1FC0;
	v6 =	vshra.s32 v5, $0x1;
	v7 =	vmul.f32 $5.000000000e-01, v5;
	s23 =	smov.u32 s3;
	s3 =	sadd.s32 $0x40, s3  }
0x14d: {  	v6 =	vsub.s32 $0x5F3759DF, v6  }
0x14e: {  	v8 =	vmul.f32 v6, v7;
	_ =	sdelay $0x1  }
0x14f: {  	v8 =	vmul.f32 v6, v8;
	_ =	sdelay $0x1  }
0x150: {  	v8 =	vsub.f32 $1.500000000e+00, v8;
	_ =	sdelay $0x1  }
0x151: {  	v6 =	vmul.f32 v6, v8;
	_ =	sdelay $0x1  }
0x152: {  	v8 =	vmul.f32 v6, v7;
	_ =	sdelay $0x1  }
0x153: {  	v8 =	vmul.f32 v8, v6;
	_ =	sdelay $0x1  }
0x154: {  	v8 =	vsub.f32 $1.500000000e+00, v8;
	_ =	sdelay $0x1  }
0x155: {  	v6 =	vmul.f32 v8, v6;
	_ =	sdelay $0x1  }
0x156: {  	v7 =	vmul.f32 v6, v7;
	_ =	sdelay $0x1  }
0x157: {  	v7 =	vmul.f32 v7, v6;
	_ =	sdelay $0x1  }
0x158: {  	v7 =	vsub.f32 $1.500000000e+00, v7;
	_ =	sdelay $0x1  }
0x159: {  	v6 =	vmul.f32 v7, v6;
	_ =	sdelay $0x1  }
0x15a: {  	v6 =	vmul.f32 v6, v5  }
0x15b: {  	vm0 =	veq.f32 v5, $0.0e+00  }
0x15c: {  	s24 =	sshra.s32 s2, $0x2;
	s2 =	smov.u32 s22;
	s22 =	smov.u32 s23;
	v5 =	vsel vm0, $0x0, v6  }
0x15d: {  	[tilespmem:s24+$0x14000] =	vst v5;
	v6 =	vmul.f32 $3.141592740e-01, v5;
	_ =	sdelay $0x1  }
0x15e: {  	v6 =	vmin.f32 v6, $1.570796370e+00  }
0x15f: {  	v6 =	vmul.f32 v6, v6;
	_ =	sdelay $0x1  }
0x160: {  	v7 =	vmul.f32 $-1.278709970e-03, v6;
	_ =	sdelay $0x1  }
0x161: {  	v7 =	vadd.f32 $4.151171820e-02, v7;
	_ =	sdelay $0x1  }
0x162: {  	v7 =	vmul.f32 v7, v6;
	_ =	sdelay $0x1  }
0x163: {  	v7 =	vadd.f32 $-4.999309180e-01, v7;
	_ =	sdelay $0x1  }
0x164: {  	v6 =	vmul.f32 v7, v6;
	_ =	sdelay $0x1  }
0x165: {  	v6 =	vadd.f32 $9.999952910e-01, v6;
	_ =	sdelay $0x1  }
0x166: {  	v6 =	vmul.f32 v6, v6  }
0x167: {  	vm0 =	vlt.f32 v5, $5.000000000e+00  }
0x168: {  	v5 =	vnsel vm0, $0x0, v6  }
0x169: {  	[tilespmem:s24+$0x14800] =	vst v5  }
0x16a: {  	v5 =	vld.idx.msk [tilespmem:v3+s17+$0x0], $0xffff  }
0x16b: {  	v3 =	vld.idx.msk [tilespmem:v3+s16+$0x0], $0xffff  }
0x16c: {  	v6 =	vld.idx.msk [tilespmem:v4+s17+$0x0], $0xffff  }
0x16d: {  	v4 =	vld.idx.msk [tilespmem:v4+s16+$0x0], $0xffff  }
0x16e: {  	v7 =	vld.idx.msk [tilespmem:v2+s16+$0x0], $0xffff  }
0x16f: {  	v2 =	vld.idx.msk [tilespmem:v2+s17+$0x0], $0xffff;
	_ =	sdelay $0x1  }
0x170: {  	s23 =	sand.u32 $0x70, s29;
	s24 =	sand.u32 $0x1E00, s2;
	v3 =	vsub.f32 v5, v3  }
0x171: {  	s23 =	sor.u32 s23, s24  }
0x172: {  	v4 =	vsub.f32 v6, v4;
	[tilespmem:s23+$0x12000] =	vst v3;
	_ =	sdelay $0x1  }
0x173: {  	v3 =	vmul.f32 v3, v3;
	v2 =	vsub.f32 v2, v7;
	[tilespmem:s23+$0x12080] =	vst v4;
	v4 =	vmul.f32 v4, v4  }
.Ltmp6:
0x174: {  	s29 =	sadd.s32 $0x10, s29;
	(pc) =	sbr.rel @p2 .LBB2_7-.Ltmp6, $4  }
0x175: {  	v5 =	vmov s29;
	[tilespmem:s23+$0x12100] =	vst v2;
	v4 =	vadd.f32 v4, v3;
	v2 =	vmul.f32 v2, v2  }
0x176: {  	v3 =	vshll.u32 v5, $0x3  }
0x177: {  	v3 =	vor.u32 v1, v3;
	v5 =	vadd.f32 v2, v4  }
0x178: {  	v4 =	vor.u32 $0x1, v3;
	v2 =	vor.u32 $0x2, v3  }
0x179: {  	v6 =	vshra.s32 v5, $0x1;
	v7 =	vmul.f32 $5.000000000e-01, v5  }
0x17a: {  	v6 =	vsub.s32 $0x5F3759DF, v6  }
0x17b: {  	v8 =	vmul.f32 v6, v7;
	_ =	sdelay $0x1  }
0x17c: {  	v8 =	vmul.f32 v6, v8;
	_ =	sdelay $0x1  }
0x17d: {  	v8 =	vsub.f32 $1.500000000e+00, v8;
	_ =	sdelay $0x1  }
0x17e: {  	v6 =	vmul.f32 v6, v8;
	_ =	sdelay $0x1  }
0x17f: {  	v8 =	vmul.f32 v6, v7;
	_ =	sdelay $0x1  }
0x180: {  	v8 =	vmul.f32 v8, v6;
	_ =	sdelay $0x1  }
0x181: {  	v8 =	vsub.f32 $1.500000000e+00, v8;
	_ =	sdelay $0x1  }
0x182: {  	v6 =	vmul.f32 v8, v6;
	_ =	sdelay $0x1  }
0x183: {  	v7 =	vmul.f32 v6, v7;
	_ =	sdelay $0x1  }
0x184: {  	v7 =	vmul.f32 v7, v6;
	_ =	sdelay $0x1  }
0x185: {  	v7 =	vsub.f32 $1.500000000e+00, v7;
	_ =	sdelay $0x1  }
0x186: {  	v6 =	vmul.f32 v7, v6;
	_ =	sdelay $0x1  }
0x187: {  	v6 =	vmul.f32 v6, v5  }
0x188: {  	vm0 =	veq.f32 v5, $0.0e+00  }
0x189: {  	v5 =	vsel vm0, $0x0, v6  }
0x18a: {  	v6 =	vmul.f32 $3.141592740e-01, v5;
	_ =	sdelay $0x1  }
0x18b: {  	v6 =	vmin.f32 v6, $1.570796370e+00  }
0x18c: {  	v6 =	vmul.f32 v6, v6;
	_ =	sdelay $0x1  }
0x18d: {  	v55 =	vmul.f32 $-1.278709970e-03, v6;
	_ =	sdelay $0x1  }
0x18e: {  	v7 =	vadd.f32 $4.151171820e-02, v55;
	_ =	sdelay $0x1  }
0x18f: {  	v7 =	vmul.f32 v7, v6;
	_ =	sdelay $0x1  }
0x190: {  	v7 =	vadd.f32 $-4.999309180e-01, v7;
	_ =	sdelay $0x1  }
0x191: {  	v6 =	vmul.f32 v7, v6;
	_ =	sdelay $0x1  }
0x192: {  	v6 =	vadd.f32 $9.999952910e-01, v6;
	_ =	sdelay $0x1  }
0x193: {  	v6 =	vmul.f32 v6, v6  }
0x194: {  	s2 =	sshra.s32 s2, $0x2;
	vm0 =	vlt.f32 v5, $5.000000000e+00  }
0x195: {  	[tilespmem:s2+$0x14000] =	vst v5;
	v56 =	vnsel vm0, $0x0, v6  }
0x196: {  	[tilespmem:s2+$0x14800] =	vst v56  }
0x197: {  	v5 =	vld.idx.msk [tilespmem:v3+s17+$0x0], $0xffff  }
0x198: {  	v3 =	vld.idx.msk [tilespmem:v3+s16+$0x0], $0xffff  }
0x199: {  	v57 =	vld.idx.msk [tilespmem:v4+s17+$0x0], $0xffff  }
0x19a: {  	v58 =	vld.idx.msk [tilespmem:v4+s16+$0x0], $0xffff  }
0x19b: {  	v59 =	vld.idx.msk [tilespmem:v2+s16+$0x0], $0xffff  }
0x19c: {  	v2 =	vld.idx.msk [tilespmem:v2+s17+$0x0], $0xffff;
	_ =	sdelay $0x2  }
0x19d: {  	v3 =	vsub.f32 v5, v3;
	v4 =	vsub.f32 v57, v58;
	_ =	sdelay $0x1  }
0x19e: {  	v2 =	vsub.f32 v2, v59;
	v5 =	vmul.f32 v3, v3;
	v6 =	vmul.f32 v4, v4;
	_ =	sdelay $0x1  }
0x19f: {  	v60 =	vmul.f32 v2, v2;
	v5 =	vadd.f32 v6, v5;
	_ =	sdelay $0x1  }
0x1a0: {  	v5 =	vadd.f32 v60, v5;
	_ =	sdelay $0x1  }
0x1a1: {  	v6 =	vshra.s32 v5, $0x1;
	v61 =	vmul.f32 $5.000000000e-01, v5  }
0x1a2: {  	v6 =	vsub.s32 $0x5F3759DF, v6  }
0x1a3: {  	v62 =	vmul.f32 v6, v61;
	_ =	sdelay $0x1  }
0x1a4: {  	v8 =	vmul.f32 v6, v62;
	_ =	sdelay $0x1  }
0x1a5: {  	v8 =	vsub.f32 $1.500000000e+00, v8;
	_ =	sdelay $0x1  }
0x1a6: {  	v6 =	vmul.f32 v6, v8;
	_ =	sdelay $0x1  }
0x1a7: {  	v8 =	vmul.f32 v6, v61;
	_ =	sdelay $0x1  }
0x1a8: {  	v8 =	vmul.f32 v8, v6;
	_ =	sdelay $0x1  }
0x1a9: {  	v8 =	vsub.f32 $1.500000000e+00, v8;
	_ =	sdelay $0x1  }
0x1aa: {  	v6 =	vmul.f32 v8, v6;
	_ =	sdelay $0x1  }
0x1ab: {  	v7 =	vmul.f32 v6, v61;
	_ =	sdelay $0x1  }
0x1ac: {  	v7 =	vmul.f32 v7, v6;
	_ =	sdelay $0x1  }
0x1ad: {  	v7 =	vsub.f32 $1.500000000e+00, v7;
	_ =	sdelay $0x1  }
0x1ae: {  	v6 =	vmul.f32 v7, v6;
	_ =	sdelay $0x1  }
0x1af: {  	v6 =	vmul.f32 v6, v5  }
0x1b0: {  	vm15 =	veq.f32 v5, $0.0e+00  }
0x1b1: {  	v5 =	vsel vm15, $0x0, v6  }
0x1b2: {  	v6 =	vmul.f32 $3.141592740e-01, v5;
	_ =	sdelay $0x1  }
0x1b3: {  	v6 =	vmin.f32 v6, $1.570796370e+00  }
0x1b4: {  	v6 =	vmul.f32 v6, v6;
	_ =	sdelay $0x1  }
0x1b5: {  	v63 =	vmul.f32 $-1.278709970e-03, v6;
	_ =	sdelay $0x1  }
0x1b6: {  	v7 =	vadd.f32 $4.151171820e-02, v63;
	_ =	sdelay $0x1  }
0x1b7: {  	v7 =	vmul.f32 v7, v6;
	_ =	sdelay $0x1  }
0x1b8: {  	v7 =	vadd.f32 $-4.999309180e-01, v7;
	_ =	sdelay $0x1  }
0x1b9: {  	v6 =	vmul.f32 v7, v6  }
0x1ba: {  	s29 =	sand.u32 $0x70, s29;
	s3 =	sand.u32 $0x1E00, s22  }
0x1bb: {  	s2 =	sor.u32 s29, s3;
	v6 =	vadd.f32 $9.999952910e-01, v6  }
0x1bc: {  	[tilespmem:s2+$0x12000] =	vst v3  }
0x1bd: {  	[tilespmem:s2+$0x12080] =	vst v4;
	v3 =	vmul.f32 v6, v6  }
0x1be: {  	s3 =	sshra.s32 s22, $0x2;
	[tilespmem:s2+$0x12100] =	vst v2;
	vm0 =	vlt.f32 v5, $5.000000000e+00  }
0x1bf: {  	s22 =	sshll.u32 s21, $0xA;
	[tilespmem:s3+$0x14000] =	vst v5;
	v2 =	vnsel vm0, $0x0, v3  }
0x1c0: {  	p2 =	sgt.u32 s31, $0xC14;
	s23 =	sadd.s32 s4, s22;
	[tilespmem:s3+$0x14800] =	vst v2  }
0x1c1: {  	[hbm4b:s23+s8] =	stream.linear.scatter [tilespmem:s18], [sflag:$0x5], $0x2000, $0x38;
	[tilespmem:$0x18000] =	vst v63  }
.Ltmp7:
0x1c2: {  	s24 =	sshll.u32 s21, $0x8;
	(pc) =	sbr.rel @p2 .LBB2_10-.Ltmp7, $4  }
0x1c3: {  	s29 =	sadd.s32 s6, s24  }
0x1c4: {  	[hbm4b:s29+s8] =	stream.linear.scatter [tilespmem:s1], [sflag:$0x5], $0x800, $0x38;
	[tilespmem:$0x18000] =	vst v63  }
0x1c5: {  	s2 =	sadd.s32 s7, s24  }
0x1c6: {  	[hbm4b:s2+s8] =	stream.linear.scatter [tilespmem:s19], [sflag:$0x5], $0x800, $0x38;
	[tilespmem:$0x18000] =	vst v63  }
0x1c7: {  	s2 =	sadd.s32 $0x2000, s11;
	s3 =	rddreg [dreg:$0x1]  }
0x1c8: {  	s3 =	sadd.s32 s3, s2  }
0x1c9: {  	[tilespmem:s8], [sflag:$0x7] =	stream.linear.gather [hbm4b:s3+s8], $0x800, $0x38;
	[tilespmem:$0x18000] =	vst v63  }
0x1ca: {  	_ =	swait.ge [sflag:s13], $0x800  }
0x1cb: {  	[sflag:s13] =	ssyncset.done $0x0  }
0x1cc: {  	[sflag:s13] =	ssyncadd.s32 $0xFFFFF800  }
0x1cd: {  	s29 =	rddreg [dreg:$0x2]  }
0x1ce: {  	s2 =	sadd.s32 s29, s2  }
0x1cf: {  	[tilespmem:s14], [sflag:$0x7] =	stream.linear.gather [hbm4b:s2+s8], $0x800, $0x38;
	[tilespmem:$0x18000] =	vst v63  }
0x1d0: {  	_ =	swait.ge [sflag:s13], $0x800  }
0x1d1: {  	[sflag:s13] =	ssyncset.done $0x0  }
0x1d2: {  	[sflag:s13] =	ssyncadd.s32 $0xFFFFF800  }
0x1d3: {  	[tilespmem:s16], [sflag:$0x1] =	stream.indirect.gather [hbm4b:s0+s15], $0x8, s8, s15, $0xb8;
	[tilespmem:$0x18000] =	vst v63  }
0x1d4: {  	_ = 	snop  }
0x1d5: {  	[tilespmem:s17], [sflag:$0x2] =	stream.indirect.gather [hbm4b:s0+s15], $0x8, s14, s15, $0xb8;
	[tilespmem:$0x18000] =	vst v63  }
0x1d6: {  	s21 =	simm.s32 $0x1400  }
0x1d7: {  	[tilespmem:s21], [sflag:$0x1] =	stream.indirect.gather [hbm4b:s0+s15], $0x8, s15, s15, $0xb8;
	[tilespmem:$0x18000] =	vst v63  }
0x1d8: {  	s22 =	simm.s32 $0x880;
	s23 =	simm.s32 $0x5400  }
0x1d9: {  	[tilespmem:s23], [sflag:$0x2] =	stream.indirect.gather [hbm4b:s0+s15], $0x8, s22, s15, $0xb8;
	[tilespmem:$0x18000] =	vst v63  }
0x1da: {  	s24 =	simm.s32 $0x100;
	s29 =	simm.s32 $0x1800  }
0x1db: {  	[tilespmem:s29], [sflag:$0x1] =	stream.indirect.gather [hbm4b:s0+s15], $0x8, s24, s15, $0xb8;
	[tilespmem:$0x18000] =	vst v63  }
0x1dc: {  	s3 =	simm.s32 $0x900;
	s21 =	simm.s32 $0x5800  }
0x1dd: {  	[tilespmem:s21], [sflag:$0x2] =	stream.indirect.gather [hbm4b:s0+s15], $0x8, s3, s15, $0xb8;
	[tilespmem:$0x18000] =	vst v63  }
0x1de: {  	s22 =	simm.s32 $0x180;
	s23 =	simm.s32 $0x1C00  }
0x1df: {  	[tilespmem:s23], [sflag:$0x1] =	stream.indirect.gather [hbm4b:s0+s15], $0x8, s22, s15, $0xb8;
	[tilespmem:$0x18000] =	vst v63  }
0x1e0: {  	s24 =	simm.s32 $0x980;
	s29 =	simm.s32 $0x5C00  }
0x1e1: {  	[tilespmem:s29], [sflag:$0x2] =	stream.indirect.gather [hbm4b:s0+s15], $0x8, s24, s15, $0xb8;
	[tilespmem:$0x18000] =	vst v63  }
0x1e2: {  	s3 =	simm.s32 $0x200;
	s21 =	simm.s32 $0x2000  }
0x1e3: {  	[tilespmem:s21], [sflag:$0x1] =	stream.indirect.gather [hbm4b:s0+s15], $0x8, s3, s15, $0xb8;
	[tilespmem:$0x18000] =	vst v63  }
0x1e4: {  	s22 =	simm.s32 $0xA00;
	s23 =	simm.s32 $0x6000  }
0x1e5: {  	[tilespmem:s23], [sflag:$0x2] =	stream.indirect.gather [hbm4b:s0+s15], $0x8, s22, s15, $0xb8;
	[tilespmem:$0x18000] =	vst v63  }
0x1e6: {  	s24 =	simm.s32 $0x280;
	s29 =	simm.s32 $0x2400  }
0x1e7: {  	[tilespmem:s29], [sflag:$0x1] =	stream.indirect.gather [hbm4b:s0+s15], $0x8, s24, s15, $0xb8;
	[tilespmem:$0x18000] =	vst v63  }
0x1e8: {  	s3 =	simm.s32 $0xA80;
	s21 =	simm.s32 $0x6400  }
0x1e9: {  	[tilespmem:s21], [sflag:$0x2] =	stream.indirect.gather [hbm4b:s0+s15], $0x8, s3, s15, $0xb8;
	[tilespmem:$0x18000] =	vst v63  }
0x1ea: {  	s22 =	simm.s32 $0x300;
	s23 =	simm.s32 $0x2800  }
0x1eb: {  	[tilespmem:s23], [sflag:$0x1] =	stream.indirect.gather [hbm4b:s0+s15], $0x8, s22, s15, $0xb8;
	[tilespmem:$0x18000] =	vst v63  }
0x1ec: {  	s24 =	simm.s32 $0xB00;
	s29 =	simm.s32 $0x6800  }
0x1ed: {  	[tilespmem:s29], [sflag:$0x2] =	stream.indirect.gather [hbm4b:s0+s15], $0x8, s24, s15, $0xb8;
	[tilespmem:$0x18000] =	vst v63  }
0x1ee: {  	s3 =	simm.s32 $0x380;
	s21 =	simm.s32 $0x2C00  }
0x1ef: {  	[tilespmem:s21], [sflag:$0x1] =	stream.indirect.gather [hbm4b:s0+s15], $0x8, s3, s15, $0xb8;
	[tilespmem:$0x18000] =	vst v63  }
0x1f0: {  	s22 =	simm.s32 $0xB80;
	s23 =	simm.s32 $0x6C00  }
0x1f1: {  	[tilespmem:s23], [sflag:$0x2] =	stream.indirect.gather [hbm4b:s0+s15], $0x8, s22, s15, $0xb8;
	[tilespmem:$0x18000] =	vst v63  }
0x1f2: {  	s24 =	simm.s32 $0x400;
	s29 =	simm.s32 $0x3000  }
0x1f3: {  	[tilespmem:s29], [sflag:$0x1] =	stream.indirect.gather [hbm4b:s0+s15], $0x8, s24, s15, $0xb8;
	[tilespmem:$0x18000] =	vst v63  }
0x1f4: {  	s3 =	simm.s32 $0xC00;
	s21 =	simm.s32 $0x7000  }
0x1f5: {  	[tilespmem:s21], [sflag:$0x2] =	stream.indirect.gather [hbm4b:s0+s15], $0x8, s3, s15, $0xb8;
	[tilespmem:$0x18000] =	vst v63  }
0x1f6: {  	s22 =	simm.s32 $0x480;
	s23 =	simm.s32 $0x3400  }
0x1f7: {  	[tilespmem:s23], [sflag:$0x1] =	stream.indirect.gather [hbm4b:s0+s15], $0x8, s22, s15, $0xb8;
	[tilespmem:$0x18000] =	vst v63  }
0x1f8: {  	s24 =	simm.s32 $0xC80;
	s29 =	simm.s32 $0x7400  }
0x1f9: {  	[tilespmem:s29], [sflag:$0x2] =	stream.indirect.gather [hbm4b:s0+s15], $0x8, s24, s15, $0xb8;
	[tilespmem:$0x18000] =	vst v63  }
0x1fa: {  	s3 =	simm.s32 $0x500;
	s21 =	simm.s32 $0x3800  }
0x1fb: {  	[tilespmem:s21], [sflag:$0x1] =	stream.indirect.gather [hbm4b:s0+s15], $0x8, s3, s15, $0xb8;
	[tilespmem:$0x18000] =	vst v63  }
0x1fc: {  	s22 =	simm.s32 $0xD00;
	s23 =	simm.s32 $0x7800  }
0x1fd: {  	[tilespmem:s23], [sflag:$0x2] =	stream.indirect.gather [hbm4b:s0+s15], $0x8, s22, s15, $0xb8;
	[tilespmem:$0x18000] =	vst v63  }
0x1fe: {  	s24 =	simm.s32 $0x580;
	s29 =	simm.s32 $0x3C00  }
0x1ff: {  	[tilespmem:s29], [sflag:$0x1] =	stream.indirect.gather [hbm4b:s0+s15], $0x8, s24, s15, $0xb8;
	[tilespmem:$0x18000] =	vst v63  }
0x200: {  	s3 =	simm.s32 $0xD80;
	s21 =	simm.s32 $0x7C00  }
0x201: {  	[tilespmem:s21], [sflag:$0x2] =	stream.indirect.gather [hbm4b:s0+s15], $0x8, s3, s15, $0xb8;
	[tilespmem:$0x18000] =	vst v63  }
0x202: {  	s22 =	simm.s32 $0x600;
	s23 =	simm.s32 $0x4000  }
0x203: {  	[tilespmem:s23], [sflag:$0x1] =	stream.indirect.gather [hbm4b:s0+s15], $0x8, s22, s15, $0xb8;
	[tilespmem:$0x18000] =	vst v63  }
0x204: {  	s24 =	simm.s32 $0xE00;
	s29 =	simm.s32 $0x8000  }
0x205: {  	[tilespmem:s29], [sflag:$0x2] =	stream.indirect.gather [hbm4b:s0+s15], $0x8, s24, s15, $0xb8;
	[tilespmem:$0x18000] =	vst v63  }
0x206: {  	s3 =	simm.s32 $0x680;
	s21 =	simm.s32 $0x4400  }
0x207: {  	[tilespmem:s21], [sflag:$0x1] =	stream.indirect.gather [hbm4b:s0+s15], $0x8, s3, s15, $0xb8;
	[tilespmem:$0x18000] =	vst v63  }
0x208: {  	s22 =	simm.s32 $0xE80;
	s23 =	simm.s32 $0x8400  }
0x209: {  	[tilespmem:s23], [sflag:$0x2] =	stream.indirect.gather [hbm4b:s0+s15], $0x8, s22, s15, $0xb8;
	[tilespmem:$0x18000] =	vst v63  }
0x20a: {  	s24 =	simm.s32 $0x700;
	s29 =	simm.s32 $0x4800  }
0x20b: {  	[tilespmem:s29], [sflag:$0x1] =	stream.indirect.gather [hbm4b:s0+s15], $0x8, s24, s15, $0xb8;
	[tilespmem:$0x18000] =	vst v63  }
0x20c: {  	s3 =	simm.s32 $0xF00;
	s21 =	simm.s32 $0x8800  }
0x20d: {  	[tilespmem:s21], [sflag:$0x2] =	stream.indirect.gather [hbm4b:s0+s15], $0x8, s3, s15, $0xb8;
	[tilespmem:$0x18000] =	vst v63  }
0x20e: {  	s22 =	simm.s32 $0x780;
	s23 =	simm.s32 $0x4C00  }
0x20f: {  	[tilespmem:s23], [sflag:$0x1] =	stream.indirect.gather [hbm4b:s0+s15], $0x8, s22, s15, $0xb8;
	[tilespmem:$0x18000] =	vst v63  }
0x210: {  	s24 =	simm.s32 $0xF80;
	s29 =	simm.s32 $0x8C00  }
0x211: {  	[tilespmem:s29], [sflag:$0x2] =	stream.indirect.gather [hbm4b:s0+s15], $0x8, s24, s15, $0xb8;
	[tilespmem:$0x18000] =	vst v63  }
.LBB2_10:
0x212: {  	p2 =	sgt.u32 @!p1 s31, $0xC34  }
0x213: {  	p1 =	por p1, p2  }
.Ltmp8:
0x214: {  	_ = 	snop;
	(pc) =	sbr.rel @p1 .LBB2_12-.Ltmp8, $1  }
0x215: {  	_ =	sdelay $0x3  }
0x216: {  	_ =	swait.ge [sflag:s30], $0x2000  }
0x217: {  	[sflag:s30] =	ssyncset.done $0x0  }
0x218: {  	[sflag:s30] =	ssyncadd.s32 $0xFFFFE000  }
0x219: {  	_ =	swait.ge [sflag:s30], $0x800  }
0x21a: {  	[sflag:s30] =	ssyncset.done $0x0  }
0x21b: {  	[sflag:s30] =	ssyncadd.s32 $0xFFFFF800  }
0x21c: {  	_ =	swait.ge [sflag:s30], $0x800  }
0x21d: {  	[sflag:s30] =	ssyncset.done $0x0  }
0x21e: {  	[sflag:s30] =	ssyncadd.s32 $0xFFFFF800  }
.LBB2_13:
0x21f: {  	_ =	swait.ge [sflag:s20], $0x400  }
0x220: {  	[sflag:s20] =	ssyncset.done $0x0  }
0x221: {  	[sflag:s20] =	ssyncadd.s32 $0xFFFFFC00  }
0x222: {  	_ =	swait.ge [sflag:s5], $0x400  }
0x223: {  	[sflag:s5] =	ssyncset.done $0x0  }
0x224: {  	[sflag:s5] =	ssyncadd.s32 $0xFFFFFC00  }
0x225: {  	_ =	swait.ge [sflag:s20], $0x400  }
0x226: {  	[sflag:s20] =	ssyncset.done $0x0  }
0x227: {  	[sflag:s20] =	ssyncadd.s32 $0xFFFFFC00  }
0x228: {  	_ =	swait.ge [sflag:s5], $0x400  }
0x229: {  	[sflag:s5] =	ssyncset.done $0x0  }
0x22a: {  	[sflag:s5] =	ssyncadd.s32 $0xFFFFFC00  }
0x22b: {  	_ =	swait.ge [sflag:s20], $0x400  }
0x22c: {  	[sflag:s20] =	ssyncset.done $0x0  }
0x22d: {  	[sflag:s20] =	ssyncadd.s32 $0xFFFFFC00  }
0x22e: {  	_ =	swait.ge [sflag:s5], $0x400  }
0x22f: {  	[sflag:s5] =	ssyncset.done $0x0  }
0x230: {  	[sflag:s5] =	ssyncadd.s32 $0xFFFFFC00  }
0x231: {  	_ =	swait.ge [sflag:s20], $0x400  }
0x232: {  	[sflag:s20] =	ssyncset.done $0x0  }
0x233: {  	[sflag:s20] =	ssyncadd.s32 $0xFFFFFC00  }
0x234: {  	_ =	swait.ge [sflag:s5], $0x400  }
0x235: {  	[sflag:s5] =	ssyncset.done $0x0  }
0x236: {  	[sflag:s5] =	ssyncadd.s32 $0xFFFFFC00  }
0x237: {  	_ =	swait.ge [sflag:s20], $0x400  }
0x238: {  	[sflag:s20] =	ssyncset.done $0x0  }
0x239: {  	[sflag:s20] =	ssyncadd.s32 $0xFFFFFC00  }
0x23a: {  	_ =	swait.ge [sflag:s5], $0x400  }
0x23b: {  	[sflag:s5] =	ssyncset.done $0x0  }
0x23c: {  	[sflag:s5] =	ssyncadd.s32 $0xFFFFFC00  }
0x23d: {  	_ =	swait.ge [sflag:s20], $0x400  }
0x23e: {  	[sflag:s20] =	ssyncset.done $0x0  }
0x23f: {  	[sflag:s20] =	ssyncadd.s32 $0xFFFFFC00  }
0x240: {  	_ =	swait.ge [sflag:s5], $0x400  }
0x241: {  	[sflag:s5] =	ssyncset.done $0x0  }
0x242: {  	[sflag:s5] =	ssyncadd.s32 $0xFFFFFC00  }
0x243: {  	_ =	swait.ge [sflag:s20], $0x400  }
0x244: {  	[sflag:s20] =	ssyncset.done $0x0  }
0x245: {  	[sflag:s20] =	ssyncadd.s32 $0xFFFFFC00  }
0x246: {  	_ =	swait.ge [sflag:s5], $0x400  }
0x247: {  	[sflag:s5] =	ssyncset.done $0x0  }
0x248: {  	[sflag:s5] =	ssyncadd.s32 $0xFFFFFC00  }
0x249: {  	_ =	swait.ge [sflag:s20], $0x400  }
0x24a: {  	[sflag:s20] =	ssyncset.done $0x0  }
0x24b: {  	[sflag:s20] =	ssyncadd.s32 $0xFFFFFC00  }
0x24c: {  	_ =	swait.ge [sflag:s5], $0x400  }
0x24d: {  	[sflag:s5] =	ssyncset.done $0x0  }
0x24e: {  	[sflag:s5] =	ssyncadd.s32 $0xFFFFFC00  }
0x24f: {  	_ =	swait.ge [sflag:s20], $0x400  }
0x250: {  	[sflag:s20] =	ssyncset.done $0x0  }
0x251: {  	[sflag:s20] =	ssyncadd.s32 $0xFFFFFC00  }
0x252: {  	_ =	swait.ge [sflag:s5], $0x400  }
0x253: {  	[sflag:s5] =	ssyncset.done $0x0  }
0x254: {  	[sflag:s5] =	ssyncadd.s32 $0xFFFFFC00  }
0x255: {  	_ =	swait.ge [sflag:s20], $0x400  }
0x256: {  	[sflag:s20] =	ssyncset.done $0x0  }
0x257: {  	[sflag:s20] =	ssyncadd.s32 $0xFFFFFC00  }
0x258: {  	_ =	swait.ge [sflag:s5], $0x400  }
0x259: {  	[sflag:s5] =	ssyncset.done $0x0  }
0x25a: {  	[sflag:s5] =	ssyncadd.s32 $0xFFFFFC00  }
0x25b: {  	_ =	swait.ge [sflag:s20], $0x400  }
0x25c: {  	[sflag:s20] =	ssyncset.done $0x0  }
0x25d: {  	[sflag:s20] =	ssyncadd.s32 $0xFFFFFC00  }
0x25e: {  	_ =	swait.ge [sflag:s5], $0x400  }
0x25f: {  	[sflag:s5] =	ssyncset.done $0x0  }
0x260: {  	[sflag:s5] =	ssyncadd.s32 $0xFFFFFC00  }
0x261: {  	_ =	swait.ge [sflag:s20], $0x400  }
0x262: {  	[sflag:s20] =	ssyncset.done $0x0  }
0x263: {  	[sflag:s20] =	ssyncadd.s32 $0xFFFFFC00  }
0x264: {  	_ =	swait.ge [sflag:s5], $0x400  }
0x265: {  	[sflag:s5] =	ssyncset.done $0x0  }
0x266: {  	[sflag:s5] =	ssyncadd.s32 $0xFFFFFC00  }
0x267: {  	_ =	swait.ge [sflag:s20], $0x400  }
0x268: {  	[sflag:s20] =	ssyncset.done $0x0  }
0x269: {  	[sflag:s20] =	ssyncadd.s32 $0xFFFFFC00  }
0x26a: {  	_ =	swait.ge [sflag:s5], $0x400  }
0x26b: {  	[sflag:s5] =	ssyncset.done $0x0  }
0x26c: {  	[sflag:s5] =	ssyncadd.s32 $0xFFFFFC00  }
0x26d: {  	_ =	swait.ge [sflag:s20], $0x400  }
0x26e: {  	[sflag:s20] =	ssyncset.done $0x0  }
0x26f: {  	[sflag:s20] =	ssyncadd.s32 $0xFFFFFC00  }
0x270: {  	_ =	swait.ge [sflag:s5], $0x400  }
0x271: {  	[sflag:s5] =	ssyncset.done $0x0  }
0x272: {  	[sflag:s5] =	ssyncadd.s32 $0xFFFFFC00  }
0x273: {  	_ =	swait.ge [sflag:s20], $0x400  }
0x274: {  	[sflag:s20] =	ssyncset.done $0x0  }
0x275: {  	[sflag:s20] =	ssyncadd.s32 $0xFFFFFC00  }
0x276: {  	_ =	swait.ge [sflag:s5], $0x400  }
0x277: {  	s22 =	simm.s32 $0x0;
	[sflag:s5] =	ssyncset.done $0x0  }
0x278: {  	v2 =	vmov s22;
	[sflag:s5] =	ssyncadd.s32 $0xFFFFFC00  }
0x279: {  	v2 =	vshll.u32 v2, $0x3;
	_ =	swait.ge [sflag:s20], $0x400  }
0x27a: {  	v2 =	vor.u32 v1, v2;
	[sflag:s20] =	ssyncset.done $0x0  }
0x27b: {  	[sflag:s20] =	ssyncadd.s32 $0xFFFFFC00  }
0x27c: {  	v3 =	vor.u32 $0x1, v2;
	_ =	swait.ge [sflag:s5], $0x400  }
0x27d: {  	[sflag:s5] =	ssyncset.done $0x0  }
0x27e: {  	v4 =	vor.u32 $0x2, v2;
	[sflag:s5] =	ssyncadd.s32 $0xFFFFFC00  }
0x27f: {  	v5 =	vld.idx.msk [tilespmem:v2+s26+$0x0], $0xffff  }
0x280: {  	v2 =	vld.idx.msk [tilespmem:v2+s25+$0x0], $0xffff  }
0x281: {  	v6 =	vld.idx.msk [tilespmem:v3+s26+$0x0], $0xffff  }
0x282: {  	v3 =	vld.idx.msk [tilespmem:v3+s25+$0x0], $0xffff  }
0x283: {  	v7 =	vld.idx.msk [tilespmem:v4+s25+$0x0], $0xffff  }
0x284: {  	v4 =	vld.idx.msk [tilespmem:v4+s26+$0x0], $0xffff;
	_ =	sdelay $0x2  }
0x285: {  	v2 =	vsub.f32 v5, v2;
	v3 =	vsub.f32 v6, v3;
	_ =	sdelay $0x1  }
0x286: {  	s2 =	sand.u32 $0x70, s22;
	s3 =	sand.u32 $0x1E00, s22;
	v4 =	vsub.f32 v4, v7;
	v5 =	vmul.f32 v2, v2;
	v6 =	vmul.f32 v3, v3  }
0x287: {  	s21 =	simm.s32 $0x10;
	s2 =	sor.u32 s2, s3  }
0x288: {  	v7 =	vmov s21;
	[tilespmem:s2+$0x15000] =	vst v2;
	v2 =	vadd.f32 v6, v5;
	v5 =	vmul.f32 v4, v4  }
0x289: {  	s3 =	sadd.s32 $0x15000, s2;
	v6 =	vshll.u32 v7, $0x3  }
0x28a: {  	[tilespmem:s3+$0x80] =	vst v3;
	v3 =	vor.u32 v1, v6;
	v5 =	vadd.f32 v5, v2  }
0x28b: {  	s29 =	simm.s32 $0x40;
	s2 =	simm.s32 $0x80;
	[tilespmem:s3+$0x100] =	vst v4;
	v4 =	vor.u32 $0x1, v3;
	v2 =	vor.u32 $0x2, v3  }
.LBB2_14:
0x28c: {  	p0 =	sne.s32 s2, $0x1FC0;
	v6 =	vshra.s32 v5, $0x1;
	v7 =	vmul.f32 $5.000000000e-01, v5;
	s3 =	smov.u32 s2;
	s2 =	sadd.s32 $0x40, s2  }
0x28d: {  	v6 =	vsub.s32 $0x5F3759DF, v6  }
0x28e: {  	v8 =	vmul.f32 v6, v7;
	_ =	sdelay $0x1  }
0x28f: {  	v8 =	vmul.f32 v6, v8;
	_ =	sdelay $0x1  }
0x290: {  	v8 =	vsub.f32 $1.500000000e+00, v8;
	_ =	sdelay $0x1  }
0x291: {  	v6 =	vmul.f32 v6, v8;
	_ =	sdelay $0x1  }
0x292: {  	v8 =	vmul.f32 v6, v7;
	_ =	sdelay $0x1  }
0x293: {  	v8 =	vmul.f32 v8, v6;
	_ =	sdelay $0x1  }
0x294: {  	v8 =	vsub.f32 $1.500000000e+00, v8;
	_ =	sdelay $0x1  }
0x295: {  	v6 =	vmul.f32 v8, v6;
	_ =	sdelay $0x1  }
0x296: {  	v7 =	vmul.f32 v6, v7;
	_ =	sdelay $0x1  }
0x297: {  	v7 =	vmul.f32 v7, v6;
	_ =	sdelay $0x1  }
0x298: {  	v7 =	vsub.f32 $1.500000000e+00, v7;
	_ =	sdelay $0x1  }
0x299: {  	v6 =	vmul.f32 v7, v6;
	_ =	sdelay $0x1  }
0x29a: {  	v6 =	vmul.f32 v6, v5  }
0x29b: {  	vm0 =	veq.f32 v5, $0.0e+00  }
0x29c: {  	s23 =	sshra.s32 s22, $0x2;
	s22 =	smov.u32 s29;
	s29 =	smov.u32 s3;
	v5 =	vsel vm0, $0x0, v6  }
0x29d: {  	[tilespmem:s23+$0x17000] =	vst v5;
	v6 =	vmul.f32 $3.141592740e-01, v5;
	_ =	sdelay $0x1  }
0x29e: {  	v6 =	vmin.f32 v6, $1.570796370e+00  }
0x29f: {  	v6 =	vmul.f32 v6, v6;
	_ =	sdelay $0x1  }
0x2a0: {  	v7 =	vmul.f32 $-1.278709970e-03, v6;
	_ =	sdelay $0x1  }
0x2a1: {  	v7 =	vadd.f32 $4.151171820e-02, v7;
	_ =	sdelay $0x1  }
0x2a2: {  	v7 =	vmul.f32 v7, v6;
	_ =	sdelay $0x1  }
0x2a3: {  	v7 =	vadd.f32 $-4.999309180e-01, v7;
	_ =	sdelay $0x1  }
0x2a4: {  	v6 =	vmul.f32 v7, v6;
	_ =	sdelay $0x1  }
0x2a5: {  	v6 =	vadd.f32 $9.999952910e-01, v6;
	_ =	sdelay $0x1  }
0x2a6: {  	v6 =	vmul.f32 v6, v6  }
0x2a7: {  	vm0 =	vlt.f32 v5, $5.000000000e+00  }
0x2a8: {  	v5 =	vnsel vm0, $0x0, v6  }
0x2a9: {  	[tilespmem:s23+$0x17800] =	vst v5  }
0x2aa: {  	v5 =	vld.idx.msk [tilespmem:v3+s26+$0x0], $0xffff  }
0x2ab: {  	v3 =	vld.idx.msk [tilespmem:v3+s25+$0x0], $0xffff  }
0x2ac: {  	v6 =	vld.idx.msk [tilespmem:v4+s26+$0x0], $0xffff  }
0x2ad: {  	v4 =	vld.idx.msk [tilespmem:v4+s25+$0x0], $0xffff  }
0x2ae: {  	v7 =	vld.idx.msk [tilespmem:v2+s25+$0x0], $0xffff  }
0x2af: {  	v2 =	vld.idx.msk [tilespmem:v2+s26+$0x0], $0xffff;
	_ =	sdelay $0x1  }
0x2b0: {  	s3 =	sand.u32 $0x70, s21;
	s23 =	sand.u32 $0x1E00, s22;
	v3 =	vsub.f32 v5, v3  }
0x2b1: {  	s3 =	sor.u32 s3, s23  }
0x2b2: {  	v4 =	vsub.f32 v6, v4;
	[tilespmem:s3+$0x15000] =	vst v3  }
0x2b3: {  	s3 =	sadd.s32 $0x15000, s3  }
0x2b4: {  	v3 =	vmul.f32 v3, v3;
	v2 =	vsub.f32 v2, v7;
	[tilespmem:s3+$0x80] =	vst v4;
	v4 =	vmul.f32 v4, v4  }
.Ltmp9:
0x2b5: {  	s21 =	sadd.s32 $0x10, s21;
	(pc) =	sbr.rel @p0 .LBB2_14-.Ltmp9, $4  }
0x2b6: {  	v5 =	vmov s21;
	[tilespmem:s3+$0x100] =	vst v2;
	v4 =	vadd.f32 v4, v3;
	v2 =	vmul.f32 v2, v2  }
0x2b7: {  	v3 =	vshll.u32 v5, $0x3  }
0x2b8: {  	v3 =	vor.u32 v1, v3;
	v5 =	vadd.f32 v2, v4  }
0x2b9: {  	v4 =	vor.u32 $0x1, v3;
	v2 =	vor.u32 $0x2, v3  }
0x2ba: {  	v6 =	vshra.s32 v5, $0x1;
	v7 =	vmul.f32 $5.000000000e-01, v5  }
0x2bb: {  	v6 =	vsub.s32 $0x5F3759DF, v6  }
0x2bc: {  	v8 =	vmul.f32 v6, v7;
	_ =	sdelay $0x1  }
0x2bd: {  	v8 =	vmul.f32 v6, v8;
	_ =	sdelay $0x1  }
0x2be: {  	v8 =	vsub.f32 $1.500000000e+00, v8;
	_ =	sdelay $0x1  }
0x2bf: {  	v6 =	vmul.f32 v6, v8;
	_ =	sdelay $0x1  }
0x2c0: {  	v8 =	vmul.f32 v6, v7;
	_ =	sdelay $0x1  }
0x2c1: {  	v8 =	vmul.f32 v8, v6;
	_ =	sdelay $0x1  }
0x2c2: {  	v8 =	vsub.f32 $1.500000000e+00, v8;
	_ =	sdelay $0x1  }
0x2c3: {  	v6 =	vmul.f32 v8, v6;
	_ =	sdelay $0x1  }
0x2c4: {  	v7 =	vmul.f32 v6, v7;
	_ =	sdelay $0x1  }
0x2c5: {  	v7 =	vmul.f32 v7, v6;
	_ =	sdelay $0x1  }
0x2c6: {  	v7 =	vsub.f32 $1.500000000e+00, v7;
	_ =	sdelay $0x1  }
0x2c7: {  	v6 =	vmul.f32 v7, v6;
	_ =	sdelay $0x1  }
0x2c8: {  	v6 =	vmul.f32 v6, v5  }
0x2c9: {  	vm0 =	veq.f32 v5, $0.0e+00  }
0x2ca: {  	v5 =	vsel vm0, $0x0, v6  }
0x2cb: {  	v6 =	vmul.f32 $3.141592740e-01, v5;
	_ =	sdelay $0x1  }
0x2cc: {  	v6 =	vmin.f32 v6, $1.570796370e+00  }
0x2cd: {  	v6 =	vmul.f32 v6, v6;
	_ =	sdelay $0x1  }
0x2ce: {  	v55 =	vmul.f32 $-1.278709970e-03, v6;
	_ =	sdelay $0x1  }
0x2cf: {  	v7 =	vadd.f32 $4.151171820e-02, v55;
	_ =	sdelay $0x1  }
0x2d0: {  	v7 =	vmul.f32 v7, v6;
	_ =	sdelay $0x1  }
0x2d1: {  	v7 =	vadd.f32 $-4.999309180e-01, v7;
	_ =	sdelay $0x1  }
0x2d2: {  	v6 =	vmul.f32 v7, v6;
	_ =	sdelay $0x1  }
0x2d3: {  	v6 =	vadd.f32 $9.999952910e-01, v6;
	_ =	sdelay $0x1  }
0x2d4: {  	v6 =	vmul.f32 v6, v6  }
0x2d5: {  	s2 =	sshra.s32 s22, $0x2;
	vm0 =	vlt.f32 v5, $5.000000000e+00  }
0x2d6: {  	[tilespmem:s2+$0x17000] =	vst v5;
	v56 =	vnsel vm0, $0x0, v6  }
0x2d7: {  	[tilespmem:s2+$0x17800] =	vst v56  }
0x2d8: {  	v5 =	vld.idx.msk [tilespmem:v3+s26+$0x0], $0xffff  }
0x2d9: {  	v3 =	vld.idx.msk [tilespmem:v3+s25+$0x0], $0xffff  }
0x2da: {  	v57 =	vld.idx.msk [tilespmem:v4+s26+$0x0], $0xffff  }
0x2db: {  	v58 =	vld.idx.msk [tilespmem:v4+s25+$0x0], $0xffff  }
0x2dc: {  	v59 =	vld.idx.msk [tilespmem:v2+s25+$0x0], $0xffff  }
0x2dd: {  	v2 =	vld.idx.msk [tilespmem:v2+s26+$0x0], $0xffff;
	_ =	sdelay $0x2  }
0x2de: {  	v3 =	vsub.f32 v5, v3;
	v4 =	vsub.f32 v57, v58;
	_ =	sdelay $0x1  }
0x2df: {  	v2 =	vsub.f32 v2, v59;
	v5 =	vmul.f32 v3, v3;
	v6 =	vmul.f32 v4, v4;
	_ =	sdelay $0x1  }
0x2e0: {  	v60 =	vmul.f32 v2, v2;
	v5 =	vadd.f32 v6, v5;
	_ =	sdelay $0x1  }
0x2e1: {  	v5 =	vadd.f32 v60, v5;
	_ =	sdelay $0x1  }
0x2e2: {  	v6 =	vshra.s32 v5, $0x1;
	v61 =	vmul.f32 $5.000000000e-01, v5  }
0x2e3: {  	v6 =	vsub.s32 $0x5F3759DF, v6  }
0x2e4: {  	v62 =	vmul.f32 v6, v61;
	_ =	sdelay $0x1  }
0x2e5: {  	v8 =	vmul.f32 v6, v62;
	_ =	sdelay $0x1  }
0x2e6: {  	v8 =	vsub.f32 $1.500000000e+00, v8;
	_ =	sdelay $0x1  }
0x2e7: {  	v6 =	vmul.f32 v6, v8;
	_ =	sdelay $0x1  }
0x2e8: {  	v8 =	vmul.f32 v6, v61;
	_ =	sdelay $0x1  }
0x2e9: {  	v8 =	vmul.f32 v8, v6;
	_ =	sdelay $0x1  }
0x2ea: {  	v8 =	vsub.f32 $1.500000000e+00, v8;
	_ =	sdelay $0x1  }
0x2eb: {  	v6 =	vmul.f32 v8, v6;
	_ =	sdelay $0x1  }
0x2ec: {  	v7 =	vmul.f32 v6, v61;
	_ =	sdelay $0x1  }
0x2ed: {  	v7 =	vmul.f32 v7, v6;
	_ =	sdelay $0x1  }
0x2ee: {  	v7 =	vsub.f32 $1.500000000e+00, v7;
	_ =	sdelay $0x1  }
0x2ef: {  	v6 =	vmul.f32 v7, v6;
	_ =	sdelay $0x1  }
0x2f0: {  	v6 =	vmul.f32 v6, v5  }
0x2f1: {  	vm15 =	veq.f32 v5, $0.0e+00  }
0x2f2: {  	v5 =	vsel vm15, $0x0, v6  }
0x2f3: {  	v6 =	vmul.f32 $3.141592740e-01, v5;
	_ =	sdelay $0x1  }
0x2f4: {  	v6 =	vmin.f32 v6, $1.570796370e+00  }
0x2f5: {  	v6 =	vmul.f32 v6, v6;
	_ =	sdelay $0x1  }
0x2f6: {  	v63 =	vmul.f32 $-1.278709970e-03, v6;
	_ =	sdelay $0x1  }
0x2f7: {  	v7 =	vadd.f32 $4.151171820e-02, v63;
	_ =	sdelay $0x1  }
0x2f8: {  	v7 =	vmul.f32 v7, v6;
	_ =	sdelay $0x1  }
0x2f9: {  	v7 =	vadd.f32 $-4.999309180e-01, v7;
	_ =	sdelay $0x1  }
0x2fa: {  	v6 =	vmul.f32 v7, v6  }
0x2fb: {  	s24 =	sand.u32 $0x70, s21;
	s3 =	sand.u32 $0x1E00, s29  }
0x2fc: {  	s2 =	sor.u32 s24, s3;
	v6 =	vadd.f32 $9.999952910e-01, v6  }
0x2fd: {  	[tilespmem:s2+$0x15000] =	vst v3;
	s2 =	sadd.s32 $0x15000, s2  }
0x2fe: {  	[tilespmem:s2+$0x80] =	vst v4;
	v3 =	vmul.f32 v6, v6  }
0x2ff: {  	s29 =	sshra.s32 s29, $0x2;
	[tilespmem:s2+$0x100] =	vst v2;
	vm0 =	vlt.f32 v5, $5.000000000e+00  }
0x300: {  	s31 =	sshll.u32 s31, $0xA;
	[tilespmem:s29+$0x17000] =	vst v5;
	v2 =	vnsel vm0, $0x0, v3  }
0x301: {  	s22 =	simm.s32 $0x15000;
	s21 =	sadd.s32 s4, s31;
	[tilespmem:s29+$0x17800] =	vst v2  }
0x302: {  	[hbm4b:s21+s8] =	stream.linear.scatter [tilespmem:s22], [sflag:$0x6], $0x2000, $0x38;
	[tilespmem:$0x18000] =	vst v63  }
.Ltmp10:
0x303: {  	_ = 	snop;
	(pc) =	sbr.rel .LBB2_16-.Ltmp10, $4  }
0x304: {  	s23 =	sadd.s32 s6, s11;
	s24 =	simm.s32 $0x17000  }
0x305: {  	[hbm4b:s23+s8] =	stream.linear.scatter [tilespmem:s24], [sflag:$0x6], $0x800, $0x38;
	[tilespmem:$0x18000] =	vst v63  }
0x306: {  	s31 =	simm.s32 $0x17800;
	s29 =	sadd.s32 s7, s11  }
0x307: {  	[hbm4b:s29+s8] =	stream.linear.scatter [tilespmem:s31], [sflag:$0x6], $0x800, $0x38;
	[tilespmem:$0x18000] =	vst v63  }
.LBB2_12:
.Ltmp11:
0x308: {  	(pc) =	sbr.rel @p0 .LBB2_16-.Ltmp11, $4  }
.Ltmp12:
0x309: {  	(pc) =	sbr.rel @!p0 .LBB2_13-.Ltmp12, $4  }
0x30a: {  	_ = 	snop  }
0x30b: {  	_ = 	snop  }
0x30c: {  	_ = 	snop  }
0x30d: {  	_ = 	snop  }
.LBB2_18:
0x30e: {  	_ =	sfence.sel $0x180000  }
0x30f: {  	[bflag:$0x0] =	sbarrier.arrive $0xFFFF  }
0x310: {  	_ =	strace $0x90000047  }
0x311: {  	s0 =	stileid.u32;
	[bflag:$0x2] =	sbarrier.arrive $0xFFFF  }
0x312: {  	p0 =	sne.s32 s0, $0x0;
	s0 =	rddreg [dreg:$0x6]  }
0x313: {  	s0 =	sadd.s32 @!p0 $0x100000, s0  }
0x314: {  	[sflag:s0] =	ssyncadd.tile.s32 @!p0 $0x1;
	_ =	shalt  }
.Lfunc_end2:
_tile_overlayer_lowered:
.L_overlay_start_2:
0x315: {  	(tag) =	ssettag $0x2  }
0x316: {  	s0 =	rddreg [dreg:$0x0];
	s2 =	stileid.u32  }
0x317: {  	s1 =	rddreg [dreg:$0x1];
	p0 =	sne.s32 s2, $0x0  }
0x318: {  	s3 =	rddreg [dreg:$0x2];
	[bflag:$0x3] =	sbarrier.arrive $0xFFFF;
	s2 =	simm.s32 @!p0 $0x1C07  }
0x319: {  	[timem:s3], [sflag:s2] =	dma.local @!p0 [hbm:s0], s1  }
0x31a: {  	s0 =	simm.s32 @!p0 $0x7  }
0x31b: {  	_ =	swait.ge @!p0 [sflag:s0], s1  }
0x31c: {  	s1 =	ssub.s32 @!p0 $0x0, s1;
	[sflag:s0] =	ssyncset.done @!p0 $0x0  }
0x31d: {  	[sflag:s0] =	ssyncadd.s32 @!p0 s1  }
0x31e: {  	[bflag:$0x3] =	sbarrier.arrive $0xFFFF  }
0x31f: {  	_ =	shalt  }

</sc_bundles>
